<compile_context>
chip_gen: v7x
topology: tpu7x:2x2x1
jax: 0.10.2.dev20260603
libtpu: 0.0.44.dev20260713+nightly
codegen_flags: <defaults>
</compile_context>

<pallas_src>
import functools

import jax
import jax.numpy as jnp
from jax import lax
from jax.experimental import pallas as pl
from jax.experimental.pallas import tpu as pltpu
from jax.experimental.pallas import tpu_sc as plsc

_THRESHOLD = 0.1
_NC = 2
_NS = 16
_L = 16
_CHUNK = 1024
_BSC = 48
_W = 2048


def _sc_body(x_hbm, t_hbm, out_hbm, xbuf0, xbuf1, tbuf0, tbuf1, cntbuf,
             sem0, sem1, *, num_classes, graph, n_batches):
    wid = lax.axis_index("s") * _NC + lax.axis_index("c")
    nw = _NC * _NS
    chunks_per_b = graph // _CHUNK
    n_chunks = n_batches * chunks_per_b // nw

    def start_chunk(c, xb, tb, sem):
        cg = wid + c * nw
        b = cg // chunks_per_b
        g0 = (cg % chunks_per_b) * _CHUNK
        pltpu.make_async_copy(x_hbm.at[b, :, pl.ds(g0, _CHUNK)], xb, sem).start()
        pltpu.make_async_copy(t_hbm.at[b, pl.ds(g0, _CHUNK)], tb, sem).start()

    def wait_chunk(xb, tb, sem):
        pltpu.make_async_copy(x_hbm.at[0, :, pl.ds(0, _CHUNK)], xb, sem).wait()
        pltpu.make_async_copy(t_hbm.at[0, pl.ds(0, _CHUNK)], tb, sem).wait()

    def compute(xb, tb, cnt):
        def lane_body(j, cnt):
            m1 = jnp.full((_L,), -jnp.inf, jnp.float32)
            m2 = jnp.full((_L,), -jnp.inf, jnp.float32)
            i1 = jnp.zeros((_L,), jnp.int32)
            i2 = jnp.zeros((_L,), jnp.int32)
            for k in range(num_classes):
                v = xb[k, pl.ds(j * _L, _L)]
                gt1 = v > m1
                gt2 = v > m2
                i2 = jnp.where(gt1, i1, jnp.where(gt2, k, i2))
                i1 = jnp.where(gt1, k, i1)
                m2 = jnp.maximum(m2, jnp.minimum(v, m1))
                m1 = jnp.maximum(v, m1)
            tv = tb[pl.ds(j * _L, _L)]
            one = jnp.ones((_L,), jnp.int32)
            zero = jnp.zeros((_L,), jnp.int32)
            c1 = jnp.where(i1 == tv, one, zero)
            sec = jnp.logical_and(m1 - m2 < _THRESHOLD, i2 == tv)
            c2 = jnp.where(sec, one, zero)
            return cnt + c1 + c2

        return lax.fori_loop(0, _CHUNK // _L, lane_body, cnt)

    start_chunk(0, xbuf0, tbuf0, sem0)
    start_chunk(1, xbuf1, tbuf1, sem1)

    def pair_body(p, cnt):
        c = 2 * p
        wait_chunk(xbuf0, tbuf0, sem0)
        cnt = compute(xbuf0, tbuf0, cnt)

        @pl.when(c + 2 < n_chunks)
        def _():
            start_chunk(c + 2, xbuf0, tbuf0, sem0)

        wait_chunk(xbuf1, tbuf1, sem1)
        cnt = compute(xbuf1, tbuf1, cnt)

        @pl.when(c + 3 < n_chunks)
        def _():
            start_chunk(c + 3, xbuf1, tbuf1, sem1)

        return cnt

    cnt = lax.fori_loop(0, n_chunks // 2, pair_body,
                        jnp.zeros((_L,), jnp.int32))
    cntbuf[...] = cnt
    pltpu.sync_copy(cntbuf, out_hbm.at[wid])


def _tc_kernel(x_ref, t_ref, o_ref, *, num_classes):
    first = jnp.logical_and(pl.program_id(0) == 0, pl.program_id(1) == 0)
    x = x_ref[0]
    tv = t_ref[0]
    ids = lax.broadcasted_iota(jnp.int32, x.shape, 0)
    m1 = jnp.max(x, axis=0, keepdims=True)
    i1 = jnp.min(jnp.where(x == m1, ids, num_classes), axis=0, keepdims=True)
    x2 = jnp.where(ids == i1, -jnp.inf, x)
    m2 = jnp.max(x2, axis=0, keepdims=True)
    i2 = jnp.min(jnp.where(x2 == m2, ids, num_classes), axis=0, keepdims=True)
    c1 = (i1 == tv).astype(jnp.int32)
    c2 = jnp.logical_and(m1 - m2 < _THRESHOLD, i2 == tv).astype(jnp.int32)
    cnt = jnp.sum(c1) + jnp.sum(c2)

    @pl.when(first)
    def _init():
        o_ref[0, 0] = 0

    o_ref[0, 0] += cnt


def kernel(input, target):
    batch, num_classes, graph = input.shape
    nw = _NC * _NS

    sc_body = functools.partial(
        _sc_body, num_classes=num_classes, graph=graph, n_batches=_BSC)
    sc_partials = pl.kernel(
        sc_body,
        out_type=jax.ShapeDtypeStruct((nw, _L), jnp.int32),
        scratch_types=[
            pltpu.VMEM((num_classes, _CHUNK), jnp.float32),
            pltpu.VMEM((num_classes, _CHUNK), jnp.float32),
            pltpu.VMEM((_CHUNK,), jnp.int32),
            pltpu.VMEM((_CHUNK,), jnp.int32),
            pltpu.VMEM((_L,), jnp.int32),
            pltpu.SemaphoreType.DMA,
            pltpu.SemaphoreType.DMA,
        ],
        mesh=plsc.VectorSubcoreMesh(core_axis_name="c", subcore_axis_name="s"),
    )(input, target)

    t3 = target.reshape(batch, 1, graph)
    n_tc = batch - _BSC
    nj = graph // _W
    tc_cnt = pl.pallas_call(
        functools.partial(_tc_kernel, num_classes=num_classes),
        grid=(n_tc, nj),
        in_specs=[
            pl.BlockSpec((1, num_classes, _W), lambda b, j: (_BSC + b, 0, j)),
            pl.BlockSpec((1, 1, _W), lambda b, j: (_BSC + b, 0, j)),
        ],
        out_specs=pl.BlockSpec(
            (1, 1), lambda b, j: (0, 0), memory_space=pltpu.SMEM
        ),
        out_shape=jax.ShapeDtypeStruct((1, 1), jnp.int32),
    )(input, t3)

    cnt = jnp.sum(sc_partials) + tc_cnt[0, 0]
    edge_acc = cnt.astype(jnp.float32) / float(target.size)
    return 1.0 - edge_acc

# --- scband reference (transcript-rebuilt; emitter-appended) ---
"""Pipeline reference for scband-two-order-pred-prob-edge-accuracy-loss-40355512714109 (READ-ONLY COPY).

The authoritative reference and input builder live on the scoring server;
editing this copy changes nothing except your own understanding.
"""

import jax, jax.numpy as jnp
import numpy as np

THRESHOLD = 0.1
NUM_CLASSES = 50


def setup_inputs(seed: int = 0) -> dict:
    key = jax.random.key(seed)
    k1, k2 = jax.random.split(key)
    input = jax.random.uniform(k1, (64, NUM_CLASSES, 8192), dtype=jnp.float32)
    target = jax.random.randint(k2, (64, 8192), 0, NUM_CLASSES, dtype=jnp.int64 if jax.config.jax_enable_x64 else jnp.int32).astype(jnp.int32)
    return {"input": input, "target": target}


def reference(input, target):
    batch_size, num_classes, graph_size = input.shape
    assert num_classes == NUM_CLASSES
    # torch.sort(input, dim=1, descending=True)
    sorted_pred_prob = -jnp.sort(-input, axis=1)
    sorted_indices = jnp.argsort(-input, axis=1)
    first_order_preds = sorted_indices[:, 0]
    second_order_preds = sorted_indices[:, 1]
    first_second_order_pred_prob_diff = jnp.abs(jnp.diff(sorted_pred_prob, axis=1)[:, 0])
    second_order_preds_mask = first_second_order_pred_prob_diff < THRESHOLD
    filtered_second_order_preds = jnp.where(second_order_preds_mask, second_order_preds.astype(jnp.float32), jnp.nan)
    num_correct_first_order_preds = (first_order_preds == target).sum()
    num_correct_second_order_preds = (filtered_second_order_preds == target.astype(jnp.float32)).sum()
    edge_acc = (num_correct_first_order_preds + num_correct_second_order_preds).astype(jnp.float32) / float(target.size)
    loss = 1.0 - edge_acc
    return loss

if __name__ == "__main__":
    import jax
    _d = setup_inputs()
    print(jax.jit(kernel)(*tuple(_d.values())))

</pallas_src>

<mosaic_0001>
#map = affine_map<(d0, d1) -> (0, 0, 0)>
#map1 = affine_map<(d0, d1) -> (0, 0)>
module attributes {stable_mosaic.version = 14 : i64} {
  func.func @_sc_body(%arg0: i32, %arg1: i32, %arg2: memref<64x50x8192xf32, #tpu.memory_space<hbm>>, %arg3: memref<64x8192xi32, #tpu.memory_space<hbm>>, %arg4: memref<32x16xi32, #tpu.memory_space<hbm>>, %arg5: memref<50x1024xf32, #tpu.memory_space<vmem>>, %arg6: memref<50x1024xf32, #tpu.memory_space<vmem>>, %arg7: memref<1024xi32, #tpu.memory_space<vmem>>, %arg8: memref<1024xi32, #tpu.memory_space<vmem>>, %arg9: memref<16xi32, #tpu.memory_space<vmem>>, %arg10: memref<!tpu.dma_semaphore, #tpu.memory_space<semaphore_mem>>, %arg11: memref<!tpu.dma_semaphore, #tpu.memory_space<semaphore_mem>>) attributes {dimension_semantics = [#tpu.dimension_semantics<core_parallel>, #tpu.dimension_semantics<subcore_parallel>], iteration_bounds = array<i64: 2, 16>, scalar_prefetch = 0 : i64, scratch_operands = 7 : i64, tpu.core_type = #tpu.core_type<sc_vector_subcore>, window_params = [{transform_indices = #map}, {transform_indices = #map1}, {transform_indices = #map1}]} {
    %mul3A = arith.constant 2 : i32
    %mul3A_0 = arith.muli %arg1, %mul3A : i32
    %add3A = arith.addi %mul3A_0, %arg0 : i32
    %add3A_1 = arith.constant 0 : i32
    %add3A_2 = arith.addi %add3A, %add3A_1 : i32
    %jit3A = arith.constant 8 : i32
    %div3A = arith.divsi %add3A_2, %jit3A : i32
    %sign3A = arith.constant 0 : i32
    %sign3A_3 = arith.cmpi sgt, %add3A_2, %sign3A : i32
    %sign3A_4 = arith.extui %sign3A_3 : i1 to i32
    %sign3A_5 = arith.constant 0 : i32
    %sign3A_6 = arith.cmpi slt, %add3A_2, %sign3A_5 : i32
    %sign3A_7 = arith.extui %sign3A_6 : i1 to i32
    %sign3A_8 = arith.subi %sign3A_4, %sign3A_7 : i32
    %sign3A_9 = arith.constant 0 : i32
    %sign3A_10 = arith.cmpi sgt, %jit3A, %sign3A_9 : i32
    %sign3A_11 = arith.extui %sign3A_10 : i1 to i32
    %sign3A_12 = arith.constant 0 : i32
    %sign3A_13 = arith.cmpi slt, %jit3A, %sign3A_12 : i32
    %sign3A_14 = arith.extui %sign3A_13 : i1 to i32
    %sign3A_15 = arith.subi %sign3A_11, %sign3A_14 : i32
    %ne3A = arith.cmpi ne, %sign3A_8, %sign3A_15 : i32
    %rem3A = arith.remsi %add3A_2, %jit3A : i32
    %ne3A_16 = arith.constant 0 : i32
    %ne3A_17 = arith.cmpi ne, %rem3A, %ne3A_16 : i32
    %and3A = arith.andi %ne3A, %ne3A_17 : i1
    %sub3A = arith.constant 1 : i32
    %sub3A_18 = arith.subi %div3A, %sub3A : i32
    %select_n3A = arith.select %and3A, %sub3A_18, %div3A : i32
    %jit3A_19 = arith.constant 8 : i32
    %eq3A = arith.constant 0 : i32
    %eq3A_20 = arith.cmpi eq, %jit3A_19, %eq3A : i32
    %jit3A_21 = arith.constant 1 : i32
    %select_n3A_22 = arith.select %eq3A_20, %jit3A_21, %jit3A_19 : i32
    %rem3A_23 = arith.remsi %add3A_2, %select_n3A_22 : i32
    %ne3A_24 = arith.constant 0 : i32
    %ne3A_25 = arith.cmpi ne, %rem3A_23, %ne3A_24 : i32
    %lt3A = arith.constant 0 : i32
    %lt3A_26 = arith.cmpi slt, %rem3A_23, %lt3A : i32
    %lt3A_27 = arith.constant 0 : i32
    %lt3A_28 = arith.cmpi slt, %select_n3A_22, %lt3A_27 : i32
    %ne3A_29 = arith.xori %lt3A_26, %lt3A_28 : i1
    %and3A_30 = arith.andi %ne3A_29, %ne3A_25 : i1
    %add3A_31 = arith.addi %rem3A_23, %select_n3A_22 : i32
    %select_n3A_32 = arith.select %and3A_30, %add3A_31, %rem3A_23 : i32
    %mul3A_33 = arith.constant 1024 : i32
    %mul3A_34 = arith.muli %select_n3A_32, %mul3A_33 : i32
    %dma_start3A = arith.constant 0 : i32
    %dma_start3A_35 = tpu.memref_slice %arg2[%select_n3A, %dma_start3A, %mul3A_34] : memref<64x50x8192xf32, #tpu.memory_space<hbm>> -> memref<1x50x1024xf32, #tpu.memory_space<hbm>>
    %dma_start3A_36 = tpu.memref_squeeze %dma_start3A_35 : memref<1x50x1024xf32, #tpu.memory_space<hbm>> -> memref<50x1024xf32, #tpu.memory_space<hbm>>
    %dma_start3A_37 = arith.constant 0 : i32
    %dma_start3A_38 = tpu.memref_slice %arg2[%select_n3A, %dma_start3A_37, %mul3A_34] : memref<64x50x8192xf32, #tpu.memory_space<hbm>> -> memref<1x50x1024xf32, #tpu.memory_space<hbm>>
    %dma_start3A_39 = tpu.memref_squeeze %dma_start3A_38 : memref<1x50x1024xf32, #tpu.memory_space<hbm>> -> memref<50x1024xf32, #tpu.memory_space<hbm>>
    tpu.enqueue_dma source(%dma_start3A_39 : memref<50x1024xf32, #tpu.memory_space<hbm>>) target(%arg5 : memref<50x1024xf32, #tpu.memory_space<vmem>>) target_semaphore(%arg10 : memref<!tpu.dma_semaphore, #tpu.memory_space<semaphore_mem>>)
    %dma_start3A_40 = tpu.memref_slice %arg3[%select_n3A, %mul3A_34] : memref<64x8192xi32, #tpu.memory_space<hbm>> -> memref<1x1024xi32, #tpu.memory_space<hbm>>
    %dma_start3A_41 = tpu.memref_squeeze %dma_start3A_40 : memref<1x1024xi32, #tpu.memory_space<hbm>> -> memref<1024xi32, #tpu.memory_space<hbm>>
    %dma_start3A_42 = tpu.memref_slice %arg3[%select_n3A, %mul3A_34] : memref<64x8192xi32, #tpu.memory_space<hbm>> -> memref<1x1024xi32, #tpu.memory_space<hbm>>
    %dma_start3A_43 = tpu.memref_squeeze %dma_start3A_42 : memref<1x1024xi32, #tpu.memory_space<hbm>> -> memref<1024xi32, #tpu.memory_space<hbm>>
    tpu.enqueue_dma source(%dma_start3A_43 : memref<1024xi32, #tpu.memory_space<hbm>>) target(%arg7 : memref<1024xi32, #tpu.memory_space<vmem>>) target_semaphore(%arg10 : memref<!tpu.dma_semaphore, #tpu.memory_space<semaphore_mem>>)
    %add3A_44 = arith.constant 32 : i32
    %add3A_45 = arith.addi %add3A, %add3A_44 : i32
    %jit3A_46 = arith.constant 8 : i32
    %div3A_47 = arith.divsi %add3A_45, %jit3A_46 : i32
    %sign3A_48 = arith.constant 0 : i32
    %sign3A_49 = arith.cmpi sgt, %add3A_45, %sign3A_48 : i32
    %sign3A_50 = arith.extui %sign3A_49 : i1 to i32
    %sign3A_51 = arith.constant 0 : i32
    %sign3A_52 = arith.cmpi slt, %add3A_45, %sign3A_51 : i32
    %sign3A_53 = arith.extui %sign3A_52 : i1 to i32
    %sign3A_54 = arith.subi %sign3A_50, %sign3A_53 : i32
    %sign3A_55 = arith.constant 0 : i32
    %sign3A_56 = arith.cmpi sgt, %jit3A_46, %sign3A_55 : i32
    %sign3A_57 = arith.extui %sign3A_56 : i1 to i32
    %sign3A_58 = arith.constant 0 : i32
    %sign3A_59 = arith.cmpi slt, %jit3A_46, %sign3A_58 : i32
    %sign3A_60 = arith.extui %sign3A_59 : i1 to i32
    %sign3A_61 = arith.subi %sign3A_57, %sign3A_60 : i32
    %ne3A_62 = arith.cmpi ne, %sign3A_54, %sign3A_61 : i32
    %rem3A_63 = arith.remsi %add3A_45, %jit3A_46 : i32
    %ne3A_64 = arith.constant 0 : i32
    %ne3A_65 = arith.cmpi ne, %rem3A_63, %ne3A_64 : i32
    %and3A_66 = arith.andi %ne3A_62, %ne3A_65 : i1
    %sub3A_67 = arith.constant 1 : i32
    %sub3A_68 = arith.subi %div3A_47, %sub3A_67 : i32
    %select_n3A_69 = arith.select %and3A_66, %sub3A_68, %div3A_47 : i32
    %jit3A_70 = arith.constant 8 : i32
    %eq3A_71 = arith.constant 0 : i32
    %eq3A_72 = arith.cmpi eq, %jit3A_70, %eq3A_71 : i32
    %jit3A_73 = arith.constant 1 : i32
    %select_n3A_74 = arith.select %eq3A_72, %jit3A_73, %jit3A_70 : i32
    %rem3A_75 = arith.remsi %add3A_45, %select_n3A_74 : i32
    %ne3A_76 = arith.constant 0 : i32
    %ne3A_77 = arith.cmpi ne, %rem3A_75, %ne3A_76 : i32
    %lt3A_78 = arith.constant 0 : i32
    %lt3A_79 = arith.cmpi slt, %rem3A_75, %lt3A_78 : i32
    %lt3A_80 = arith.constant 0 : i32
    %lt3A_81 = arith.cmpi slt, %select_n3A_74, %lt3A_80 : i32
    %ne3A_82 = arith.xori %lt3A_79, %lt3A_81 : i1
    %and3A_83 = arith.andi %ne3A_82, %ne3A_77 : i1
    %add3A_84 = arith.addi %rem3A_75, %select_n3A_74 : i32
    %select_n3A_85 = arith.select %and3A_83, %add3A_84, %rem3A_75 : i32
    %mul3A_86 = arith.constant 1024 : i32
    %mul3A_87 = arith.muli %select_n3A_85, %mul3A_86 : i32
    %dma_start3A_88 = arith.constant 0 : i32
    %dma_start3A_89 = tpu.memref_slice %arg2[%select_n3A_69, %dma_start3A_88, %mul3A_87] : memref<64x50x8192xf32, #tpu.memory_space<hbm>> -> memref<1x50x1024xf32, #tpu.memory_space<hbm>>
    %dma_start3A_90 = tpu.memref_squeeze %dma_start3A_89 : memref<1x50x1024xf32, #tpu.memory_space<hbm>> -> memref<50x1024xf32, #tpu.memory_space<hbm>>
    %dma_start3A_91 = arith.constant 0 : i32
    %dma_start3A_92 = tpu.memref_slice %arg2[%select_n3A_69, %dma_start3A_91, %mul3A_87] : memref<64x50x8192xf32, #tpu.memory_space<hbm>> -> memref<1x50x1024xf32, #tpu.memory_space<hbm>>
    %dma_start3A_93 = tpu.memref_squeeze %dma_start3A_92 : memref<1x50x1024xf32, #tpu.memory_space<hbm>> -> memref<50x1024xf32, #tpu.memory_space<hbm>>
    tpu.enqueue_dma source(%dma_start3A_93 : memref<50x1024xf32, #tpu.memory_space<hbm>>) target(%arg6 : memref<50x1024xf32, #tpu.memory_space<vmem>>) target_semaphore(%arg11 : memref<!tpu.dma_semaphore, #tpu.memory_space<semaphore_mem>>)
    %dma_start3A_94 = tpu.memref_slice %arg3[%select_n3A_69, %mul3A_87] : memref<64x8192xi32, #tpu.memory_space<hbm>> -> memref<1x1024xi32, #tpu.memory_space<hbm>>
    %dma_start3A_95 = tpu.memref_squeeze %dma_start3A_94 : memref<1x1024xi32, #tpu.memory_space<hbm>> -> memref<1024xi32, #tpu.memory_space<hbm>>
    %dma_start3A_96 = tpu.memref_slice %arg3[%select_n3A_69, %mul3A_87] : memref<64x8192xi32, #tpu.memory_space<hbm>> -> memref<1x1024xi32, #tpu.memory_space<hbm>>
    %dma_start3A_97 = tpu.memref_squeeze %dma_start3A_96 : memref<1x1024xi32, #tpu.memory_space<hbm>> -> memref<1024xi32, #tpu.memory_space<hbm>>
    tpu.enqueue_dma source(%dma_start3A_97 : memref<1024xi32, #tpu.memory_space<hbm>>) target(%arg8 : memref<1024xi32, #tpu.memory_space<vmem>>) target_semaphore(%arg11 : memref<!tpu.dma_semaphore, #tpu.memory_space<semaphore_mem>>)
    %broadcast_in_dim3A = arith.constant 0 : i32
    %broadcast_in_dim3A_98 = vector.broadcast %broadcast_in_dim3A : i32 to vector<16xi32>
    %scan3A = arith.constant 0 : i32
    %scan3A_99 = arith.constant 6 : i32
    %scan3A_100 = arith.addi %scan3A, %scan3A_99 : i32
    %scan3A_101 = arith.constant 1 : i32
    %scan3A_102 = scf.for %scan3A_107 = %scan3A to %scan3A_100 step %scan3A_101 iter_args(%scan3A_108 = %broadcast_in_dim3A_98) -> (vector<16xi32>)  : i32 {
      %mul3A_109 = arith.constant 2 : i32
      %mul3A_110 = arith.muli %mul3A_109, %scan3A_107 : i32
      %dma_wait3A = arith.constant 0 : i32
      %dma_wait3A_111 = arith.constant 0 : i32
      %dma_wait3A_112 = arith.constant 0 : i32
      %dma_wait3A_113 = tpu.memref_slice %arg2[%dma_wait3A, %dma_wait3A_111, %dma_wait3A_112] : memref<64x50x8192xf32, #tpu.memory_space<hbm>> -> memref<1x50x1024xf32, #tpu.memory_space<hbm>>
      %dma_wait3A_114 = tpu.memref_squeeze %dma_wait3A_113 : memref<1x50x1024xf32, #tpu.memory_space<hbm>> -> memref<50x1024xf32, #tpu.memory_space<hbm>>
      %dma_wait3A_115 = arith.constant 0 : i32
      %dma_wait3A_116 = arith.constant 0 : i32
      %dma_wait3A_117 = tpu.memref_slice %arg2[%dma_wait3A, %dma_wait3A_115, %dma_wait3A_116] : memref<64x50x8192xf32, #tpu.memory_space<hbm>> -> memref<1x50x1024xf32, #tpu.memory_space<hbm>>
      %dma_wait3A_118 = tpu.memref_squeeze %dma_wait3A_117 : memref<1x50x1024xf32, #tpu.memory_space<hbm>> -> memref<50x1024xf32, #tpu.memory_space<hbm>>
      tpu.wait_dma2 semaphore(%arg10 : memref<!tpu.dma_semaphore, #tpu.memory_space<semaphore_mem>>) src(%dma_wait3A_118 : memref<50x1024xf32, #tpu.memory_space<hbm>>) dst(%arg5 : memref<50x1024xf32, #tpu.memory_space<vmem>>)
      %dma_wait3A_119 = arith.constant 0 : i32
      %dma_wait3A_120 = arith.constant 0 : i32
      %dma_wait3A_121 = tpu.memref_slice %arg3[%dma_wait3A_119, %dma_wait3A_120] : memref<64x8192xi32, #tpu.memory_space<hbm>> -> memref<1x1024xi32, #tpu.memory_space<hbm>>
      %dma_wait3A_122 = tpu.memref_squeeze %dma_wait3A_121 : memref<1x1024xi32, #tpu.memory_space<hbm>> -> memref<1024xi32, #tpu.memory_space<hbm>>
      %dma_wait3A_123 = arith.constant 0 : i32
      %dma_wait3A_124 = tpu.memref_slice %arg3[%dma_wait3A_119, %dma_wait3A_123] : memref<64x8192xi32, #tpu.memory_space<hbm>> -> memref<1x1024xi32, #tpu.memory_space<hbm>>
      %dma_wait3A_125 = tpu.memref_squeeze %dma_wait3A_124 : memref<1x1024xi32, #tpu.memory_space<hbm>> -> memref<1024xi32, #tpu.memory_space<hbm>>
      tpu.wait_dma2 semaphore(%arg10 : memref<!tpu.dma_semaphore, #tpu.memory_space<semaphore_mem>>) src(%dma_wait3A_125 : memref<1024xi32, #tpu.memory_space<hbm>>) dst(%arg7 : memref<1024xi32, #tpu.memory_space<vmem>>)
      %scan3A_126 = arith.constant 0 : i32
      %scan3A_127 = arith.constant 64 : i32
      %scan3A_128 = arith.addi %scan3A_126, %scan3A_127 : i32
      %scan3A_129 = arith.constant 1 : i32
      %scan3A_130 = scf.for %scan3A_166 = %scan3A_126 to %scan3A_128 step %scan3A_129 iter_args(%scan3A_167 = %scan3A_108) -> (vector<16xi32>)  : i32 {
        %broadcast_in_dim3A_168 = arith.constant 0xFF800000 : f32
        %broadcast_in_dim3A_169 = vector.broadcast %broadcast_in_dim3A_168 : f32 to vector<16xf32>
        %broadcast_in_dim3A_170 = arith.constant 0xFF800000 : f32
        %broadcast_in_dim3A_171 = vector.broadcast %broadcast_in_dim3A_170 : f32 to vector<16xf32>
        %broadcast_in_dim3A_172 = arith.constant 0 : i32
        %broadcast_in_dim3A_173 = vector.broadcast %broadcast_in_dim3A_172 : i32 to vector<16xi32>
        %broadcast_in_dim3A_174 = arith.constant 0 : i32
        %broadcast_in_dim3A_175 = vector.broadcast %broadcast_in_dim3A_174 : i32 to vector<16xi32>
        %mul3A_176 = arith.constant 16 : i32
        %mul3A_177 = arith.muli %scan3A_166, %mul3A_176 : i32
        %get3A = arith.constant 0 : i32
        %get3A_178 = arith.index_cast %get3A : i32 to index
        %get3A_179 = arith.index_cast %mul3A_177 : i32 to index
        %get3A_180 = tpu.vector_load %arg5[%get3A_178, %get3A_179] {strides = array<i32>} : memref<50x1024xf32, #tpu.memory_space<vmem>>, vector<1x16xf32>,
        %get3A_181 = vector.shape_cast %get3A_180 : vector<1x16xf32> to vector<16xf32>
        %gt3A = arith.cmpf ogt, %get3A_181, %broadcast_in_dim3A_169 : vector<16xf32>
        %gt3A_182 = arith.cmpf ogt, %get3A_181, %broadcast_in_dim3A_171 : vector<16xf32>
        %jit3A_183 = arith.constant 0 : i32
        %broadcast_in_dim3A_184 = vector.broadcast %jit3A_183 : i32 to vector<16xi32>
        %select_n3A_185 = arith.select %gt3A_182, %broadcast_in_dim3A_184, %broadcast_in_dim3A_175 : vector<16xi1>, vector<16xi32>
        %select_n3A_186 = arith.select %gt3A, %broadcast_in_dim3A_173, %select_n3A_185 : vector<16xi1>, vector<16xi32>
        %jit3A_187 = arith.constant 0 : i32
        %broadcast_in_dim3A_188 = vector.broadcast %jit3A_187 : i32 to vector<16xi32>
        %select_n3A_189 = arith.select %gt3A, %broadcast_in_dim3A_188, %broadcast_in_dim3A_173 : vector<16xi1>, vector<16xi32>
        %min3A = arith.minimumf %get3A_181, %broadcast_in_dim3A_169 : vector<16xf32>
        %max3A = arith.maximumf %broadcast_in_dim3A_171, %min3A : vector<16xf32>
        %max3A_190 = arith.maximumf %get3A_181, %broadcast_in_dim3A_169 : vector<16xf32>
        %mul3A_191 = arith.constant 16 : i32
        %mul3A_192 = arith.muli %scan3A_166, %mul3A_191 : i32
        %get3A_193 = arith.constant 1 : i32
        %get3A_194 = arith.index_cast %get3A_193 : i32 to index
        %get3A_195 = arith.index_cast %mul3A_192 : i32 to index
        %get3A_196 = tpu.vector_load %arg5[%get3A_194, %get3A_195] {strides = array<i32>} : memref<50x1024xf32, #tpu.memory_space<vmem>>, vector<1x16xf32>,
        %get3A_197 = vector.shape_cast %get3A_196 : vector<1x16xf32> to vector<16xf32>
        %gt3A_198 = arith.cmpf ogt, %get3A_197, %max3A_190 : vector<16xf32>
        %gt3A_199 = arith.cmpf ogt, %get3A_197, %max3A : vector<16xf32>
        %jit3A_200 = arith.constant 1 : i32
        %broadcast_in_dim3A_201 = vector.broadcast %jit3A_200 : i32 to vector<16xi32>
        %select_n3A_202 = arith.select %gt3A_199, %broadcast_in_dim3A_201, %select_n3A_186 : vector<16xi1>, vector<16xi32>
        %select_n3A_203 = arith.select %gt3A_198, %select_n3A_189, %select_n3A_202 : vector<16xi1>, vector<16xi32>
        %jit3A_204 = arith.constant 1 : i32
        %broadcast_in_dim3A_205 = vector.broadcast %jit3A_204 : i32 to vector<16xi32>
        %select_n3A_206 = arith.select %gt3A_198, %broadcast_in_dim3A_205, %select_n3A_189 : vector<16xi1>, vector<16xi32>
        %min3A_207 = arith.minimumf %get3A_197, %max3A_190 : vector<16xf32>
        %max3A_208 = arith.maximumf %max3A, %min3A_207 : vector<16xf32>
        %max3A_209 = arith.maximumf %get3A_197, %max3A_190 : vector<16xf32>
        %mul3A_210 = arith.constant 16 : i32
        %mul3A_211 = arith.muli %scan3A_166, %mul3A_210 : i32
        %get3A_212 = arith.constant 2 : i32
        %get3A_213 = arith.index_cast %get3A_212 : i32 to index
        %get3A_214 = arith.index_cast %mul3A_211 : i32 to index
        %get3A_215 = tpu.vector_load %arg5[%get3A_213, %get3A_214] {strides = array<i32>} : memref<50x1024xf32, #tpu.memory_space<vmem>>, vector<1x16xf32>,
        %get3A_216 = vector.shape_cast %get3A_215 : vector<1x16xf32> to vector<16xf32>
        %gt3A_217 = arith.cmpf ogt, %get3A_216, %max3A_209 : vector<16xf32>
        %gt3A_218 = arith.cmpf ogt, %get3A_216, %max3A_208 : vector<16xf32>
        %jit3A_219 = arith.constant 2 : i32
        %broadcast_in_dim3A_220 = vector.broadcast %jit3A_219 : i32 to vector<16xi32>
        %select_n3A_221 = arith.select %gt3A_218, %broadcast_in_dim3A_220, %select_n3A_203 : vector<16xi1>, vector<16xi32>
        %select_n3A_222 = arith.select %gt3A_217, %select_n3A_206, %select_n3A_221 : vector<16xi1>, vector<16xi32>
        %jit3A_223 = arith.constant 2 : i32
        %broadcast_in_dim3A_224 = vector.broadcast %jit3A_223 : i32 to vector<16xi32>
        %select_n3A_225 = arith.select %gt3A_217, %broadcast_in_dim3A_224, %select_n3A_206 : vector<16xi1>, vector<16xi32>
        %min3A_226 = arith.minimumf %get3A_216, %max3A_209 : vector<16xf32>
        %max3A_227 = arith.maximumf %max3A_208, %min3A_226 : vector<16xf32>
        %max3A_228 = arith.maximumf %get3A_216, %max3A_209 : vector<16xf32>
        %mul3A_229 = arith.constant 16 : i32
        %mul3A_230 = arith.muli %scan3A_166, %mul3A_229 : i32
        %get3A_231 = arith.constant 3 : i32
        %get3A_232 = arith.index_cast %get3A_231 : i32 to index
        %get3A_233 = arith.index_cast %mul3A_230 : i32 to index
        %get3A_234 = tpu.vector_load %arg5[%get3A_232, %get3A_233] {strides = array<i32>} : memref<50x1024xf32, #tpu.memory_space<vmem>>, vector<1x16xf32>,
        %get3A_235 = vector.shape_cast %get3A_234 : vector<1x16xf32> to vector<16xf32>
        %gt3A_236 = arith.cmpf ogt, %get3A_235, %max3A_228 : vector<16xf32>
        %gt3A_237 = arith.cmpf ogt, %get3A_235, %max3A_227 : vector<16xf32>
        %jit3A_238 = arith.constant 3 : i32
        %broadcast_in_dim3A_239 = vector.broadcast %jit3A_238 : i32 to vector<16xi32>
        %select_n3A_240 = arith.select %gt3A_237, %broadcast_in_dim3A_239, %select_n3A_222 : vector<16xi1>, vector<16xi32>
        %select_n3A_241 = arith.select %gt3A_236, %select_n3A_225, %select_n3A_240 : vector<16xi1>, vector<16xi32>
        %jit3A_242 = arith.constant 3 : i32
        %broadcast_in_dim3A_243 = vector.broadcast %jit3A_242 : i32 to vector<16xi32>
        %select_n3A_244 = arith.select %gt3A_236, %broadcast_in_dim3A_243, %select_n3A_225 : vector<16xi1>, vector<16xi32>
        %min3A_245 = arith.minimumf %get3A_235, %max3A_228 : vector<16xf32>
        %max3A_246 = arith.maximumf %max3A_227, %min3A_245 : vector<16xf32>
        %max3A_247 = arith.maximumf %get3A_235, %max3A_228 : vector<16xf32>
        %mul3A_248 = arith.constant 16 : i32
        %mul3A_249 = arith.muli %scan3A_166, %mul3A_248 : i32
        %get3A_250 = arith.constant 4 : i32
        %get3A_251 = arith.index_cast %get3A_250 : i32 to index
        %get3A_252 = arith.index_cast %mul3A_249 : i32 to index
        %get3A_253 = tpu.vector_load %arg5[%get3A_251, %get3A_252] {strides = array<i32>} : memref<50x1024xf32, #tpu.memory_space<vmem>>, vector<1x16xf32>,
        %get3A_254 = vector.shape_cast %get3A_253 : vector<1x16xf32> to vector<16xf32>
        %gt3A_255 = arith.cmpf ogt, %get3A_254, %max3A_247 : vector<16xf32>
        %gt3A_256 = arith.cmpf ogt, %get3A_254, %max3A_246 : vector<16xf32>
        %jit3A_257 = arith.constant 4 : i32
        %broadcast_in_dim3A_258 = vector.broadcast %jit3A_257 : i32 to vector<16xi32>
        %select_n3A_259 = arith.select %gt3A_256, %broadcast_in_dim3A_258, %select_n3A_241 : vector<16xi1>, vector<16xi32>
        %select_n3A_260 = arith.select %gt3A_255, %select_n3A_244, %select_n3A_259 : vector<16xi1>, vector<16xi32>
        %jit3A_261 = arith.constant 4 : i32
        %broadcast_in_dim3A_262 = vector.broadcast %jit3A_261 : i32 to vector<16xi32>
        %select_n3A_263 = arith.select %gt3A_255, %broadcast_in_dim3A_262, %select_n3A_244 : vector<16xi1>, vector<16xi32>
        %min3A_264 = arith.minimumf %get3A_254, %max3A_247 : vector<16xf32>
        %max3A_265 = arith.maximumf %max3A_246, %min3A_264 : vector<16xf32>
        %max3A_266 = arith.maximumf %get3A_254, %max3A_247 : vector<16xf32>
        %mul3A_267 = arith.constant 16 : i32
        %mul3A_268 = arith.muli %scan3A_166, %mul3A_267 : i32
        %get3A_269 = arith.constant 5 : i32
        %get3A_270 = arith.index_cast %get3A_269 : i32 to index
        %get3A_271 = arith.index_cast %mul3A_268 : i32 to index
        %get3A_272 = tpu.vector_load %arg5[%get3A_270, %get3A_271] {strides = array<i32>} : memref<50x1024xf32, #tpu.memory_space<vmem>>, vector<1x16xf32>,
        %get3A_273 = vector.shape_cast %get3A_272 : vector<1x16xf32> to vector<16xf32>
        %gt3A_274 = arith.cmpf ogt, %get3A_273, %max3A_266 : vector<16xf32>
        %gt3A_275 = arith.cmpf ogt, %get3A_273, %max3A_265 : vector<16xf32>
        %jit3A_276 = arith.constant 5 : i32
        %broadcast_in_dim3A_277 = vector.broadcast %jit3A_276 : i32 to vector<16xi32>
        %select_n3A_278 = arith.select %gt3A_275, %broadcast_in_dim3A_277, %select_n3A_260 : vector<16xi1>, vector<16xi32>
        %select_n3A_279 = arith.select %gt3A_274, %select_n3A_263, %select_n3A_278 : vector<16xi1>, vector<16xi32>
        %jit3A_280 = arith.constant 5 : i32
        %broadcast_in_dim3A_281 = vector.broadcast %jit3A_280 : i32 to vector<16xi32>
        %select_n3A_282 = arith.select %gt3A_274, %broadcast_in_dim3A_281, %select_n3A_263 : vector<16xi1>, vector<16xi32>
        %min3A_283 = arith.minimumf %get3A_273, %max3A_266 : vector<16xf32>
        %max3A_284 = arith.maximumf %max3A_265, %min3A_283 : vector<16xf32>
        %max3A_285 = arith.maximumf %get3A_273, %max3A_266 : vector<16xf32>
        %mul3A_286 = arith.constant 16 : i32
        %mul3A_287 = arith.muli %scan3A_166, %mul3A_286 : i32
        %get3A_288 = arith.constant 6 : i32
        %get3A_289 = arith.index_cast %get3A_288 : i32 to index
        %get3A_290 = arith.index_cast %mul3A_287 : i32 to index
        %get3A_291 = tpu.vector_load %arg5[%get3A_289, %get3A_290] {strides = array<i32>} : memref<50x1024xf32, #tpu.memory_space<vmem>>, vector<1x16xf32>,
        %get3A_292 = vector.shape_cast %get3A_291 : vector<1x16xf32> to vector<16xf32>
        %gt3A_293 = arith.cmpf ogt, %get3A_292, %max3A_285 : vector<16xf32>
        %gt3A_294 = arith.cmpf ogt, %get3A_292, %max3A_284 : vector<16xf32>
        %jit3A_295 = arith.constant 6 : i32
        %broadcast_in_dim3A_296 = vector.broadcast %jit3A_295 : i32 to vector<16xi32>
        %select_n3A_297 = arith.select %gt3A_294, %broadcast_in_dim3A_296, %select_n3A_279 : vector<16xi1>, vector<16xi32>
        %select_n3A_298 = arith.select %gt3A_293, %select_n3A_282, %select_n3A_297 : vector<16xi1>, vector<16xi32>
        %jit3A_299 = arith.constant 6 : i32
        %broadcast_in_dim3A_300 = vector.broadcast %jit3A_299 : i32 to vector<16xi32>
        %select_n3A_301 = arith.select %gt3A_293, %broadcast_in_dim3A_300, %select_n3A_282 : vector<16xi1>, vector<16xi32>
        %min3A_302 = arith.minimumf %get3A_292, %max3A_285 : vector<16xf32>
        %max3A_303 = arith.maximumf %max3A_284, %min3A_302 : vector<16xf32>
        %max3A_304 = arith.maximumf %get3A_292, %max3A_285 : vector<16xf32>
        %mul3A_305 = arith.constant 16 : i32
        %mul3A_306 = arith.muli %scan3A_166, %mul3A_305 : i32
        %get3A_307 = arith.constant 7 : i32
        %get3A_308 = arith.index_cast %get3A_307 : i32 to index
        %get3A_309 = arith.index_cast %mul3A_306 : i32 to index
        %get3A_310 = tpu.vector_load %arg5[%get3A_308, %get3A_309] {strides = array<i32>} : memref<50x1024xf32, #tpu.memory_space<vmem>>, vector<1x16xf32>,
        %get3A_311 = vector.shape_cast %get3A_310 : vector<1x16xf32> to vector<16xf32>
        %gt3A_312 = arith.cmpf ogt, %get3A_311, %max3A_304 : vector<16xf32>
        %gt3A_313 = arith.cmpf ogt, %get3A_311, %max3A_303 : vector<16xf32>
        %jit3A_314 = arith.constant 7 : i32
        %broadcast_in_dim3A_315 = vector.broadcast %jit3A_314 : i32 to vector<16xi32>
        %select_n3A_316 = arith.select %gt3A_313, %broadcast_in_dim3A_315, %select_n3A_298 : vector<16xi1>, vector<16xi32>
        %select_n3A_317 = arith.select %gt3A_312, %select_n3A_301, %select_n3A_316 : vector<16xi1>, vector<16xi32>
        %jit3A_318 = arith.constant 7 : i32
        %broadcast_in_dim3A_319 = vector.broadcast %jit3A_318 : i32 to vector<16xi32>
        %select_n3A_320 = arith.select %gt3A_312, %broadcast_in_dim3A_319, %select_n3A_301 : vector<16xi1>, vector<16xi32>
        %min3A_321 = arith.minimumf %get3A_311, %max3A_304 : vector<16xf32>
        %max3A_322 = arith.maximumf %max3A_303, %min3A_321 : vector<16xf32>
        %max3A_323 = arith.maximumf %get3A_311, %max3A_304 : vector<16xf32>
        %mul3A_324 = arith.constant 16 : i32
        %mul3A_325 = arith.muli %scan3A_166, %mul3A_324 : i32
        %get3A_326 = arith.constant 8 : i32
        %get3A_327 = arith.index_cast %get3A_326 : i32 to index
        %get3A_328 = arith.index_cast %mul3A_325 : i32 to index
        %get3A_329 = tpu.vector_load %arg5[%get3A_327, %get3A_328] {strides = array<i32>} : memref<50x1024xf32, #tpu.memory_space<vmem>>, vector<1x16xf32>,
        %get3A_330 = vector.shape_cast %get3A_329 : vector<1x16xf32> to vector<16xf32>
        %gt3A_331 = arith.cmpf ogt, %get3A_330, %max3A_323 : vector<16xf32>
        %gt3A_332 = arith.cmpf ogt, %get3A_330, %max3A_322 : vector<16xf32>
        %jit3A_333 = arith.constant 8 : i32
        %broadcast_in_dim3A_334 = vector.broadcast %jit3A_333 : i32 to vector<16xi32>
        %select_n3A_335 = arith.select %gt3A_332, %broadcast_in_dim3A_334, %select_n3A_317 : vector<16xi1>, vector<16xi32>
        %select_n3A_336 = arith.select %gt3A_331, %select_n3A_320, %select_n3A_335 : vector<16xi1>, vector<16xi32>
        %jit3A_337 = arith.constant 8 : i32
        %broadcast_in_dim3A_338 = vector.broadcast %jit3A_337 : i32 to vector<16xi32>
        %select_n3A_339 = arith.select %gt3A_331, %broadcast_in_dim3A_338, %select_n3A_320 : vector<16xi1>, vector<16xi32>
        %min3A_340 = arith.minimumf %get3A_330, %max3A_323 : vector<16xf32>
        %max3A_341 = arith.maximumf %max3A_322, %min3A_340 : vector<16xf32>
        %max3A_342 = arith.maximumf %get3A_330, %max3A_323 : vector<16xf32>
        %mul3A_343 = arith.constant 16 : i32
        %mul3A_344 = arith.muli %scan3A_166, %mul3A_343 : i32
        %get3A_345 = arith.constant 9 : i32
        %get3A_346 = arith.index_cast %get3A_345 : i32 to index
        %get3A_347 = arith.index_cast %mul3A_344 : i32 to index
        %get3A_348 = tpu.vector_load %arg5[%get3A_346, %get3A_347] {strides = array<i32>} : memref<50x1024xf32, #tpu.memory_space<vmem>>, vector<1x16xf32>,
        %get3A_349 = vector.shape_cast %get3A_348 : vector<1x16xf32> to vector<16xf32>
        %gt3A_350 = arith.cmpf ogt, %get3A_349, %max3A_342 : vector<16xf32>
        %gt3A_351 = arith.cmpf ogt, %get3A_349, %max3A_341 : vector<16xf32>
        %jit3A_352 = arith.constant 9 : i32
        %broadcast_in_dim3A_353 = vector.broadcast %jit3A_352 : i32 to vector<16xi32>
        %select_n3A_354 = arith.select %gt3A_351, %broadcast_in_dim3A_353, %select_n3A_336 : vector<16xi1>, vector<16xi32>
        %select_n3A_355 = arith.select %gt3A_350, %select_n3A_339, %select_n3A_354 : vector<16xi1>, vector<16xi32>
        %jit3A_356 = arith.constant 9 : i32
        %broadcast_in_dim3A_357 = vector.broadcast %jit3A_356 : i32 to vector<16xi32>
        %select_n3A_358 = arith.select %gt3A_350, %broadcast_in_dim3A_357, %select_n3A_339 : vector<16xi1>, vector<16xi32>
        %min3A_359 = arith.minimumf %get3A_349, %max3A_342 : vector<16xf32>
        %max3A_360 = arith.maximumf %max3A_341, %min3A_359 : vector<16xf32>
        %max3A_361 = arith.maximumf %get3A_349, %max3A_342 : vector<16xf32>
        %mul3A_362 = arith.constant 16 : i32
        %mul3A_363 = arith.muli %scan3A_166, %mul3A_362 : i32
        %get3A_364 = arith.constant 10 : i32
        %get3A_365 = arith.index_cast %get3A_364 : i32 to index
        %get3A_366 = arith.index_cast %mul3A_363 : i32 to index
        %get3A_367 = tpu.vector_load %arg5[%get3A_365, %get3A_366] {strides = array<i32>} : memref<50x1024xf32, #tpu.memory_space<vmem>>, vector<1x16xf32>,
        %get3A_368 = vector.shape_cast %get3A_367 : vector<1x16xf32> to vector<16xf32>
        %gt3A_369 = arith.cmpf ogt, %get3A_368, %max3A_361 : vector<16xf32>
        %gt3A_370 = arith.cmpf ogt, %get3A_368, %max3A_360 : vector<16xf32>
        %jit3A_371 = arith.constant 10 : i32
        %broadcast_in_dim3A_372 = vector.broadcast %jit3A_371 : i32 to vector<16xi32>
        %select_n3A_373 = arith.select %gt3A_370, %broadcast_in_dim3A_372, %select_n3A_355 : vector<16xi1>, vector<16xi32>
        %select_n3A_374 = arith.select %gt3A_369, %select_n3A_358, %select_n3A_373 : vector<16xi1>, vector<16xi32>
        %jit3A_375 = arith.constant 10 : i32
        %broadcast_in_dim3A_376 = vector.broadcast %jit3A_375 : i32 to vector<16xi32>
        %select_n3A_377 = arith.select %gt3A_369, %broadcast_in_dim3A_376, %select_n3A_358 : vector<16xi1>, vector<16xi32>
        %min3A_378 = arith.minimumf %get3A_368, %max3A_361 : vector<16xf32>
        %max3A_379 = arith.maximumf %max3A_360, %min3A_378 : vector<16xf32>
        %max3A_380 = arith.maximumf %get3A_368, %max3A_361 : vector<16xf32>
        %mul3A_381 = arith.constant 16 : i32
        %mul3A_382 = arith.muli %scan3A_166, %mul3A_381 : i32
        %get3A_383 = arith.constant 11 : i32
        %get3A_384 = arith.index_cast %get3A_383 : i32 to index
        %get3A_385 = arith.index_cast %mul3A_382 : i32 to index
        %get3A_386 = tpu.vector_load %arg5[%get3A_384, %get3A_385] {strides = array<i32>} : memref<50x1024xf32, #tpu.memory_space<vmem>>, vector<1x16xf32>,
        %get3A_387 = vector.shape_cast %get3A_386 : vector<1x16xf32> to vector<16xf32>
        %gt3A_388 = arith.cmpf ogt, %get3A_387, %max3A_380 : vector<16xf32>
        %gt3A_389 = arith.cmpf ogt, %get3A_387, %max3A_379 : vector<16xf32>
        %jit3A_390 = arith.constant 11 : i32
        %broadcast_in_dim3A_391 = vector.broadcast %jit3A_390 : i32 to vector<16xi32>
        %select_n3A_392 = arith.select %gt3A_389, %broadcast_in_dim3A_391, %select_n3A_374 : vector<16xi1>, vector<16xi32>
        %select_n3A_393 = arith.select %gt3A_388, %select_n3A_377, %select_n3A_392 : vector<16xi1>, vector<16xi32>
        %jit3A_394 = arith.constant 11 : i32
        %broadcast_in_dim3A_395 = vector.broadcast %jit3A_394 : i32 to vector<16xi32>
        %select_n3A_396 = arith.select %gt3A_388, %broadcast_in_dim3A_395, %select_n3A_377 : vector<16xi1>, vector<16xi32>
        %min3A_397 = arith.minimumf %get3A_387, %max3A_380 : vector<16xf32>
        %max3A_398 = arith.maximumf %max3A_379, %min3A_397 : vector<16xf32>
        %max3A_399 = arith.maximumf %get3A_387, %max3A_380 : vector<16xf32>
        %mul3A_400 = arith.constant 16 : i32
        %mul3A_401 = arith.muli %scan3A_166, %mul3A_400 : i32
        %get3A_402 = arith.constant 12 : i32
        %get3A_403 = arith.index_cast %get3A_402 : i32 to index
        %get3A_404 = arith.index_cast %mul3A_401 : i32 to index
        %get3A_405 = tpu.vector_load %arg5[%get3A_403, %get3A_404] {strides = array<i32>} : memref<50x1024xf32, #tpu.memory_space<vmem>>, vector<1x16xf32>,
        %get3A_406 = vector.shape_cast %get3A_405 : vector<1x16xf32> to vector<16xf32>
        %gt3A_407 = arith.cmpf ogt, %get3A_406, %max3A_399 : vector<16xf32>
        %gt3A_408 = arith.cmpf ogt, %get3A_406, %max3A_398 : vector<16xf32>
        %jit3A_409 = arith.constant 12 : i32
        %broadcast_in_dim3A_410 = vector.broadcast %jit3A_409 : i32 to vector<16xi32>
        %select_n3A_411 = arith.select %gt3A_408, %broadcast_in_dim3A_410, %select_n3A_393 : vector<16xi1>, vector<16xi32>
        %select_n3A_412 = arith.select %gt3A_407, %select_n3A_396, %select_n3A_411 : vector<16xi1>, vector<16xi32>
        %jit3A_413 = arith.constant 12 : i32
        %broadcast_in_dim3A_414 = vector.broadcast %jit3A_413 : i32 to vector<16xi32>
        %select_n3A_415 = arith.select %gt3A_407, %broadcast_in_dim3A_414, %select_n3A_396 : vector<16xi1>, vector<16xi32>
        %min3A_416 = arith.minimumf %get3A_406, %max3A_399 : vector<16xf32>
        %max3A_417 = arith.maximumf %max3A_398, %min3A_416 : vector<16xf32>
        %max3A_418 = arith.maximumf %get3A_406, %max3A_399 : vector<16xf32>
        %mul3A_419 = arith.constant 16 : i32
        %mul3A_420 = arith.muli %scan3A_166, %mul3A_419 : i32
        %get3A_421 = arith.constant 13 : i32
        %get3A_422 = arith.index_cast %get3A_421 : i32 to index
        %get3A_423 = arith.index_cast %mul3A_420 : i32 to index
        %get3A_424 = tpu.vector_load %arg5[%get3A_422, %get3A_423] {strides = array<i32>} : memref<50x1024xf32, #tpu.memory_space<vmem>>, vector<1x16xf32>,
        %get3A_425 = vector.shape_cast %get3A_424 : vector<1x16xf32> to vector<16xf32>
        %gt3A_426 = arith.cmpf ogt, %get3A_425, %max3A_418 : vector<16xf32>
        %gt3A_427 = arith.cmpf ogt, %get3A_425, %max3A_417 : vector<16xf32>
        %jit3A_428 = arith.constant 13 : i32
        %broadcast_in_dim3A_429 = vector.broadcast %jit3A_428 : i32 to vector<16xi32>
        %select_n3A_430 = arith.select %gt3A_427, %broadcast_in_dim3A_429, %select_n3A_412 : vector<16xi1>, vector<16xi32>
        %select_n3A_431 = arith.select %gt3A_426, %select_n3A_415, %select_n3A_430 : vector<16xi1>, vector<16xi32>
        %jit3A_432 = arith.constant 13 : i32
        %broadcast_in_dim3A_433 = vector.broadcast %jit3A_432 : i32 to vector<16xi32>
        %select_n3A_434 = arith.select %gt3A_426, %broadcast_in_dim3A_433, %select_n3A_415 : vector<16xi1>, vector<16xi32>
        %min3A_435 = arith.minimumf %get3A_425, %max3A_418 : vector<16xf32>
        %max3A_436 = arith.maximumf %max3A_417, %min3A_435 : vector<16xf32>
        %max3A_437 = arith.maximumf %get3A_425, %max3A_418 : vector<16xf32>
        %mul3A_438 = arith.constant 16 : i32
        %mul3A_439 = arith.muli %scan3A_166, %mul3A_438 : i32
        %get3A_440 = arith.constant 14 : i32
        %get3A_441 = arith.index_cast %get3A_440 : i32 to index
        %get3A_442 = arith.index_cast %mul3A_439 : i32 to index
        %get3A_443 = tpu.vector_load %arg5[%get3A_441, %get3A_442] {strides = array<i32>} : memref<50x1024xf32, #tpu.memory_space<vmem>>, vector<1x16xf32>,
        %get3A_444 = vector.shape_cast %get3A_443 : vector<1x16xf32> to vector<16xf32>
        %gt3A_445 = arith.cmpf ogt, %get3A_444, %max3A_437 : vector<16xf32>
        %gt3A_446 = arith.cmpf ogt, %get3A_444, %max3A_436 : vector<16xf32>
        %jit3A_447 = arith.constant 14 : i32
        %broadcast_in_dim3A_448 = vector.broadcast %jit3A_447 : i32 to vector<16xi32>
        %select_n3A_449 = arith.select %gt3A_446, %broadcast_in_dim3A_448, %select_n3A_431 : vector<16xi1>, vector<16xi32>
        %select_n3A_450 = arith.select %gt3A_445, %select_n3A_434, %select_n3A_449 : vector<16xi1>, vector<16xi32>
        %jit3A_451 = arith.constant 14 : i32
        %broadcast_in_dim3A_452 = vector.broadcast %jit3A_451 : i32 to vector<16xi32>
        %select_n3A_453 = arith.select %gt3A_445, %broadcast_in_dim3A_452, %select_n3A_434 : vector<16xi1>, vector<16xi32>
        %min3A_454 = arith.minimumf %get3A_444, %max3A_437 : vector<16xf32>
        %max3A_455 = arith.maximumf %max3A_436, %min3A_454 : vector<16xf32>
        %max3A_456 = arith.maximumf %get3A_444, %max3A_437 : vector<16xf32>
        %mul3A_457 = arith.constant 16 : i32
        %mul3A_458 = arith.muli %scan3A_166, %mul3A_457 : i32
        %get3A_459 = arith.constant 15 : i32
        %get3A_460 = arith.index_cast %get3A_459 : i32 to index
        %get3A_461 = arith.index_cast %mul3A_458 : i32 to index
        %get3A_462 = tpu.vector_load %arg5[%get3A_460, %get3A_461] {strides = array<i32>} : memref<50x1024xf32, #tpu.memory_space<vmem>>, vector<1x16xf32>,
        %get3A_463 = vector.shape_cast %get3A_462 : vector<1x16xf32> to vector<16xf32>
        %gt3A_464 = arith.cmpf ogt, %get3A_463, %max3A_456 : vector<16xf32>
        %gt3A_465 = arith.cmpf ogt, %get3A_463, %max3A_455 : vector<16xf32>
        %jit3A_466 = arith.constant 15 : i32
        %broadcast_in_dim3A_467 = vector.broadcast %jit3A_466 : i32 to vector<16xi32>
        %select_n3A_468 = arith.select %gt3A_465, %broadcast_in_dim3A_467, %select_n3A_450 : vector<16xi1>, vector<16xi32>
        %select_n3A_469 = arith.select %gt3A_464, %select_n3A_453, %select_n3A_468 : vector<16xi1>, vector<16xi32>
        %jit3A_470 = arith.constant 15 : i32
        %broadcast_in_dim3A_471 = vector.broadcast %jit3A_470 : i32 to vector<16xi32>
        %select_n3A_472 = arith.select %gt3A_464, %broadcast_in_dim3A_471, %select_n3A_453 : vector<16xi1>, vector<16xi32>
        %min3A_473 = arith.minimumf %get3A_463, %max3A_456 : vector<16xf32>
        %max3A_474 = arith.maximumf %max3A_455, %min3A_473 : vector<16xf32>
        %max3A_475 = arith.maximumf %get3A_463, %max3A_456 : vector<16xf32>
        %mul3A_476 = arith.constant 16 : i32
        %mul3A_477 = arith.muli %scan3A_166, %mul3A_476 : i32
        %get3A_478 = arith.constant 16 : i32
        %get3A_479 = arith.index_cast %get3A_478 : i32 to index
        %get3A_480 = arith.index_cast %mul3A_477 : i32 to index
        %get3A_481 = tpu.vector_load %arg5[%get3A_479, %get3A_480] {strides = array<i32>} : memref<50x1024xf32, #tpu.memory_space<vmem>>, vector<1x16xf32>,
        %get3A_482 = vector.shape_cast %get3A_481 : vector<1x16xf32> to vector<16xf32>
        %gt3A_483 = arith.cmpf ogt, %get3A_482, %max3A_475 : vector<16xf32>
        %gt3A_484 = arith.cmpf ogt, %get3A_482, %max3A_474 : vector<16xf32>
        %jit3A_485 = arith.constant 16 : i32
        %broadcast_in_dim3A_486 = vector.broadcast %jit3A_485 : i32 to vector<16xi32>
        %select_n3A_487 = arith.select %gt3A_484, %broadcast_in_dim3A_486, %select_n3A_469 : vector<16xi1>, vector<16xi32>
        %select_n3A_488 = arith.select %gt3A_483, %select_n3A_472, %select_n3A_487 : vector<16xi1>, vector<16xi32>
        %jit3A_489 = arith.constant 16 : i32
        %broadcast_in_dim3A_490 = vector.broadcast %jit3A_489 : i32 to vector<16xi32>
        %select_n3A_491 = arith.select %gt3A_483, %broadcast_in_dim3A_490, %select_n3A_472 : vector<16xi1>, vector<16xi32>
        %min3A_492 = arith.minimumf %get3A_482, %max3A_475 : vector<16xf32>
        %max3A_493 = arith.maximumf %max3A_474, %min3A_492 : vector<16xf32>
        %max3A_494 = arith.maximumf %get3A_482, %max3A_475 : vector<16xf32>
        %mul3A_495 = arith.constant 16 : i32
        %mul3A_496 = arith.muli %scan3A_166, %mul3A_495 : i32
        %get3A_497 = arith.constant 17 : i32
        %get3A_498 = arith.index_cast %get3A_497 : i32 to index
        %get3A_499 = arith.index_cast %mul3A_496 : i32 to index
        %get3A_500 = tpu.vector_load %arg5[%get3A_498, %get3A_499] {strides = array<i32>} : memref<50x1024xf32, #tpu.memory_space<vmem>>, vector<1x16xf32>,
        %get3A_501 = vector.shape_cast %get3A_500 : vector<1x16xf32> to vector<16xf32>
        %gt3A_502 = arith.cmpf ogt, %get3A_501, %max3A_494 : vector<16xf32>
        %gt3A_503 = arith.cmpf ogt, %get3A_501, %max3A_493 : vector<16xf32>
        %jit3A_504 = arith.constant 17 : i32
        %broadcast_in_dim3A_505 = vector.broadcast %jit3A_504 : i32 to vector<16xi32>
        %select_n3A_506 = arith.select %gt3A_503, %broadcast_in_dim3A_505, %select_n3A_488 : vector<16xi1>, vector<16xi32>
        %select_n3A_507 = arith.select %gt3A_502, %select_n3A_491, %select_n3A_506 : vector<16xi1>, vector<16xi32>
        %jit3A_508 = arith.constant 17 : i32
        %broadcast_in_dim3A_509 = vector.broadcast %jit3A_508 : i32 to vector<16xi32>
        %select_n3A_510 = arith.select %gt3A_502, %broadcast_in_dim3A_509, %select_n3A_491 : vector<16xi1>, vector<16xi32>
        %min3A_511 = arith.minimumf %get3A_501, %max3A_494 : vector<16xf32>
        %max3A_512 = arith.maximumf %max3A_493, %min3A_511 : vector<16xf32>
        %max3A_513 = arith.maximumf %get3A_501, %max3A_494 : vector<16xf32>
        %mul3A_514 = arith.constant 16 : i32
        %mul3A_515 = arith.muli %scan3A_166, %mul3A_514 : i32
        %get3A_516 = arith.constant 18 : i32
        %get3A_517 = arith.index_cast %get3A_516 : i32 to index
        %get3A_518 = arith.index_cast %mul3A_515 : i32 to index
        %get3A_519 = tpu.vector_load %arg5[%get3A_517, %get3A_518] {strides = array<i32>} : memref<50x1024xf32, #tpu.memory_space<vmem>>, vector<1x16xf32>,
        %get3A_520 = vector.shape_cast %get3A_519 : vector<1x16xf32> to vector<16xf32>
        %gt3A_521 = arith.cmpf ogt, %get3A_520, %max3A_513 : vector<16xf32>
        %gt3A_522 = arith.cmpf ogt, %get3A_520, %max3A_512 : vector<16xf32>
        %jit3A_523 = arith.constant 18 : i32
        %broadcast_in_dim3A_524 = vector.broadcast %jit3A_523 : i32 to vector<16xi32>
        %select_n3A_525 = arith.select %gt3A_522, %broadcast_in_dim3A_524, %select_n3A_507 : vector<16xi1>, vector<16xi32>
        %select_n3A_526 = arith.select %gt3A_521, %select_n3A_510, %select_n3A_525 : vector<16xi1>, vector<16xi32>
        %jit3A_527 = arith.constant 18 : i32
        %broadcast_in_dim3A_528 = vector.broadcast %jit3A_527 : i32 to vector<16xi32>
        %select_n3A_529 = arith.select %gt3A_521, %broadcast_in_dim3A_528, %select_n3A_510 : vector<16xi1>, vector<16xi32>
        %min3A_530 = arith.minimumf %get3A_520, %max3A_513 : vector<16xf32>
        %max3A_531 = arith.maximumf %max3A_512, %min3A_530 : vector<16xf32>
        %max3A_532 = arith.maximumf %get3A_520, %max3A_513 : vector<16xf32>
        %mul3A_533 = arith.constant 16 : i32
        %mul3A_534 = arith.muli %scan3A_166, %mul3A_533 : i32
        %get3A_535 = arith.constant 19 : i32
        %get3A_536 = arith.index_cast %get3A_535 : i32 to index
        %get3A_537 = arith.index_cast %mul3A_534 : i32 to index
        %get3A_538 = tpu.vector_load %arg5[%get3A_536, %get3A_537] {strides = array<i32>} : memref<50x1024xf32, #tpu.memory_space<vmem>>, vector<1x16xf32>,
        %get3A_539 = vector.shape_cast %get3A_538 : vector<1x16xf32> to vector<16xf32>
        %gt3A_540 = arith.cmpf ogt, %get3A_539, %max3A_532 : vector<16xf32>
        %gt3A_541 = arith.cmpf ogt, %get3A_539, %max3A_531 : vector<16xf32>
        %jit3A_542 = arith.constant 19 : i32
        %broadcast_in_dim3A_543 = vector.broadcast %jit3A_542 : i32 to vector<16xi32>
        %select_n3A_544 = arith.select %gt3A_541, %broadcast_in_dim3A_543, %select_n3A_526 : vector<16xi1>, vector<16xi32>
        %select_n3A_545 = arith.select %gt3A_540, %select_n3A_529, %select_n3A_544 : vector<16xi1>, vector<16xi32>
        %jit3A_546 = arith.constant 19 : i32
        %broadcast_in_dim3A_547 = vector.broadcast %jit3A_546 : i32 to vector<16xi32>
        %select_n3A_548 = arith.select %gt3A_540, %broadcast_in_dim3A_547, %select_n3A_529 : vector<16xi1>, vector<16xi32>
        %min3A_549 = arith.minimumf %get3A_539, %max3A_532 : vector<16xf32>
        %max3A_550 = arith.maximumf %max3A_531, %min3A_549 : vector<16xf32>
        %max3A_551 = arith.maximumf %get3A_539, %max3A_532 : vector<16xf32>
        %mul3A_552 = arith.constant 16 : i32
        %mul3A_553 = arith.muli %scan3A_166, %mul3A_552 : i32
        %get3A_554 = arith.constant 20 : i32
        %get3A_555 = arith.index_cast %get3A_554 : i32 to index
        %get3A_556 = arith.index_cast %mul3A_553 : i32 to index
        %get3A_557 = tpu.vector_load %arg5[%get3A_555, %get3A_556] {strides = array<i32>} : memref<50x1024xf32, #tpu.memory_space<vmem>>, vector<1x16xf32>,
        %get3A_558 = vector.shape_cast %get3A_557 : vector<1x16xf32> to vector<16xf32>
        %gt3A_559 = arith.cmpf ogt, %get3A_558, %max3A_551 : vector<16xf32>
        %gt3A_560 = arith.cmpf ogt, %get3A_558, %max3A_550 : vector<16xf32>
        %jit3A_561 = arith.constant 20 : i32
        %broadcast_in_dim3A_562 = vector.broadcast %jit3A_561 : i32 to vector<16xi32>
        %select_n3A_563 = arith.select %gt3A_560, %broadcast_in_dim3A_562, %select_n3A_545 : vector<16xi1>, vector<16xi32>
        %select_n3A_564 = arith.select %gt3A_559, %select_n3A_548, %select_n3A_563 : vector<16xi1>, vector<16xi32>
        %jit3A_565 = arith.constant 20 : i32
        %broadcast_in_dim3A_566 = vector.broadcast %jit3A_565 : i32 to vector<16xi32>
        %select_n3A_567 = arith.select %gt3A_559, %broadcast_in_dim3A_566, %select_n3A_548 : vector<16xi1>, vector<16xi32>
        %min3A_568 = arith.minimumf %get3A_558, %max3A_551 : vector<16xf32>
        %max3A_569 = arith.maximumf %max3A_550, %min3A_568 : vector<16xf32>
        %max3A_570 = arith.maximumf %get3A_558, %max3A_551 : vector<16xf32>
        %mul3A_571 = arith.constant 16 : i32
        %mul3A_572 = arith.muli %scan3A_166, %mul3A_571 : i32
        %get3A_573 = arith.constant 21 : i32
        %get3A_574 = arith.index_cast %get3A_573 : i32 to index
        %get3A_575 = arith.index_cast %mul3A_572 : i32 to index
        %get3A_576 = tpu.vector_load %arg5[%get3A_574, %get3A_575] {strides = array<i32>} : memref<50x1024xf32, #tpu.memory_space<vmem>>, vector<1x16xf32>,
        %get3A_577 = vector.shape_cast %get3A_576 : vector<1x16xf32> to vector<16xf32>
        %gt3A_578 = arith.cmpf ogt, %get3A_577, %max3A_570 : vector<16xf32>
        %gt3A_579 = arith.cmpf ogt, %get3A_577, %max3A_569 : vector<16xf32>
        %jit3A_580 = arith.constant 21 : i32
        %broadcast_in_dim3A_581 = vector.broadcast %jit3A_580 : i32 to vector<16xi32>
        %select_n3A_582 = arith.select %gt3A_579, %broadcast_in_dim3A_581, %select_n3A_564 : vector<16xi1>, vector<16xi32>
        %select_n3A_583 = arith.select %gt3A_578, %select_n3A_567, %select_n3A_582 : vector<16xi1>, vector<16xi32>
        %jit3A_584 = arith.constant 21 : i32
        %broadcast_in_dim3A_585 = vector.broadcast %jit3A_584 : i32 to vector<16xi32>
        %select_n3A_586 = arith.select %gt3A_578, %broadcast_in_dim3A_585, %select_n3A_567 : vector<16xi1>, vector<16xi32>
        %min3A_587 = arith.minimumf %get3A_577, %max3A_570 : vector<16xf32>
        %max3A_588 = arith.maximumf %max3A_569, %min3A_587 : vector<16xf32>
        %max3A_589 = arith.maximumf %get3A_577, %max3A_570 : vector<16xf32>
        %mul3A_590 = arith.constant 16 : i32
        %mul3A_591 = arith.muli %scan3A_166, %mul3A_590 : i32
        %get3A_592 = arith.constant 22 : i32
        %get3A_593 = arith.index_cast %get3A_592 : i32 to index
        %get3A_594 = arith.index_cast %mul3A_591 : i32 to index
        %get3A_595 = tpu.vector_load %arg5[%get3A_593, %get3A_594] {strides = array<i32>} : memref<50x1024xf32, #tpu.memory_space<vmem>>, vector<1x16xf32>,
        %get3A_596 = vector.shape_cast %get3A_595 : vector<1x16xf32> to vector<16xf32>
        %gt3A_597 = arith.cmpf ogt, %get3A_596, %max3A_589 : vector<16xf32>
        %gt3A_598 = arith.cmpf ogt, %get3A_596, %max3A_588 : vector<16xf32>
        %jit3A_599 = arith.constant 22 : i32
        %broadcast_in_dim3A_600 = vector.broadcast %jit3A_599 : i32 to vector<16xi32>
        %select_n3A_601 = arith.select %gt3A_598, %broadcast_in_dim3A_600, %select_n3A_583 : vector<16xi1>, vector<16xi32>
        %select_n3A_602 = arith.select %gt3A_597, %select_n3A_586, %select_n3A_601 : vector<16xi1>, vector<16xi32>
        %jit3A_603 = arith.constant 22 : i32
        %broadcast_in_dim3A_604 = vector.broadcast %jit3A_603 : i32 to vector<16xi32>
        %select_n3A_605 = arith.select %gt3A_597, %broadcast_in_dim3A_604, %select_n3A_586 : vector<16xi1>, vector<16xi32>
        %min3A_606 = arith.minimumf %get3A_596, %max3A_589 : vector<16xf32>
        %max3A_607 = arith.maximumf %max3A_588, %min3A_606 : vector<16xf32>
        %max3A_608 = arith.maximumf %get3A_596, %max3A_589 : vector<16xf32>
        %mul3A_609 = arith.constant 16 : i32
        %mul3A_610 = arith.muli %scan3A_166, %mul3A_609 : i32
        %get3A_611 = arith.constant 23 : i32
        %get3A_612 = arith.index_cast %get3A_611 : i32 to index
        %get3A_613 = arith.index_cast %mul3A_610 : i32 to index
        %get3A_614 = tpu.vector_load %arg5[%get3A_612, %get3A_613] {strides = array<i32>} : memref<50x1024xf32, #tpu.memory_space<vmem>>, vector<1x16xf32>,
        %get3A_615 = vector.shape_cast %get3A_614 : vector<1x16xf32> to vector<16xf32>
        %gt3A_616 = arith.cmpf ogt, %get3A_615, %max3A_608 : vector<16xf32>
        %gt3A_617 = arith.cmpf ogt, %get3A_615, %max3A_607 : vector<16xf32>
        %jit3A_618 = arith.constant 23 : i32
        %broadcast_in_dim3A_619 = vector.broadcast %jit3A_618 : i32 to vector<16xi32>
        %select_n3A_620 = arith.select %gt3A_617, %broadcast_in_dim3A_619, %select_n3A_602 : vector<16xi1>, vector<16xi32>
        %select_n3A_621 = arith.select %gt3A_616, %select_n3A_605, %select_n3A_620 : vector<16xi1>, vector<16xi32>
        %jit3A_622 = arith.constant 23 : i32
        %broadcast_in_dim3A_623 = vector.broadcast %jit3A_622 : i32 to vector<16xi32>
        %select_n3A_624 = arith.select %gt3A_616, %broadcast_in_dim3A_623, %select_n3A_605 : vector<16xi1>, vector<16xi32>
        %min3A_625 = arith.minimumf %get3A_615, %max3A_608 : vector<16xf32>
        %max3A_626 = arith.maximumf %max3A_607, %min3A_625 : vector<16xf32>
        %max3A_627 = arith.maximumf %get3A_615, %max3A_608 : vector<16xf32>
        %mul3A_628 = arith.constant 16 : i32
        %mul3A_629 = arith.muli %scan3A_166, %mul3A_628 : i32
        %get3A_630 = arith.constant 24 : i32
        %get3A_631 = arith.index_cast %get3A_630 : i32 to index
        %get3A_632 = arith.index_cast %mul3A_629 : i32 to index
        %get3A_633 = tpu.vector_load %arg5[%get3A_631, %get3A_632] {strides = array<i32>} : memref<50x1024xf32, #tpu.memory_space<vmem>>, vector<1x16xf32>,
        %get3A_634 = vector.shape_cast %get3A_633 : vector<1x16xf32> to vector<16xf32>
        %gt3A_635 = arith.cmpf ogt, %get3A_634, %max3A_627 : vector<16xf32>
        %gt3A_636 = arith.cmpf ogt, %get3A_634, %max3A_626 : vector<16xf32>
        %jit3A_637 = arith.constant 24 : i32
        %broadcast_in_dim3A_638 = vector.broadcast %jit3A_637 : i32 to vector<16xi32>
        %select_n3A_639 = arith.select %gt3A_636, %broadcast_in_dim3A_638, %select_n3A_621 : vector<16xi1>, vector<16xi32>
        %select_n3A_640 = arith.select %gt3A_635, %select_n3A_624, %select_n3A_639 : vector<16xi1>, vector<16xi32>
        %jit3A_641 = arith.constant 24 : i32
        %broadcast_in_dim3A_642 = vector.broadcast %jit3A_641 : i32 to vector<16xi32>
        %select_n3A_643 = arith.select %gt3A_635, %broadcast_in_dim3A_642, %select_n3A_624 : vector<16xi1>, vector<16xi32>
        %min3A_644 = arith.minimumf %get3A_634, %max3A_627 : vector<16xf32>
        %max3A_645 = arith.maximumf %max3A_626, %min3A_644 : vector<16xf32>
        %max3A_646 = arith.maximumf %get3A_634, %max3A_627 : vector<16xf32>
        %mul3A_647 = arith.constant 16 : i32
        %mul3A_648 = arith.muli %scan3A_166, %mul3A_647 : i32
        %get3A_649 = arith.constant 25 : i32
        %get3A_650 = arith.index_cast %get3A_649 : i32 to index
        %get3A_651 = arith.index_cast %mul3A_648 : i32 to index
        %get3A_652 = tpu.vector_load %arg5[%get3A_650, %get3A_651] {strides = array<i32>} : memref<50x1024xf32, #tpu.memory_space<vmem>>, vector<1x16xf32>,
        %get3A_653 = vector.shape_cast %get3A_652 : vector<1x16xf32> to vector<16xf32>
        %gt3A_654 = arith.cmpf ogt, %get3A_653, %max3A_646 : vector<16xf32>
        %gt3A_655 = arith.cmpf ogt, %get3A_653, %max3A_645 : vector<16xf32>
        %jit3A_656 = arith.constant 25 : i32
        %broadcast_in_dim3A_657 = vector.broadcast %jit3A_656 : i32 to vector<16xi32>
        %select_n3A_658 = arith.select %gt3A_655, %broadcast_in_dim3A_657, %select_n3A_640 : vector<16xi1>, vector<16xi32>
        %select_n3A_659 = arith.select %gt3A_654, %select_n3A_643, %select_n3A_658 : vector<16xi1>, vector<16xi32>
        %jit3A_660 = arith.constant 25 : i32
        %broadcast_in_dim3A_661 = vector.broadcast %jit3A_660 : i32 to vector<16xi32>
        %select_n3A_662 = arith.select %gt3A_654, %broadcast_in_dim3A_661, %select_n3A_643 : vector<16xi1>, vector<16xi32>
        %min3A_663 = arith.minimumf %get3A_653, %max3A_646 : vector<16xf32>
        %max3A_664 = arith.maximumf %max3A_645, %min3A_663 : vector<16xf32>
        %max3A_665 = arith.maximumf %get3A_653, %max3A_646 : vector<16xf32>
        %mul3A_666 = arith.constant 16 : i32
        %mul3A_667 = arith.muli %scan3A_166, %mul3A_666 : i32
        %get3A_668 = arith.constant 26 : i32
        %get3A_669 = arith.index_cast %get3A_668 : i32 to index
        %get3A_670 = arith.index_cast %mul3A_667 : i32 to index
        %get3A_671 = tpu.vector_load %arg5[%get3A_669, %get3A_670] {strides = array<i32>} : memref<50x1024xf32, #tpu.memory_space<vmem>>, vector<1x16xf32>,
        %get3A_672 = vector.shape_cast %get3A_671 : vector<1x16xf32> to vector<16xf32>
        %gt3A_673 = arith.cmpf ogt, %get3A_672, %max3A_665 : vector<16xf32>
        %gt3A_674 = arith.cmpf ogt, %get3A_672, %max3A_664 : vector<16xf32>
        %jit3A_675 = arith.constant 26 : i32
        %broadcast_in_dim3A_676 = vector.broadcast %jit3A_675 : i32 to vector<16xi32>
        %select_n3A_677 = arith.select %gt3A_674, %broadcast_in_dim3A_676, %select_n3A_659 : vector<16xi1>, vector<16xi32>
        %select_n3A_678 = arith.select %gt3A_673, %select_n3A_662, %select_n3A_677 : vector<16xi1>, vector<16xi32>
        %jit3A_679 = arith.constant 26 : i32
        %broadcast_in_dim3A_680 = vector.broadcast %jit3A_679 : i32 to vector<16xi32>
        %select_n3A_681 = arith.select %gt3A_673, %broadcast_in_dim3A_680, %select_n3A_662 : vector<16xi1>, vector<16xi32>
        %min3A_682 = arith.minimumf %get3A_672, %max3A_665 : vector<16xf32>
        %max3A_683 = arith.maximumf %max3A_664, %min3A_682 : vector<16xf32>
        %max3A_684 = arith.maximumf %get3A_672, %max3A_665 : vector<16xf32>
        %mul3A_685 = arith.constant 16 : i32
        %mul3A_686 = arith.muli %scan3A_166, %mul3A_685 : i32
        %get3A_687 = arith.constant 27 : i32
        %get3A_688 = arith.index_cast %get3A_687 : i32 to index
        %get3A_689 = arith.index_cast %mul3A_686 : i32 to index
        %get3A_690 = tpu.vector_load %arg5[%get3A_688, %get3A_689] {strides = array<i32>} : memref<50x1024xf32, #tpu.memory_space<vmem>>, vector<1x16xf32>,
        %get3A_691 = vector.shape_cast %get3A_690 : vector<1x16xf32> to vector<16xf32>
        %gt3A_692 = arith.cmpf ogt, %get3A_691, %max3A_684 : vector<16xf32>
        %gt3A_693 = arith.cmpf ogt, %get3A_691, %max3A_683 : vector<16xf32>
        %jit3A_694 = arith.constant 27 : i32
        %broadcast_in_dim3A_695 = vector.broadcast %jit3A_694 : i32 to vector<16xi32>
        %select_n3A_696 = arith.select %gt3A_693, %broadcast_in_dim3A_695, %select_n3A_678 : vector<16xi1>, vector<16xi32>
        %select_n3A_697 = arith.select %gt3A_692, %select_n3A_681, %select_n3A_696 : vector<16xi1>, vector<16xi32>
        %jit3A_698 = arith.constant 27 : i32
        %broadcast_in_dim3A_699 = vector.broadcast %jit3A_698 : i32 to vector<16xi32>
        %select_n3A_700 = arith.select %gt3A_692, %broadcast_in_dim3A_699, %select_n3A_681 : vector<16xi1>, vector<16xi32>
        %min3A_701 = arith.minimumf %get3A_691, %max3A_684 : vector<16xf32>
        %max3A_702 = arith.maximumf %max3A_683, %min3A_701 : vector<16xf32>
        %max3A_703 = arith.maximumf %get3A_691, %max3A_684 : vector<16xf32>
        %mul3A_704 = arith.constant 16 : i32
        %mul3A_705 = arith.muli %scan3A_166, %mul3A_704 : i32
        %get3A_706 = arith.constant 28 : i32
        %get3A_707 = arith.index_cast %get3A_706 : i32 to index
        %get3A_708 = arith.index_cast %mul3A_705 : i32 to index
        %get3A_709 = tpu.vector_load %arg5[%get3A_707, %get3A_708] {strides = array<i32>} : memref<50x1024xf32, #tpu.memory_space<vmem>>, vector<1x16xf32>,
        %get3A_710 = vector.shape_cast %get3A_709 : vector<1x16xf32> to vector<16xf32>
        %gt3A_711 = arith.cmpf ogt, %get3A_710, %max3A_703 : vector<16xf32>
        %gt3A_712 = arith.cmpf ogt, %get3A_710, %max3A_702 : vector<16xf32>
        %jit3A_713 = arith.constant 28 : i32
        %broadcast_in_dim3A_714 = vector.broadcast %jit3A_713 : i32 to vector<16xi32>
        %select_n3A_715 = arith.select %gt3A_712, %broadcast_in_dim3A_714, %select_n3A_697 : vector<16xi1>, vector<16xi32>
        %select_n3A_716 = arith.select %gt3A_711, %select_n3A_700, %select_n3A_715 : vector<16xi1>, vector<16xi32>
        %jit3A_717 = arith.constant 28 : i32
        %broadcast_in_dim3A_718 = vector.broadcast %jit3A_717 : i32 to vector<16xi32>
        %select_n3A_719 = arith.select %gt3A_711, %broadcast_in_dim3A_718, %select_n3A_700 : vector<16xi1>, vector<16xi32>
        %min3A_720 = arith.minimumf %get3A_710, %max3A_703 : vector<16xf32>
        %max3A_721 = arith.maximumf %max3A_702, %min3A_720 : vector<16xf32>
        %max3A_722 = arith.maximumf %get3A_710, %max3A_703 : vector<16xf32>
        %mul3A_723 = arith.constant 16 : i32
        %mul3A_724 = arith.muli %scan3A_166, %mul3A_723 : i32
        %get3A_725 = arith.constant 29 : i32
        %get3A_726 = arith.index_cast %get3A_725 : i32 to index
        %get3A_727 = arith.index_cast %mul3A_724 : i32 to index
        %get3A_728 = tpu.vector_load %arg5[%get3A_726, %get3A_727] {strides = array<i32>} : memref<50x1024xf32, #tpu.memory_space<vmem>>, vector<1x16xf32>,
        %get3A_729 = vector.shape_cast %get3A_728 : vector<1x16xf32> to vector<16xf32>
        %gt3A_730 = arith.cmpf ogt, %get3A_729, %max3A_722 : vector<16xf32>
        %gt3A_731 = arith.cmpf ogt, %get3A_729, %max3A_721 : vector<16xf32>
        %jit3A_732 = arith.constant 29 : i32
        %broadcast_in_dim3A_733 = vector.broadcast %jit3A_732 : i32 to vector<16xi32>
        %select_n3A_734 = arith.select %gt3A_731, %broadcast_in_dim3A_733, %select_n3A_716 : vector<16xi1>, vector<16xi32>
        %select_n3A_735 = arith.select %gt3A_730, %select_n3A_719, %select_n3A_734 : vector<16xi1>, vector<16xi32>
        %jit3A_736 = arith.constant 29 : i32
        %broadcast_in_dim3A_737 = vector.broadcast %jit3A_736 : i32 to vector<16xi32>
        %select_n3A_738 = arith.select %gt3A_730, %broadcast_in_dim3A_737, %select_n3A_719 : vector<16xi1>, vector<16xi32>
        %min3A_739 = arith.minimumf %get3A_729, %max3A_722 : vector<16xf32>
        %max3A_740 = arith.maximumf %max3A_721, %min3A_739 : vector<16xf32>
        %max3A_741 = arith.maximumf %get3A_729, %max3A_722 : vector<16xf32>
        %mul3A_742 = arith.constant 16 : i32
        %mul3A_743 = arith.muli %scan3A_166, %mul3A_742 : i32
        %get3A_744 = arith.constant 30 : i32
        %get3A_745 = arith.index_cast %get3A_744 : i32 to index
        %get3A_746 = arith.index_cast %mul3A_743 : i32 to index
        %get3A_747 = tpu.vector_load %arg5[%get3A_745, %get3A_746] {strides = array<i32>} : memref<50x1024xf32, #tpu.memory_space<vmem>>, vector<1x16xf32>,
        %get3A_748 = vector.shape_cast %get3A_747 : vector<1x16xf32> to vector<16xf32>
        %gt3A_749 = arith.cmpf ogt, %get3A_748, %max3A_741 : vector<16xf32>
        %gt3A_750 = arith.cmpf ogt, %get3A_748, %max3A_740 : vector<16xf32>
        %jit3A_751 = arith.constant 30 : i32
        %broadcast_in_dim3A_752 = vector.broadcast %jit3A_751 : i32 to vector<16xi32>
        %select_n3A_753 = arith.select %gt3A_750, %broadcast_in_dim3A_752, %select_n3A_735 : vector<16xi1>, vector<16xi32>
        %select_n3A_754 = arith.select %gt3A_749, %select_n3A_738, %select_n3A_753 : vector<16xi1>, vector<16xi32>
        %jit3A_755 = arith.constant 30 : i32
        %broadcast_in_dim3A_756 = vector.broadcast %jit3A_755 : i32 to vector<16xi32>
        %select_n3A_757 = arith.select %gt3A_749, %broadcast_in_dim3A_756, %select_n3A_738 : vector<16xi1>, vector<16xi32>
        %min3A_758 = arith.minimumf %get3A_748, %max3A_741 : vector<16xf32>
        %max3A_759 = arith.maximumf %max3A_740, %min3A_758 : vector<16xf32>
        %max3A_760 = arith.maximumf %get3A_748, %max3A_741 : vector<16xf32>
        %mul3A_761 = arith.constant 16 : i32
        %mul3A_762 = arith.muli %scan3A_166, %mul3A_761 : i32
        %get3A_763 = arith.constant 31 : i32
        %get3A_764 = arith.index_cast %get3A_763 : i32 to index
        %get3A_765 = arith.index_cast %mul3A_762 : i32 to index
        %get3A_766 = tpu.vector_load %arg5[%get3A_764, %get3A_765] {strides = array<i32>} : memref<50x1024xf32, #tpu.memory_space<vmem>>, vector<1x16xf32>,
        %get3A_767 = vector.shape_cast %get3A_766 : vector<1x16xf32> to vector<16xf32>
        %gt3A_768 = arith.cmpf ogt, %get3A_767, %max3A_760 : vector<16xf32>
        %gt3A_769 = arith.cmpf ogt, %get3A_767, %max3A_759 : vector<16xf32>
        %jit3A_770 = arith.constant 31 : i32
        %broadcast_in_dim3A_771 = vector.broadcast %jit3A_770 : i32 to vector<16xi32>
        %select_n3A_772 = arith.select %gt3A_769, %broadcast_in_dim3A_771, %select_n3A_754 : vector<16xi1>, vector<16xi32>
        %select_n3A_773 = arith.select %gt3A_768, %select_n3A_757, %select_n3A_772 : vector<16xi1>, vector<16xi32>
        %jit3A_774 = arith.constant 31 : i32
        %broadcast_in_dim3A_775 = vector.broadcast %jit3A_774 : i32 to vector<16xi32>
        %select_n3A_776 = arith.select %gt3A_768, %broadcast_in_dim3A_775, %select_n3A_757 : vector<16xi1>, vector<16xi32>
        %min3A_777 = arith.minimumf %get3A_767, %max3A_760 : vector<16xf32>
        %max3A_778 = arith.maximumf %max3A_759, %min3A_777 : vector<16xf32>
        %max3A_779 = arith.maximumf %get3A_767, %max3A_760 : vector<16xf32>
        %mul3A_780 = arith.constant 16 : i32
        %mul3A_781 = arith.muli %scan3A_166, %mul3A_780 : i32
        %get3A_782 = arith.constant 32 : i32
        %get3A_783 = arith.index_cast %get3A_782 : i32 to index
        %get3A_784 = arith.index_cast %mul3A_781 : i32 to index
        %get3A_785 = tpu.vector_load %arg5[%get3A_783, %get3A_784] {strides = array<i32>} : memref<50x1024xf32, #tpu.memory_space<vmem>>, vector<1x16xf32>,
        %get3A_786 = vector.shape_cast %get3A_785 : vector<1x16xf32> to vector<16xf32>
        %gt3A_787 = arith.cmpf ogt, %get3A_786, %max3A_779 : vector<16xf32>
        %gt3A_788 = arith.cmpf ogt, %get3A_786, %max3A_778 : vector<16xf32>
        %jit3A_789 = arith.constant 32 : i32
        %broadcast_in_dim3A_790 = vector.broadcast %jit3A_789 : i32 to vector<16xi32>
        %select_n3A_791 = arith.select %gt3A_788, %broadcast_in_dim3A_790, %select_n3A_773 : vector<16xi1>, vector<16xi32>
        %select_n3A_792 = arith.select %gt3A_787, %select_n3A_776, %select_n3A_791 : vector<16xi1>, vector<16xi32>
        %jit3A_793 = arith.constant 32 : i32
        %broadcast_in_dim3A_794 = vector.broadcast %jit3A_793 : i32 to vector<16xi32>
        %select_n3A_795 = arith.select %gt3A_787, %broadcast_in_dim3A_794, %select_n3A_776 : vector<16xi1>, vector<16xi32>
        %min3A_796 = arith.minimumf %get3A_786, %max3A_779 : vector<16xf32>
        %max3A_797 = arith.maximumf %max3A_778, %min3A_796 : vector<16xf32>
        %max3A_798 = arith.maximumf %get3A_786, %max3A_779 : vector<16xf32>
        %mul3A_799 = arith.constant 16 : i32
        %mul3A_800 = arith.muli %scan3A_166, %mul3A_799 : i32
        %get3A_801 = arith.constant 33 : i32
        %get3A_802 = arith.index_cast %get3A_801 : i32 to index
        %get3A_803 = arith.index_cast %mul3A_800 : i32 to index
        %get3A_804 = tpu.vector_load %arg5[%get3A_802, %get3A_803] {strides = array<i32>} : memref<50x1024xf32, #tpu.memory_space<vmem>>, vector<1x16xf32>,
        %get3A_805 = vector.shape_cast %get3A_804 : vector<1x16xf32> to vector<16xf32>
        %gt3A_806 = arith.cmpf ogt, %get3A_805, %max3A_798 : vector<16xf32>
        %gt3A_807 = arith.cmpf ogt, %get3A_805, %max3A_797 : vector<16xf32>
        %jit3A_808 = arith.constant 33 : i32
        %broadcast_in_dim3A_809 = vector.broadcast %jit3A_808 : i32 to vector<16xi32>
        %select_n3A_810 = arith.select %gt3A_807, %broadcast_in_dim3A_809, %select_n3A_792 : vector<16xi1>, vector<16xi32>
        %select_n3A_811 = arith.select %gt3A_806, %select_n3A_795, %select_n3A_810 : vector<16xi1>, vector<16xi32>
        %jit3A_812 = arith.constant 33 : i32
        %broadcast_in_dim3A_813 = vector.broadcast %jit3A_812 : i32 to vector<16xi32>
        %select_n3A_814 = arith.select %gt3A_806, %broadcast_in_dim3A_813, %select_n3A_795 : vector<16xi1>, vector<16xi32>
        %min3A_815 = arith.minimumf %get3A_805, %max3A_798 : vector<16xf32>
        %max3A_816 = arith.maximumf %max3A_797, %min3A_815 : vector<16xf32>
        %max3A_817 = arith.maximumf %get3A_805, %max3A_798 : vector<16xf32>
        %mul3A_818 = arith.constant 16 : i32
        %mul3A_819 = arith.muli %scan3A_166, %mul3A_818 : i32
        %get3A_820 = arith.constant 34 : i32
        %get3A_821 = arith.index_cast %get3A_820 : i32 to index
        %get3A_822 = arith.index_cast %mul3A_819 : i32 to index
        %get3A_823 = tpu.vector_load %arg5[%get3A_821, %get3A_822] {strides = array<i32>} : memref<50x1024xf32, #tpu.memory_space<vmem>>, vector<1x16xf32>,
        %get3A_824 = vector.shape_cast %get3A_823 : vector<1x16xf32> to vector<16xf32>
        %gt3A_825 = arith.cmpf ogt, %get3A_824, %max3A_817 : vector<16xf32>
        %gt3A_826 = arith.cmpf ogt, %get3A_824, %max3A_816 : vector<16xf32>
        %jit3A_827 = arith.constant 34 : i32
        %broadcast_in_dim3A_828 = vector.broadcast %jit3A_827 : i32 to vector<16xi32>
        %select_n3A_829 = arith.select %gt3A_826, %broadcast_in_dim3A_828, %select_n3A_811 : vector<16xi1>, vector<16xi32>
        %select_n3A_830 = arith.select %gt3A_825, %select_n3A_814, %select_n3A_829 : vector<16xi1>, vector<16xi32>
        %jit3A_831 = arith.constant 34 : i32
        %broadcast_in_dim3A_832 = vector.broadcast %jit3A_831 : i32 to vector<16xi32>
        %select_n3A_833 = arith.select %gt3A_825, %broadcast_in_dim3A_832, %select_n3A_814 : vector<16xi1>, vector<16xi32>
        %min3A_834 = arith.minimumf %get3A_824, %max3A_817 : vector<16xf32>
        %max3A_835 = arith.maximumf %max3A_816, %min3A_834 : vector<16xf32>
        %max3A_836 = arith.maximumf %get3A_824, %max3A_817 : vector<16xf32>
        %mul3A_837 = arith.constant 16 : i32
        %mul3A_838 = arith.muli %scan3A_166, %mul3A_837 : i32
        %get3A_839 = arith.constant 35 : i32
        %get3A_840 = arith.index_cast %get3A_839 : i32 to index
        %get3A_841 = arith.index_cast %mul3A_838 : i32 to index
        %get3A_842 = tpu.vector_load %arg5[%get3A_840, %get3A_841] {strides = array<i32>} : memref<50x1024xf32, #tpu.memory_space<vmem>>, vector<1x16xf32>,
        %get3A_843 = vector.shape_cast %get3A_842 : vector<1x16xf32> to vector<16xf32>
        %gt3A_844 = arith.cmpf ogt, %get3A_843, %max3A_836 : vector<16xf32>
        %gt3A_845 = arith.cmpf ogt, %get3A_843, %max3A_835 : vector<16xf32>
        %jit3A_846 = arith.constant 35 : i32
        %broadcast_in_dim3A_847 = vector.broadcast %jit3A_846 : i32 to vector<16xi32>
        %select_n3A_848 = arith.select %gt3A_845, %broadcast_in_dim3A_847, %select_n3A_830 : vector<16xi1>, vector<16xi32>
        %select_n3A_849 = arith.select %gt3A_844, %select_n3A_833, %select_n3A_848 : vector<16xi1>, vector<16xi32>
        %jit3A_850 = arith.constant 35 : i32
        %broadcast_in_dim3A_851 = vector.broadcast %jit3A_850 : i32 to vector<16xi32>
        %select_n3A_852 = arith.select %gt3A_844, %broadcast_in_dim3A_851, %select_n3A_833 : vector<16xi1>, vector<16xi32>
        %min3A_853 = arith.minimumf %get3A_843, %max3A_836 : vector<16xf32>
        %max3A_854 = arith.maximumf %max3A_835, %min3A_853 : vector<16xf32>
        %max3A_855 = arith.maximumf %get3A_843, %max3A_836 : vector<16xf32>
        %mul3A_856 = arith.constant 16 : i32
        %mul3A_857 = arith.muli %scan3A_166, %mul3A_856 : i32
        %get3A_858 = arith.constant 36 : i32
        %get3A_859 = arith.index_cast %get3A_858 : i32 to index
        %get3A_860 = arith.index_cast %mul3A_857 : i32 to index
        %get3A_861 = tpu.vector_load %arg5[%get3A_859, %get3A_860] {strides = array<i32>} : memref<50x1024xf32, #tpu.memory_space<vmem>>, vector<1x16xf32>,
        %get3A_862 = vector.shape_cast %get3A_861 : vector<1x16xf32> to vector<16xf32>
        %gt3A_863 = arith.cmpf ogt, %get3A_862, %max3A_855 : vector<16xf32>
        %gt3A_864 = arith.cmpf ogt, %get3A_862, %max3A_854 : vector<16xf32>
        %jit3A_865 = arith.constant 36 : i32
        %broadcast_in_dim3A_866 = vector.broadcast %jit3A_865 : i32 to vector<16xi32>
        %select_n3A_867 = arith.select %gt3A_864, %broadcast_in_dim3A_866, %select_n3A_849 : vector<16xi1>, vector<16xi32>
        %select_n3A_868 = arith.select %gt3A_863, %select_n3A_852, %select_n3A_867 : vector<16xi1>, vector<16xi32>
        %jit3A_869 = arith.constant 36 : i32
        %broadcast_in_dim3A_870 = vector.broadcast %jit3A_869 : i32 to vector<16xi32>
        %select_n3A_871 = arith.select %gt3A_863, %broadcast_in_dim3A_870, %select_n3A_852 : vector<16xi1>, vector<16xi32>
        %min3A_872 = arith.minimumf %get3A_862, %max3A_855 : vector<16xf32>
        %max3A_873 = arith.maximumf %max3A_854, %min3A_872 : vector<16xf32>
        %max3A_874 = arith.maximumf %get3A_862, %max3A_855 : vector<16xf32>
        %mul3A_875 = arith.constant 16 : i32
        %mul3A_876 = arith.muli %scan3A_166, %mul3A_875 : i32
        %get3A_877 = arith.constant 37 : i32
        %get3A_878 = arith.index_cast %get3A_877 : i32 to index
        %get3A_879 = arith.index_cast %mul3A_876 : i32 to index
        %get3A_880 = tpu.vector_load %arg5[%get3A_878, %get3A_879] {strides = array<i32>} : memref<50x1024xf32, #tpu.memory_space<vmem>>, vector<1x16xf32>,
        %get3A_881 = vector.shape_cast %get3A_880 : vector<1x16xf32> to vector<16xf32>
        %gt3A_882 = arith.cmpf ogt, %get3A_881, %max3A_874 : vector<16xf32>
        %gt3A_883 = arith.cmpf ogt, %get3A_881, %max3A_873 : vector<16xf32>
        %jit3A_884 = arith.constant 37 : i32
        %broadcast_in_dim3A_885 = vector.broadcast %jit3A_884 : i32 to vector<16xi32>
        %select_n3A_886 = arith.select %gt3A_883, %broadcast_in_dim3A_885, %select_n3A_868 : vector<16xi1>, vector<16xi32>
        %select_n3A_887 = arith.select %gt3A_882, %select_n3A_871, %select_n3A_886 : vector<16xi1>, vector<16xi32>
        %jit3A_888 = arith.constant 37 : i32
        %broadcast_in_dim3A_889 = vector.broadcast %jit3A_888 : i32 to vector<16xi32>
        %select_n3A_890 = arith.select %gt3A_882, %broadcast_in_dim3A_889, %select_n3A_871 : vector<16xi1>, vector<16xi32>
        %min3A_891 = arith.minimumf %get3A_881, %max3A_874 : vector<16xf32>
        %max3A_892 = arith.maximumf %max3A_873, %min3A_891 : vector<16xf32>
        %max3A_893 = arith.maximumf %get3A_881, %max3A_874 : vector<16xf32>
        %mul3A_894 = arith.constant 16 : i32
        %mul3A_895 = arith.muli %scan3A_166, %mul3A_894 : i32
        %get3A_896 = arith.constant 38 : i32
        %get3A_897 = arith.index_cast %get3A_896 : i32 to index
        %get3A_898 = arith.index_cast %mul3A_895 : i32 to index
        %get3A_899 = tpu.vector_load %arg5[%get3A_897, %get3A_898] {strides = array<i32>} : memref<50x1024xf32, #tpu.memory_space<vmem>>, vector<1x16xf32>,
        %get3A_900 = vector.shape_cast %get3A_899 : vector<1x16xf32> to vector<16xf32>
        %gt3A_901 = arith.cmpf ogt, %get3A_900, %max3A_893 : vector<16xf32>
        %gt3A_902 = arith.cmpf ogt, %get3A_900, %max3A_892 : vector<16xf32>
        %jit3A_903 = arith.constant 38 : i32
        %broadcast_in_dim3A_904 = vector.broadcast %jit3A_903 : i32 to vector<16xi32>
        %select_n3A_905 = arith.select %gt3A_902, %broadcast_in_dim3A_904, %select_n3A_887 : vector<16xi1>, vector<16xi32>
        %select_n3A_906 = arith.select %gt3A_901, %select_n3A_890, %select_n3A_905 : vector<16xi1>, vector<16xi32>
        %jit3A_907 = arith.constant 38 : i32
        %broadcast_in_dim3A_908 = vector.broadcast %jit3A_907 : i32 to vector<16xi32>
        %select_n3A_909 = arith.select %gt3A_901, %broadcast_in_dim3A_908, %select_n3A_890 : vector<16xi1>, vector<16xi32>
        %min3A_910 = arith.minimumf %get3A_900, %max3A_893 : vector<16xf32>
        %max3A_911 = arith.maximumf %max3A_892, %min3A_910 : vector<16xf32>
        %max3A_912 = arith.maximumf %get3A_900, %max3A_893 : vector<16xf32>
        %mul3A_913 = arith.constant 16 : i32
        %mul3A_914 = arith.muli %scan3A_166, %mul3A_913 : i32
        %get3A_915 = arith.constant 39 : i32
        %get3A_916 = arith.index_cast %get3A_915 : i32 to index
        %get3A_917 = arith.index_cast %mul3A_914 : i32 to index
        %get3A_918 = tpu.vector_load %arg5[%get3A_916, %get3A_917] {strides = array<i32>} : memref<50x1024xf32, #tpu.memory_space<vmem>>, vector<1x16xf32>,
        %get3A_919 = vector.shape_cast %get3A_918 : vector<1x16xf32> to vector<16xf32>
        %gt3A_920 = arith.cmpf ogt, %get3A_919, %max3A_912 : vector<16xf32>
        %gt3A_921 = arith.cmpf ogt, %get3A_919, %max3A_911 : vector<16xf32>
        %jit3A_922 = arith.constant 39 : i32
        %broadcast_in_dim3A_923 = vector.broadcast %jit3A_922 : i32 to vector<16xi32>
        %select_n3A_924 = arith.select %gt3A_921, %broadcast_in_dim3A_923, %select_n3A_906 : vector<16xi1>, vector<16xi32>
        %select_n3A_925 = arith.select %gt3A_920, %select_n3A_909, %select_n3A_924 : vector<16xi1>, vector<16xi32>
        %jit3A_926 = arith.constant 39 : i32
        %broadcast_in_dim3A_927 = vector.broadcast %jit3A_926 : i32 to vector<16xi32>
        %select_n3A_928 = arith.select %gt3A_920, %broadcast_in_dim3A_927, %select_n3A_909 : vector<16xi1>, vector<16xi32>
        %min3A_929 = arith.minimumf %get3A_919, %max3A_912 : vector<16xf32>
        %max3A_930 = arith.maximumf %max3A_911, %min3A_929 : vector<16xf32>
        %max3A_931 = arith.maximumf %get3A_919, %max3A_912 : vector<16xf32>
        %mul3A_932 = arith.constant 16 : i32
        %mul3A_933 = arith.muli %scan3A_166, %mul3A_932 : i32
        %get3A_934 = arith.constant 40 : i32
        %get3A_935 = arith.index_cast %get3A_934 : i32 to index
        %get3A_936 = arith.index_cast %mul3A_933 : i32 to index
        %get3A_937 = tpu.vector_load %arg5[%get3A_935, %get3A_936] {strides = array<i32>} : memref<50x1024xf32, #tpu.memory_space<vmem>>, vector<1x16xf32>,
        %get3A_938 = vector.shape_cast %get3A_937 : vector<1x16xf32> to vector<16xf32>
        %gt3A_939 = arith.cmpf ogt, %get3A_938, %max3A_931 : vector<16xf32>
        %gt3A_940 = arith.cmpf ogt, %get3A_938, %max3A_930 : vector<16xf32>
        %jit3A_941 = arith.constant 40 : i32
        %broadcast_in_dim3A_942 = vector.broadcast %jit3A_941 : i32 to vector<16xi32>
        %select_n3A_943 = arith.select %gt3A_940, %broadcast_in_dim3A_942, %select_n3A_925 : vector<16xi1>, vector<16xi32>
        %select_n3A_944 = arith.select %gt3A_939, %select_n3A_928, %select_n3A_943 : vector<16xi1>, vector<16xi32>
        %jit3A_945 = arith.constant 40 : i32
        %broadcast_in_dim3A_946 = vector.broadcast %jit3A_945 : i32 to vector<16xi32>
        %select_n3A_947 = arith.select %gt3A_939, %broadcast_in_dim3A_946, %select_n3A_928 : vector<16xi1>, vector<16xi32>
        %min3A_948 = arith.minimumf %get3A_938, %max3A_931 : vector<16xf32>
        %max3A_949 = arith.maximumf %max3A_930, %min3A_948 : vector<16xf32>
        %max3A_950 = arith.maximumf %get3A_938, %max3A_931 : vector<16xf32>
        %mul3A_951 = arith.constant 16 : i32
        %mul3A_952 = arith.muli %scan3A_166, %mul3A_951 : i32
        %get3A_953 = arith.constant 41 : i32
        %get3A_954 = arith.index_cast %get3A_953 : i32 to index
        %get3A_955 = arith.index_cast %mul3A_952 : i32 to index
        %get3A_956 = tpu.vector_load %arg5[%get3A_954, %get3A_955] {strides = array<i32>} : memref<50x1024xf32, #tpu.memory_space<vmem>>, vector<1x16xf32>,
        %get3A_957 = vector.shape_cast %get3A_956 : vector<1x16xf32> to vector<16xf32>
        %gt3A_958 = arith.cmpf ogt, %get3A_957, %max3A_950 : vector<16xf32>
        %gt3A_959 = arith.cmpf ogt, %get3A_957, %max3A_949 : vector<16xf32>
        %jit3A_960 = arith.constant 41 : i32
        %broadcast_in_dim3A_961 = vector.broadcast %jit3A_960 : i32 to vector<16xi32>
        %select_n3A_962 = arith.select %gt3A_959, %broadcast_in_dim3A_961, %select_n3A_944 : vector<16xi1>, vector<16xi32>
        %select_n3A_963 = arith.select %gt3A_958, %select_n3A_947, %select_n3A_962 : vector<16xi1>, vector<16xi32>
        %jit3A_964 = arith.constant 41 : i32
        %broadcast_in_dim3A_965 = vector.broadcast %jit3A_964 : i32 to vector<16xi32>
        %select_n3A_966 = arith.select %gt3A_958, %broadcast_in_dim3A_965, %select_n3A_947 : vector<16xi1>, vector<16xi32>
        %min3A_967 = arith.minimumf %get3A_957, %max3A_950 : vector<16xf32>
        %max3A_968 = arith.maximumf %max3A_949, %min3A_967 : vector<16xf32>
        %max3A_969 = arith.maximumf %get3A_957, %max3A_950 : vector<16xf32>
        %mul3A_970 = arith.constant 16 : i32
        %mul3A_971 = arith.muli %scan3A_166, %mul3A_970 : i32
        %get3A_972 = arith.constant 42 : i32
        %get3A_973 = arith.index_cast %get3A_972 : i32 to index
        %get3A_974 = arith.index_cast %mul3A_971 : i32 to index
        %get3A_975 = tpu.vector_load %arg5[%get3A_973, %get3A_974] {strides = array<i32>} : memref<50x1024xf32, #tpu.memory_space<vmem>>, vector<1x16xf32>,
        %get3A_976 = vector.shape_cast %get3A_975 : vector<1x16xf32> to vector<16xf32>
        %gt3A_977 = arith.cmpf ogt, %get3A_976, %max3A_969 : vector<16xf32>
        %gt3A_978 = arith.cmpf ogt, %get3A_976, %max3A_968 : vector<16xf32>
        %jit3A_979 = arith.constant 42 : i32
        %broadcast_in_dim3A_980 = vector.broadcast %jit3A_979 : i32 to vector<16xi32>
        %select_n3A_981 = arith.select %gt3A_978, %broadcast_in_dim3A_980, %select_n3A_963 : vector<16xi1>, vector<16xi32>
        %select_n3A_982 = arith.select %gt3A_977, %select_n3A_966, %select_n3A_981 : vector<16xi1>, vector<16xi32>
        %jit3A_983 = arith.constant 42 : i32
        %broadcast_in_dim3A_984 = vector.broadcast %jit3A_983 : i32 to vector<16xi32>
        %select_n3A_985 = arith.select %gt3A_977, %broadcast_in_dim3A_984, %select_n3A_966 : vector<16xi1>, vector<16xi32>
        %min3A_986 = arith.minimumf %get3A_976, %max3A_969 : vector<16xf32>
        %max3A_987 = arith.maximumf %max3A_968, %min3A_986 : vector<16xf32>
        %max3A_988 = arith.maximumf %get3A_976, %max3A_969 : vector<16xf32>
        %mul3A_989 = arith.constant 16 : i32
        %mul3A_990 = arith.muli %scan3A_166, %mul3A_989 : i32
        %get3A_991 = arith.constant 43 : i32
        %get3A_992 = arith.index_cast %get3A_991 : i32 to index
        %get3A_993 = arith.index_cast %mul3A_990 : i32 to index
        %get3A_994 = tpu.vector_load %arg5[%get3A_992, %get3A_993] {strides = array<i32>} : memref<50x1024xf32, #tpu.memory_space<vmem>>, vector<1x16xf32>,
        %get3A_995 = vector.shape_cast %get3A_994 : vector<1x16xf32> to vector<16xf32>
        %gt3A_996 = arith.cmpf ogt, %get3A_995, %max3A_988 : vector<16xf32>
        %gt3A_997 = arith.cmpf ogt, %get3A_995, %max3A_987 : vector<16xf32>
        %jit3A_998 = arith.constant 43 : i32
        %broadcast_in_dim3A_999 = vector.broadcast %jit3A_998 : i32 to vector<16xi32>
        %select_n3A_1000 = arith.select %gt3A_997, %broadcast_in_dim3A_999, %select_n3A_982 : vector<16xi1>, vector<16xi32>
        %select_n3A_1001 = arith.select %gt3A_996, %select_n3A_985, %select_n3A_1000 : vector<16xi1>, vector<16xi32>
        %jit3A_1002 = arith.constant 43 : i32
        %broadcast_in_dim3A_1003 = vector.broadcast %jit3A_1002 : i32 to vector<16xi32>
        %select_n3A_1004 = arith.select %gt3A_996, %broadcast_in_dim3A_1003, %select_n3A_985 : vector<16xi1>, vector<16xi32>
        %min3A_1005 = arith.minimumf %get3A_995, %max3A_988 : vector<16xf32>
        %max3A_1006 = arith.maximumf %max3A_987, %min3A_1005 : vector<16xf32>
        %max3A_1007 = arith.maximumf %get3A_995, %max3A_988 : vector<16xf32>
        %mul3A_1008 = arith.constant 16 : i32
        %mul3A_1009 = arith.muli %scan3A_166, %mul3A_1008 : i32
        %get3A_1010 = arith.constant 44 : i32
        %get3A_1011 = arith.index_cast %get3A_1010 : i32 to index
        %get3A_1012 = arith.index_cast %mul3A_1009 : i32 to index
        %get3A_1013 = tpu.vector_load %arg5[%get3A_1011, %get3A_1012] {strides = array<i32>} : memref<50x1024xf32, #tpu.memory_space<vmem>>, vector<1x16xf32>,
        %get3A_1014 = vector.shape_cast %get3A_1013 : vector<1x16xf32> to vector<16xf32>
        %gt3A_1015 = arith.cmpf ogt, %get3A_1014, %max3A_1007 : vector<16xf32>
        %gt3A_1016 = arith.cmpf ogt, %get3A_1014, %max3A_1006 : vector<16xf32>
        %jit3A_1017 = arith.constant 44 : i32
        %broadcast_in_dim3A_1018 = vector.broadcast %jit3A_1017 : i32 to vector<16xi32>
        %select_n3A_1019 = arith.select %gt3A_1016, %broadcast_in_dim3A_1018, %select_n3A_1001 : vector<16xi1>, vector<16xi32>
        %select_n3A_1020 = arith.select %gt3A_1015, %select_n3A_1004, %select_n3A_1019 : vector<16xi1>, vector<16xi32>
        %jit3A_1021 = arith.constant 44 : i32
        %broadcast_in_dim3A_1022 = vector.broadcast %jit3A_1021 : i32 to vector<16xi32>
        %select_n3A_1023 = arith.select %gt3A_1015, %broadcast_in_dim3A_1022, %select_n3A_1004 : vector<16xi1>, vector<16xi32>
        %min3A_1024 = arith.minimumf %get3A_1014, %max3A_1007 : vector<16xf32>
        %max3A_1025 = arith.maximumf %max3A_1006, %min3A_1024 : vector<16xf32>
        %max3A_1026 = arith.maximumf %get3A_1014, %max3A_1007 : vector<16xf32>
        %mul3A_1027 = arith.constant 16 : i32
        %mul3A_1028 = arith.muli %scan3A_166, %mul3A_1027 : i32
        %get3A_1029 = arith.constant 45 : i32
        %get3A_1030 = arith.index_cast %get3A_1029 : i32 to index
        %get3A_1031 = arith.index_cast %mul3A_1028 : i32 to index
        %get3A_1032 = tpu.vector_load %arg5[%get3A_1030, %get3A_1031] {strides = array<i32>} : memref<50x1024xf32, #tpu.memory_space<vmem>>, vector<1x16xf32>,
        %get3A_1033 = vector.shape_cast %get3A_1032 : vector<1x16xf32> to vector<16xf32>
        %gt3A_1034 = arith.cmpf ogt, %get3A_1033, %max3A_1026 : vector<16xf32>
        %gt3A_1035 = arith.cmpf ogt, %get3A_1033, %max3A_1025 : vector<16xf32>
        %jit3A_1036 = arith.constant 45 : i32
        %broadcast_in_dim3A_1037 = vector.broadcast %jit3A_1036 : i32 to vector<16xi32>
        %select_n3A_1038 = arith.select %gt3A_1035, %broadcast_in_dim3A_1037, %select_n3A_1020 : vector<16xi1>, vector<16xi32>
        %select_n3A_1039 = arith.select %gt3A_1034, %select_n3A_1023, %select_n3A_1038 : vector<16xi1>, vector<16xi32>
        %jit3A_1040 = arith.constant 45 : i32
        %broadcast_in_dim3A_1041 = vector.broadcast %jit3A_1040 : i32 to vector<16xi32>
        %select_n3A_1042 = arith.select %gt3A_1034, %broadcast_in_dim3A_1041, %select_n3A_1023 : vector<16xi1>, vector<16xi32>
        %min3A_1043 = arith.minimumf %get3A_1033, %max3A_1026 : vector<16xf32>
        %max3A_1044 = arith.maximumf %max3A_1025, %min3A_1043 : vector<16xf32>
        %max3A_1045 = arith.maximumf %get3A_1033, %max3A_1026 : vector<16xf32>
        %mul3A_1046 = arith.constant 16 : i32
        %mul3A_1047 = arith.muli %scan3A_166, %mul3A_1046 : i32
        %get3A_1048 = arith.constant 46 : i32
        %get3A_1049 = arith.index_cast %get3A_1048 : i32 to index
        %get3A_1050 = arith.index_cast %mul3A_1047 : i32 to index
        %get3A_1051 = tpu.vector_load %arg5[%get3A_1049, %get3A_1050] {strides = array<i32>} : memref<50x1024xf32, #tpu.memory_space<vmem>>, vector<1x16xf32>,
        %get3A_1052 = vector.shape_cast %get3A_1051 : vector<1x16xf32> to vector<16xf32>
        %gt3A_1053 = arith.cmpf ogt, %get3A_1052, %max3A_1045 : vector<16xf32>
        %gt3A_1054 = arith.cmpf ogt, %get3A_1052, %max3A_1044 : vector<16xf32>
        %jit3A_1055 = arith.constant 46 : i32
        %broadcast_in_dim3A_1056 = vector.broadcast %jit3A_1055 : i32 to vector<16xi32>
        %select_n3A_1057 = arith.select %gt3A_1054, %broadcast_in_dim3A_1056, %select_n3A_1039 : vector<16xi1>, vector<16xi32>
        %select_n3A_1058 = arith.select %gt3A_1053, %select_n3A_1042, %select_n3A_1057 : vector<16xi1>, vector<16xi32>
        %jit3A_1059 = arith.constant 46 : i32
        %broadcast_in_dim3A_1060 = vector.broadcast %jit3A_1059 : i32 to vector<16xi32>
        %select_n3A_1061 = arith.select %gt3A_1053, %broadcast_in_dim3A_1060, %select_n3A_1042 : vector<16xi1>, vector<16xi32>
        %min3A_1062 = arith.minimumf %get3A_1052, %max3A_1045 : vector<16xf32>
        %max3A_1063 = arith.maximumf %max3A_1044, %min3A_1062 : vector<16xf32>
        %max3A_1064 = arith.maximumf %get3A_1052, %max3A_1045 : vector<16xf32>
        %mul3A_1065 = arith.constant 16 : i32
        %mul3A_1066 = arith.muli %scan3A_166, %mul3A_1065 : i32
        %get3A_1067 = arith.constant 47 : i32
        %get3A_1068 = arith.index_cast %get3A_1067 : i32 to index
        %get3A_1069 = arith.index_cast %mul3A_1066 : i32 to index
        %get3A_1070 = tpu.vector_load %arg5[%get3A_1068, %get3A_1069] {strides = array<i32>} : memref<50x1024xf32, #tpu.memory_space<vmem>>, vector<1x16xf32>,
        %get3A_1071 = vector.shape_cast %get3A_1070 : vector<1x16xf32> to vector<16xf32>
        %gt3A_1072 = arith.cmpf ogt, %get3A_1071, %max3A_1064 : vector<16xf32>
        %gt3A_1073 = arith.cmpf ogt, %get3A_1071, %max3A_1063 : vector<16xf32>
        %jit3A_1074 = arith.constant 47 : i32
        %broadcast_in_dim3A_1075 = vector.broadcast %jit3A_1074 : i32 to vector<16xi32>
        %select_n3A_1076 = arith.select %gt3A_1073, %broadcast_in_dim3A_1075, %select_n3A_1058 : vector<16xi1>, vector<16xi32>
        %select_n3A_1077 = arith.select %gt3A_1072, %select_n3A_1061, %select_n3A_1076 : vector<16xi1>, vector<16xi32>
        %jit3A_1078 = arith.constant 47 : i32
        %broadcast_in_dim3A_1079 = vector.broadcast %jit3A_1078 : i32 to vector<16xi32>
        %select_n3A_1080 = arith.select %gt3A_1072, %broadcast_in_dim3A_1079, %select_n3A_1061 : vector<16xi1>, vector<16xi32>
        %min3A_1081 = arith.minimumf %get3A_1071, %max3A_1064 : vector<16xf32>
        %max3A_1082 = arith.maximumf %max3A_1063, %min3A_1081 : vector<16xf32>
        %max3A_1083 = arith.maximumf %get3A_1071, %max3A_1064 : vector<16xf32>
        %mul3A_1084 = arith.constant 16 : i32
        %mul3A_1085 = arith.muli %scan3A_166, %mul3A_1084 : i32
        %get3A_1086 = arith.constant 48 : i32
        %get3A_1087 = arith.index_cast %get3A_1086 : i32 to index
        %get3A_1088 = arith.index_cast %mul3A_1085 : i32 to index
        %get3A_1089 = tpu.vector_load %arg5[%get3A_1087, %get3A_1088] {strides = array<i32>} : memref<50x1024xf32, #tpu.memory_space<vmem>>, vector<1x16xf32>,
        %get3A_1090 = vector.shape_cast %get3A_1089 : vector<1x16xf32> to vector<16xf32>
        %gt3A_1091 = arith.cmpf ogt, %get3A_1090, %max3A_1083 : vector<16xf32>
        %gt3A_1092 = arith.cmpf ogt, %get3A_1090, %max3A_1082 : vector<16xf32>
        %jit3A_1093 = arith.constant 48 : i32
        %broadcast_in_dim3A_1094 = vector.broadcast %jit3A_1093 : i32 to vector<16xi32>
        %select_n3A_1095 = arith.select %gt3A_1092, %broadcast_in_dim3A_1094, %select_n3A_1077 : vector<16xi1>, vector<16xi32>
        %select_n3A_1096 = arith.select %gt3A_1091, %select_n3A_1080, %select_n3A_1095 : vector<16xi1>, vector<16xi32>
        %jit3A_1097 = arith.constant 48 : i32
        %broadcast_in_dim3A_1098 = vector.broadcast %jit3A_1097 : i32 to vector<16xi32>
        %select_n3A_1099 = arith.select %gt3A_1091, %broadcast_in_dim3A_1098, %select_n3A_1080 : vector<16xi1>, vector<16xi32>
        %min3A_1100 = arith.minimumf %get3A_1090, %max3A_1083 : vector<16xf32>
        %max3A_1101 = arith.maximumf %max3A_1082, %min3A_1100 : vector<16xf32>
        %max3A_1102 = arith.maximumf %get3A_1090, %max3A_1083 : vector<16xf32>
        %mul3A_1103 = arith.constant 16 : i32
        %mul3A_1104 = arith.muli %scan3A_166, %mul3A_1103 : i32
        %get3A_1105 = arith.constant 49 : i32
        %get3A_1106 = arith.index_cast %get3A_1105 : i32 to index
        %get3A_1107 = arith.index_cast %mul3A_1104 : i32 to index
        %get3A_1108 = tpu.vector_load %arg5[%get3A_1106, %get3A_1107] {strides = array<i32>} : memref<50x1024xf32, #tpu.memory_space<vmem>>, vector<1x16xf32>,
        %get3A_1109 = vector.shape_cast %get3A_1108 : vector<1x16xf32> to vector<16xf32>
        %gt3A_1110 = arith.cmpf ogt, %get3A_1109, %max3A_1102 : vector<16xf32>
        %gt3A_1111 = arith.cmpf ogt, %get3A_1109, %max3A_1101 : vector<16xf32>
        %jit3A_1112 = arith.constant 49 : i32
        %broadcast_in_dim3A_1113 = vector.broadcast %jit3A_1112 : i32 to vector<16xi32>
        %select_n3A_1114 = arith.select %gt3A_1111, %broadcast_in_dim3A_1113, %select_n3A_1096 : vector<16xi1>, vector<16xi32>
        %select_n3A_1115 = arith.select %gt3A_1110, %select_n3A_1099, %select_n3A_1114 : vector<16xi1>, vector<16xi32>
        %jit3A_1116 = arith.constant 49 : i32
        %broadcast_in_dim3A_1117 = vector.broadcast %jit3A_1116 : i32 to vector<16xi32>
        %select_n3A_1118 = arith.select %gt3A_1110, %broadcast_in_dim3A_1117, %select_n3A_1099 : vector<16xi1>, vector<16xi32>
        %min3A_1119 = arith.minimumf %get3A_1109, %max3A_1102 : vector<16xf32>
        %max3A_1120 = arith.maximumf %max3A_1101, %min3A_1119 : vector<16xf32>
        %max3A_1121 = arith.maximumf %get3A_1109, %max3A_1102 : vector<16xf32>
        %mul3A_1122 = arith.constant 16 : i32
        %mul3A_1123 = arith.muli %scan3A_166, %mul3A_1122 : i32
        %get3A_1124 = arith.index_cast %mul3A_1123 : i32 to index
        %get3A_1125 = tpu.vector_load %arg7[%get3A_1124] {strides = array<i32>} : memref<1024xi32, #tpu.memory_space<vmem>>, vector<16xi32>,
        %get3A_1126 = vector.shape_cast %get3A_1125 : vector<16xi32> to vector<16xi32>
        %broadcast_in_dim3A_1127 = arith.constant 1 : i32
        %broadcast_in_dim3A_1128 = vector.broadcast %broadcast_in_dim3A_1127 : i32 to vector<16xi32>
        %broadcast_in_dim3A_1129 = arith.constant 0 : i32
        %broadcast_in_dim3A_1130 = vector.broadcast %broadcast_in_dim3A_1129 : i32 to vector<16xi32>
        %eq3A_1131 = arith.cmpi eq, %select_n3A_1118, %get3A_1126 : vector<16xi32>
        %select_n3A_1132 = arith.select %eq3A_1131, %broadcast_in_dim3A_1128, %broadcast_in_dim3A_1130 : vector<16xi1>, vector<16xi32>
        %sub3A_1133 = arith.subf %max3A_1121, %max3A_1120 : vector<16xf32>
        %lt3A_1134 = arith.constant 1.000000e-01 : f32
        %lt3A_1135 = vector.broadcast %lt3A_1134 : f32 to vector<16xf32>
        %lt3A_1136 = arith.cmpf olt, %sub3A_1133, %lt3A_1135 : vector<16xf32>
        %eq3A_1137 = arith.cmpi eq, %select_n3A_1115, %get3A_1126 : vector<16xi32>
        %and3A_1138 = arith.andi %lt3A_1136, %eq3A_1137 : vector<16xi1>
        %select_n3A_1139 = arith.select %and3A_1138, %broadcast_in_dim3A_1128, %broadcast_in_dim3A_1130 : vector<16xi1>, vector<16xi32>
        %add3A_1140 = arith.addi %scan3A_167, %select_n3A_1132 : vector<16xi32>
        %add3A_1141 = arith.addi %add3A_1140, %select_n3A_1139 : vector<16xi32>
        scf.yield %add3A_1141 : vector<16xi32>
      }
      %scan3A_131 = arith.constant 64 : i32
      %add3A_132 = arith.constant 2 : i32
      %add3A_133 = arith.addi %mul3A_110, %add3A_132 : i32
      %lt3A_134 = arith.constant 12 : i32
      %lt3A_135 = arith.cmpi slt, %add3A_133, %lt3A_134 : i32
      %convert_element_type3A = arith.extui %lt3A_135 : i1 to i32
      %cond3A = arith.constant 0 : i32
      %cond3A_136 = arith.cmpi ne, %convert_element_type3A, %cond3A : i32
      scf.if %cond3A_136 {
        %add3A_166 = arith.constant 2 : i32
        %add3A_167 = arith.addi %mul3A_110, %add3A_166 : i32
        %mul3A_168 = arith.constant 32 : i32
        %mul3A_169 = arith.muli %add3A_167, %mul3A_168 : i32
        %add3A_170 = arith.addi %add3A, %mul3A_169 : i32
        %jit3A_171 = arith.constant 8 : i32
        %div3A_172 = arith.divsi %add3A_170, %jit3A_171 : i32
        %sign3A_173 = arith.constant 0 : i32
        %sign3A_174 = arith.cmpi sgt, %add3A_170, %sign3A_173 : i32
        %sign3A_175 = arith.extui %sign3A_174 : i1 to i32
        %sign3A_176 = arith.constant 0 : i32
        %sign3A_177 = arith.cmpi slt, %add3A_170, %sign3A_176 : i32
        %sign3A_178 = arith.extui %sign3A_177 : i1 to i32
        %sign3A_179 = arith.subi %sign3A_175, %sign3A_178 : i32
        %sign3A_180 = arith.constant 0 : i32
        %sign3A_181 = arith.cmpi sgt, %jit3A_171, %sign3A_180 : i32
        %sign3A_182 = arith.extui %sign3A_181 : i1 to i32
        %sign3A_183 = arith.constant 0 : i32
        %sign3A_184 = arith.cmpi slt, %jit3A_171, %sign3A_183 : i32
        %sign3A_185 = arith.extui %sign3A_184 : i1 to i32
        %sign3A_186 = arith.subi %sign3A_182, %sign3A_185 : i32
        %ne3A_187 = arith.cmpi ne, %sign3A_179, %sign3A_186 : i32
        %rem3A_188 = arith.remsi %add3A_170, %jit3A_171 : i32
        %ne3A_189 = arith.constant 0 : i32
        %ne3A_190 = arith.cmpi ne, %rem3A_188, %ne3A_189 : i32
        %and3A_191 = arith.andi %ne3A_187, %ne3A_190 : i1
        %sub3A_192 = arith.constant 1 : i32
        %sub3A_193 = arith.subi %div3A_172, %sub3A_192 : i32
        %select_n3A_194 = arith.select %and3A_191, %sub3A_193, %div3A_172 : i32
        %jit3A_195 = arith.constant 8 : i32
        %eq3A_196 = arith.constant 0 : i32
        %eq3A_197 = arith.cmpi eq, %jit3A_195, %eq3A_196 : i32
        %jit3A_198 = arith.constant 1 : i32
        %select_n3A_199 = arith.select %eq3A_197, %jit3A_198, %jit3A_195 : i32
        %rem3A_200 = arith.remsi %add3A_170, %select_n3A_199 : i32
        %ne3A_201 = arith.constant 0 : i32
        %ne3A_202 = arith.cmpi ne, %rem3A_200, %ne3A_201 : i32
        %lt3A_203 = arith.constant 0 : i32
        %lt3A_204 = arith.cmpi slt, %rem3A_200, %lt3A_203 : i32
        %lt3A_205 = arith.constant 0 : i32
        %lt3A_206 = arith.cmpi slt, %select_n3A_199, %lt3A_205 : i32
        %ne3A_207 = arith.xori %lt3A_204, %lt3A_206 : i1
        %and3A_208 = arith.andi %ne3A_207, %ne3A_202 : i1
        %add3A_209 = arith.addi %rem3A_200, %select_n3A_199 : i32
        %select_n3A_210 = arith.select %and3A_208, %add3A_209, %rem3A_200 : i32
        %mul3A_211 = arith.constant 1024 : i32
        %mul3A_212 = arith.muli %select_n3A_210, %mul3A_211 : i32
        %dma_start3A_213 = arith.constant 0 : i32
        %dma_start3A_214 = tpu.memref_slice %arg2[%select_n3A_194, %dma_start3A_213, %mul3A_212] : memref<64x50x8192xf32, #tpu.memory_space<hbm>> -> memref<1x50x1024xf32, #tpu.memory_space<hbm>>
        %dma_start3A_215 = tpu.memref_squeeze %dma_start3A_214 : memref<1x50x1024xf32, #tpu.memory_space<hbm>> -> memref<50x1024xf32, #tpu.memory_space<hbm>>
        %dma_start3A_216 = arith.constant 0 : i32
        %dma_start3A_217 = tpu.memref_slice %arg2[%select_n3A_194, %dma_start3A_216, %mul3A_212] : memref<64x50x8192xf32, #tpu.memory_space<hbm>> -> memref<1x50x1024xf32, #tpu.memory_space<hbm>>
        %dma_start3A_218 = tpu.memref_squeeze %dma_start3A_217 : memref<1x50x1024xf32, #tpu.memory_space<hbm>> -> memref<50x1024xf32, #tpu.memory_space<hbm>>
        tpu.enqueue_dma source(%dma_start3A_218 : memref<50x1024xf32, #tpu.memory_space<hbm>>) target(%arg5 : memref<50x1024xf32, #tpu.memory_space<vmem>>) target_semaphore(%arg10 : memref<!tpu.dma_semaphore, #tpu.memory_space<semaphore_mem>>)
        %dma_start3A_219 = tpu.memref_slice %arg3[%select_n3A_194, %mul3A_212] : memref<64x8192xi32, #tpu.memory_space<hbm>> -> memref<1x1024xi32, #tpu.memory_space<hbm>>
        %dma_start3A_220 = tpu.memref_squeeze %dma_start3A_219 : memref<1x1024xi32, #tpu.memory_space<hbm>> -> memref<1024xi32, #tpu.memory_space<hbm>>
        %dma_start3A_221 = tpu.memref_slice %arg3[%select_n3A_194, %mul3A_212] : memref<64x8192xi32, #tpu.memory_space<hbm>> -> memref<1x1024xi32, #tpu.memory_space<hbm>>
        %dma_start3A_222 = tpu.memref_squeeze %dma_start3A_221 : memref<1x1024xi32, #tpu.memory_space<hbm>> -> memref<1024xi32, #tpu.memory_space<hbm>>
        tpu.enqueue_dma source(%dma_start3A_222 : memref<1024xi32, #tpu.memory_space<hbm>>) target(%arg7 : memref<1024xi32, #tpu.memory_space<vmem>>) target_semaphore(%arg10 : memref<!tpu.dma_semaphore, #tpu.memory_space<semaphore_mem>>)
      } else {
      }
      %dma_wait3A_137 = arith.constant 0 : i32
      %dma_wait3A_138 = arith.constant 0 : i32
      %dma_wait3A_139 = arith.constant 0 : i32
      %dma_wait3A_140 = tpu.memref_slice %arg2[%dma_wait3A_137, %dma_wait3A_138, %dma_wait3A_139] : memref<64x50x8192xf32, #tpu.memory_space<hbm>> -> memref<1x50x1024xf32, #tpu.memory_space<hbm>>
      %dma_wait3A_141 = tpu.memref_squeeze %dma_wait3A_140 : memref<1x50x1024xf32, #tpu.memory_space<hbm>> -> memref<50x1024xf32, #tpu.memory_space<hbm>>
      %dma_wait3A_142 = arith.constant 0 : i32
      %dma_wait3A_143 = arith.constant 0 : i32
      %dma_wait3A_144 = tpu.memref_slice %arg2[%dma_wait3A_137, %dma_wait3A_142, %dma_wait3A_143] : memref<64x50x8192xf32, #tpu.memory_space<hbm>> -> memref<1x50x1024xf32, #tpu.memory_space<hbm>>
      %dma_wait3A_145 = tpu.memref_squeeze %dma_wait3A_144 : memref<1x50x1024xf32, #tpu.memory_space<hbm>> -> memref<50x1024xf32, #tpu.memory_space<hbm>>
      tpu.wait_dma2 semaphore(%arg11 : memref<!tpu.dma_semaphore, #tpu.memory_space<semaphore_mem>>) src(%dma_wait3A_145 : memref<50x1024xf32, #tpu.memory_space<hbm>>) dst(%arg6 : memref<50x1024xf32, #tpu.memory_space<vmem>>)
      %dma_wait3A_146 = arith.constant 0 : i32
      %dma_wait3A_147 = arith.constant 0 : i32
      %dma_wait3A_148 = tpu.memref_slice %arg3[%dma_wait3A_146, %dma_wait3A_147] : memref<64x8192xi32, #tpu.memory_space<hbm>> -> memref<1x1024xi32, #tpu.memory_space<hbm>>
      %dma_wait3A_149 = tpu.memref_squeeze %dma_wait3A_148 : memref<1x1024xi32, #tpu.memory_space<hbm>> -> memref<1024xi32, #tpu.memory_space<hbm>>
      %dma_wait3A_150 = arith.constant 0 : i32
      %dma_wait3A_151 = tpu.memref_slice %arg3[%dma_wait3A_146, %dma_wait3A_150] : memref<64x8192xi32, #tpu.memory_space<hbm>> -> memref<1x1024xi32, #tpu.memory_space<hbm>>
      %dma_wait3A_152 = tpu.memref_squeeze %dma_wait3A_151 : memref<1x1024xi32, #tpu.memory_space<hbm>> -> memref<1024xi32, #tpu.memory_space<hbm>>
      tpu.wait_dma2 semaphore(%arg11 : memref<!tpu.dma_semaphore, #tpu.memory_space<semaphore_mem>>) src(%dma_wait3A_152 : memref<1024xi32, #tpu.memory_space<hbm>>) dst(%arg8 : memref<1024xi32, #tpu.memory_space<vmem>>)
      %scan3A_153 = arith.constant 0 : i32
      %scan3A_154 = arith.constant 64 : i32
      %scan3A_155 = arith.addi %scan3A_153, %scan3A_154 : i32
      %scan3A_156 = arith.constant 1 : i32
      %scan3A_157 = scf.for %scan3A_166 = %scan3A_153 to %scan3A_155 step %scan3A_156 iter_args(%scan3A_167 = %scan3A_130) -> (vector<16xi32>)  : i32 {
        %broadcast_in_dim3A_168 = arith.constant 0xFF800000 : f32
        %broadcast_in_dim3A_169 = vector.broadcast %broadcast_in_dim3A_168 : f32 to vector<16xf32>
        %broadcast_in_dim3A_170 = arith.constant 0xFF800000 : f32
        %broadcast_in_dim3A_171 = vector.broadcast %broadcast_in_dim3A_170 : f32 to vector<16xf32>
        %broadcast_in_dim3A_172 = arith.constant 0 : i32
        %broadcast_in_dim3A_173 = vector.broadcast %broadcast_in_dim3A_172 : i32 to vector<16xi32>
        %broadcast_in_dim3A_174 = arith.constant 0 : i32
        %broadcast_in_dim3A_175 = vector.broadcast %broadcast_in_dim3A_174 : i32 to vector<16xi32>
        %mul3A_176 = arith.constant 16 : i32
        %mul3A_177 = arith.muli %scan3A_166, %mul3A_176 : i32
        %get3A = arith.constant 0 : i32
        %get3A_178 = arith.index_cast %get3A : i32 to index
        %get3A_179 = arith.index_cast %mul3A_177 : i32 to index
        %get3A_180 = tpu.vector_load %arg6[%get3A_178, %get3A_179] {strides = array<i32>} : memref<50x1024xf32, #tpu.memory_space<vmem>>, vector<1x16xf32>,
        %get3A_181 = vector.shape_cast %get3A_180 : vector<1x16xf32> to vector<16xf32>
        %gt3A = arith.cmpf ogt, %get3A_181, %broadcast_in_dim3A_169 : vector<16xf32>
        %gt3A_182 = arith.cmpf ogt, %get3A_181, %broadcast_in_dim3A_171 : vector<16xf32>
        %jit3A_183 = arith.constant 0 : i32
        %broadcast_in_dim3A_184 = vector.broadcast %jit3A_183 : i32 to vector<16xi32>
        %select_n3A_185 = arith.select %gt3A_182, %broadcast_in_dim3A_184, %broadcast_in_dim3A_175 : vector<16xi1>, vector<16xi32>
        %select_n3A_186 = arith.select %gt3A, %broadcast_in_dim3A_173, %select_n3A_185 : vector<16xi1>, vector<16xi32>
        %jit3A_187 = arith.constant 0 : i32
        %broadcast_in_dim3A_188 = vector.broadcast %jit3A_187 : i32 to vector<16xi32>
        %select_n3A_189 = arith.select %gt3A, %broadcast_in_dim3A_188, %broadcast_in_dim3A_173 : vector<16xi1>, vector<16xi32>
        %min3A = arith.minimumf %get3A_181, %broadcast_in_dim3A_169 : vector<16xf32>
        %max3A = arith.maximumf %broadcast_in_dim3A_171, %min3A : vector<16xf32>
        %max3A_190 = arith.maximumf %get3A_181, %broadcast_in_dim3A_169 : vector<16xf32>
        %mul3A_191 = arith.constant 16 : i32
        %mul3A_192 = arith.muli %scan3A_166, %mul3A_191 : i32
        %get3A_193 = arith.constant 1 : i32
        %get3A_194 = arith.index_cast %get3A_193 : i32 to index
        %get3A_195 = arith.index_cast %mul3A_192 : i32 to index
        %get3A_196 = tpu.vector_load %arg6[%get3A_194, %get3A_195] {strides = array<i32>} : memref<50x1024xf32, #tpu.memory_space<vmem>>, vector<1x16xf32>,
        %get3A_197 = vector.shape_cast %get3A_196 : vector<1x16xf32> to vector<16xf32>
        %gt3A_198 = arith.cmpf ogt, %get3A_197, %max3A_190 : vector<16xf32>
        %gt3A_199 = arith.cmpf ogt, %get3A_197, %max3A : vector<16xf32>
        %jit3A_200 = arith.constant 1 : i32
        %broadcast_in_dim3A_201 = vector.broadcast %jit3A_200 : i32 to vector<16xi32>
        %select_n3A_202 = arith.select %gt3A_199, %broadcast_in_dim3A_201, %select_n3A_186 : vector<16xi1>, vector<16xi32>
        %select_n3A_203 = arith.select %gt3A_198, %select_n3A_189, %select_n3A_202 : vector<16xi1>, vector<16xi32>
        %jit3A_204 = arith.constant 1 : i32
        %broadcast_in_dim3A_205 = vector.broadcast %jit3A_204 : i32 to vector<16xi32>
        %select_n3A_206 = arith.select %gt3A_198, %broadcast_in_dim3A_205, %select_n3A_189 : vector<16xi1>, vector<16xi32>
        %min3A_207 = arith.minimumf %get3A_197, %max3A_190 : vector<16xf32>
        %max3A_208 = arith.maximumf %max3A, %min3A_207 : vector<16xf32>
        %max3A_209 = arith.maximumf %get3A_197, %max3A_190 : vector<16xf32>
        %mul3A_210 = arith.constant 16 : i32
        %mul3A_211 = arith.muli %scan3A_166, %mul3A_210 : i32
        %get3A_212 = arith.constant 2 : i32
        %get3A_213 = arith.index_cast %get3A_212 : i32 to index
        %get3A_214 = arith.index_cast %mul3A_211 : i32 to index
        %get3A_215 = tpu.vector_load %arg6[%get3A_213, %get3A_214] {strides = array<i32>} : memref<50x1024xf32, #tpu.memory_space<vmem>>, vector<1x16xf32>,
        %get3A_216 = vector.shape_cast %get3A_215 : vector<1x16xf32> to vector<16xf32>
        %gt3A_217 = arith.cmpf ogt, %get3A_216, %max3A_209 : vector<16xf32>
        %gt3A_218 = arith.cmpf ogt, %get3A_216, %max3A_208 : vector<16xf32>
        %jit3A_219 = arith.constant 2 : i32
        %broadcast_in_dim3A_220 = vector.broadcast %jit3A_219 : i32 to vector<16xi32>
        %select_n3A_221 = arith.select %gt3A_218, %broadcast_in_dim3A_220, %select_n3A_203 : vector<16xi1>, vector<16xi32>
        %select_n3A_222 = arith.select %gt3A_217, %select_n3A_206, %select_n3A_221 : vector<16xi1>, vector<16xi32>
        %jit3A_223 = arith.constant 2 : i32
        %broadcast_in_dim3A_224 = vector.broadcast %jit3A_223 : i32 to vector<16xi32>
        %select_n3A_225 = arith.select %gt3A_217, %broadcast_in_dim3A_224, %select_n3A_206 : vector<16xi1>, vector<16xi32>
        %min3A_226 = arith.minimumf %get3A_216, %max3A_209 : vector<16xf32>
        %max3A_227 = arith.maximumf %max3A_208, %min3A_226 : vector<16xf32>
        %max3A_228 = arith.maximumf %get3A_216, %max3A_209 : vector<16xf32>
        %mul3A_229 = arith.constant 16 : i32
        %mul3A_230 = arith.muli %scan3A_166, %mul3A_229 : i32
        %get3A_231 = arith.constant 3 : i32
        %get3A_232 = arith.index_cast %get3A_231 : i32 to index
        %get3A_233 = arith.index_cast %mul3A_230 : i32 to index
        %get3A_234 = tpu.vector_load %arg6[%get3A_232, %get3A_233] {strides = array<i32>} : memref<50x1024xf32, #tpu.memory_space<vmem>>, vector<1x16xf32>,
        %get3A_235 = vector.shape_cast %get3A_234 : vector<1x16xf32> to vector<16xf32>
        %gt3A_236 = arith.cmpf ogt, %get3A_235, %max3A_228 : vector<16xf32>
        %gt3A_237 = arith.cmpf ogt, %get3A_235, %max3A_227 : vector<16xf32>
        %jit3A_238 = arith.constant 3 : i32
        %broadcast_in_dim3A_239 = vector.broadcast %jit3A_238 : i32 to vector<16xi32>
        %select_n3A_240 = arith.select %gt3A_237, %broadcast_in_dim3A_239, %select_n3A_222 : vector<16xi1>, vector<16xi32>
        %select_n3A_241 = arith.select %gt3A_236, %select_n3A_225, %select_n3A_240 : vector<16xi1>, vector<16xi32>
        %jit3A_242 = arith.constant 3 : i32
        %broadcast_in_dim3A_243 = vector.broadcast %jit3A_242 : i32 to vector<16xi32>
        %select_n3A_244 = arith.select %gt3A_236, %broadcast_in_dim3A_243, %select_n3A_225 : vector<16xi1>, vector<16xi32>
        %min3A_245 = arith.minimumf %get3A_235, %max3A_228 : vector<16xf32>
        %max3A_246 = arith.maximumf %max3A_227, %min3A_245 : vector<16xf32>
        %max3A_247 = arith.maximumf %get3A_235, %max3A_228 : vector<16xf32>
        %mul3A_248 = arith.constant 16 : i32
        %mul3A_249 = arith.muli %scan3A_166, %mul3A_248 : i32
        %get3A_250 = arith.constant 4 : i32
        %get3A_251 = arith.index_cast %get3A_250 : i32 to index
        %get3A_252 = arith.index_cast %mul3A_249 : i32 to index
        %get3A_253 = tpu.vector_load %arg6[%get3A_251, %get3A_252] {strides = array<i32>} : memref<50x1024xf32, #tpu.memory_space<vmem>>, vector<1x16xf32>,
        %get3A_254 = vector.shape_cast %get3A_253 : vector<1x16xf32> to vector<16xf32>
        %gt3A_255 = arith.cmpf ogt, %get3A_254, %max3A_247 : vector<16xf32>
        %gt3A_256 = arith.cmpf ogt, %get3A_254, %max3A_246 : vector<16xf32>
        %jit3A_257 = arith.constant 4 : i32
        %broadcast_in_dim3A_258 = vector.broadcast %jit3A_257 : i32 to vector<16xi32>
        %select_n3A_259 = arith.select %gt3A_256, %broadcast_in_dim3A_258, %select_n3A_241 : vector<16xi1>, vector<16xi32>
        %select_n3A_260 = arith.select %gt3A_255, %select_n3A_244, %select_n3A_259 : vector<16xi1>, vector<16xi32>
        %jit3A_261 = arith.constant 4 : i32
        %broadcast_in_dim3A_262 = vector.broadcast %jit3A_261 : i32 to vector<16xi32>
        %select_n3A_263 = arith.select %gt3A_255, %broadcast_in_dim3A_262, %select_n3A_244 : vector<16xi1>, vector<16xi32>
        %min3A_264 = arith.minimumf %get3A_254, %max3A_247 : vector<16xf32>
        %max3A_265 = arith.maximumf %max3A_246, %min3A_264 : vector<16xf32>
        %max3A_266 = arith.maximumf %get3A_254, %max3A_247 : vector<16xf32>
        %mul3A_267 = arith.constant 16 : i32
        %mul3A_268 = arith.muli %scan3A_166, %mul3A_267 : i32
        %get3A_269 = arith.constant 5 : i32
        %get3A_270 = arith.index_cast %get3A_269 : i32 to index
        %get3A_271 = arith.index_cast %mul3A_268 : i32 to index
        %get3A_272 = tpu.vector_load %arg6[%get3A_270, %get3A_271] {strides = array<i32>} : memref<50x1024xf32, #tpu.memory_space<vmem>>, vector<1x16xf32>,
        %get3A_273 = vector.shape_cast %get3A_272 : vector<1x16xf32> to vector<16xf32>
        %gt3A_274 = arith.cmpf ogt, %get3A_273, %max3A_266 : vector<16xf32>
        %gt3A_275 = arith.cmpf ogt, %get3A_273, %max3A_265 : vector<16xf32>
        %jit3A_276 = arith.constant 5 : i32
        %broadcast_in_dim3A_277 = vector.broadcast %jit3A_276 : i32 to vector<16xi32>
        %select_n3A_278 = arith.select %gt3A_275, %broadcast_in_dim3A_277, %select_n3A_260 : vector<16xi1>, vector<16xi32>
        %select_n3A_279 = arith.select %gt3A_274, %select_n3A_263, %select_n3A_278 : vector<16xi1>, vector<16xi32>
        %jit3A_280 = arith.constant 5 : i32
        %broadcast_in_dim3A_281 = vector.broadcast %jit3A_280 : i32 to vector<16xi32>
        %select_n3A_282 = arith.select %gt3A_274, %broadcast_in_dim3A_281, %select_n3A_263 : vector<16xi1>, vector<16xi32>
        %min3A_283 = arith.minimumf %get3A_273, %max3A_266 : vector<16xf32>
        %max3A_284 = arith.maximumf %max3A_265, %min3A_283 : vector<16xf32>
        %max3A_285 = arith.maximumf %get3A_273, %max3A_266 : vector<16xf32>
        %mul3A_286 = arith.constant 16 : i32
        %mul3A_287 = arith.muli %scan3A_166, %mul3A_286 : i32
        %get3A_288 = arith.constant 6 : i32
        %get3A_289 = arith.index_cast %get3A_288 : i32 to index
        %get3A_290 = arith.index_cast %mul3A_287 : i32 to index
        %get3A_291 = tpu.vector_load %arg6[%get3A_289, %get3A_290] {strides = array<i32>} : memref<50x1024xf32, #tpu.memory_space<vmem>>, vector<1x16xf32>,
        %get3A_292 = vector.shape_cast %get3A_291 : vector<1x16xf32> to vector<16xf32>
        %gt3A_293 = arith.cmpf ogt, %get3A_292, %max3A_285 : vector<16xf32>
        %gt3A_294 = arith.cmpf ogt, %get3A_292, %max3A_284 : vector<16xf32>
        %jit3A_295 = arith.constant 6 : i32
        %broadcast_in_dim3A_296 = vector.broadcast %jit3A_295 : i32 to vector<16xi32>
        %select_n3A_297 = arith.select %gt3A_294, %broadcast_in_dim3A_296, %select_n3A_279 : vector<16xi1>, vector<16xi32>
        %select_n3A_298 = arith.select %gt3A_293, %select_n3A_282, %select_n3A_297 : vector<16xi1>, vector<16xi32>
        %jit3A_299 = arith.constant 6 : i32
        %broadcast_in_dim3A_300 = vector.broadcast %jit3A_299 : i32 to vector<16xi32>
        %select_n3A_301 = arith.select %gt3A_293, %broadcast_in_dim3A_300, %select_n3A_282 : vector<16xi1>, vector<16xi32>
        %min3A_302 = arith.minimumf %get3A_292, %max3A_285 : vector<16xf32>
        %max3A_303 = arith.maximumf %max3A_284, %min3A_302 : vector<16xf32>
        %max3A_304 = arith.maximumf %get3A_292, %max3A_285 : vector<16xf32>
        %mul3A_305 = arith.constant 16 : i32
        %mul3A_306 = arith.muli %scan3A_166, %mul3A_305 : i32
        %get3A_307 = arith.constant 7 : i32
        %get3A_308 = arith.index_cast %get3A_307 : i32 to index
        %get3A_309 = arith.index_cast %mul3A_306 : i32 to index
        %get3A_310 = tpu.vector_load %arg6[%get3A_308, %get3A_309] {strides = array<i32>} : memref<50x1024xf32, #tpu.memory_space<vmem>>, vector<1x16xf32>,
        %get3A_311 = vector.shape_cast %get3A_310 : vector<1x16xf32> to vector<16xf32>
        %gt3A_312 = arith.cmpf ogt, %get3A_311, %max3A_304 : vector<16xf32>
        %gt3A_313 = arith.cmpf ogt, %get3A_311, %max3A_303 : vector<16xf32>
        %jit3A_314 = arith.constant 7 : i32
        %broadcast_in_dim3A_315 = vector.broadcast %jit3A_314 : i32 to vector<16xi32>
        %select_n3A_316 = arith.select %gt3A_313, %broadcast_in_dim3A_315, %select_n3A_298 : vector<16xi1>, vector<16xi32>
        %select_n3A_317 = arith.select %gt3A_312, %select_n3A_301, %select_n3A_316 : vector<16xi1>, vector<16xi32>
        %jit3A_318 = arith.constant 7 : i32
        %broadcast_in_dim3A_319 = vector.broadcast %jit3A_318 : i32 to vector<16xi32>
        %select_n3A_320 = arith.select %gt3A_312, %broadcast_in_dim3A_319, %select_n3A_301 : vector<16xi1>, vector<16xi32>
        %min3A_321 = arith.minimumf %get3A_311, %max3A_304 : vector<16xf32>
        %max3A_322 = arith.maximumf %max3A_303, %min3A_321 : vector<16xf32>
        %max3A_323 = arith.maximumf %get3A_311, %max3A_304 : vector<16xf32>
        %mul3A_324 = arith.constant 16 : i32
        %mul3A_325 = arith.muli %scan3A_166, %mul3A_324 : i32
        %get3A_326 = arith.constant 8 : i32
        %get3A_327 = arith.index_cast %get3A_326 : i32 to index
        %get3A_328 = arith.index_cast %mul3A_325 : i32 to index
        %get3A_329 = tpu.vector_load %arg6[%get3A_327, %get3A_328] {strides = array<i32>} : memref<50x1024xf32, #tpu.memory_space<vmem>>, vector<1x16xf32>,
        %get3A_330 = vector.shape_cast %get3A_329 : vector<1x16xf32> to vector<16xf32>
        %gt3A_331 = arith.cmpf ogt, %get3A_330, %max3A_323 : vector<16xf32>
        %gt3A_332 = arith.cmpf ogt, %get3A_330, %max3A_322 : vector<16xf32>
        %jit3A_333 = arith.constant 8 : i32
        %broadcast_in_dim3A_334 = vector.broadcast %jit3A_333 : i32 to vector<16xi32>
        %select_n3A_335 = arith.select %gt3A_332, %broadcast_in_dim3A_334, %select_n3A_317 : vector<16xi1>, vector<16xi32>
        %select_n3A_336 = arith.select %gt3A_331, %select_n3A_320, %select_n3A_335 : vector<16xi1>, vector<16xi32>
        %jit3A_337 = arith.constant 8 : i32
        %broadcast_in_dim3A_338 = vector.broadcast %jit3A_337 : i32 to vector<16xi32>
        %select_n3A_339 = arith.select %gt3A_331, %broadcast_in_dim3A_338, %select_n3A_320 : vector<16xi1>, vector<16xi32>
        %min3A_340 = arith.minimumf %get3A_330, %max3A_323 : vector<16xf32>
        %max3A_341 = arith.maximumf %max3A_322, %min3A_340 : vector<16xf32>
        %max3A_342 = arith.maximumf %get3A_330, %max3A_323 : vector<16xf32>
        %mul3A_343 = arith.constant 16 : i32
        %mul3A_344 = arith.muli %scan3A_166, %mul3A_343 : i32
        %get3A_345 = arith.constant 9 : i32
        %get3A_346 = arith.index_cast %get3A_345 : i32 to index
        %get3A_347 = arith.index_cast %mul3A_344 : i32 to index
        %get3A_348 = tpu.vector_load %arg6[%get3A_346, %get3A_347] {strides = array<i32>} : memref<50x1024xf32, #tpu.memory_space<vmem>>, vector<1x16xf32>,
        %get3A_349 = vector.shape_cast %get3A_348 : vector<1x16xf32> to vector<16xf32>
        %gt3A_350 = arith.cmpf ogt, %get3A_349, %max3A_342 : vector<16xf32>
        %gt3A_351 = arith.cmpf ogt, %get3A_349, %max3A_341 : vector<16xf32>
        %jit3A_352 = arith.constant 9 : i32
        %broadcast_in_dim3A_353 = vector.broadcast %jit3A_352 : i32 to vector<16xi32>
        %select_n3A_354 = arith.select %gt3A_351, %broadcast_in_dim3A_353, %select_n3A_336 : vector<16xi1>, vector<16xi32>
        %select_n3A_355 = arith.select %gt3A_350, %select_n3A_339, %select_n3A_354 : vector<16xi1>, vector<16xi32>
        %jit3A_356 = arith.constant 9 : i32
        %broadcast_in_dim3A_357 = vector.broadcast %jit3A_356 : i32 to vector<16xi32>
        %select_n3A_358 = arith.select %gt3A_350, %broadcast_in_dim3A_357, %select_n3A_339 : vector<16xi1>, vector<16xi32>
        %min3A_359 = arith.minimumf %get3A_349, %max3A_342 : vector<16xf32>
        %max3A_360 = arith.maximumf %max3A_341, %min3A_359 : vector<16xf32>
        %max3A_361 = arith.maximumf %get3A_349, %max3A_342 : vector<16xf32>
        %mul3A_362 = arith.constant 16 : i32
        %mul3A_363 = arith.muli %scan3A_166, %mul3A_362 : i32
        %get3A_364 = arith.constant 10 : i32
        %get3A_365 = arith.index_cast %get3A_364 : i32 to index
        %get3A_366 = arith.index_cast %mul3A_363 : i32 to index
        %get3A_367 = tpu.vector_load %arg6[%get3A_365, %get3A_366] {strides = array<i32>} : memref<50x1024xf32, #tpu.memory_space<vmem>>, vector<1x16xf32>,
        %get3A_368 = vector.shape_cast %get3A_367 : vector<1x16xf32> to vector<16xf32>
        %gt3A_369 = arith.cmpf ogt, %get3A_368, %max3A_361 : vector<16xf32>
        %gt3A_370 = arith.cmpf ogt, %get3A_368, %max3A_360 : vector<16xf32>
        %jit3A_371 = arith.constant 10 : i32
        %broadcast_in_dim3A_372 = vector.broadcast %jit3A_371 : i32 to vector<16xi32>
        %select_n3A_373 = arith.select %gt3A_370, %broadcast_in_dim3A_372, %select_n3A_355 : vector<16xi1>, vector<16xi32>
        %select_n3A_374 = arith.select %gt3A_369, %select_n3A_358, %select_n3A_373 : vector<16xi1>, vector<16xi32>
        %jit3A_375 = arith.constant 10 : i32
        %broadcast_in_dim3A_376 = vector.broadcast %jit3A_375 : i32 to vector<16xi32>
        %select_n3A_377 = arith.select %gt3A_369, %broadcast_in_dim3A_376, %select_n3A_358 : vector<16xi1>, vector<16xi32>
        %min3A_378 = arith.minimumf %get3A_368, %max3A_361 : vector<16xf32>
        %max3A_379 = arith.maximumf %max3A_360, %min3A_378 : vector<16xf32>
        %max3A_380 = arith.maximumf %get3A_368, %max3A_361 : vector<16xf32>
        %mul3A_381 = arith.constant 16 : i32
        %mul3A_382 = arith.muli %scan3A_166, %mul3A_381 : i32
        %get3A_383 = arith.constant 11 : i32
        %get3A_384 = arith.index_cast %get3A_383 : i32 to index
        %get3A_385 = arith.index_cast %mul3A_382 : i32 to index
        %get3A_386 = tpu.vector_load %arg6[%get3A_384, %get3A_385] {strides = array<i32>} : memref<50x1024xf32, #tpu.memory_space<vmem>>, vector<1x16xf32>,
        %get3A_387 = vector.shape_cast %get3A_386 : vector<1x16xf32> to vector<16xf32>
        %gt3A_388 = arith.cmpf ogt, %get3A_387, %max3A_380 : vector<16xf32>
        %gt3A_389 = arith.cmpf ogt, %get3A_387, %max3A_379 : vector<16xf32>
        %jit3A_390 = arith.constant 11 : i32
        %broadcast_in_dim3A_391 = vector.broadcast %jit3A_390 : i32 to vector<16xi32>
        %select_n3A_392 = arith.select %gt3A_389, %broadcast_in_dim3A_391, %select_n3A_374 : vector<16xi1>, vector<16xi32>
        %select_n3A_393 = arith.select %gt3A_388, %select_n3A_377, %select_n3A_392 : vector<16xi1>, vector<16xi32>
        %jit3A_394 = arith.constant 11 : i32
        %broadcast_in_dim3A_395 = vector.broadcast %jit3A_394 : i32 to vector<16xi32>
        %select_n3A_396 = arith.select %gt3A_388, %broadcast_in_dim3A_395, %select_n3A_377 : vector<16xi1>, vector<16xi32>
        %min3A_397 = arith.minimumf %get3A_387, %max3A_380 : vector<16xf32>
        %max3A_398 = arith.maximumf %max3A_379, %min3A_397 : vector<16xf32>
        %max3A_399 = arith.maximumf %get3A_387, %max3A_380 : vector<16xf32>
        %mul3A_400 = arith.constant 16 : i32
        %mul3A_401 = arith.muli %scan3A_166, %mul3A_400 : i32
        %get3A_402 = arith.constant 12 : i32
        %get3A_403 = arith.index_cast %get3A_402 : i32 to index
        %get3A_404 = arith.index_cast %mul3A_401 : i32 to index
        %get3A_405 = tpu.vector_load %arg6[%get3A_403, %get3A_404] {strides = array<i32>} : memref<50x1024xf32, #tpu.memory_space<vmem>>, vector<1x16xf32>,
        %get3A_406 = vector.shape_cast %get3A_405 : vector<1x16xf32> to vector<16xf32>
        %gt3A_407 = arith.cmpf ogt, %get3A_406, %max3A_399 : vector<16xf32>
        %gt3A_408 = arith.cmpf ogt, %get3A_406, %max3A_398 : vector<16xf32>
        %jit3A_409 = arith.constant 12 : i32
        %broadcast_in_dim3A_410 = vector.broadcast %jit3A_409 : i32 to vector<16xi32>
        %select_n3A_411 = arith.select %gt3A_408, %broadcast_in_dim3A_410, %select_n3A_393 : vector<16xi1>, vector<16xi32>
        %select_n3A_412 = arith.select %gt3A_407, %select_n3A_396, %select_n3A_411 : vector<16xi1>, vector<16xi32>
        %jit3A_413 = arith.constant 12 : i32
        %broadcast_in_dim3A_414 = vector.broadcast %jit3A_413 : i32 to vector<16xi32>
        %select_n3A_415 = arith.select %gt3A_407, %broadcast_in_dim3A_414, %select_n3A_396 : vector<16xi1>, vector<16xi32>
        %min3A_416 = arith.minimumf %get3A_406, %max3A_399 : vector<16xf32>
        %max3A_417 = arith.maximumf %max3A_398, %min3A_416 : vector<16xf32>
        %max3A_418 = arith.maximumf %get3A_406, %max3A_399 : vector<16xf32>
        %mul3A_419 = arith.constant 16 : i32
        %mul3A_420 = arith.muli %scan3A_166, %mul3A_419 : i32
        %get3A_421 = arith.constant 13 : i32
        %get3A_422 = arith.index_cast %get3A_421 : i32 to index
        %get3A_423 = arith.index_cast %mul3A_420 : i32 to index
        %get3A_424 = tpu.vector_load %arg6[%get3A_422, %get3A_423] {strides = array<i32>} : memref<50x1024xf32, #tpu.memory_space<vmem>>, vector<1x16xf32>,
        %get3A_425 = vector.shape_cast %get3A_424 : vector<1x16xf32> to vector<16xf32>
        %gt3A_426 = arith.cmpf ogt, %get3A_425, %max3A_418 : vector<16xf32>
        %gt3A_427 = arith.cmpf ogt, %get3A_425, %max3A_417 : vector<16xf32>
        %jit3A_428 = arith.constant 13 : i32
        %broadcast_in_dim3A_429 = vector.broadcast %jit3A_428 : i32 to vector<16xi32>
        %select_n3A_430 = arith.select %gt3A_427, %broadcast_in_dim3A_429, %select_n3A_412 : vector<16xi1>, vector<16xi32>
        %select_n3A_431 = arith.select %gt3A_426, %select_n3A_415, %select_n3A_430 : vector<16xi1>, vector<16xi32>
        %jit3A_432 = arith.constant 13 : i32
        %broadcast_in_dim3A_433 = vector.broadcast %jit3A_432 : i32 to vector<16xi32>
        %select_n3A_434 = arith.select %gt3A_426, %broadcast_in_dim3A_433, %select_n3A_415 : vector<16xi1>, vector<16xi32>
        %min3A_435 = arith.minimumf %get3A_425, %max3A_418 : vector<16xf32>
        %max3A_436 = arith.maximumf %max3A_417, %min3A_435 : vector<16xf32>
        %max3A_437 = arith.maximumf %get3A_425, %max3A_418 : vector<16xf32>
        %mul3A_438 = arith.constant 16 : i32
        %mul3A_439 = arith.muli %scan3A_166, %mul3A_438 : i32
        %get3A_440 = arith.constant 14 : i32
        %get3A_441 = arith.index_cast %get3A_440 : i32 to index
        %get3A_442 = arith.index_cast %mul3A_439 : i32 to index
        %get3A_443 = tpu.vector_load %arg6[%get3A_441, %get3A_442] {strides = array<i32>} : memref<50x1024xf32, #tpu.memory_space<vmem>>, vector<1x16xf32>,
        %get3A_444 = vector.shape_cast %get3A_443 : vector<1x16xf32> to vector<16xf32>
        %gt3A_445 = arith.cmpf ogt, %get3A_444, %max3A_437 : vector<16xf32>
        %gt3A_446 = arith.cmpf ogt, %get3A_444, %max3A_436 : vector<16xf32>
        %jit3A_447 = arith.constant 14 : i32
        %broadcast_in_dim3A_448 = vector.broadcast %jit3A_447 : i32 to vector<16xi32>
        %select_n3A_449 = arith.select %gt3A_446, %broadcast_in_dim3A_448, %select_n3A_431 : vector<16xi1>, vector<16xi32>
        %select_n3A_450 = arith.select %gt3A_445, %select_n3A_434, %select_n3A_449 : vector<16xi1>, vector<16xi32>
        %jit3A_451 = arith.constant 14 : i32
        %broadcast_in_dim3A_452 = vector.broadcast %jit3A_451 : i32 to vector<16xi32>
        %select_n3A_453 = arith.select %gt3A_445, %broadcast_in_dim3A_452, %select_n3A_434 : vector<16xi1>, vector<16xi32>
        %min3A_454 = arith.minimumf %get3A_444, %max3A_437 : vector<16xf32>
        %max3A_455 = arith.maximumf %max3A_436, %min3A_454 : vector<16xf32>
        %max3A_456 = arith.maximumf %get3A_444, %max3A_437 : vector<16xf32>
        %mul3A_457 = arith.constant 16 : i32
        %mul3A_458 = arith.muli %scan3A_166, %mul3A_457 : i32
        %get3A_459 = arith.constant 15 : i32
        %get3A_460 = arith.index_cast %get3A_459 : i32 to index
        %get3A_461 = arith.index_cast %mul3A_458 : i32 to index
        %get3A_462 = tpu.vector_load %arg6[%get3A_460, %get3A_461] {strides = array<i32>} : memref<50x1024xf32, #tpu.memory_space<vmem>>, vector<1x16xf32>,
        %get3A_463 = vector.shape_cast %get3A_462 : vector<1x16xf32> to vector<16xf32>
        %gt3A_464 = arith.cmpf ogt, %get3A_463, %max3A_456 : vector<16xf32>
        %gt3A_465 = arith.cmpf ogt, %get3A_463, %max3A_455 : vector<16xf32>
        %jit3A_466 = arith.constant 15 : i32
        %broadcast_in_dim3A_467 = vector.broadcast %jit3A_466 : i32 to vector<16xi32>
        %select_n3A_468 = arith.select %gt3A_465, %broadcast_in_dim3A_467, %select_n3A_450 : vector<16xi1>, vector<16xi32>
        %select_n3A_469 = arith.select %gt3A_464, %select_n3A_453, %select_n3A_468 : vector<16xi1>, vector<16xi32>
        %jit3A_470 = arith.constant 15 : i32
        %broadcast_in_dim3A_471 = vector.broadcast %jit3A_470 : i32 to vector<16xi32>
        %select_n3A_472 = arith.select %gt3A_464, %broadcast_in_dim3A_471, %select_n3A_453 : vector<16xi1>, vector<16xi32>
        %min3A_473 = arith.minimumf %get3A_463, %max3A_456 : vector<16xf32>
        %max3A_474 = arith.maximumf %max3A_455, %min3A_473 : vector<16xf32>
        %max3A_475 = arith.maximumf %get3A_463, %max3A_456 : vector<16xf32>
        %mul3A_476 = arith.constant 16 : i32
        %mul3A_477 = arith.muli %scan3A_166, %mul3A_476 : i32
        %get3A_478 = arith.constant 16 : i32
        %get3A_479 = arith.index_cast %get3A_478 : i32 to index
        %get3A_480 = arith.index_cast %mul3A_477 : i32 to index
        %get3A_481 = tpu.vector_load %arg6[%get3A_479, %get3A_480] {strides = array<i32>} : memref<50x1024xf32, #tpu.memory_space<vmem>>, vector<1x16xf32>,
        %get3A_482 = vector.shape_cast %get3A_481 : vector<1x16xf32> to vector<16xf32>
        %gt3A_483 = arith.cmpf ogt, %get3A_482, %max3A_475 : vector<16xf32>
        %gt3A_484 = arith.cmpf ogt, %get3A_482, %max3A_474 : vector<16xf32>
        %jit3A_485 = arith.constant 16 : i32
        %broadcast_in_dim3A_486 = vector.broadcast %jit3A_485 : i32 to vector<16xi32>
        %select_n3A_487 = arith.select %gt3A_484, %broadcast_in_dim3A_486, %select_n3A_469 : vector<16xi1>, vector<16xi32>
        %select_n3A_488 = arith.select %gt3A_483, %select_n3A_472, %select_n3A_487 : vector<16xi1>, vector<16xi32>
        %jit3A_489 = arith.constant 16 : i32
        %broadcast_in_dim3A_490 = vector.broadcast %jit3A_489 : i32 to vector<16xi32>
        %select_n3A_491 = arith.select %gt3A_483, %broadcast_in_dim3A_490, %select_n3A_472 : vector<16xi1>, vector<16xi32>
        %min3A_492 = arith.minimumf %get3A_482, %max3A_475 : vector<16xf32>
        %max3A_493 = arith.maximumf %max3A_474, %min3A_492 : vector<16xf32>
        %max3A_494 = arith.maximumf %get3A_482, %max3A_475 : vector<16xf32>
        %mul3A_495 = arith.constant 16 : i32
        %mul3A_496 = arith.muli %scan3A_166, %mul3A_495 : i32
        %get3A_497 = arith.constant 17 : i32
        %get3A_498 = arith.index_cast %get3A_497 : i32 to index
        %get3A_499 = arith.index_cast %mul3A_496 : i32 to index
        %get3A_500 = tpu.vector_load %arg6[%get3A_498, %get3A_499] {strides = array<i32>} : memref<50x1024xf32, #tpu.memory_space<vmem>>, vector<1x16xf32>,
        %get3A_501 = vector.shape_cast %get3A_500 : vector<1x16xf32> to vector<16xf32>
        %gt3A_502 = arith.cmpf ogt, %get3A_501, %max3A_494 : vector<16xf32>
        %gt3A_503 = arith.cmpf ogt, %get3A_501, %max3A_493 : vector<16xf32>
        %jit3A_504 = arith.constant 17 : i32
        %broadcast_in_dim3A_505 = vector.broadcast %jit3A_504 : i32 to vector<16xi32>
        %select_n3A_506 = arith.select %gt3A_503, %broadcast_in_dim3A_505, %select_n3A_488 : vector<16xi1>, vector<16xi32>
        %select_n3A_507 = arith.select %gt3A_502, %select_n3A_491, %select_n3A_506 : vector<16xi1>, vector<16xi32>
        %jit3A_508 = arith.constant 17 : i32
        %broadcast_in_dim3A_509 = vector.broadcast %jit3A_508 : i32 to vector<16xi32>
        %select_n3A_510 = arith.select %gt3A_502, %broadcast_in_dim3A_509, %select_n3A_491 : vector<16xi1>, vector<16xi32>
        %min3A_511 = arith.minimumf %get3A_501, %max3A_494 : vector<16xf32>
        %max3A_512 = arith.maximumf %max3A_493, %min3A_511 : vector<16xf32>
        %max3A_513 = arith.maximumf %get3A_501, %max3A_494 : vector<16xf32>
        %mul3A_514 = arith.constant 16 : i32
        %mul3A_515 = arith.muli %scan3A_166, %mul3A_514 : i32
        %get3A_516 = arith.constant 18 : i32
        %get3A_517 = arith.index_cast %get3A_516 : i32 to index
        %get3A_518 = arith.index_cast %mul3A_515 : i32 to index
        %get3A_519 = tpu.vector_load %arg6[%get3A_517, %get3A_518] {strides = array<i32>} : memref<50x1024xf32, #tpu.memory_space<vmem>>, vector<1x16xf32>,
        %get3A_520 = vector.shape_cast %get3A_519 : vector<1x16xf32> to vector<16xf32>
        %gt3A_521 = arith.cmpf ogt, %get3A_520, %max3A_513 : vector<16xf32>
        %gt3A_522 = arith.cmpf ogt, %get3A_520, %max3A_512 : vector<16xf32>
        %jit3A_523 = arith.constant 18 : i32
        %broadcast_in_dim3A_524 = vector.broadcast %jit3A_523 : i32 to vector<16xi32>
        %select_n3A_525 = arith.select %gt3A_522, %broadcast_in_dim3A_524, %select_n3A_507 : vector<16xi1>, vector<16xi32>
        %select_n3A_526 = arith.select %gt3A_521, %select_n3A_510, %select_n3A_525 : vector<16xi1>, vector<16xi32>
        %jit3A_527 = arith.constant 18 : i32
        %broadcast_in_dim3A_528 = vector.broadcast %jit3A_527 : i32 to vector<16xi32>
        %select_n3A_529 = arith.select %gt3A_521, %broadcast_in_dim3A_528, %select_n3A_510 : vector<16xi1>, vector<16xi32>
        %min3A_530 = arith.minimumf %get3A_520, %max3A_513 : vector<16xf32>
        %max3A_531 = arith.maximumf %max3A_512, %min3A_530 : vector<16xf32>
        %max3A_532 = arith.maximumf %get3A_520, %max3A_513 : vector<16xf32>
        %mul3A_533 = arith.constant 16 : i32
        %mul3A_534 = arith.muli %scan3A_166, %mul3A_533 : i32
        %get3A_535 = arith.constant 19 : i32
        %get3A_536 = arith.index_cast %get3A_535 : i32 to index
        %get3A_537 = arith.index_cast %mul3A_534 : i32 to index
        %get3A_538 = tpu.vector_load %arg6[%get3A_536, %get3A_537] {strides = array<i32>} : memref<50x1024xf32, #tpu.memory_space<vmem>>, vector<1x16xf32>,
        %get3A_539 = vector.shape_cast %get3A_538 : vector<1x16xf32> to vector<16xf32>
        %gt3A_540 = arith.cmpf ogt, %get3A_539, %max3A_532 : vector<16xf32>
        %gt3A_541 = arith.cmpf ogt, %get3A_539, %max3A_531 : vector<16xf32>
        %jit3A_542 = arith.constant 19 : i32
        %broadcast_in_dim3A_543 = vector.broadcast %jit3A_542 : i32 to vector<16xi32>
        %select_n3A_544 = arith.select %gt3A_541, %broadcast_in_dim3A_543, %select_n3A_526 : vector<16xi1>, vector<16xi32>
        %select_n3A_545 = arith.select %gt3A_540, %select_n3A_529, %select_n3A_544 : vector<16xi1>, vector<16xi32>
        %jit3A_546 = arith.constant 19 : i32
        %broadcast_in_dim3A_547 = vector.broadcast %jit3A_546 : i32 to vector<16xi32>
        %select_n3A_548 = arith.select %gt3A_540, %broadcast_in_dim3A_547, %select_n3A_529 : vector<16xi1>, vector<16xi32>
        %min3A_549 = arith.minimumf %get3A_539, %max3A_532 : vector<16xf32>
        %max3A_550 = arith.maximumf %max3A_531, %min3A_549 : vector<16xf32>
        %max3A_551 = arith.maximumf %get3A_539, %max3A_532 : vector<16xf32>
        %mul3A_552 = arith.constant 16 : i32
        %mul3A_553 = arith.muli %scan3A_166, %mul3A_552 : i32
        %get3A_554 = arith.constant 20 : i32
        %get3A_555 = arith.index_cast %get3A_554 : i32 to index
        %get3A_556 = arith.index_cast %mul3A_553 : i32 to index
        %get3A_557 = tpu.vector_load %arg6[%get3A_555, %get3A_556] {strides = array<i32>} : memref<50x1024xf32, #tpu.memory_space<vmem>>, vector<1x16xf32>,
        %get3A_558 = vector.shape_cast %get3A_557 : vector<1x16xf32> to vector<16xf32>
        %gt3A_559 = arith.cmpf ogt, %get3A_558, %max3A_551 : vector<16xf32>
        %gt3A_560 = arith.cmpf ogt, %get3A_558, %max3A_550 : vector<16xf32>
        %jit3A_561 = arith.constant 20 : i32
        %broadcast_in_dim3A_562 = vector.broadcast %jit3A_561 : i32 to vector<16xi32>
        %select_n3A_563 = arith.select %gt3A_560, %broadcast_in_dim3A_562, %select_n3A_545 : vector<16xi1>, vector<16xi32>
        %select_n3A_564 = arith.select %gt3A_559, %select_n3A_548, %select_n3A_563 : vector<16xi1>, vector<16xi32>
        %jit3A_565 = arith.constant 20 : i32
        %broadcast_in_dim3A_566 = vector.broadcast %jit3A_565 : i32 to vector<16xi32>
        %select_n3A_567 = arith.select %gt3A_559, %broadcast_in_dim3A_566, %select_n3A_548 : vector<16xi1>, vector<16xi32>
        %min3A_568 = arith.minimumf %get3A_558, %max3A_551 : vector<16xf32>
        %max3A_569 = arith.maximumf %max3A_550, %min3A_568 : vector<16xf32>
        %max3A_570 = arith.maximumf %get3A_558, %max3A_551 : vector<16xf32>
        %mul3A_571 = arith.constant 16 : i32
        %mul3A_572 = arith.muli %scan3A_166, %mul3A_571 : i32
        %get3A_573 = arith.constant 21 : i32
        %get3A_574 = arith.index_cast %get3A_573 : i32 to index
        %get3A_575 = arith.index_cast %mul3A_572 : i32 to index
        %get3A_576 = tpu.vector_load %arg6[%get3A_574, %get3A_575] {strides = array<i32>} : memref<50x1024xf32, #tpu.memory_space<vmem>>, vector<1x16xf32>,
        %get3A_577 = vector.shape_cast %get3A_576 : vector<1x16xf32> to vector<16xf32>
        %gt3A_578 = arith.cmpf ogt, %get3A_577, %max3A_570 : vector<16xf32>
        %gt3A_579 = arith.cmpf ogt, %get3A_577, %max3A_569 : vector<16xf32>
        %jit3A_580 = arith.constant 21 : i32
        %broadcast_in_dim3A_581 = vector.broadcast %jit3A_580 : i32 to vector<16xi32>
        %select_n3A_582 = arith.select %gt3A_579, %broadcast_in_dim3A_581, %select_n3A_564 : vector<16xi1>, vector<16xi32>
        %select_n3A_583 = arith.select %gt3A_578, %select_n3A_567, %select_n3A_582 : vector<16xi1>, vector<16xi32>
        %jit3A_584 = arith.constant 21 : i32
        %broadcast_in_dim3A_585 = vector.broadcast %jit3A_584 : i32 to vector<16xi32>
        %select_n3A_586 = arith.select %gt3A_578, %broadcast_in_dim3A_585, %select_n3A_567 : vector<16xi1>, vector<16xi32>
        %min3A_587 = arith.minimumf %get3A_577, %max3A_570 : vector<16xf32>
        %max3A_588 = arith.maximumf %max3A_569, %min3A_587 : vector<16xf32>
        %max3A_589 = arith.maximumf %get3A_577, %max3A_570 : vector<16xf32>
        %mul3A_590 = arith.constant 16 : i32
        %mul3A_591 = arith.muli %scan3A_166, %mul3A_590 : i32
        %get3A_592 = arith.constant 22 : i32
        %get3A_593 = arith.index_cast %get3A_592 : i32 to index
        %get3A_594 = arith.index_cast %mul3A_591 : i32 to index
        %get3A_595 = tpu.vector_load %arg6[%get3A_593, %get3A_594] {strides = array<i32>} : memref<50x1024xf32, #tpu.memory_space<vmem>>, vector<1x16xf32>,
        %get3A_596 = vector.shape_cast %get3A_595 : vector<1x16xf32> to vector<16xf32>
        %gt3A_597 = arith.cmpf ogt, %get3A_596, %max3A_589 : vector<16xf32>
        %gt3A_598 = arith.cmpf ogt, %get3A_596, %max3A_588 : vector<16xf32>
        %jit3A_599 = arith.constant 22 : i32
        %broadcast_in_dim3A_600 = vector.broadcast %jit3A_599 : i32 to vector<16xi32>
        %select_n3A_601 = arith.select %gt3A_598, %broadcast_in_dim3A_600, %select_n3A_583 : vector<16xi1>, vector<16xi32>
        %select_n3A_602 = arith.select %gt3A_597, %select_n3A_586, %select_n3A_601 : vector<16xi1>, vector<16xi32>
        %jit3A_603 = arith.constant 22 : i32
        %broadcast_in_dim3A_604 = vector.broadcast %jit3A_603 : i32 to vector<16xi32>
        %select_n3A_605 = arith.select %gt3A_597, %broadcast_in_dim3A_604, %select_n3A_586 : vector<16xi1>, vector<16xi32>
        %min3A_606 = arith.minimumf %get3A_596, %max3A_589 : vector<16xf32>
        %max3A_607 = arith.maximumf %max3A_588, %min3A_606 : vector<16xf32>
        %max3A_608 = arith.maximumf %get3A_596, %max3A_589 : vector<16xf32>
        %mul3A_609 = arith.constant 16 : i32
        %mul3A_610 = arith.muli %scan3A_166, %mul3A_609 : i32
        %get3A_611 = arith.constant 23 : i32
        %get3A_612 = arith.index_cast %get3A_611 : i32 to index
        %get3A_613 = arith.index_cast %mul3A_610 : i32 to index
        %get3A_614 = tpu.vector_load %arg6[%get3A_612, %get3A_613] {strides = array<i32>} : memref<50x1024xf32, #tpu.memory_space<vmem>>, vector<1x16xf32>,
        %get3A_615 = vector.shape_cast %get3A_614 : vector<1x16xf32> to vector<16xf32>
        %gt3A_616 = arith.cmpf ogt, %get3A_615, %max3A_608 : vector<16xf32>
        %gt3A_617 = arith.cmpf ogt, %get3A_615, %max3A_607 : vector<16xf32>
        %jit3A_618 = arith.constant 23 : i32
        %broadcast_in_dim3A_619 = vector.broadcast %jit3A_618 : i32 to vector<16xi32>
        %select_n3A_620 = arith.select %gt3A_617, %broadcast_in_dim3A_619, %select_n3A_602 : vector<16xi1>, vector<16xi32>
        %select_n3A_621 = arith.select %gt3A_616, %select_n3A_605, %select_n3A_620 : vector<16xi1>, vector<16xi32>
        %jit3A_622 = arith.constant 23 : i32
        %broadcast_in_dim3A_623 = vector.broadcast %jit3A_622 : i32 to vector<16xi32>
        %select_n3A_624 = arith.select %gt3A_616, %broadcast_in_dim3A_623, %select_n3A_605 : vector<16xi1>, vector<16xi32>
        %min3A_625 = arith.minimumf %get3A_615, %max3A_608 : vector<16xf32>
        %max3A_626 = arith.maximumf %max3A_607, %min3A_625 : vector<16xf32>
        %max3A_627 = arith.maximumf %get3A_615, %max3A_608 : vector<16xf32>
        %mul3A_628 = arith.constant 16 : i32
        %mul3A_629 = arith.muli %scan3A_166, %mul3A_628 : i32
        %get3A_630 = arith.constant 24 : i32
        %get3A_631 = arith.index_cast %get3A_630 : i32 to index
        %get3A_632 = arith.index_cast %mul3A_629 : i32 to index
        %get3A_633 = tpu.vector_load %arg6[%get3A_631, %get3A_632] {strides = array<i32>} : memref<50x1024xf32, #tpu.memory_space<vmem>>, vector<1x16xf32>,
        %get3A_634 = vector.shape_cast %get3A_633 : vector<1x16xf32> to vector<16xf32>
        %gt3A_635 = arith.cmpf ogt, %get3A_634, %max3A_627 : vector<16xf32>
        %gt3A_636 = arith.cmpf ogt, %get3A_634, %max3A_626 : vector<16xf32>
        %jit3A_637 = arith.constant 24 : i32
        %broadcast_in_dim3A_638 = vector.broadcast %jit3A_637 : i32 to vector<16xi32>
        %select_n3A_639 = arith.select %gt3A_636, %broadcast_in_dim3A_638, %select_n3A_621 : vector<16xi1>, vector<16xi32>
        %select_n3A_640 = arith.select %gt3A_635, %select_n3A_624, %select_n3A_639 : vector<16xi1>, vector<16xi32>
        %jit3A_641 = arith.constant 24 : i32
        %broadcast_in_dim3A_642 = vector.broadcast %jit3A_641 : i32 to vector<16xi32>
        %select_n3A_643 = arith.select %gt3A_635, %broadcast_in_dim3A_642, %select_n3A_624 : vector<16xi1>, vector<16xi32>
        %min3A_644 = arith.minimumf %get3A_634, %max3A_627 : vector<16xf32>
        %max3A_645 = arith.maximumf %max3A_626, %min3A_644 : vector<16xf32>
        %max3A_646 = arith.maximumf %get3A_634, %max3A_627 : vector<16xf32>
        %mul3A_647 = arith.constant 16 : i32
        %mul3A_648 = arith.muli %scan3A_166, %mul3A_647 : i32
        %get3A_649 = arith.constant 25 : i32
        %get3A_650 = arith.index_cast %get3A_649 : i32 to index
        %get3A_651 = arith.index_cast %mul3A_648 : i32 to index
        %get3A_652 = tpu.vector_load %arg6[%get3A_650, %get3A_651] {strides = array<i32>} : memref<50x1024xf32, #tpu.memory_space<vmem>>, vector<1x16xf32>,
        %get3A_653 = vector.shape_cast %get3A_652 : vector<1x16xf32> to vector<16xf32>
        %gt3A_654 = arith.cmpf ogt, %get3A_653, %max3A_646 : vector<16xf32>
        %gt3A_655 = arith.cmpf ogt, %get3A_653, %max3A_645 : vector<16xf32>
        %jit3A_656 = arith.constant 25 : i32
        %broadcast_in_dim3A_657 = vector.broadcast %jit3A_656 : i32 to vector<16xi32>
        %select_n3A_658 = arith.select %gt3A_655, %broadcast_in_dim3A_657, %select_n3A_640 : vector<16xi1>, vector<16xi32>
        %select_n3A_659 = arith.select %gt3A_654, %select_n3A_643, %select_n3A_658 : vector<16xi1>, vector<16xi32>
        %jit3A_660 = arith.constant 25 : i32
        %broadcast_in_dim3A_661 = vector.broadcast %jit3A_660 : i32 to vector<16xi32>
        %select_n3A_662 = arith.select %gt3A_654, %broadcast_in_dim3A_661, %select_n3A_643 : vector<16xi1>, vector<16xi32>
        %min3A_663 = arith.minimumf %get3A_653, %max3A_646 : vector<16xf32>
        %max3A_664 = arith.maximumf %max3A_645, %min3A_663 : vector<16xf32>
        %max3A_665 = arith.maximumf %get3A_653, %max3A_646 : vector<16xf32>
        %mul3A_666 = arith.constant 16 : i32
        %mul3A_667 = arith.muli %scan3A_166, %mul3A_666 : i32
        %get3A_668 = arith.constant 26 : i32
        %get3A_669 = arith.index_cast %get3A_668 : i32 to index
        %get3A_670 = arith.index_cast %mul3A_667 : i32 to index
        %get3A_671 = tpu.vector_load %arg6[%get3A_669, %get3A_670] {strides = array<i32>} : memref<50x1024xf32, #tpu.memory_space<vmem>>, vector<1x16xf32>,
        %get3A_672 = vector.shape_cast %get3A_671 : vector<1x16xf32> to vector<16xf32>
        %gt3A_673 = arith.cmpf ogt, %get3A_672, %max3A_665 : vector<16xf32>
        %gt3A_674 = arith.cmpf ogt, %get3A_672, %max3A_664 : vector<16xf32>
        %jit3A_675 = arith.constant 26 : i32
        %broadcast_in_dim3A_676 = vector.broadcast %jit3A_675 : i32 to vector<16xi32>
        %select_n3A_677 = arith.select %gt3A_674, %broadcast_in_dim3A_676, %select_n3A_659 : vector<16xi1>, vector<16xi32>
        %select_n3A_678 = arith.select %gt3A_673, %select_n3A_662, %select_n3A_677 : vector<16xi1>, vector<16xi32>
        %jit3A_679 = arith.constant 26 : i32
        %broadcast_in_dim3A_680 = vector.broadcast %jit3A_679 : i32 to vector<16xi32>
        %select_n3A_681 = arith.select %gt3A_673, %broadcast_in_dim3A_680, %select_n3A_662 : vector<16xi1>, vector<16xi32>
        %min3A_682 = arith.minimumf %get3A_672, %max3A_665 : vector<16xf32>
        %max3A_683 = arith.maximumf %max3A_664, %min3A_682 : vector<16xf32>
        %max3A_684 = arith.maximumf %get3A_672, %max3A_665 : vector<16xf32>
        %mul3A_685 = arith.constant 16 : i32
        %mul3A_686 = arith.muli %scan3A_166, %mul3A_685 : i32
        %get3A_687 = arith.constant 27 : i32
        %get3A_688 = arith.index_cast %get3A_687 : i32 to index
        %get3A_689 = arith.index_cast %mul3A_686 : i32 to index
        %get3A_690 = tpu.vector_load %arg6[%get3A_688, %get3A_689] {strides = array<i32>} : memref<50x1024xf32, #tpu.memory_space<vmem>>, vector<1x16xf32>,
        %get3A_691 = vector.shape_cast %get3A_690 : vector<1x16xf32> to vector<16xf32>
        %gt3A_692 = arith.cmpf ogt, %get3A_691, %max3A_684 : vector<16xf32>
        %gt3A_693 = arith.cmpf ogt, %get3A_691, %max3A_683 : vector<16xf32>
        %jit3A_694 = arith.constant 27 : i32
        %broadcast_in_dim3A_695 = vector.broadcast %jit3A_694 : i32 to vector<16xi32>
        %select_n3A_696 = arith.select %gt3A_693, %broadcast_in_dim3A_695, %select_n3A_678 : vector<16xi1>, vector<16xi32>
        %select_n3A_697 = arith.select %gt3A_692, %select_n3A_681, %select_n3A_696 : vector<16xi1>, vector<16xi32>
        %jit3A_698 = arith.constant 27 : i32
        %broadcast_in_dim3A_699 = vector.broadcast %jit3A_698 : i32 to vector<16xi32>
        %select_n3A_700 = arith.select %gt3A_692, %broadcast_in_dim3A_699, %select_n3A_681 : vector<16xi1>, vector<16xi32>
        %min3A_701 = arith.minimumf %get3A_691, %max3A_684 : vector<16xf32>
        %max3A_702 = arith.maximumf %max3A_683, %min3A_701 : vector<16xf32>
        %max3A_703 = arith.maximumf %get3A_691, %max3A_684 : vector<16xf32>
        %mul3A_704 = arith.constant 16 : i32
        %mul3A_705 = arith.muli %scan3A_166, %mul3A_704 : i32
        %get3A_706 = arith.constant 28 : i32
        %get3A_707 = arith.index_cast %get3A_706 : i32 to index
        %get3A_708 = arith.index_cast %mul3A_705 : i32 to index
        %get3A_709 = tpu.vector_load %arg6[%get3A_707, %get3A_708] {strides = array<i32>} : memref<50x1024xf32, #tpu.memory_space<vmem>>, vector<1x16xf32>,
        %get3A_710 = vector.shape_cast %get3A_709 : vector<1x16xf32> to vector<16xf32>
        %gt3A_711 = arith.cmpf ogt, %get3A_710, %max3A_703 : vector<16xf32>
        %gt3A_712 = arith.cmpf ogt, %get3A_710, %max3A_702 : vector<16xf32>
        %jit3A_713 = arith.constant 28 : i32
        %broadcast_in_dim3A_714 = vector.broadcast %jit3A_713 : i32 to vector<16xi32>
        %select_n3A_715 = arith.select %gt3A_712, %broadcast_in_dim3A_714, %select_n3A_697 : vector<16xi1>, vector<16xi32>
        %select_n3A_716 = arith.select %gt3A_711, %select_n3A_700, %select_n3A_715 : vector<16xi1>, vector<16xi32>
        %jit3A_717 = arith.constant 28 : i32
        %broadcast_in_dim3A_718 = vector.broadcast %jit3A_717 : i32 to vector<16xi32>
        %select_n3A_719 = arith.select %gt3A_711, %broadcast_in_dim3A_718, %select_n3A_700 : vector<16xi1>, vector<16xi32>
        %min3A_720 = arith.minimumf %get3A_710, %max3A_703 : vector<16xf32>
        %max3A_721 = arith.maximumf %max3A_702, %min3A_720 : vector<16xf32>
        %max3A_722 = arith.maximumf %get3A_710, %max3A_703 : vector<16xf32>
        %mul3A_723 = arith.constant 16 : i32
        %mul3A_724 = arith.muli %scan3A_166, %mul3A_723 : i32
        %get3A_725 = arith.constant 29 : i32
        %get3A_726 = arith.index_cast %get3A_725 : i32 to index
        %get3A_727 = arith.index_cast %mul3A_724 : i32 to index
        %get3A_728 = tpu.vector_load %arg6[%get3A_726, %get3A_727] {strides = array<i32>} : memref<50x1024xf32, #tpu.memory_space<vmem>>, vector<1x16xf32>,
        %get3A_729 = vector.shape_cast %get3A_728 : vector<1x16xf32> to vector<16xf32>
        %gt3A_730 = arith.cmpf ogt, %get3A_729, %max3A_722 : vector<16xf32>
        %gt3A_731 = arith.cmpf ogt, %get3A_729, %max3A_721 : vector<16xf32>
        %jit3A_732 = arith.constant 29 : i32
        %broadcast_in_dim3A_733 = vector.broadcast %jit3A_732 : i32 to vector<16xi32>
        %select_n3A_734 = arith.select %gt3A_731, %broadcast_in_dim3A_733, %select_n3A_716 : vector<16xi1>, vector<16xi32>
        %select_n3A_735 = arith.select %gt3A_730, %select_n3A_719, %select_n3A_734 : vector<16xi1>, vector<16xi32>
        %jit3A_736 = arith.constant 29 : i32
        %broadcast_in_dim3A_737 = vector.broadcast %jit3A_736 : i32 to vector<16xi32>
        %select_n3A_738 = arith.select %gt3A_730, %broadcast_in_dim3A_737, %select_n3A_719 : vector<16xi1>, vector<16xi32>
        %min3A_739 = arith.minimumf %get3A_729, %max3A_722 : vector<16xf32>
        %max3A_740 = arith.maximumf %max3A_721, %min3A_739 : vector<16xf32>
        %max3A_741 = arith.maximumf %get3A_729, %max3A_722 : vector<16xf32>
        %mul3A_742 = arith.constant 16 : i32
        %mul3A_743 = arith.muli %scan3A_166, %mul3A_742 : i32
        %get3A_744 = arith.constant 30 : i32
        %get3A_745 = arith.index_cast %get3A_744 : i32 to index
        %get3A_746 = arith.index_cast %mul3A_743 : i32 to index
        %get3A_747 = tpu.vector_load %arg6[%get3A_745, %get3A_746] {strides = array<i32>} : memref<50x1024xf32, #tpu.memory_space<vmem>>, vector<1x16xf32>,
        %get3A_748 = vector.shape_cast %get3A_747 : vector<1x16xf32> to vector<16xf32>
        %gt3A_749 = arith.cmpf ogt, %get3A_748, %max3A_741 : vector<16xf32>
        %gt3A_750 = arith.cmpf ogt, %get3A_748, %max3A_740 : vector<16xf32>
        %jit3A_751 = arith.constant 30 : i32
        %broadcast_in_dim3A_752 = vector.broadcast %jit3A_751 : i32 to vector<16xi32>
        %select_n3A_753 = arith.select %gt3A_750, %broadcast_in_dim3A_752, %select_n3A_735 : vector<16xi1>, vector<16xi32>
        %select_n3A_754 = arith.select %gt3A_749, %select_n3A_738, %select_n3A_753 : vector<16xi1>, vector<16xi32>
        %jit3A_755 = arith.constant 30 : i32
        %broadcast_in_dim3A_756 = vector.broadcast %jit3A_755 : i32 to vector<16xi32>
        %select_n3A_757 = arith.select %gt3A_749, %broadcast_in_dim3A_756, %select_n3A_738 : vector<16xi1>, vector<16xi32>
        %min3A_758 = arith.minimumf %get3A_748, %max3A_741 : vector<16xf32>
        %max3A_759 = arith.maximumf %max3A_740, %min3A_758 : vector<16xf32>
        %max3A_760 = arith.maximumf %get3A_748, %max3A_741 : vector<16xf32>
        %mul3A_761 = arith.constant 16 : i32
        %mul3A_762 = arith.muli %scan3A_166, %mul3A_761 : i32
        %get3A_763 = arith.constant 31 : i32
        %get3A_764 = arith.index_cast %get3A_763 : i32 to index
        %get3A_765 = arith.index_cast %mul3A_762 : i32 to index
        %get3A_766 = tpu.vector_load %arg6[%get3A_764, %get3A_765] {strides = array<i32>} : memref<50x1024xf32, #tpu.memory_space<vmem>>, vector<1x16xf32>,
        %get3A_767 = vector.shape_cast %get3A_766 : vector<1x16xf32> to vector<16xf32>
        %gt3A_768 = arith.cmpf ogt, %get3A_767, %max3A_760 : vector<16xf32>
        %gt3A_769 = arith.cmpf ogt, %get3A_767, %max3A_759 : vector<16xf32>
        %jit3A_770 = arith.constant 31 : i32
        %broadcast_in_dim3A_771 = vector.broadcast %jit3A_770 : i32 to vector<16xi32>
        %select_n3A_772 = arith.select %gt3A_769, %broadcast_in_dim3A_771, %select_n3A_754 : vector<16xi1>, vector<16xi32>
        %select_n3A_773 = arith.select %gt3A_768, %select_n3A_757, %select_n3A_772 : vector<16xi1>, vector<16xi32>
        %jit3A_774 = arith.constant 31 : i32
        %broadcast_in_dim3A_775 = vector.broadcast %jit3A_774 : i32 to vector<16xi32>
        %select_n3A_776 = arith.select %gt3A_768, %broadcast_in_dim3A_775, %select_n3A_757 : vector<16xi1>, vector<16xi32>
        %min3A_777 = arith.minimumf %get3A_767, %max3A_760 : vector<16xf32>
        %max3A_778 = arith.maximumf %max3A_759, %min3A_777 : vector<16xf32>
        %max3A_779 = arith.maximumf %get3A_767, %max3A_760 : vector<16xf32>
        %mul3A_780 = arith.constant 16 : i32
        %mul3A_781 = arith.muli %scan3A_166, %mul3A_780 : i32
        %get3A_782 = arith.constant 32 : i32
        %get3A_783 = arith.index_cast %get3A_782 : i32 to index
        %get3A_784 = arith.index_cast %mul3A_781 : i32 to index
        %get3A_785 = tpu.vector_load %arg6[%get3A_783, %get3A_784] {strides = array<i32>} : memref<50x1024xf32, #tpu.memory_space<vmem>>, vector<1x16xf32>,
        %get3A_786 = vector.shape_cast %get3A_785 : vector<1x16xf32> to vector<16xf32>
        %gt3A_787 = arith.cmpf ogt, %get3A_786, %max3A_779 : vector<16xf32>
        %gt3A_788 = arith.cmpf ogt, %get3A_786, %max3A_778 : vector<16xf32>
        %jit3A_789 = arith.constant 32 : i32
        %broadcast_in_dim3A_790 = vector.broadcast %jit3A_789 : i32 to vector<16xi32>
        %select_n3A_791 = arith.select %gt3A_788, %broadcast_in_dim3A_790, %select_n3A_773 : vector<16xi1>, vector<16xi32>
        %select_n3A_792 = arith.select %gt3A_787, %select_n3A_776, %select_n3A_791 : vector<16xi1>, vector<16xi32>
        %jit3A_793 = arith.constant 32 : i32
        %broadcast_in_dim3A_794 = vector.broadcast %jit3A_793 : i32 to vector<16xi32>
        %select_n3A_795 = arith.select %gt3A_787, %broadcast_in_dim3A_794, %select_n3A_776 : vector<16xi1>, vector<16xi32>
        %min3A_796 = arith.minimumf %get3A_786, %max3A_779 : vector<16xf32>
        %max3A_797 = arith.maximumf %max3A_778, %min3A_796 : vector<16xf32>
        %max3A_798 = arith.maximumf %get3A_786, %max3A_779 : vector<16xf32>
        %mul3A_799 = arith.constant 16 : i32
        %mul3A_800 = arith.muli %scan3A_166, %mul3A_799 : i32
        %get3A_801 = arith.constant 33 : i32
        %get3A_802 = arith.index_cast %get3A_801 : i32 to index
        %get3A_803 = arith.index_cast %mul3A_800 : i32 to index
        %get3A_804 = tpu.vector_load %arg6[%get3A_802, %get3A_803] {strides = array<i32>} : memref<50x1024xf32, #tpu.memory_space<vmem>>, vector<1x16xf32>,
        %get3A_805 = vector.shape_cast %get3A_804 : vector<1x16xf32> to vector<16xf32>
        %gt3A_806 = arith.cmpf ogt, %get3A_805, %max3A_798 : vector<16xf32>
        %gt3A_807 = arith.cmpf ogt, %get3A_805, %max3A_797 : vector<16xf32>
        %jit3A_808 = arith.constant 33 : i32
        %broadcast_in_dim3A_809 = vector.broadcast %jit3A_808 : i32 to vector<16xi32>
        %select_n3A_810 = arith.select %gt3A_807, %broadcast_in_dim3A_809, %select_n3A_792 : vector<16xi1>, vector<16xi32>
        %select_n3A_811 = arith.select %gt3A_806, %select_n3A_795, %select_n3A_810 : vector<16xi1>, vector<16xi32>
        %jit3A_812 = arith.constant 33 : i32
        %broadcast_in_dim3A_813 = vector.broadcast %jit3A_812 : i32 to vector<16xi32>
        %select_n3A_814 = arith.select %gt3A_806, %broadcast_in_dim3A_813, %select_n3A_795 : vector<16xi1>, vector<16xi32>
        %min3A_815 = arith.minimumf %get3A_805, %max3A_798 : vector<16xf32>
        %max3A_816 = arith.maximumf %max3A_797, %min3A_815 : vector<16xf32>
        %max3A_817 = arith.maximumf %get3A_805, %max3A_798 : vector<16xf32>
        %mul3A_818 = arith.constant 16 : i32
        %mul3A_819 = arith.muli %scan3A_166, %mul3A_818 : i32
        %get3A_820 = arith.constant 34 : i32
        %get3A_821 = arith.index_cast %get3A_820 : i32 to index
        %get3A_822 = arith.index_cast %mul3A_819 : i32 to index
        %get3A_823 = tpu.vector_load %arg6[%get3A_821, %get3A_822] {strides = array<i32>} : memref<50x1024xf32, #tpu.memory_space<vmem>>, vector<1x16xf32>,
        %get3A_824 = vector.shape_cast %get3A_823 : vector<1x16xf32> to vector<16xf32>
        %gt3A_825 = arith.cmpf ogt, %get3A_824, %max3A_817 : vector<16xf32>
        %gt3A_826 = arith.cmpf ogt, %get3A_824, %max3A_816 : vector<16xf32>
        %jit3A_827 = arith.constant 34 : i32
        %broadcast_in_dim3A_828 = vector.broadcast %jit3A_827 : i32 to vector<16xi32>
        %select_n3A_829 = arith.select %gt3A_826, %broadcast_in_dim3A_828, %select_n3A_811 : vector<16xi1>, vector<16xi32>
        %select_n3A_830 = arith.select %gt3A_825, %select_n3A_814, %select_n3A_829 : vector<16xi1>, vector<16xi32>
        %jit3A_831 = arith.constant 34 : i32
        %broadcast_in_dim3A_832 = vector.broadcast %jit3A_831 : i32 to vector<16xi32>
        %select_n3A_833 = arith.select %gt3A_825, %broadcast_in_dim3A_832, %select_n3A_814 : vector<16xi1>, vector<16xi32>
        %min3A_834 = arith.minimumf %get3A_824, %max3A_817 : vector<16xf32>
        %max3A_835 = arith.maximumf %max3A_816, %min3A_834 : vector<16xf32>
        %max3A_836 = arith.maximumf %get3A_824, %max3A_817 : vector<16xf32>
        %mul3A_837 = arith.constant 16 : i32
        %mul3A_838 = arith.muli %scan3A_166, %mul3A_837 : i32
        %get3A_839 = arith.constant 35 : i32
        %get3A_840 = arith.index_cast %get3A_839 : i32 to index
        %get3A_841 = arith.index_cast %mul3A_838 : i32 to index
        %get3A_842 = tpu.vector_load %arg6[%get3A_840, %get3A_841] {strides = array<i32>} : memref<50x1024xf32, #tpu.memory_space<vmem>>, vector<1x16xf32>,
        %get3A_843 = vector.shape_cast %get3A_842 : vector<1x16xf32> to vector<16xf32>
        %gt3A_844 = arith.cmpf ogt, %get3A_843, %max3A_836 : vector<16xf32>
        %gt3A_845 = arith.cmpf ogt, %get3A_843, %max3A_835 : vector<16xf32>
        %jit3A_846 = arith.constant 35 : i32
        %broadcast_in_dim3A_847 = vector.broadcast %jit3A_846 : i32 to vector<16xi32>
        %select_n3A_848 = arith.select %gt3A_845, %broadcast_in_dim3A_847, %select_n3A_830 : vector<16xi1>, vector<16xi32>
        %select_n3A_849 = arith.select %gt3A_844, %select_n3A_833, %select_n3A_848 : vector<16xi1>, vector<16xi32>
        %jit3A_850 = arith.constant 35 : i32
        %broadcast_in_dim3A_851 = vector.broadcast %jit3A_850 : i32 to vector<16xi32>
        %select_n3A_852 = arith.select %gt3A_844, %broadcast_in_dim3A_851, %select_n3A_833 : vector<16xi1>, vector<16xi32>
        %min3A_853 = arith.minimumf %get3A_843, %max3A_836 : vector<16xf32>
        %max3A_854 = arith.maximumf %max3A_835, %min3A_853 : vector<16xf32>
        %max3A_855 = arith.maximumf %get3A_843, %max3A_836 : vector<16xf32>
        %mul3A_856 = arith.constant 16 : i32
        %mul3A_857 = arith.muli %scan3A_166, %mul3A_856 : i32
        %get3A_858 = arith.constant 36 : i32
        %get3A_859 = arith.index_cast %get3A_858 : i32 to index
        %get3A_860 = arith.index_cast %mul3A_857 : i32 to index
        %get3A_861 = tpu.vector_load %arg6[%get3A_859, %get3A_860] {strides = array<i32>} : memref<50x1024xf32, #tpu.memory_space<vmem>>, vector<1x16xf32>,
        %get3A_862 = vector.shape_cast %get3A_861 : vector<1x16xf32> to vector<16xf32>
        %gt3A_863 = arith.cmpf ogt, %get3A_862, %max3A_855 : vector<16xf32>
        %gt3A_864 = arith.cmpf ogt, %get3A_862, %max3A_854 : vector<16xf32>
        %jit3A_865 = arith.constant 36 : i32
        %broadcast_in_dim3A_866 = vector.broadcast %jit3A_865 : i32 to vector<16xi32>
        %select_n3A_867 = arith.select %gt3A_864, %broadcast_in_dim3A_866, %select_n3A_849 : vector<16xi1>, vector<16xi32>
        %select_n3A_868 = arith.select %gt3A_863, %select_n3A_852, %select_n3A_867 : vector<16xi1>, vector<16xi32>
        %jit3A_869 = arith.constant 36 : i32
        %broadcast_in_dim3A_870 = vector.broadcast %jit3A_869 : i32 to vector<16xi32>
        %select_n3A_871 = arith.select %gt3A_863, %broadcast_in_dim3A_870, %select_n3A_852 : vector<16xi1>, vector<16xi32>
        %min3A_872 = arith.minimumf %get3A_862, %max3A_855 : vector<16xf32>
        %max3A_873 = arith.maximumf %max3A_854, %min3A_872 : vector<16xf32>
        %max3A_874 = arith.maximumf %get3A_862, %max3A_855 : vector<16xf32>
        %mul3A_875 = arith.constant 16 : i32
        %mul3A_876 = arith.muli %scan3A_166, %mul3A_875 : i32
        %get3A_877 = arith.constant 37 : i32
        %get3A_878 = arith.index_cast %get3A_877 : i32 to index
        %get3A_879 = arith.index_cast %mul3A_876 : i32 to index
        %get3A_880 = tpu.vector_load %arg6[%get3A_878, %get3A_879] {strides = array<i32>} : memref<50x1024xf32, #tpu.memory_space<vmem>>, vector<1x16xf32>,
        %get3A_881 = vector.shape_cast %get3A_880 : vector<1x16xf32> to vector<16xf32>
        %gt3A_882 = arith.cmpf ogt, %get3A_881, %max3A_874 : vector<16xf32>
        %gt3A_883 = arith.cmpf ogt, %get3A_881, %max3A_873 : vector<16xf32>
        %jit3A_884 = arith.constant 37 : i32
        %broadcast_in_dim3A_885 = vector.broadcast %jit3A_884 : i32 to vector<16xi32>
        %select_n3A_886 = arith.select %gt3A_883, %broadcast_in_dim3A_885, %select_n3A_868 : vector<16xi1>, vector<16xi32>
        %select_n3A_887 = arith.select %gt3A_882, %select_n3A_871, %select_n3A_886 : vector<16xi1>, vector<16xi32>
        %jit3A_888 = arith.constant 37 : i32
        %broadcast_in_dim3A_889 = vector.broadcast %jit3A_888 : i32 to vector<16xi32>
        %select_n3A_890 = arith.select %gt3A_882, %broadcast_in_dim3A_889, %select_n3A_871 : vector<16xi1>, vector<16xi32>
        %min3A_891 = arith.minimumf %get3A_881, %max3A_874 : vector<16xf32>
        %max3A_892 = arith.maximumf %max3A_873, %min3A_891 : vector<16xf32>
        %max3A_893 = arith.maximumf %get3A_881, %max3A_874 : vector<16xf32>
        %mul3A_894 = arith.constant 16 : i32
        %mul3A_895 = arith.muli %scan3A_166, %mul3A_894 : i32
        %get3A_896 = arith.constant 38 : i32
        %get3A_897 = arith.index_cast %get3A_896 : i32 to index
        %get3A_898 = arith.index_cast %mul3A_895 : i32 to index
        %get3A_899 = tpu.vector_load %arg6[%get3A_897, %get3A_898] {strides = array<i32>} : memref<50x1024xf32, #tpu.memory_space<vmem>>, vector<1x16xf32>,
        %get3A_900 = vector.shape_cast %get3A_899 : vector<1x16xf32> to vector<16xf32>
        %gt3A_901 = arith.cmpf ogt, %get3A_900, %max3A_893 : vector<16xf32>
        %gt3A_902 = arith.cmpf ogt, %get3A_900, %max3A_892 : vector<16xf32>
        %jit3A_903 = arith.constant 38 : i32
        %broadcast_in_dim3A_904 = vector.broadcast %jit3A_903 : i32 to vector<16xi32>
        %select_n3A_905 = arith.select %gt3A_902, %broadcast_in_dim3A_904, %select_n3A_887 : vector<16xi1>, vector<16xi32>
        %select_n3A_906 = arith.select %gt3A_901, %select_n3A_890, %select_n3A_905 : vector<16xi1>, vector<16xi32>
        %jit3A_907 = arith.constant 38 : i32
        %broadcast_in_dim3A_908 = vector.broadcast %jit3A_907 : i32 to vector<16xi32>
        %select_n3A_909 = arith.select %gt3A_901, %broadcast_in_dim3A_908, %select_n3A_890 : vector<16xi1>, vector<16xi32>
        %min3A_910 = arith.minimumf %get3A_900, %max3A_893 : vector<16xf32>
        %max3A_911 = arith.maximumf %max3A_892, %min3A_910 : vector<16xf32>
        %max3A_912 = arith.maximumf %get3A_900, %max3A_893 : vector<16xf32>
        %mul3A_913 = arith.constant 16 : i32
        %mul3A_914 = arith.muli %scan3A_166, %mul3A_913 : i32
        %get3A_915 = arith.constant 39 : i32
        %get3A_916 = arith.index_cast %get3A_915 : i32 to index
        %get3A_917 = arith.index_cast %mul3A_914 : i32 to index
        %get3A_918 = tpu.vector_load %arg6[%get3A_916, %get3A_917] {strides = array<i32>} : memref<50x1024xf32, #tpu.memory_space<vmem>>, vector<1x16xf32>,
        %get3A_919 = vector.shape_cast %get3A_918 : vector<1x16xf32> to vector<16xf32>
        %gt3A_920 = arith.cmpf ogt, %get3A_919, %max3A_912 : vector<16xf32>
        %gt3A_921 = arith.cmpf ogt, %get3A_919, %max3A_911 : vector<16xf32>
        %jit3A_922 = arith.constant 39 : i32
        %broadcast_in_dim3A_923 = vector.broadcast %jit3A_922 : i32 to vector<16xi32>
        %select_n3A_924 = arith.select %gt3A_921, %broadcast_in_dim3A_923, %select_n3A_906 : vector<16xi1>, vector<16xi32>
        %select_n3A_925 = arith.select %gt3A_920, %select_n3A_909, %select_n3A_924 : vector<16xi1>, vector<16xi32>
        %jit3A_926 = arith.constant 39 : i32
        %broadcast_in_dim3A_927 = vector.broadcast %jit3A_926 : i32 to vector<16xi32>
        %select_n3A_928 = arith.select %gt3A_920, %broadcast_in_dim3A_927, %select_n3A_909 : vector<16xi1>, vector<16xi32>
        %min3A_929 = arith.minimumf %get3A_919, %max3A_912 : vector<16xf32>
        %max3A_930 = arith.maximumf %max3A_911, %min3A_929 : vector<16xf32>
        %max3A_931 = arith.maximumf %get3A_919, %max3A_912 : vector<16xf32>
        %mul3A_932 = arith.constant 16 : i32
        %mul3A_933 = arith.muli %scan3A_166, %mul3A_932 : i32
        %get3A_934 = arith.constant 40 : i32
        %get3A_935 = arith.index_cast %get3A_934 : i32 to index
        %get3A_936 = arith.index_cast %mul3A_933 : i32 to index
        %get3A_937 = tpu.vector_load %arg6[%get3A_935, %get3A_936] {strides = array<i32>} : memref<50x1024xf32, #tpu.memory_space<vmem>>, vector<1x16xf32>,
        %get3A_938 = vector.shape_cast %get3A_937 : vector<1x16xf32> to vector<16xf32>
        %gt3A_939 = arith.cmpf ogt, %get3A_938, %max3A_931 : vector<16xf32>
        %gt3A_940 = arith.cmpf ogt, %get3A_938, %max3A_930 : vector<16xf32>
        %jit3A_941 = arith.constant 40 : i32
        %broadcast_in_dim3A_942 = vector.broadcast %jit3A_941 : i32 to vector<16xi32>
        %select_n3A_943 = arith.select %gt3A_940, %broadcast_in_dim3A_942, %select_n3A_925 : vector<16xi1>, vector<16xi32>
        %select_n3A_944 = arith.select %gt3A_939, %select_n3A_928, %select_n3A_943 : vector<16xi1>, vector<16xi32>
        %jit3A_945 = arith.constant 40 : i32
        %broadcast_in_dim3A_946 = vector.broadcast %jit3A_945 : i32 to vector<16xi32>
        %select_n3A_947 = arith.select %gt3A_939, %broadcast_in_dim3A_946, %select_n3A_928 : vector<16xi1>, vector<16xi32>
        %min3A_948 = arith.minimumf %get3A_938, %max3A_931 : vector<16xf32>
        %max3A_949 = arith.maximumf %max3A_930, %min3A_948 : vector<16xf32>
        %max3A_950 = arith.maximumf %get3A_938, %max3A_931 : vector<16xf32>
        %mul3A_951 = arith.constant 16 : i32
        %mul3A_952 = arith.muli %scan3A_166, %mul3A_951 : i32
        %get3A_953 = arith.constant 41 : i32
        %get3A_954 = arith.index_cast %get3A_953 : i32 to index
        %get3A_955 = arith.index_cast %mul3A_952 : i32 to index
        %get3A_956 = tpu.vector_load %arg6[%get3A_954, %get3A_955] {strides = array<i32>} : memref<50x1024xf32, #tpu.memory_space<vmem>>, vector<1x16xf32>,
        %get3A_957 = vector.shape_cast %get3A_956 : vector<1x16xf32> to vector<16xf32>
        %gt3A_958 = arith.cmpf ogt, %get3A_957, %max3A_950 : vector<16xf32>
        %gt3A_959 = arith.cmpf ogt, %get3A_957, %max3A_949 : vector<16xf32>
        %jit3A_960 = arith.constant 41 : i32
        %broadcast_in_dim3A_961 = vector.broadcast %jit3A_960 : i32 to vector<16xi32>
        %select_n3A_962 = arith.select %gt3A_959, %broadcast_in_dim3A_961, %select_n3A_944 : vector<16xi1>, vector<16xi32>
        %select_n3A_963 = arith.select %gt3A_958, %select_n3A_947, %select_n3A_962 : vector<16xi1>, vector<16xi32>
        %jit3A_964 = arith.constant 41 : i32
        %broadcast_in_dim3A_965 = vector.broadcast %jit3A_964 : i32 to vector<16xi32>
        %select_n3A_966 = arith.select %gt3A_958, %broadcast_in_dim3A_965, %select_n3A_947 : vector<16xi1>, vector<16xi32>
        %min3A_967 = arith.minimumf %get3A_957, %max3A_950 : vector<16xf32>
        %max3A_968 = arith.maximumf %max3A_949, %min3A_967 : vector<16xf32>
        %max3A_969 = arith.maximumf %get3A_957, %max3A_950 : vector<16xf32>
        %mul3A_970 = arith.constant 16 : i32
        %mul3A_971 = arith.muli %scan3A_166, %mul3A_970 : i32
        %get3A_972 = arith.constant 42 : i32
        %get3A_973 = arith.index_cast %get3A_972 : i32 to index
        %get3A_974 = arith.index_cast %mul3A_971 : i32 to index
        %get3A_975 = tpu.vector_load %arg6[%get3A_973, %get3A_974] {strides = array<i32>} : memref<50x1024xf32, #tpu.memory_space<vmem>>, vector<1x16xf32>,
        %get3A_976 = vector.shape_cast %get3A_975 : vector<1x16xf32> to vector<16xf32>
        %gt3A_977 = arith.cmpf ogt, %get3A_976, %max3A_969 : vector<16xf32>
        %gt3A_978 = arith.cmpf ogt, %get3A_976, %max3A_968 : vector<16xf32>
        %jit3A_979 = arith.constant 42 : i32
        %broadcast_in_dim3A_980 = vector.broadcast %jit3A_979 : i32 to vector<16xi32>
        %select_n3A_981 = arith.select %gt3A_978, %broadcast_in_dim3A_980, %select_n3A_963 : vector<16xi1>, vector<16xi32>
        %select_n3A_982 = arith.select %gt3A_977, %select_n3A_966, %select_n3A_981 : vector<16xi1>, vector<16xi32>
        %jit3A_983 = arith.constant 42 : i32
        %broadcast_in_dim3A_984 = vector.broadcast %jit3A_983 : i32 to vector<16xi32>
        %select_n3A_985 = arith.select %gt3A_977, %broadcast_in_dim3A_984, %select_n3A_966 : vector<16xi1>, vector<16xi32>
        %min3A_986 = arith.minimumf %get3A_976, %max3A_969 : vector<16xf32>
        %max3A_987 = arith.maximumf %max3A_968, %min3A_986 : vector<16xf32>
        %max3A_988 = arith.maximumf %get3A_976, %max3A_969 : vector<16xf32>
        %mul3A_989 = arith.constant 16 : i32
        %mul3A_990 = arith.muli %scan3A_166, %mul3A_989 : i32
        %get3A_991 = arith.constant 43 : i32
        %get3A_992 = arith.index_cast %get3A_991 : i32 to index
        %get3A_993 = arith.index_cast %mul3A_990 : i32 to index
        %get3A_994 = tpu.vector_load %arg6[%get3A_992, %get3A_993] {strides = array<i32>} : memref<50x1024xf32, #tpu.memory_space<vmem>>, vector<1x16xf32>,
        %get3A_995 = vector.shape_cast %get3A_994 : vector<1x16xf32> to vector<16xf32>
        %gt3A_996 = arith.cmpf ogt, %get3A_995, %max3A_988 : vector<16xf32>
        %gt3A_997 = arith.cmpf ogt, %get3A_995, %max3A_987 : vector<16xf32>
        %jit3A_998 = arith.constant 43 : i32
        %broadcast_in_dim3A_999 = vector.broadcast %jit3A_998 : i32 to vector<16xi32>
        %select_n3A_1000 = arith.select %gt3A_997, %broadcast_in_dim3A_999, %select_n3A_982 : vector<16xi1>, vector<16xi32>
        %select_n3A_1001 = arith.select %gt3A_996, %select_n3A_985, %select_n3A_1000 : vector<16xi1>, vector<16xi32>
        %jit3A_1002 = arith.constant 43 : i32
        %broadcast_in_dim3A_1003 = vector.broadcast %jit3A_1002 : i32 to vector<16xi32>
        %select_n3A_1004 = arith.select %gt3A_996, %broadcast_in_dim3A_1003, %select_n3A_985 : vector<16xi1>, vector<16xi32>
        %min3A_1005 = arith.minimumf %get3A_995, %max3A_988 : vector<16xf32>
        %max3A_1006 = arith.maximumf %max3A_987, %min3A_1005 : vector<16xf32>
        %max3A_1007 = arith.maximumf %get3A_995, %max3A_988 : vector<16xf32>
        %mul3A_1008 = arith.constant 16 : i32
        %mul3A_1009 = arith.muli %scan3A_166, %mul3A_1008 : i32
        %get3A_1010 = arith.constant 44 : i32
        %get3A_1011 = arith.index_cast %get3A_1010 : i32 to index
        %get3A_1012 = arith.index_cast %mul3A_1009 : i32 to index
        %get3A_1013 = tpu.vector_load %arg6[%get3A_1011, %get3A_1012] {strides = array<i32>} : memref<50x1024xf32, #tpu.memory_space<vmem>>, vector<1x16xf32>,
        %get3A_1014 = vector.shape_cast %get3A_1013 : vector<1x16xf32> to vector<16xf32>
        %gt3A_1015 = arith.cmpf ogt, %get3A_1014, %max3A_1007 : vector<16xf32>
        %gt3A_1016 = arith.cmpf ogt, %get3A_1014, %max3A_1006 : vector<16xf32>
        %jit3A_1017 = arith.constant 44 : i32
        %broadcast_in_dim3A_1018 = vector.broadcast %jit3A_1017 : i32 to vector<16xi32>
        %select_n3A_1019 = arith.select %gt3A_1016, %broadcast_in_dim3A_1018, %select_n3A_1001 : vector<16xi1>, vector<16xi32>
        %select_n3A_1020 = arith.select %gt3A_1015, %select_n3A_1004, %select_n3A_1019 : vector<16xi1>, vector<16xi32>
        %jit3A_1021 = arith.constant 44 : i32
        %broadcast_in_dim3A_1022 = vector.broadcast %jit3A_1021 : i32 to vector<16xi32>
        %select_n3A_1023 = arith.select %gt3A_1015, %broadcast_in_dim3A_1022, %select_n3A_1004 : vector<16xi1>, vector<16xi32>
        %min3A_1024 = arith.minimumf %get3A_1014, %max3A_1007 : vector<16xf32>
        %max3A_1025 = arith.maximumf %max3A_1006, %min3A_1024 : vector<16xf32>
        %max3A_1026 = arith.maximumf %get3A_1014, %max3A_1007 : vector<16xf32>
        %mul3A_1027 = arith.constant 16 : i32
        %mul3A_1028 = arith.muli %scan3A_166, %mul3A_1027 : i32
        %get3A_1029 = arith.constant 45 : i32
        %get3A_1030 = arith.index_cast %get3A_1029 : i32 to index
        %get3A_1031 = arith.index_cast %mul3A_1028 : i32 to index
        %get3A_1032 = tpu.vector_load %arg6[%get3A_1030, %get3A_1031] {strides = array<i32>} : memref<50x1024xf32, #tpu.memory_space<vmem>>, vector<1x16xf32>,
        %get3A_1033 = vector.shape_cast %get3A_1032 : vector<1x16xf32> to vector<16xf32>
        %gt3A_1034 = arith.cmpf ogt, %get3A_1033, %max3A_1026 : vector<16xf32>
        %gt3A_1035 = arith.cmpf ogt, %get3A_1033, %max3A_1025 : vector<16xf32>
        %jit3A_1036 = arith.constant 45 : i32
        %broadcast_in_dim3A_1037 = vector.broadcast %jit3A_1036 : i32 to vector<16xi32>
        %select_n3A_1038 = arith.select %gt3A_1035, %broadcast_in_dim3A_1037, %select_n3A_1020 : vector<16xi1>, vector<16xi32>
        %select_n3A_1039 = arith.select %gt3A_1034, %select_n3A_1023, %select_n3A_1038 : vector<16xi1>, vector<16xi32>
        %jit3A_1040 = arith.constant 45 : i32
        %broadcast_in_dim3A_1041 = vector.broadcast %jit3A_1040 : i32 to vector<16xi32>
        %select_n3A_1042 = arith.select %gt3A_1034, %broadcast_in_dim3A_1041, %select_n3A_1023 : vector<16xi1>, vector<16xi32>
        %min3A_1043 = arith.minimumf %get3A_1033, %max3A_1026 : vector<16xf32>
        %max3A_1044 = arith.maximumf %max3A_1025, %min3A_1043 : vector<16xf32>
        %max3A_1045 = arith.maximumf %get3A_1033, %max3A_1026 : vector<16xf32>
        %mul3A_1046 = arith.constant 16 : i32
        %mul3A_1047 = arith.muli %scan3A_166, %mul3A_1046 : i32
        %get3A_1048 = arith.constant 46 : i32
        %get3A_1049 = arith.index_cast %get3A_1048 : i32 to index
        %get3A_1050 = arith.index_cast %mul3A_1047 : i32 to index
        %get3A_1051 = tpu.vector_load %arg6[%get3A_1049, %get3A_1050] {strides = array<i32>} : memref<50x1024xf32, #tpu.memory_space<vmem>>, vector<1x16xf32>,
        %get3A_1052 = vector.shape_cast %get3A_1051 : vector<1x16xf32> to vector<16xf32>
        %gt3A_1053 = arith.cmpf ogt, %get3A_1052, %max3A_1045 : vector<16xf32>
        %gt3A_1054 = arith.cmpf ogt, %get3A_1052, %max3A_1044 : vector<16xf32>
        %jit3A_1055 = arith.constant 46 : i32
        %broadcast_in_dim3A_1056 = vector.broadcast %jit3A_1055 : i32 to vector<16xi32>
        %select_n3A_1057 = arith.select %gt3A_1054, %broadcast_in_dim3A_1056, %select_n3A_1039 : vector<16xi1>, vector<16xi32>
        %select_n3A_1058 = arith.select %gt3A_1053, %select_n3A_1042, %select_n3A_1057 : vector<16xi1>, vector<16xi32>
        %jit3A_1059 = arith.constant 46 : i32
        %broadcast_in_dim3A_1060 = vector.broadcast %jit3A_1059 : i32 to vector<16xi32>
        %select_n3A_1061 = arith.select %gt3A_1053, %broadcast_in_dim3A_1060, %select_n3A_1042 : vector<16xi1>, vector<16xi32>
        %min3A_1062 = arith.minimumf %get3A_1052, %max3A_1045 : vector<16xf32>
        %max3A_1063 = arith.maximumf %max3A_1044, %min3A_1062 : vector<16xf32>
        %max3A_1064 = arith.maximumf %get3A_1052, %max3A_1045 : vector<16xf32>
        %mul3A_1065 = arith.constant 16 : i32
        %mul3A_1066 = arith.muli %scan3A_166, %mul3A_1065 : i32
        %get3A_1067 = arith.constant 47 : i32
        %get3A_1068 = arith.index_cast %get3A_1067 : i32 to index
        %get3A_1069 = arith.index_cast %mul3A_1066 : i32 to index
        %get3A_1070 = tpu.vector_load %arg6[%get3A_1068, %get3A_1069] {strides = array<i32>} : memref<50x1024xf32, #tpu.memory_space<vmem>>, vector<1x16xf32>,
        %get3A_1071 = vector.shape_cast %get3A_1070 : vector<1x16xf32> to vector<16xf32>
        %gt3A_1072 = arith.cmpf ogt, %get3A_1071, %max3A_1064 : vector<16xf32>
        %gt3A_1073 = arith.cmpf ogt, %get3A_1071, %max3A_1063 : vector<16xf32>
        %jit3A_1074 = arith.constant 47 : i32
        %broadcast_in_dim3A_1075 = vector.broadcast %jit3A_1074 : i32 to vector<16xi32>
        %select_n3A_1076 = arith.select %gt3A_1073, %broadcast_in_dim3A_1075, %select_n3A_1058 : vector<16xi1>, vector<16xi32>
        %select_n3A_1077 = arith.select %gt3A_1072, %select_n3A_1061, %select_n3A_1076 : vector<16xi1>, vector<16xi32>
        %jit3A_1078 = arith.constant 47 : i32
        %broadcast_in_dim3A_1079 = vector.broadcast %jit3A_1078 : i32 to vector<16xi32>
        %select_n3A_1080 = arith.select %gt3A_1072, %broadcast_in_dim3A_1079, %select_n3A_1061 : vector<16xi1>, vector<16xi32>
        %min3A_1081 = arith.minimumf %get3A_1071, %max3A_1064 : vector<16xf32>
        %max3A_1082 = arith.maximumf %max3A_1063, %min3A_1081 : vector<16xf32>
        %max3A_1083 = arith.maximumf %get3A_1071, %max3A_1064 : vector<16xf32>
        %mul3A_1084 = arith.constant 16 : i32
        %mul3A_1085 = arith.muli %scan3A_166, %mul3A_1084 : i32
        %get3A_1086 = arith.constant 48 : i32
        %get3A_1087 = arith.index_cast %get3A_1086 : i32 to index
        %get3A_1088 = arith.index_cast %mul3A_1085 : i32 to index
        %get3A_1089 = tpu.vector_load %arg6[%get3A_1087, %get3A_1088] {strides = array<i32>} : memref<50x1024xf32, #tpu.memory_space<vmem>>, vector<1x16xf32>,
        %get3A_1090 = vector.shape_cast %get3A_1089 : vector<1x16xf32> to vector<16xf32>
        %gt3A_1091 = arith.cmpf ogt, %get3A_1090, %max3A_1083 : vector<16xf32>
        %gt3A_1092 = arith.cmpf ogt, %get3A_1090, %max3A_1082 : vector<16xf32>
        %jit3A_1093 = arith.constant 48 : i32
        %broadcast_in_dim3A_1094 = vector.broadcast %jit3A_1093 : i32 to vector<16xi32>
        %select_n3A_1095 = arith.select %gt3A_1092, %broadcast_in_dim3A_1094, %select_n3A_1077 : vector<16xi1>, vector<16xi32>
        %select_n3A_1096 = arith.select %gt3A_1091, %select_n3A_1080, %select_n3A_1095 : vector<16xi1>, vector<16xi32>
        %jit3A_1097 = arith.constant 48 : i32
        %broadcast_in_dim3A_1098 = vector.broadcast %jit3A_1097 : i32 to vector<16xi32>
        %select_n3A_1099 = arith.select %gt3A_1091, %broadcast_in_dim3A_1098, %select_n3A_1080 : vector<16xi1>, vector<16xi32>
        %min3A_1100 = arith.minimumf %get3A_1090, %max3A_1083 : vector<16xf32>
        %max3A_1101 = arith.maximumf %max3A_1082, %min3A_1100 : vector<16xf32>
        %max3A_1102 = arith.maximumf %get3A_1090, %max3A_1083 : vector<16xf32>
        %mul3A_1103 = arith.constant 16 : i32
        %mul3A_1104 = arith.muli %scan3A_166, %mul3A_1103 : i32
        %get3A_1105 = arith.constant 49 : i32
        %get3A_1106 = arith.index_cast %get3A_1105 : i32 to index
        %get3A_1107 = arith.index_cast %mul3A_1104 : i32 to index
        %get3A_1108 = tpu.vector_load %arg6[%get3A_1106, %get3A_1107] {strides = array<i32>} : memref<50x1024xf32, #tpu.memory_space<vmem>>, vector<1x16xf32>,
        %get3A_1109 = vector.shape_cast %get3A_1108 : vector<1x16xf32> to vector<16xf32>
        %gt3A_1110 = arith.cmpf ogt, %get3A_1109, %max3A_1102 : vector<16xf32>
        %gt3A_1111 = arith.cmpf ogt, %get3A_1109, %max3A_1101 : vector<16xf32>
        %jit3A_1112 = arith.constant 49 : i32
        %broadcast_in_dim3A_1113 = vector.broadcast %jit3A_1112 : i32 to vector<16xi32>
        %select_n3A_1114 = arith.select %gt3A_1111, %broadcast_in_dim3A_1113, %select_n3A_1096 : vector<16xi1>, vector<16xi32>
        %select_n3A_1115 = arith.select %gt3A_1110, %select_n3A_1099, %select_n3A_1114 : vector<16xi1>, vector<16xi32>
        %jit3A_1116 = arith.constant 49 : i32
        %broadcast_in_dim3A_1117 = vector.broadcast %jit3A_1116 : i32 to vector<16xi32>
        %select_n3A_1118 = arith.select %gt3A_1110, %broadcast_in_dim3A_1117, %select_n3A_1099 : vector<16xi1>, vector<16xi32>
        %min3A_1119 = arith.minimumf %get3A_1109, %max3A_1102 : vector<16xf32>
        %max3A_1120 = arith.maximumf %max3A_1101, %min3A_1119 : vector<16xf32>
        %max3A_1121 = arith.maximumf %get3A_1109, %max3A_1102 : vector<16xf32>
        %mul3A_1122 = arith.constant 16 : i32
        %mul3A_1123 = arith.muli %scan3A_166, %mul3A_1122 : i32
        %get3A_1124 = arith.index_cast %mul3A_1123 : i32 to index
        %get3A_1125 = tpu.vector_load %arg8[%get3A_1124] {strides = array<i32>} : memref<1024xi32, #tpu.memory_space<vmem>>, vector<16xi32>,
        %get3A_1126 = vector.shape_cast %get3A_1125 : vector<16xi32> to vector<16xi32>
        %broadcast_in_dim3A_1127 = arith.constant 1 : i32
        %broadcast_in_dim3A_1128 = vector.broadcast %broadcast_in_dim3A_1127 : i32 to vector<16xi32>
        %broadcast_in_dim3A_1129 = arith.constant 0 : i32
        %broadcast_in_dim3A_1130 = vector.broadcast %broadcast_in_dim3A_1129 : i32 to vector<16xi32>
        %eq3A_1131 = arith.cmpi eq, %select_n3A_1118, %get3A_1126 : vector<16xi32>
        %select_n3A_1132 = arith.select %eq3A_1131, %broadcast_in_dim3A_1128, %broadcast_in_dim3A_1130 : vector<16xi1>, vector<16xi32>
        %sub3A_1133 = arith.subf %max3A_1121, %max3A_1120 : vector<16xf32>
        %lt3A_1134 = arith.constant 1.000000e-01 : f32
        %lt3A_1135 = vector.broadcast %lt3A_1134 : f32 to vector<16xf32>
        %lt3A_1136 = arith.cmpf olt, %sub3A_1133, %lt3A_1135 : vector<16xf32>
        %eq3A_1137 = arith.cmpi eq, %select_n3A_1115, %get3A_1126 : vector<16xi32>
        %and3A_1138 = arith.andi %lt3A_1136, %eq3A_1137 : vector<16xi1>
        %select_n3A_1139 = arith.select %and3A_1138, %broadcast_in_dim3A_1128, %broadcast_in_dim3A_1130 : vector<16xi1>, vector<16xi32>
        %add3A_1140 = arith.addi %scan3A_167, %select_n3A_1132 : vector<16xi32>
        %add3A_1141 = arith.addi %add3A_1140, %select_n3A_1139 : vector<16xi32>
        scf.yield %add3A_1141 : vector<16xi32>
      }
      %scan3A_158 = arith.constant 64 : i32
      %add3A_159 = arith.constant 3 : i32
      %add3A_160 = arith.addi %mul3A_110, %add3A_159 : i32
      %lt3A_161 = arith.constant 12 : i32
      %lt3A_162 = arith.cmpi slt, %add3A_160, %lt3A_161 : i32
      %convert_element_type3A_163 = arith.extui %lt3A_162 : i1 to i32
      %cond3A_164 = arith.constant 0 : i32
      %cond3A_165 = arith.cmpi ne, %convert_element_type3A_163, %cond3A_164 : i32
      scf.if %cond3A_165 {
        %add3A_166 = arith.constant 3 : i32
        %add3A_167 = arith.addi %mul3A_110, %add3A_166 : i32
        %mul3A_168 = arith.constant 32 : i32
        %mul3A_169 = arith.muli %add3A_167, %mul3A_168 : i32
        %add3A_170 = arith.addi %add3A, %mul3A_169 : i32
        %jit3A_171 = arith.constant 8 : i32
        %div3A_172 = arith.divsi %add3A_170, %jit3A_171 : i32
        %sign3A_173 = arith.constant 0 : i32
        %sign3A_174 = arith.cmpi sgt, %add3A_170, %sign3A_173 : i32
        %sign3A_175 = arith.extui %sign3A_174 : i1 to i32
        %sign3A_176 = arith.constant 0 : i32
        %sign3A_177 = arith.cmpi slt, %add3A_170, %sign3A_176 : i32
        %sign3A_178 = arith.extui %sign3A_177 : i1 to i32
        %sign3A_179 = arith.subi %sign3A_175, %sign3A_178 : i32
        %sign3A_180 = arith.constant 0 : i32
        %sign3A_181 = arith.cmpi sgt, %jit3A_171, %sign3A_180 : i32
        %sign3A_182 = arith.extui %sign3A_181 : i1 to i32
        %sign3A_183 = arith.constant 0 : i32
        %sign3A_184 = arith.cmpi slt, %jit3A_171, %sign3A_183 : i32
        %sign3A_185 = arith.extui %sign3A_184 : i1 to i32
        %sign3A_186 = arith.subi %sign3A_182, %sign3A_185 : i32
        %ne3A_187 = arith.cmpi ne, %sign3A_179, %sign3A_186 : i32
        %rem3A_188 = arith.remsi %add3A_170, %jit3A_171 : i32
        %ne3A_189 = arith.constant 0 : i32
        %ne3A_190 = arith.cmpi ne, %rem3A_188, %ne3A_189 : i32
        %and3A_191 = arith.andi %ne3A_187, %ne3A_190 : i1
        %sub3A_192 = arith.constant 1 : i32
        %sub3A_193 = arith.subi %div3A_172, %sub3A_192 : i32
        %select_n3A_194 = arith.select %and3A_191, %sub3A_193, %div3A_172 : i32
        %jit3A_195 = arith.constant 8 : i32
        %eq3A_196 = arith.constant 0 : i32
        %eq3A_197 = arith.cmpi eq, %jit3A_195, %eq3A_196 : i32
        %jit3A_198 = arith.constant 1 : i32
        %select_n3A_199 = arith.select %eq3A_197, %jit3A_198, %jit3A_195 : i32
        %rem3A_200 = arith.remsi %add3A_170, %select_n3A_199 : i32
        %ne3A_201 = arith.constant 0 : i32
        %ne3A_202 = arith.cmpi ne, %rem3A_200, %ne3A_201 : i32
        %lt3A_203 = arith.constant 0 : i32
        %lt3A_204 = arith.cmpi slt, %rem3A_200, %lt3A_203 : i32
        %lt3A_205 = arith.constant 0 : i32
        %lt3A_206 = arith.cmpi slt, %select_n3A_199, %lt3A_205 : i32
        %ne3A_207 = arith.xori %lt3A_204, %lt3A_206 : i1
        %and3A_208 = arith.andi %ne3A_207, %ne3A_202 : i1
        %add3A_209 = arith.addi %rem3A_200, %select_n3A_199 : i32
        %select_n3A_210 = arith.select %and3A_208, %add3A_209, %rem3A_200 : i32
        %mul3A_211 = arith.constant 1024 : i32
        %mul3A_212 = arith.muli %select_n3A_210, %mul3A_211 : i32
        %dma_start3A_213 = arith.constant 0 : i32
        %dma_start3A_214 = tpu.memref_slice %arg2[%select_n3A_194, %dma_start3A_213, %mul3A_212] : memref<64x50x8192xf32, #tpu.memory_space<hbm>> -> memref<1x50x1024xf32, #tpu.memory_space<hbm>>
        %dma_start3A_215 = tpu.memref_squeeze %dma_start3A_214 : memref<1x50x1024xf32, #tpu.memory_space<hbm>> -> memref<50x1024xf32, #tpu.memory_space<hbm>>
        %dma_start3A_216 = arith.constant 0 : i32
        %dma_start3A_217 = tpu.memref_slice %arg2[%select_n3A_194, %dma_start3A_216, %mul3A_212] : memref<64x50x8192xf32, #tpu.memory_space<hbm>> -> memref<1x50x1024xf32, #tpu.memory_space<hbm>>
        %dma_start3A_218 = tpu.memref_squeeze %dma_start3A_217 : memref<1x50x1024xf32, #tpu.memory_space<hbm>> -> memref<50x1024xf32, #tpu.memory_space<hbm>>
        tpu.enqueue_dma source(%dma_start3A_218 : memref<50x1024xf32, #tpu.memory_space<hbm>>) target(%arg6 : memref<50x1024xf32, #tpu.memory_space<vmem>>) target_semaphore(%arg11 : memref<!tpu.dma_semaphore, #tpu.memory_space<semaphore_mem>>)
        %dma_start3A_219 = tpu.memref_slice %arg3[%select_n3A_194, %mul3A_212] : memref<64x8192xi32, #tpu.memory_space<hbm>> -> memref<1x1024xi32, #tpu.memory_space<hbm>>
        %dma_start3A_220 = tpu.memref_squeeze %dma_start3A_219 : memref<1x1024xi32, #tpu.memory_space<hbm>> -> memref<1024xi32, #tpu.memory_space<hbm>>
        %dma_start3A_221 = tpu.memref_slice %arg3[%select_n3A_194, %mul3A_212] : memref<64x8192xi32, #tpu.memory_space<hbm>> -> memref<1x1024xi32, #tpu.memory_space<hbm>>
        %dma_start3A_222 = tpu.memref_squeeze %dma_start3A_221 : memref<1x1024xi32, #tpu.memory_space<hbm>> -> memref<1024xi32, #tpu.memory_space<hbm>>
        tpu.enqueue_dma source(%dma_start3A_222 : memref<1024xi32, #tpu.memory_space<hbm>>) target(%arg8 : memref<1024xi32, #tpu.memory_space<vmem>>) target_semaphore(%arg11 : memref<!tpu.dma_semaphore, #tpu.memory_space<semaphore_mem>>)
      } else {
      }
      scf.yield %scan3A_157 : vector<16xi32>
    }
    %scan3A_103 = arith.constant 6 : i32
    %swap3A = arith.constant 0 : index
    %swap3A_104 = tpu.vector_load %arg9[%swap3A] {strides = array<i32>} : memref<16xi32, #tpu.memory_space<vmem>>, vector<16xi32>,
    %swap3A_105 = vector.shape_cast %swap3A_104 : vector<16xi32> to vector<16xi32>
    %swap3A_106 = vector.shape_cast %scan3A_102 : vector<16xi32> to vector<16xi32>
    tpu.vector_store %arg9[%swap3A], %swap3A_106 {strides = array<i32>} : memref<16xi32, #tpu.memory_space<vmem>>, vector<16xi32>,
    "tpu.region"() ({
      %run_scoped3A = tpu.sem_alloc : memref<!tpu.dma_semaphore, #tpu.memory_space<semaphore_mem>>
      %dma_start3A_107 = arith.constant 0 : i32
      %dma_start3A_108 = tpu.memref_slice %arg4[%add3A, %dma_start3A_107] : memref<32x16xi32, #tpu.memory_space<hbm>> -> memref<1x16xi32, #tpu.memory_space<hbm>>
      %dma_start3A_109 = tpu.memref_squeeze %dma_start3A_108 : memref<1x16xi32, #tpu.memory_space<hbm>> -> memref<16xi32, #tpu.memory_space<hbm>>
      %dma_start3A_110 = arith.constant 0 : i32
      %dma_start3A_111 = tpu.memref_slice %arg4[%add3A, %dma_start3A_110] : memref<32x16xi32, #tpu.memory_space<hbm>> -> memref<1x16xi32, #tpu.memory_space<hbm>>
      %dma_start3A_112 = tpu.memref_squeeze %dma_start3A_111 : memref<1x16xi32, #tpu.memory_space<hbm>> -> memref<16xi32, #tpu.memory_space<hbm>>
      tpu.enqueue_dma source(%arg9 : memref<16xi32, #tpu.memory_space<vmem>>) target(%dma_start3A_112 : memref<16xi32, #tpu.memory_space<hbm>>) target_semaphore(%run_scoped3A : memref<!tpu.dma_semaphore, #tpu.memory_space<semaphore_mem>>)
      %dma_wait3A = arith.constant 0 : i32
      %dma_wait3A_113 = tpu.memref_slice %arg4[%add3A, %dma_wait3A] : memref<32x16xi32, #tpu.memory_space<hbm>> -> memref<1x16xi32, #tpu.memory_space<hbm>>
      %dma_wait3A_114 = tpu.memref_squeeze %dma_wait3A_113 : memref<1x16xi32, #tpu.memory_space<hbm>> -> memref<16xi32, #tpu.memory_space<hbm>>
      %dma_wait3A_115 = arith.constant 0 : i32
      %dma_wait3A_116 = tpu.memref_slice %arg4[%add3A, %dma_wait3A_115] : memref<32x16xi32, #tpu.memory_space<hbm>> -> memref<1x16xi32, #tpu.memory_space<hbm>>
      %dma_wait3A_117 = tpu.memref_squeeze %dma_wait3A_116 : memref<1x16xi32, #tpu.memory_space<hbm>> -> memref<16xi32, #tpu.memory_space<hbm>>
      tpu.wait_dma2 semaphore(%run_scoped3A : memref<!tpu.dma_semaphore, #tpu.memory_space<semaphore_mem>>) src(%arg9 : memref<16xi32, #tpu.memory_space<vmem>>) dst(%dma_wait3A_117 : memref<16xi32, #tpu.memory_space<hbm>>)
      tpu.yield
    }) : () -> ()
    return
  }
}

module attributes {stable_mosaic.version = 14 : i64} {
  func.func @_tc_kernel(%arg0: i32, %arg1: i32, %arg2: memref<1x50x2048xf32, #tpu.memory_space<vmem>>, %arg3: memref<1x1x2048xi32, #tpu.memory_space<vmem>>, %arg4: memref<1x1xi32, #tpu.memory_space<smem>>) attributes {dimension_semantics = [#tpu.dimension_semantics<arbitrary>, #tpu.dimension_semantics<arbitrary>], iteration_bounds = array<i64: 16, 4>, scalar_prefetch = 0 : i64, scratch_operands = 0 : i64, tpu.core_type = #tpu.core_type<tc>, window_params = [{transform_indices = @transform_0, window_bounds = array<i64: 1, 50, 2048>}, {transform_indices = @transform_1, window_bounds = array<i64: 1, 1, 2048>}, {transform_indices = @transform_2, window_bounds = array<i64: 1, 1>}]} {
    %eq3A = arith.constant 0 : i32
    %eq3A_0 = arith.cmpi eq, %arg0, %eq3A : i32
    %eq3A_1 = arith.constant 0 : i32
    %eq3A_2 = arith.cmpi eq, %arg1, %eq3A_1 : i32
    %and3A = arith.andi %eq3A_0, %eq3A_2 : i1
    %get3A = arith.constant 0 : index
    %get3A_3 = arith.constant 0 : index
    %get3A_4 = arith.constant 0 : index
    %get3A_5 = vector.load %arg2[%get3A, %get3A_3, %get3A_4] : memref<1x50x2048xf32, #tpu.memory_space<vmem>>, vector<1x50x2048xf32>
    %get3A_6 = vector.shape_cast %get3A_5 : vector<1x50x2048xf32> to vector<50x2048xf32>
    %get3A_7 = arith.constant 0 : index
    %get3A_8 = arith.constant 0 : index
    %get3A_9 = arith.constant 0 : index
    %get3A_10 = vector.load %arg3[%get3A_7, %get3A_8, %get3A_9] : memref<1x1x2048xi32, #tpu.memory_space<vmem>>, vector<1x1x2048xi32>
    %get3A_11 = vector.shape_cast %get3A_10 : vector<1x1x2048xi32> to vector<1x2048xi32>
    %iota3A = tpu.iota {dimensions = array<i32: 0>} : vector<50x2048xi32>
    %reduce_max3A = arith.constant dense<0xFF800000> : vector<2048xf32>
    %reduce_max3A_12 = vector.multi_reduction <maximumf>, %get3A_6, %reduce_max3A [0] : vector<50x2048xf32> to vector<2048xf32>
    %broadcast_in_dim3A = vector.shape_cast %reduce_max3A_12 : vector<2048xf32> to vector<1x2048xf32>
    %eq3A_13 = vector.broadcast %broadcast_in_dim3A : vector<1x2048xf32> to vector<50x2048xf32>
    %eq3A_14 = arith.cmpf oeq, %get3A_6, %eq3A_13 : vector<50x2048xf32>
    %jit3A = arith.constant 50 : i32
    %broadcast_in_dim3A_15 = vector.broadcast %jit3A : i32 to vector<50x2048xi32>
    %select_n3A = arith.select %eq3A_14, %iota3A, %broadcast_in_dim3A_15 : vector<50x2048xi1>, vector<50x2048xi32>
    %reduce_min3A = arith.constant dense<2147483647> : vector<2048xi32>
    %reduce_min3A_16 = vector.multi_reduction <minsi>, %select_n3A, %reduce_min3A [0] : vector<50x2048xi32> to vector<2048xi32>
    %broadcast_in_dim3A_17 = vector.shape_cast %reduce_min3A_16 : vector<2048xi32> to vector<1x2048xi32>
    %eq3A_18 = vector.broadcast %broadcast_in_dim3A_17 : vector<1x2048xi32> to vector<50x2048xi32>
    %eq3A_19 = arith.cmpi eq, %iota3A, %eq3A_18 : vector<50x2048xi32>
    %jit3A_20 = arith.constant 0xFF800000 : f32
    %broadcast_in_dim3A_21 = vector.broadcast %jit3A_20 : f32 to vector<50x2048xf32>
    %select_n3A_22 = arith.select %eq3A_19, %broadcast_in_dim3A_21, %get3A_6 : vector<50x2048xi1>, vector<50x2048xf32>
    %reduce_max3A_23 = arith.constant dense<0xFF800000> : vector<2048xf32>
    %reduce_max3A_24 = vector.multi_reduction <maximumf>, %select_n3A_22, %reduce_max3A_23 [0] : vector<50x2048xf32> to vector<2048xf32>
    %broadcast_in_dim3A_25 = vector.shape_cast %reduce_max3A_24 : vector<2048xf32> to vector<1x2048xf32>
    %eq3A_26 = vector.broadcast %broadcast_in_dim3A_25 : vector<1x2048xf32> to vector<50x2048xf32>
    %eq3A_27 = arith.cmpf oeq, %select_n3A_22, %eq3A_26 : vector<50x2048xf32>
    %jit3A_28 = arith.constant 50 : i32
    %broadcast_in_dim3A_29 = vector.broadcast %jit3A_28 : i32 to vector<50x2048xi32>
    %select_n3A_30 = arith.select %eq3A_27, %iota3A, %broadcast_in_dim3A_29 : vector<50x2048xi1>, vector<50x2048xi32>
    %reduce_min3A_31 = arith.constant dense<2147483647> : vector<2048xi32>
    %reduce_min3A_32 = vector.multi_reduction <minsi>, %select_n3A_30, %reduce_min3A_31 [0] : vector<50x2048xi32> to vector<2048xi32>
    %broadcast_in_dim3A_33 = vector.shape_cast %reduce_min3A_32 : vector<2048xi32> to vector<1x2048xi32>
    %eq3A_34 = arith.cmpi eq, %broadcast_in_dim3A_17, %get3A_11 : vector<1x2048xi32>
    %convert_element_type3A = arith.extui %eq3A_34 : vector<1x2048xi1> to vector<1x2048xi32>
    %sub3A = arith.subf %broadcast_in_dim3A, %broadcast_in_dim3A_25 : vector<1x2048xf32>
    %lt3A = arith.constant 1.000000e-01 : f32
    %lt3A_35 = vector.broadcast %lt3A : f32 to vector<1x2048xf32>
    %lt3A_36 = arith.cmpf olt, %sub3A, %lt3A_35 : vector<1x2048xf32>
    %eq3A_37 = arith.cmpi eq, %broadcast_in_dim3A_33, %get3A_11 : vector<1x2048xi32>
    %and3A_38 = arith.andi %lt3A_36, %eq3A_37 : vector<1x2048xi1>
    %convert_element_type3A_39 = arith.extui %and3A_38 : vector<1x2048xi1> to vector<1x2048xi32>
    %reduce_sum3A = vector.shape_cast %convert_element_type3A : vector<1x2048xi32> to vector<1x1x2048xi32>
    %reduce_sum3A_40 = arith.constant dense<0> : vector<1xi32>
    %reduce_sum3A_41 = vector.multi_reduction <add>, %reduce_sum3A, %reduce_sum3A_40 [1, 2] : vector<1x1x2048xi32> to vector<1xi32>
    %reduce_sum3A_42 = vector.shape_cast %reduce_sum3A_41 : vector<1xi32> to vector<1x1x1xi32>
    %reduce_sum3A_43 = vector.extract %reduce_sum3A_42[0, 0, 0] : i32 from vector<1x1x1xi32>
    %reduce_sum3A_44 = vector.shape_cast %convert_element_type3A_39 : vector<1x2048xi32> to vector<1x1x2048xi32>
    %reduce_sum3A_45 = arith.constant dense<0> : vector<1xi32>
    %reduce_sum3A_46 = vector.multi_reduction <add>, %reduce_sum3A_44, %reduce_sum3A_45 [1, 2] : vector<1x1x2048xi32> to vector<1xi32>
    %reduce_sum3A_47 = vector.shape_cast %reduce_sum3A_46 : vector<1xi32> to vector<1x1x1xi32>
    %reduce_sum3A_48 = vector.extract %reduce_sum3A_47[0, 0, 0] : i32 from vector<1x1x1xi32>
    %add3A = arith.addi %reduce_sum3A_43, %reduce_sum3A_48 : i32
    %convert_element_type3A_49 = arith.extui %and3A : i1 to i32
    %cond3A = arith.constant 0 : i32
    %cond3A_50 = arith.cmpi ne, %convert_element_type3A_49, %cond3A : i32
    scf.if %cond3A_50 {
      %swap3A_57 = arith.constant 0 : i32
      %swap3A_58 = arith.constant 0 : index
      %swap3A_59 = arith.constant 0 : index
      %swap3A_60 = memref.load %arg4[%swap3A_58, %swap3A_59] : memref<1x1xi32, #tpu.memory_space<smem>>
      memref.store %swap3A_57, %arg4[%swap3A_58, %swap3A_59] : memref<1x1xi32, #tpu.memory_space<smem>>
    } else {
    }
    %get3A_51 = arith.constant 0 : index
    %get3A_52 = arith.constant 0 : index
    %get3A_53 = memref.load %arg4[%get3A_51, %get3A_52] : memref<1x1xi32, #tpu.memory_space<smem>>
    %add3A_54 = arith.addi %get3A_53, %add3A : i32
    %swap3A = arith.constant 0 : index
    %swap3A_55 = arith.constant 0 : index
    %swap3A_56 = memref.load %arg4[%swap3A, %swap3A_55] : memref<1x1xi32, #tpu.memory_space<smem>>
    memref.store %add3A_54, %arg4[%swap3A, %swap3A_55] : memref<1x1xi32, #tpu.memory_space<smem>>
    return
  }
  func.func @transform_0(%arg0: i32, %arg1: i32) -> (i32, i32, i32) {
    %add3A = arith.constant 48 : i32
    %add3A_0 = arith.addi %add3A, %arg0 : i32
    %c0_i32 = arith.constant 0 : i32
    %c0_i32_1 = arith.constant 0 : i32
    return %add3A_0, %c0_i32, %arg1 : i32, i32, i32
  }
  func.func @transform_1(%arg0: i32, %arg1: i32) -> (i32, i32, i32) {
    %add3A = arith.constant 48 : i32
    %add3A_0 = arith.addi %add3A, %arg0 : i32
    %c0_i32 = arith.constant 0 : i32
    %c0_i32_1 = arith.constant 0 : i32
    return %add3A_0, %c0_i32, %arg1 : i32, i32, i32
  }
  func.func @transform_2(%arg0: i32, %arg1: i32) -> (i32, i32) {
    %c0_i32 = arith.constant 0 : i32
    %c0_i32_0 = arith.constant 0 : i32
    %c0_i32_1 = arith.constant 0 : i32
    return %c0_i32, %c0_i32_0 : i32, i32
  }
}

</mosaic_0001>

<sc_bundles>
// kernel: kernel.4.cloned.1.call-start
scs
__scs_entry_jumppad:
0x0: {  	(pc) =	sbr.rel $0x88, $3  }
0x1: {  	(tag) =	ssettag $0x0;
	lr =	simm.s32 $0x1  }
0x2: {  	[smem:$0x3F9F] =	sst lr;
	_ =	strace $0xD0000000  }
0x3: {  	_ = 	snop  }
0x4: {  	_ = 	snop  }
0x5: {  	_ = 	snop  }
0x6: {  	_ = 	snop  }
0x7: {  	_ = 	snop  }
__scs_overlays_trampoline_lowered:
0x8: {  	[smem:$0x3FAE] =	sst s0  }
0x9: {  	[smem:$0x3FAF] =	sst s1  }
0xa: {  	[smem:$0x3FB0] =	sst s2  }
0xb: {  	[smem:$0x3FB1] =	sst s3  }
0xc: {  	[smem:$0x3FB2] =	sst s4  }
0xd: {  	[smem:$0x3FB3] =	sst s5  }
0xe: {  	[smem:$0x3FB4] =	sst s6  }
0xf: {  	[smem:$0x3FB5] =	sst s7  }
0x10: {  	[smem:$0x3FB6] =	sst s8  }
0x11: {  	[smem:$0x3FB7] =	sst s9;
	s0 =	simm.s32 @!p0 $0x0  }
0x12: {  	s1 =	sld [smem:$0x3F9D];
	s0 =	simm.s32 @p0 $0x1  }
0x13: {  	[smem:$0x3FB8] =	sst s0;
	s0 =	simm.s32 @!p1 $0x0  }
0x14: {  	s2 =	sld [smem:$0x3F9C];
	s0 =	simm.s32 @p1 $0x1  }
0x15: {  	[smem:$0x3FB9] =	sst s0;
	s0 =	simm.s32 @!p2 $0x0  }
0x16: {  	s3 =	sld [smem:$0x3FDB];
	s0 =	simm.s32 @p2 $0x1  }
0x17: {  	s4 =	simm.s32 $0x1BF5;
	[smem:$0x3FBB] =	sst s0  }
0x18: {  	s0 =	sld [smem:$0x3F9E];
	_ =	swait.ge [sflag:s4], $0x0  }
0x19: {  	s7 =	sld [smem:$0x3F9F]  }
0x1a: {  	s8 =	sadd.s32 $0xFFFFE003, lr  }
0x1b: {  	s9 =	sadd.s32 $0xFFFFFEF7, lr;
	s5 =	simm.s32 $0xFFFFFFFF;
	p2 =	slt.u32 s8, $0xFFFFF086  }
0x1c: {  	p1 =	slt.u32 s9, $0xF7A;
	s5 =	simm.s32 @!p2 $0x0  }
0x1d: {  	s5 =	simm.s32 @p1 $0x1;
	p0 =	seq.s32 s7, s2  }
0x1e: {  	s7 =	smul.u32 @!p0 $0xF7A, s2;
	p2 =	seq.s32 @!p0 s5, $0x0  }
0x1f: {  	s9 =	smul.u32 $0xF7A, s1;
	s8 =	simm.s32 @!p0 $0x1BF5;
	p2 =	por !p2, p0  }
0x20: {  	[sflag:s8] =	ssyncset.s32 @!p0 $0xFFFFF086;
	s6 =	sadd.s32 @!p0 s3, s7;
	s7 =	simm.s32 @!p0 $0x108  }
0x21: {  	s3 =	sadd.s32 s3, s9;
	s6 =	sadd.s32 @!p0 $0x88, s6;
	s7 =	simm.s32 @p2 $0x1082  }
0x22: {  	[simem:s7], [sflag:s8] =	dma.local @!p0 [hbm:s6], $0xF7A  }
0x23: {  	s9 =	sor.u32 $0xD0000000, s2;
	s6 =	simm.s32 $0x108;
	_ =	swait.ge @!p0 [sflag:s8], $0x0  }
0x24: {  	s3 =	sadd.s32 $0x88, s3;
	s6 =	simm.s32 @!p1 $0x1082;
	[sflag:s4] =	ssyncset.s32 $0xFFFFF086  }
0x25: {  	[simem:s6], [sflag:s4] =	dma.local [hbm:s3], $0xF7A  }
0x26: {  	[smem:$0x3F9F] =	sst s1;
	(tag) =	ssettag s2;
	_ =	strace s9  }
0x27: {  	s1 =	sld [smem:$0x3FAF]  }
0x28: {  	s2 =	sld [smem:$0x3FB0]  }
0x29: {  	s4 =	sld [smem:$0x3FB2]  }
0x2a: {  	p0 =	seq.s32 s5, $0x0;
	s5 =	sld [smem:$0x3FB3]  }
0x2b: {  	s6 =	sld [smem:$0x3FB4]  }
0x2c: {  	s7 =	sld [smem:$0x3FB5]  }
0x2d: {  	s3 =	simm.s32 $0x108;
	s8 =	sld [smem:$0x3FB6]  }
0x2e: {  	s3 =	simm.s32 @!p0 $0x1082;
	s9 =	sld [smem:$0x3FB7]  }
0x2f: {  	lr =	sadd.s32 s0, s3;
	s0 =	sld [smem:$0x3FAE]  }
0x30: {  	s3 =	sld [smem:$0x3FB1]  }
0x31: {  	[smem:$0x3FBA] =	sst s10  }
0x32: {  	s10 =	sld [smem:$0x3FB8];
	_ =	sdelay $0x3  }
0x33: {  	p0 =	seq.s32 s10, $0x1;
	s10 =	sld [smem:$0x3FBA];
	_ =	sdelay $0x3  }
0x34: {  	[smem:$0x3FBA] =	sst s10  }
0x35: {  	s10 =	sld [smem:$0x3FB9];
	_ =	sdelay $0x3  }
0x36: {  	p1 =	seq.s32 s10, $0x1;
	s10 =	sld [smem:$0x3FBA];
	_ =	sdelay $0x3  }
0x37: {  	[smem:$0x3FBA] =	sst s10  }
0x38: {  	s10 =	sld [smem:$0x3FBB]  }
0x39: {  	_ = 	snop;
	(pc) =	sbr.ind lr, $3  }
0x3a: {  	_ = 	snop  }
0x3b: {  	_ = 	snop  }
0x3c: {  	p2 =	seq.s32 s10, $0x1;
	s10 =	sld [smem:$0x3FBA]  }
0x3d: {  	_ =	shalt  }
0x3e: {  	_ =	shalt  }
0x3f: {  	_ =	shalt  }
0x40: {  	_ =	shalt  }
0x41: {  	_ =	shalt  }
0x42: {  	_ =	shalt  }
0x43: {  	_ =	shalt  }
0x44: {  	_ =	shalt  }
0x45: {  	_ =	shalt  }
0x46: {  	_ =	shalt  }
0x47: {  	_ =	shalt  }
0x48: {  	_ =	shalt  }
0x49: {  	_ =	shalt  }
0x4a: {  	_ =	shalt  }
0x4b: {  	_ =	shalt  }
0x4c: {  	_ =	shalt  }
0x4d: {  	_ =	shalt  }
0x4e: {  	_ =	shalt  }
0x4f: {  	_ =	shalt  }
0x50: {  	_ =	shalt  }
0x51: {  	_ =	shalt  }
0x52: {  	_ =	shalt  }
0x53: {  	_ =	shalt  }
0x54: {  	_ =	shalt  }
0x55: {  	_ =	shalt  }
0x56: {  	_ =	shalt  }
0x57: {  	_ =	shalt  }
0x58: {  	_ =	shalt  }
0x59: {  	_ =	shalt  }
0x5a: {  	_ =	shalt  }
0x5b: {  	_ =	shalt  }
0x5c: {  	_ =	shalt  }
0x5d: {  	_ =	shalt  }
0x5e: {  	_ =	shalt  }
0x5f: {  	_ =	shalt  }
0x60: {  	_ =	shalt  }
0x61: {  	_ =	shalt  }
0x62: {  	_ =	shalt  }
0x63: {  	_ =	shalt  }
0x64: {  	_ =	shalt  }
0x65: {  	_ =	shalt  }
0x66: {  	_ =	shalt  }
0x67: {  	_ =	shalt  }
0x68: {  	_ =	shalt  }
0x69: {  	_ =	shalt  }
0x6a: {  	_ =	shalt  }
0x6b: {  	_ =	shalt  }
0x6c: {  	_ =	shalt  }
0x6d: {  	_ =	shalt  }
0x6e: {  	_ =	shalt  }
0x6f: {  	_ =	shalt  }
0x70: {  	_ =	shalt  }
0x71: {  	_ =	shalt  }
0x72: {  	_ =	shalt  }
0x73: {  	_ =	shalt  }
0x74: {  	_ =	shalt  }
0x75: {  	_ =	shalt  }
0x76: {  	_ =	shalt  }
0x77: {  	_ =	shalt  }
0x78: {  	_ =	shalt  }
0x79: {  	_ =	shalt  }
0x7a: {  	_ =	shalt  }
0x7b: {  	_ =	shalt  }
0x7c: {  	_ =	shalt  }
0x7d: {  	_ =	shalt  }
0x7e: {  	_ =	shalt  }
0x7f: {  	_ =	shalt  }
0x80: {  	_ =	shalt  }
0x81: {  	_ =	shalt  }
0x82: {  	_ =	shalt  }
0x83: {  	_ =	shalt  }
0x84: {  	_ =	shalt  }
0x85: {  	_ =	shalt  }
0x86: {  	_ =	shalt  }
0x87: {  	_ =	shalt  }
.Lfunc_end0:
.L_simem_size_0:
called_computation_lowered:
.L_overlay_start_0:
0x88: {  	s2 =	sld [smem:$0x3FD9]  }
0x89: {  	s3 =	sld [smem:$0x3FFE];
	_ =	sdelay $0x1  }
0x8a: {  	s1 =	srdreg.scid  }
0x8b: {  	s0 =	sand.u32 $0x1, s1  }
0x8c: {  	s17 =	sshll.u32 s0, $0xA;
	s2 =	sadd.s32 s3, s2  }
0x8d: {  	s2 =	sadd.s32 s2, s17  }
0x8e: {  	[smem:$0x3FC6] =	sst s2  }
0x8f: {  	_ = 	snop  }
0x90: {  	s2 =	sld [smem:$0x3FC8];
	(tm) =	ssettm $0x1  }
0x91: {  	s18 =	sld [smem:$0x3FFB];
	_ =	sdelay $0x3  }
0x92: {  	_ =	strace s18  }
0x93: {  	s3 =	sld [smem:$0x3FFC];
	_ =	sdelay $0x3  }
0x94: {  	_ =	strace s3  }
0x95: {  	s3 =	sld [smem:$0x3FFD];
	_ =	sdelay $0x3  }
0x96: {  	_ =	strace s3  }
0x97: {  	_ =	strace $0x8FFFFFFF  }
0x98: {  	s19 =	sld [smem:$0x3FDB];
	_ =	sdelay $0x1  }
0x99: {  	s4 =	simm.s32 $_scs_section_size  }
0x9a: {  	s5 =	simm.s32 $_size__tile_overlayer_lowered;
	s6 =	simm.s32 $_tile_overlayer_lowered  }
0x9b: {  	s22 =	simm.s32 $0x1BFF;
	s21 =	sshll.u32 s6, $0x1;
	s3 =	sadd.s32 s4, s19  }
0x9c: {  	s7 =	simm.s32 $0x0;
	s20 =	sshll.u32 s5, $0x1;
	s5 =	sadd.s32 s21, s3  }
0x9d: {  	[timem:s7], [sflag:s22] =	dma.local [hbm:s5], s20  }
0x9e: {  	_ =	swait.ge [sflag:s22], s20  }
0x9f: {  	s4 =	ssub.s32 $0x0, s20;
	[sflag:s22] =	ssyncset.done $0x0  }
0xa0: {  	[sflag:s22] =	ssyncadd.s32 s4;
	_ =	sdelay $0x1  }
0xa1: {  	s23 =	simm.s32 $0x1B8B  }
0xa2: {  	_ =	swait.ge [sflag:s23], $0x1  }
0xa3: {  	[sflag:s23] =	ssyncset.done $0x0  }
0xa4: {  	s25 =	simm.s32 $0x1B8E;
	s24 =	sld [smem:$0x3FFE];
	[sflag:s23] =	ssyncadd.s32 $0xFFFFFFFF  }
0xa5: {  	s26 =	simm.s32 $execute0_lowered;
	[smem:$0x3FD2] =	sst s25  }
0xa6: {  	s5 =	sshll.u32 s26, $0x1;
	_ =	strace $0x80000046;
	[dreg:$0x1] =	wrdreg $0xFFFFFFFF  }
0xa7: {  	s28 =	simm.s32 $_size_execute0_lowered;
	s3 =	sadd.s32 s3, s5;
	[dreg:$0x0] =	wrdreg $0x0  }
0xa8: {  	s5 =	sshll.u32 s28, $0x1;
	[dreg:$0x2] =	wrdreg s3  }
0xa9: {  	[dreg:$0x3] =	wrdreg s5  }
0xaa: {  	[dreg:$0x4] =	wrdreg $0xC0  }
0xab: {  	_ =	task [dreg:s7], $0x5FFFF  }
0xac: {  	[dreg:$0x1] =	wrdreg $0xFFFFFFFF  }
0xad: {  	[dreg:$0x0] =	wrdreg $0x60  }
0xae: {  	[dreg:$0x2] =	wrdreg s24  }
0xaf: {  	[dreg:$0x3] =	wrdreg s2  }
0xb0: {  	[dreg:$0x4] =	wrdreg $0x9  }
0xb1: {  	_ =	task.clear_ibuf [dreg:s7], $0x5FFFF;
	_ =	strace $0x90000046  }
0xb2: {  	s29 =	simm.s32 $0x9;
	_ =	strace $0x80000048  }
0xb3: {  	_ =	swait.ge [sflag:s29], $0x1  }
0xb4: {  	[sflag:s29] =	ssyncadd.s32 $0xFFFFFFFF  }
0xb5: {  	_ =	strace $0x90000048  }
0xb6: {  	_ =	sfence  }
0xb7: {  	s30 =	sld [smem:$0x0];
	_ =	sdelay $0x2  }
0xb8: {  	s31 =	sshll.u32 s1, $0xD;
	s1 =	sshrl.u32 s1, $0x2  }
0xb9: {  	s3 =	sand.u32 $0x4000, s31;
	s1 =	sadd.s32 s1, s30  }
0xba: {  	s0 =	sor.u32 s3, s0;
	s1 =	sshll.u32 s1, $0x11  }
0xbb: {  	s0 =	sor.u32 s1, s0  }
0xbc: {  	s0 =	sadd.s32 $0x8F2B, s0  }
0xbd: {  	[sflag:s0] =	ssyncadd.remote.s32 $0x1  }
0xbe: {  	_ =	sfence.sel $0xFFFF  }
0xbf: {  	[dreg:$0x0] =	wrdreg $0xFFFFFFFF;
	(pc) =	sbr.abs _section_cstart, $3  }
0xc0: {  	[dreg:$0x1] =	wrdreg $0xFFFFFFFF  }
0xc1: {  	_ =	task.clear_ibuf [dreg:s7], $0x2FFFF;
	_ =	strace $0x9FFFFFFF  }
0xc2: {  	(tm) =	ssettm $0x7FFFFFFF  }
0xc3: {  	_ =	shalt  }
tec
execute0_lowered:
.L_overlay_start_1:
0x0: {  	(tag) =	ssettag $0x1  }
0x1: {  	s0 =	rddreg [dreg:$0x0]  }
0x2: {  	s2 =	rddreg [dreg:$0x1];
	s3 =	simm.s32 $0x0;
	s1 =	srdreg.scid  }
0x3: {  	s13 =	stileid.u32;
	s15 =	simm.s32 $0x2000;
	s16 =	simm.s32 $0x10000  }
0x4: {  	s17 =	simm.s32 $0x80;
	s18 =	simm.s32 $0x400;
	s20 =	simm.s32 $0xE000  }
0x5: {  	s21 =	simm.s32 $0x1C400;
	s22 =	simm.s32 $0x1;
	s23 =	simm.s32 $0x2  }
0x6: {  	s24 =	simm.s32 $0x1C800;
	s25 =	simm.s32 $0x3;
	s26 =	simm.s32 $0x0  }
0x7: {  	[smem:$0x7FF] =	sst s3;
	s1 =	sand.u32 $0x1, s1;
	s11 =	sshll.u32 s13, $0x1  }
0x8: {  	s4 =	sadd.s32 $0x200, s0;
	s7 =	sshrl.u32 s13, $0x2;
	s13 =	sshll.u32 s13, $0x5  }
0x9: {  	_ =	strace $0x80000047;
	s5 =	sor.u32 s1, s11;
	s1 =	ssub.s32 $0x2, s1  }
0xa: {  	s8 =	smul.u32 $0x70000, s7;
	s31 =	sor.u32 $0x4, s7;
	s7 =	sshll.u32 s7, $0x7  }
0xb: {  	s6 =	sshll.u32 s5, $0x4;
	s12 =	sshll.u32 s5, $0xD;
	s29 =	sshrl.u32 s1, $0x1  }
0xc: {  	s9 =	smul.u32 $0x70000, s31;
	s0 =	sadd.s32 s6, s0;
	s5 =	sand.u32 $0xE000, s12  }
0xd: {  	s1 =	ssub.s32 s1, s29;
	s14 =	sor.u32 s12, s13;
	s30 =	sor.u32 s8, s5  }
0xe: {  	s7 =	sor.u32 s7, s5;
	s8 =	sshll.u32 s31, $0x7;
	s9 =	sor.u32 s9, s5  }
.Ltmp0:
0xf: {  	s12 =	sadd.s32 $0x380200, s0;
	s13 =	smax.u32 s1, $0x1;
	(pc) =	sbr.rel .LBB2_1-.Ltmp0, $4  }
0x10: {  	s14 =	sand.u32 $0xE180, s14;
	s6 =	sshrl.u32 s30, $0x3;
	s7 =	sshrl.u32 s7, $0x3  }
0x11: {  	s8 =	sor.u32 s8, s5;
	s9 =	sshrl.u32 s9, $0x3;
	s6 =	sadd.s32 s4, s6  }
0x12: {  	s7 =	sadd.s32 s2, s7;
	s10 =	sshrl.u32 s8, $0x3;
	s8 =	sadd.s32 s4, s9  }
0x13: {  	v0 =	vimm.s32 $0x0;
	s9 =	sadd.s32 s2, s10;
	s10 =	sor.u32 $0x40, s11;
	s11 =	sor.u32 $0x60, s11  }
.LBB2_8:
0x14: {  	s26 =	sadd.s32 $0x1, s26  }
0x15: {  	p0 =	sne.s32 s26, s13  }
.Ltmp1:
0x16: {  	[tilespmem:$0x1C800] =	vst v1;
	(pc) =	sbr.rel @!p0 .LBB2_9-.Ltmp1, $4  }
0x17: {  	[hbm4b:s12+s3] =	stream.linear.scatter [tilespmem:s24], [sflag:$0x3], $0x80, $0x38;
	[tilespmem:$0x1C880] =	vst v63  }
0x18: {  	_ =	swait.ge [sflag:s25], $0x80  }
0x19: {  	[sflag:s25] =	ssyncset.done $0x0  }
0x1a: {  	[sflag:s25] =	ssyncadd.s32 $0xFFFFFF80  }
.LBB2_1:
0x1b: {  	[tilespmem:s3], [sflag:$0x1] =	stream.strided.gather [hbm4b:s6+s15], $0xE000, s16, s15, $0x38;
	[tilespmem:$0x1C880] =	vst v63  }
0x1c: {  	s0 =	simm.s32 $0x1C000  }
0x1d: {  	[tilespmem:s0], [sflag:$0x1] =	stream.strided.gather [hbm4b:s7+s17], $0x400, s18, s17, $0x38;
	[tilespmem:$0x1C880] =	vst v63  }
0x1e: {  	_ = 	snop  }
0x1f: {  	[tilespmem:s20], [sflag:$0x2] =	stream.strided.gather [hbm4b:s8+s15], $0xE000, s16, s15, $0x38;
	[tilespmem:$0x1C880] =	vst v63  }
0x20: {  	s28 =	simm.s32 $0x0  }
0x21: {  	v1 =	vimm.s32 $0x0;
	[tilespmem:s21], [sflag:$0x2] =	stream.strided.gather [hbm4b:s9+s17], $0x400, s18, s17, $0x38;
	[tilespmem:$0x1C880] =	vst v63  }
.LBB2_2:
0x22: {  	_ =	swait.ge [sflag:s22], $0xE000  }
0x23: {  	[sflag:s22] =	ssyncset.done $0x0  }
0x24: {  	[sflag:s22] =	ssyncadd.s32 $0xFFFF2000  }
0x25: {  	s0 =	simm.s32 $0x0;
	_ =	swait.ge [sflag:s22], $0x400  }
0x26: {  	s1 =	sand.u32 $0x70, s0;
	s0 =	sand.u32 $0x1C00, s0;
	[sflag:s22] =	ssyncset.done $0x0  }
0x27: {  	s0 =	sor.u32 s1, s0;
	[sflag:s22] =	ssyncadd.s32 $0xFFFFFC00  }
0x28: {  	v2 =	vld [tilespmem:s0+$0x0]  }
0x29: {  	v3 =	vld [tilespmem:s0+$0x80]  }
0x2a: {  	v4 =	vld [tilespmem:s0+$0x100];
	_ =	sdelay $0x2  }
0x2b: {  	v5 =	vld [tilespmem:s0+$0x180]  }
0x2c: {  	v6 =	vmax.f32 v3, v2;
	vm0 =	vgt.f32 v3, v2;
	v7 =	vmin.f32 v3, v2  }
0x2d: {  	v9 =	vld [tilespmem:s0+$0x200];
	v2 =	vmin.f32 v2, $-Inf;
	v8 =	vsel vm0, $0x1, v0;
	vm1 =	vgt.f32 v4, v6  }
0x2e: {  	v7 =	vmax.f32 v2, v7;
	v10 =	vmin.f32 v4, v6;
	v6 =	vmax.f32 v4, v6  }
0x2f: {  	vm0 =	vmneg vm0;
	vm3 =	vgt.f32 v3, v2;
	v2 =	vsel vm1, $0x2, v8  }
0x30: {  	vm2 =	vgt.f32 v5, v6;
	v11 =	vmin.f32 v5, v6;
	v6 =	vmax.f32 v5, v6  }
0x31: {  	v3 =	vld [tilespmem:s0+$0x280];
	vm0 =	vmand vm0, vm3;
	vm4 =	vgt.f32 v4, v7;
	v4 =	vmax.f32 v7, v10  }
0x32: {  	v7 =	vsel vm2, $0x3, v2;
	vm3 =	vgt.f32 v9, v6;
	v10 =	vmax.f32 v9, v6  }
0x33: {  	v12 =	vld [tilespmem:s0+$0x300];
	vm5 =	vgt.f32 v5, v4;
	v5 =	vmin.f32 v9, v6;
	v6 =	vsel vm0, $0x1, v0  }
0x34: {  	v4 =	vmax.f32 v4, v11;
	v11 =	vsel vm3, $0x4, v7;
	v6 =	vsel vm4, $0x2, v6  }
0x35: {  	v13 =	vld [tilespmem:s0+$0x380];
	v5 =	vmax.f32 v4, v5;
	vm9 =	vgt.f32 v9, v4;
	v6 =	vsel vm1, v8, v6  }
0x36: {  	vm0 =	vgt.f32 v3, v10;
	v14 =	vmin.f32 v3, v10;
	v10 =	vmax.f32 v3, v10  }
0x37: {  	v9 =	vld [tilespmem:s0+$0x2000];
	vm7 =	vgt.f32 v3, v5;
	v6 =	vsel vm5, $0x3, v6;
	v4 =	vsel vm0, $0x5, v11  }
0x38: {  	vm4 =	vgt.f32 v12, v10;
	v15 =	vmin.f32 v12, v10;
	v10 =	vmax.f32 v12, v10  }
0x39: {  	v3 =	vmax.f32 v5, v14;
	v2 =	vsel vm2, v2, v6;
	v5 =	vsel vm4, $0x6, v4  }
0x3a: {  	vm1 =	vgt.f32 v13, v10;
	v8 =	vmax.f32 v13, v10;
	vm8 =	vgt.f32 v12, v3  }
0x3b: {  	v14 =	vld [tilespmem:s0+$0x2080];
	v3 =	vmax.f32 v3, v15;
	v10 =	vmin.f32 v13, v10;
	v2 =	vsel vm9, $0x4, v2  }
0x3c: {  	v12 =	vsel vm1, $0x7, v5;
	vm5 =	vgt.f32 v9, v8;
	v10 =	vmax.f32 v3, v10  }
0x3d: {  	v15 =	vld [tilespmem:s0+$0x2100];
	v16 =	vmin.f32 v9, v8;
	v8 =	vmax.f32 v9, v8;
	v2 =	vsel vm3, v7, v2  }
0x3e: {  	vm13 =	vgt.f32 v13, v3;
	v3 =	vsel vm5, $0x8, v12;
	v2 =	vsel vm7, $0x5, v2  }
0x3f: {  	v6 =	vld [tilespmem:s0+$0x2180];
	vm12 =	vgt.f32 v9, v10;
	v9 =	vmax.f32 v10, v16;
	v2 =	vsel vm0, v11, v2  }
0x40: {  	vm6 =	vgt.f32 v14, v8;
	v13 =	vmin.f32 v14, v8;
	v8 =	vmax.f32 v14, v8  }
0x41: {  	v17 =	vld [tilespmem:s0+$0x2200];
	vm10 =	vgt.f32 v14, v9;
	v2 =	vsel vm8, $0x6, v2;
	v10 =	vsel vm6, $0x9, v3  }
0x42: {  	vm2 =	vgt.f32 v15, v8;
	v16 =	vmax.f32 v15, v8;
	v9 =	vmax.f32 v9, v13  }
0x43: {  	v8 =	vmin.f32 v15, v8;
	v2 =	vsel vm4, v4, v2;
	v7 =	vsel vm2, $0xA, v10  }
0x44: {  	vm3 =	vgt.f32 v6, v16;
	v8 =	vmax.f32 v9, v8;
	v14 =	vmin.f32 v6, v16  }
0x45: {  	v13 =	vld [tilespmem:s0+$0x2280];
	v16 =	vmax.f32 v6, v16;
	vm14 =	vgt.f32 v15, v9;
	v2 =	vsel vm13, $0x7, v2  }
0x46: {  	v9 =	vsel vm3, $0xB, v7;
	vm7 =	vgt.f32 v17, v16;
	v18 =	vmin.f32 v17, v16  }
0x47: {  	v15 =	vld [tilespmem:s0+$0x2300];
	v16 =	vmax.f32 v17, v16;
	vm11 =	vgt.f32 v6, v8;
	v2 =	vsel vm1, v5, v2  }
0x48: {  	v6 =	vmax.f32 v8, v14;
	v8 =	vsel vm7, $0xC, v9;
	v2 =	vsel vm12, $0x8, v2  }
0x49: {  	v14 =	vld [tilespmem:s0+$0x2380];
	vm9 =	vgt.f32 v17, v6;
	v4 =	vmax.f32 v6, v18;
	v2 =	vsel vm5, v12, v2  }
0x4a: {  	vm0 =	vgt.f32 v13, v16;
	v11 =	vmax.f32 v13, v16;
	v6 =	vmin.f32 v13, v16  }
0x4b: {  	v17 =	vld [tilespmem:s0+$0x4000];
	vm13 =	vgt.f32 v13, v4;
	v2 =	vsel vm10, $0x9, v2;
	v16 =	vsel vm0, $0xD, v8  }
0x4c: {  	vm4 =	vgt.f32 v15, v11;
	v6 =	vmax.f32 v4, v6;
	v18 =	vmin.f32 v15, v11  }
0x4d: {  	v5 =	vld [tilespmem:s0+$0x4080];
	v11 =	vmax.f32 v15, v11;
	v2 =	vsel vm6, v3, v2;
	v4 =	vsel vm4, $0xE, v16  }
0x4e: {  	vm8 =	vgt.f32 v14, v11;
	v13 =	vmin.f32 v14, v11;
	v11 =	vmax.f32 v14, v11  }
0x4f: {  	vm12 =	vgt.f32 v15, v6;
	v6 =	vmax.f32 v6, v18;
	v2 =	vsel vm14, $0xA, v2  }
0x50: {  	v12 =	vsel vm8, $0xF, v4;
	vm1 =	vgt.f32 v17, v11;
	v15 =	vmax.f32 v17, v11  }
0x51: {  	v18 =	vld [tilespmem:s0+$0x4100];
	vm10 =	vgt.f32 v14, v6;
	v3 =	vmax.f32 v6, v13;
	v6 =	vmin.f32 v17, v11  }
0x52: {  	v2 =	vsel vm2, v10, v2;
	v11 =	vsel vm1, $0x10, v12;
	vm5 =	vgt.f32 v5, v15  }
0x53: {  	v13 =	vld [tilespmem:s0+$0x4180];
	v6 =	vmax.f32 v3, v6;
	v14 =	vmin.f32 v5, v15;
	v15 =	vmax.f32 v5, v15  }
0x54: {  	vm14 =	vgt.f32 v17, v3;
	v2 =	vsel vm11, $0xB, v2;
	v3 =	vsel vm5, $0x11, v11  }
0x55: {  	v10 =	vld [tilespmem:s0+$0x4200];
	v2 =	vsel vm3, v7, v2;
	vm11 =	vgt.f32 v5, v6;
	v5 =	vmax.f32 v6, v14  }
0x56: {  	v2 =	vsel vm9, $0xC, v2;
	vm6 =	vgt.f32 v18, v15;
	v17 =	vmin.f32 v18, v15  }
0x57: {  	v15 =	vmax.f32 v18, v15;
	v2 =	vsel vm7, v9, v2;
	vm9 =	vgt.f32 v18, v5  }
0x58: {  	v14 =	vld [tilespmem:s0+$0x4280];
	v6 =	vsel vm6, $0x12, v3;
	vm2 =	vgt.f32 v13, v15;
	v7 =	vmax.f32 v13, v15  }
0x59: {  	v5 =	vmax.f32 v5, v17;
	v9 =	vmin.f32 v13, v15;
	v2 =	vsel vm13, $0xD, v2  }
0x5a: {  	v17 =	vld [tilespmem:s0+$0x4300];
	v15 =	vsel vm2, $0x13, v6;
	vm3 =	vgt.f32 v10, v7;
	v9 =	vmax.f32 v5, v9  }
0x5b: {  	v18 =	vmin.f32 v10, v7;
	v7 =	vmax.f32 v10, v7;
	v2 =	vsel vm0, v8, v2  }
0x5c: {  	vm13 =	vgt.f32 v13, v5;
	v5 =	vsel vm3, $0x14, v15;
	v2 =	vsel vm12, $0xE, v2  }
0x5d: {  	v8 =	vld [tilespmem:s0+$0x4380];
	vm7 =	vgt.f32 v14, v7;
	v13 =	vmin.f32 v14, v7;
	v7 =	vmax.f32 v14, v7  }
0x5e: {  	vm12 =	vgt.f32 v10, v9;
	v9 =	vmax.f32 v9, v18;
	v2 =	vsel vm4, v16, v2  }
0x5f: {  	v18 =	vld [tilespmem:s0+$0x6000];
	v10 =	vsel vm7, $0x15, v5;
	v2 =	vsel vm10, $0xF, v2;
	vm0 =	vgt.f32 v17, v7  }
0x60: {  	v16 =	vmax.f32 v17, v7;
	v2 =	vsel vm8, v4, v2;
	vm8 =	vgt.f32 v14, v9  }
0x61: {  	v4 =	vmax.f32 v9, v13;
	v7 =	vmin.f32 v17, v7;
	v9 =	vsel vm0, $0x16, v10  }
0x62: {  	v2 =	vsel vm14, $0x10, v2;
	vm4 =	vgt.f32 v8, v16;
	v7 =	vmax.f32 v4, v7  }
0x63: {  	v13 =	vld [tilespmem:s0+$0x6080];
	v14 =	vmin.f32 v8, v16;
	v16 =	vmax.f32 v8, v16;
	vm14 =	vgt.f32 v17, v4  }
0x64: {  	v2 =	vsel vm1, v12, v2;
	v4 =	vsel vm4, $0x17, v9;
	vm1 =	vgt.f32 v18, v16  }
0x65: {  	v17 =	vld [tilespmem:s0+$0x6100];
	v12 =	vmin.f32 v18, v16;
	v16 =	vmax.f32 v18, v16;
	v2 =	vsel vm11, $0x11, v2  }
0x66: {  	vm10 =	vgt.f32 v8, v7;
	v7 =	vmax.f32 v7, v14;
	v2 =	vsel vm5, v11, v2  }
0x67: {  	v8 =	vsel vm1, $0x18, v4;
	v12 =	vmax.f32 v7, v12;
	v2 =	vsel vm9, $0x12, v2  }
0x68: {  	vm5 =	vgt.f32 v13, v16;
	v11 =	vmax.f32 v13, v16;
	v14 =	vmin.f32 v13, v16;
	v16 =	vld [tilespmem:s0+$0x6180]  }
0x69: {  	vm9 =	vgt.f32 v18, v7;
	vm11 =	vgt.f32 v13, v12;
	v2 =	vsel vm6, v3, v2  }
0x6a: {  	v18 =	vld [tilespmem:s0+$0x6200];
	v3 =	vsel vm5, $0x19, v8;
	vm6 =	vgt.f32 v17, v11;
	v7 =	vmax.f32 v17, v11  }
0x6b: {  	v14 =	vmax.f32 v12, v14;
	v11 =	vmin.f32 v17, v11;
	v2 =	vsel vm13, $0x13, v2  }
0x6c: {  	v11 =	vmax.f32 v14, v11;
	v2 =	vsel vm2, v6, v2;
	v6 =	vsel vm6, $0x1A, v3  }
0x6d: {  	v13 =	vld [tilespmem:s0+$0x6280];
	v2 =	vsel vm12, $0x14, v2;
	vm12 =	vgt.f32 v17, v14;
	vm2 =	vgt.f32 v16, v7  }
0x6e: {  	v12 =	vmax.f32 v16, v7;
	v7 =	vmin.f32 v16, v7;
	v2 =	vsel vm3, v15, v2  }
0x6f: {  	v14 =	vsel vm2, $0x1B, v6;
	v2 =	vsel vm8, $0x15, v2;
	vm3 =	vgt.f32 v18, v12  }
0x70: {  	v17 =	vld [tilespmem:s0+$0x6300];
	v15 =	vmax.f32 v18, v12;
	v7 =	vmax.f32 v11, v7;
	v12 =	vmin.f32 v18, v12  }
0x71: {  	vm8 =	vgt.f32 v16, v11;
	v2 =	vsel vm7, v5, v2;
	v5 =	vsel vm3, $0x1C, v14  }
0x72: {  	v16 =	vld [tilespmem:s0+$0x6380];
	vm7 =	vgt.f32 v13, v15;
	v11 =	vmax.f32 v13, v15;
	v12 =	vmax.f32 v7, v12  }
0x73: {  	v15 =	vmin.f32 v13, v15;
	vm13 =	vgt.f32 v18, v7;
	v2 =	vsel vm14, $0x16, v2  }
0x74: {  	v18 =	vld [tilespmem:s0+$0x8000];
	v7 =	vsel vm7, $0x1D, v5;
	v15 =	vmax.f32 v12, v15;
	v2 =	vsel vm0, v10, v2  }
0x75: {  	vm0 =	vgt.f32 v17, v11;
	v10 =	vmax.f32 v17, v11;
	v11 =	vmin.f32 v17, v11  }
0x76: {  	v2 =	vsel vm10, $0x17, v2;
	vm10 =	vgt.f32 v13, v12;
	v11 =	vmax.f32 v15, v11  }
0x77: {  	v2 =	vsel vm4, v9, v2;
	v9 =	vsel vm0, $0x1E, v7;
	vm4 =	vgt.f32 v16, v10  }
0x78: {  	v13 =	vld [tilespmem:s0+$0x8080];
	v12 =	vmax.f32 v16, v10;
	v10 =	vmin.f32 v16, v10;
	v2 =	vsel vm9, $0x18, v2  }
0x79: {  	vm9 =	vgt.f32 v17, v15;
	v15 =	vmax.f32 v18, v12;
	v10 =	vmax.f32 v11, v10  }
0x7a: {  	v17 =	vld [tilespmem:s0+$0x8100];
	v2 =	vsel vm1, v4, v2;
	v4 =	vsel vm4, $0x1F, v9;
	vm1 =	vgt.f32 v18, v12  }
0x7b: {  	v12 =	vmin.f32 v18, v12;
	v2 =	vsel vm11, $0x19, v2;
	vm11 =	vgt.f32 v16, v11  }
0x7c: {  	v12 =	vmax.f32 v10, v12;
	v2 =	vsel vm5, v8, v2;
	v8 =	vsel vm1, $0x20, v4  }
0x7d: {  	v16 =	vld [tilespmem:s0+$0x8180];
	vm5 =	vgt.f32 v13, v15;
	v11 =	vmax.f32 v13, v15;
	v15 =	vmin.f32 v13, v15  }
0x7e: {  	v2 =	vsel vm12, $0x1A, v2;
	vm12 =	vgt.f32 v18, v10;
	v15 =	vmax.f32 v12, v15  }
0x7f: {  	v2 =	vsel vm6, v3, v2;
	v3 =	vsel vm5, $0x21, v8;
	vm6 =	vgt.f32 v17, v11  }
0x80: {  	v18 =	vld [tilespmem:s0+$0x8200];
	v10 =	vmax.f32 v17, v11;
	v11 =	vmin.f32 v17, v11;
	v2 =	vsel vm8, $0x1B, v2  }
0x81: {  	vm8 =	vgt.f32 v13, v12;
	v11 =	vmax.f32 v15, v11;
	v2 =	vsel vm2, v6, v2  }
0x82: {  	v13 =	vld [tilespmem:s0+$0x8280];
	v6 =	vsel vm6, $0x22, v3;
	vm2 =	vgt.f32 v16, v10;
	v12 =	vmax.f32 v16, v10  }
0x83: {  	v10 =	vmin.f32 v16, v10;
	v2 =	vsel vm13, $0x1C, v2;
	vm13 =	vgt.f32 v17, v15  }
0x84: {  	v10 =	vmax.f32 v11, v10;
	v2 =	vsel vm3, v14, v2;
	v14 =	vsel vm2, $0x23, v6  }
0x85: {  	v17 =	vld [tilespmem:s0+$0x8300];
	vm3 =	vgt.f32 v18, v12;
	v15 =	vmax.f32 v18, v12;
	v12 =	vmin.f32 v18, v12  }
0x86: {  	v2 =	vsel vm10, $0x1D, v2;
	vm10 =	vgt.f32 v16, v11;
	v12 =	vmax.f32 v10, v12  }
0x87: {  	v2 =	vsel vm7, v5, v2;
	v5 =	vsel vm3, $0x24, v14;
	vm7 =	vgt.f32 v13, v15  }
0x88: {  	v16 =	vld [tilespmem:s0+$0x8380];
	v11 =	vmax.f32 v13, v15;
	v15 =	vmin.f32 v13, v15;
	v2 =	vsel vm9, $0x1E, v2  }
0x89: {  	vm9 =	vgt.f32 v18, v10;
	v2 =	vsel vm0, v7, v2;
	v7 =	vsel vm7, $0x25, v5  }
0x8a: {  	vm0 =	vgt.f32 v17, v11;
	v10 =	vmax.f32 v17, v11;
	v2 =	vsel vm11, $0x1F, v2  }
0x8b: {  	v11 =	vmin.f32 v17, v11;
	v2 =	vsel vm4, v9, v2;
	v9 =	vmax.f32 v12, v15;
	v15 =	vld [tilespmem:s0+$0xA000]  }
0x8c: {  	vm11 =	vgt.f32 v13, v12;
	v12 =	vsel vm0, $0x26, v7;
	v2 =	vsel vm12, $0x20, v2  }
0x8d: {  	v11 =	vmax.f32 v9, v11;
	v2 =	vsel vm1, v4, v2;
	vm1 =	vgt.f32 v16, v10  }
0x8e: {  	v4 =	vmax.f32 v16, v10;
	v10 =	vmin.f32 v16, v10;
	v2 =	vsel vm8, $0x21, v2  }
0x8f: {  	v13 =	vld [tilespmem:s0+$0xA080];
	v2 =	vsel vm5, v8, v2;
	vm5 =	vgt.f32 v17, v9;
	v8 =	vsel vm1, $0x27, v12  }
0x90: {  	v2 =	vsel vm13, $0x22, v2;
	vm4 =	vgt.f32 v15, v4;
	v9 =	vmax.f32 v15, v4  }
0x91: {  	v4 =	vmin.f32 v15, v4;
	v2 =	vsel vm6, v3, v2;
	v3 =	vmax.f32 v11, v10;
	v10 =	vld [tilespmem:s0+$0xA100]  }
0x92: {  	vm6 =	vgt.f32 v16, v11;
	v11 =	vsel vm4, $0x28, v8;
	v2 =	vsel vm10, $0x23, v2  }
0x93: {  	v4 =	vmax.f32 v3, v4;
	vm8 =	vgt.f32 v15, v3;
	v2 =	vsel vm2, v6, v2  }
0x94: {  	v16 =	vld [tilespmem:s0+$0xA180];
	vm2 =	vgt.f32 v13, v9;
	v6 =	vmax.f32 v13, v9;
	v2 =	vsel vm9, $0x24, v2  }
0x95: {  	v9 =	vmin.f32 v13, v9;
	v3 =	vsel vm2, $0x29, v11;
	v2 =	vsel vm3, v14, v2  }
0x96: {  	v2 =	vsel vm11, $0x25, v2;
	vm3 =	vgt.f32 v10, v6;
	v14 =	vmax.f32 v10, v6  }
0x97: {  	v6 =	vmin.f32 v10, v6;
	v2 =	vsel vm7, v5, v2;
	v5 =	vmax.f32 v4, v9;
	v9 =	vld [tilespmem:s0+$0xA200]  }
0x98: {  	v2 =	vsel vm5, $0x26, v2;
	vm5 =	vgt.f32 v13, v4;
	v4 =	vsel vm3, $0x2A, v3  }
0x99: {  	v6 =	vmax.f32 v5, v6;
	v13 =	vmin.f32 v16, v14;
	v2 =	vsel vm0, v7, v2  }
0x9a: {  	vm0 =	vgt.f32 v16, v14;
	v7 =	vmax.f32 v16, v14;
	v14 =	vld [tilespmem:s0+$0xA280];
	v2 =	vsel vm6, $0x27, v2  }
0x9b: {  	v2 =	vsel vm1, v12, v2;
	vm1 =	vgt.f32 v10, v5;
	v5 =	vsel vm0, $0x2B, v4  }
0x9c: {  	v12 =	vld [tilespmem:s0+$0xA300];
	v2 =	vsel vm8, $0x28, v2;
	vm6 =	vgt.f32 v9, v7;
	v10 =	vmax.f32 v9, v7  }
0x9d: {  	v7 =	vmin.f32 v9, v7;
	v2 =	vsel vm4, v8, v2;
	v8 =	vmax.f32 v6, v13  }
0x9e: {  	vm4 =	vgt.f32 v16, v6;
	v6 =	vsel vm6, $0x2C, v5;
	v2 =	vsel vm5, $0x29, v2  }
0x9f: {  	v7 =	vmax.f32 v8, v7;
	v2 =	vsel vm2, v11, v2;
	vm2 =	vgt.f32 v14, v10  }
0xa0: {  	v13 =	vld [tilespmem:s0+$0xA380];
	v11 =	vmax.f32 v14, v10;
	v10 =	vmin.f32 v14, v10;
	v2 =	vsel vm1, $0x2A, v2  }
0xa1: {  	vm1 =	vgt.f32 v9, v8;
	v8 =	vmax.f32 v12, v11;
	v2 =	vsel vm3, v3, v2  }
0xa2: {  	v9 =	vmin.f32 v12, v11;
	v3 =	vsel vm2, $0x2D, v6;
	v2 =	vsel vm4, $0x2B, v2  }
0xa3: {  	vm3 =	vgt.f32 v12, v11;
	v2 =	vsel vm0, v4, v2;
	v4 =	vmax.f32 v7, v10;
	v10 =	vld [tilespmem:s0+$0xC000]  }
0xa4: {  	vm0 =	vgt.f32 v14, v7;
	v7 =	vsel vm3, $0x2E, v3;
	v2 =	vsel vm1, $0x2C, v2  }
0xa5: {  	vm1 =	vgt.f32 v13, v8;
	v9 =	vmax.f32 v4, v9;
	v2 =	vsel vm6, v5, v2  }
0xa6: {  	v11 =	vld [tilespmem:s0+$0xC080];
	v5 =	vmax.f32 v13, v8;
	v8 =	vmin.f32 v13, v8;
	v2 =	vsel vm0, $0x2D, v2  }
0xa7: {  	vm0 =	vgt.f32 v12, v4;
	v4 =	vsel vm1, $0x2F, v7;
	v2 =	vsel vm2, v6, v2  }
0xa8: {  	vm2 =	vgt.f32 v13, v9;
	v2 =	vsel vm0, $0x2E, v2;
	vm0 =	vgt.f32 v10, v5  }
0xa9: {  	s19 =	simm.s32 $0x10;
	s0 =	simm.s32 $0x80;
	v6 =	vmin.f32 v10, v5;
	v2 =	vsel vm3, v3, v2;
	v3 =	vmax.f32 v10, v5  }
0xaa: {  	s30 =	simm.s32 $0x1C000;
	s1 =	sand.u32 $0x70, s19;
	s29 =	sand.u32 $0x1C00, s0;
	v5 =	vmax.f32 v9, v8;
	v8 =	vsel vm0, $0x30, v4;
	v2 =	vsel vm2, $0x2F, v2  }
0xab: {  	s31 =	sor.u32 s1, s29;
	v9 =	vld [tilespmem:s30+$0x0];
	v2 =	vsel vm1, v7, v2;
	vm1 =	vgt.f32 v10, v5;
	v7 =	vmax.f32 v11, v3  }
0xac: {  	v12 =	vld [tilespmem:s31+$0x80];
	v5 =	vmax.f32 v5, v6;
	v6 =	vmin.f32 v11, v3;
	v2 =	vsel vm1, $0x30, v2  }
0xad: {  	v10 =	vld [tilespmem:s31+$0x0];
	v2 =	vsel vm0, v4, v2;
	vm0 =	vgt.f32 v11, v5;
	v4 =	vmax.f32 v5, v6  }
0xae: {  	vm1 =	vgt.f32 v11, v3;
	v2 =	vsel vm0, $0x31, v2;
	v3 =	vsub.f32 v7, v4  }
0xaf: {  	v5 =	vsel vm1, $0x31, v8;
	v4 =	vld [tilespmem:s31+$0x100];
	v2 =	vsel vm1, v8, v2  }
0xb0: {  	vm0 =	veq.s32 v5, v9;
	vm1 =	vlt.f32 v3, $1.000000010e-01;
	vm2 =	veq.s32 v2, v9  }
0xb1: {  	v2 =	vsel vm0, $0x1, v0;
	vm0 =	vmand vm1, vm2  }
0xb2: {  	v5 =	vld [tilespmem:s31+$0x180];
	v3 =	vmax.f32 v12, v10;
	v1 =	vadd.s32 v2, v1;
	v6 =	vsel vm0, $0x1, v0  }
0xb3: {  	v2 =	vmin.f32 v12, v10;
	vm0 =	vgt.f32 v12, v10;
	v1 =	vadd.s32 v6, v1  }
0xb4: {  	v8 =	vld [tilespmem:s31+$0x200];
	v6 =	vmin.f32 v10, $-Inf;
	v7 =	vsel vm0, $0x1, v0;
	vm2 =	vgt.f32 v4, v3  }
0xb5: {  	v9 =	vmin.f32 v4, v3;
	v3 =	vmax.f32 v4, v3;
	vm0 =	vmneg vm0  }
0xb6: {  	v2 =	vmax.f32 v6, v2;
	vm3 =	vgt.f32 v12, v6;
	v10 =	vsel vm2, $0x2, v7  }
0xb7: {  	vm1 =	vgt.f32 v5, v3;
	v11 =	vmin.f32 v5, v3;
	v3 =	vmax.f32 v5, v3  }
0xb8: {  	v6 =	vld [tilespmem:s31+$0x280];
	vm3 =	vmand vm0, vm3;
	vm4 =	vgt.f32 v4, v2;
	v2 =	vmax.f32 v2, v9  }
0xb9: {  	v12 =	vsel vm1, $0x3, v10;
	vm0 =	vgt.f32 v8, v3;
	v4 =	vmax.f32 v8, v3  }
0xba: {  	v13 =	vld [tilespmem:s31+$0x300];
	v3 =	vmin.f32 v8, v3;
	vm8 =	vgt.f32 v5, v2;
	v5 =	vsel vm3, $0x1, v0  }
0xbb: {  	v2 =	vmax.f32 v2, v11;
	v9 =	vsel vm0, $0x4, v12;
	v11 =	vld [tilespmem:s31+$0x380];
	v5 =	vsel vm4, $0x2, v5  }
0xbc: {  	v3 =	vmax.f32 v2, v3;
	vm12 =	vgt.f32 v8, v2;
	v5 =	vsel vm2, v7, v5  }
0xbd: {  	vm9 =	vgt.f32 v6, v4;
	v14 =	vmin.f32 v6, v4;
	v4 =	vmax.f32 v6, v4  }
0xbe: {  	v2 =	vld [tilespmem:s31+$0x2000];
	vm7 =	vgt.f32 v6, v3;
	v5 =	vsel vm8, $0x3, v5;
	v8 =	vsel vm9, $0x5, v9  }
0xbf: {  	vm6 =	vgt.f32 v13, v4;
	v15 =	vmin.f32 v13, v4;
	v4 =	vmax.f32 v13, v4  }
0xc0: {  	v16 =	vld [tilespmem:s31+$0x2080];
	v3 =	vmax.f32 v3, v14;
	v7 =	vsel vm6, $0x6, v8;
	vm5 =	vgt.f32 v11, v4  }
0xc1: {  	v14 =	vmax.f32 v11, v4;
	vm10 =	vgt.f32 v13, v3;
	v3 =	vmax.f32 v3, v15  }
0xc2: {  	v17 =	vld [tilespmem:s31+$0x2100];
	v4 =	vmin.f32 v11, v4;
	v15 =	vsel vm1, v10, v5;
	v6 =	vsel vm5, $0x7, v7  }
0xc3: {  	vm4 =	vgt.f32 v2, v14;
	v4 =	vmax.f32 v3, v4;
	v13 =	vmin.f32 v2, v14  }
0xc4: {  	v14 =	vmax.f32 v2, v14;
	vm11 =	vgt.f32 v11, v3;
	v5 =	vsel vm4, $0x8, v6  }
0xc5: {  	v10 =	vld [tilespmem:s31+$0x2180];
	vm3 =	vgt.f32 v16, v14;
	v3 =	vmin.f32 v16, v14;
	v11 =	vmax.f32 v16, v14  }
0xc6: {  	v14 =	vsel vm12, $0x4, v15;
	vm12 =	vgt.f32 v2, v4;
	v2 =	vmax.f32 v4, v13  }
0xc7: {  	v13 =	vld [tilespmem:s31+$0x2200];
	v4 =	vsel vm3, $0x9, v5;
	vm2 =	vgt.f32 v17, v11;
	v18 =	vmax.f32 v17, v11  }
0xc8: {  	vm8 =	vgt.f32 v16, v2;
	v2 =	vmax.f32 v2, v3;
	v11 =	vmin.f32 v17, v11  }
0xc9: {  	v16 =	vsel vm0, v12, v14;
	v3 =	vsel vm2, $0xA, v4;
	v14 =	vmax.f32 v2, v11  }
0xca: {  	vm1 =	vgt.f32 v10, v18;
	v15 =	vmin.f32 v10, v18;
	v19 =	vmax.f32 v10, v18  }
0xcb: {  	v12 =	vld [tilespmem:s31+$0x2280];
	v18 =	vsel vm7, $0x5, v16;
	vm7 =	vgt.f32 v17, v2;
	v2 =	vsel vm1, $0xB, v3  }
0xcc: {  	s29 =	simm.s32 $0x20;
	v11 =	vld [tilespmem:s31+$0x2300];
	vm0 =	vgt.f32 v13, v19;
	v17 =	vmin.f32 v13, v19;
	v16 =	vmax.f32 v13, v19  }
.LBB2_3:
0xcd: {  	v18 =	vsel vm9, v9, v18;
	vm14 =	vgt.f32 v10, v14;
	v10 =	vmax.f32 v14, v15  }
0xce: {  	v15 =	vld [tilespmem:s31+$0x2380];
	vm15 =	vgt.f32 v13, v10;
	v13 =	vmax.f32 v10, v17;
	v17 =	vsel vm10, $0x6, v18  }
0xcf: {  	v17 =	vsel vm6, v8, v17;
	v8 =	vimm.s32 $0x0  }
0xd0: {  	v18 =	vld [tilespmem:s31+$0x4000];
	v17 =	vsel vm11, $0x7, v17;
	vm9 =	vgt.f32 v12, v16;
	v14 =	vmax.f32 v12, v16  }
0xd1: {  	v16 =	vmin.f32 v12, v16;
	vm6 =	vgt.f32 v12, v13;
	vm13 =	vgt.f32 v11, v14  }
0xd2: {  	v16 =	vmax.f32 v13, v16;
	v19 =	vmin.f32 v11, v14;
	v14 =	vmax.f32 v11, v14  }
0xd3: {  	v8 =	vsel vm6, $0xFFFFFFFF, v8;
	vm6 =	vgt.f32 v15, v14;
	v12 =	vmin.f32 v15, v14  }
0xd4: {  	v14 =	vmax.f32 v15, v14;
	vm10 =	vgt.f32 v11, v16;
	v11 =	vimm.s32 $0x0  }
0xd5: {  	v13 =	vld [tilespmem:s31+$0x4080];
	v16 =	vmax.f32 v16, v19;
	v11 =	vsel vm10, $0xFFFFFFFF, v11;
	vm10 =	vgt.f32 v18, v14  }
0xd6: {  	v20 =	vld [tilespmem:s31+$0x4100];
	v19 =	vmax.f32 v18, v14;
	vm11 =	vgt.f32 v15, v16;
	v15 =	vimm.s32 $0x0  }
0xd7: {  	v12 =	vmax.f32 v16, v12;
	v14 =	vmin.f32 v18, v14;
	v15 =	vsel vm11, $0xFFFFFFFF, v15  }
0xd8: {  	v14 =	vmax.f32 v12, v14;
	vm11 =	vgt.f32 v18, v12;
	v12 =	vimm.s32 $0x0  }
0xd9: {  	v16 =	vld [tilespmem:s31+$0x4180];
	[tilespmem:$0x1FF30] =	vst v15;
	v15 =	vsel vm5, v7, v17;
	v12 =	vsel vm11, $0xFFFFFFFF, v12  }
0xda: {  	vm5 =	vgt.f32 v13, v19;
	v17 =	vmin.f32 v13, v19;
	v19 =	vmax.f32 v13, v19  }
0xdb: {  	v18 =	vld [tilespmem:s31+$0x4200];
	v15 =	vsel vm12, $0x8, v15;
	vm12 =	vgt.f32 v20, v19;
	v21 =	vmin.f32 v20, v19  }
0xdc: {  	v15 =	vsel vm4, v6, v15;
	vm4 =	vgt.f32 v13, v14;
	v6 =	vimm.s32 $0x0  }
0xdd: {  	v19 =	vmax.f32 v20, v19;
	v13 =	vmax.f32 v14, v17;
	v6 =	vsel vm4, $0xFFFFFFFF, v6  }
0xde: {  	vm11 =	vgt.f32 v16, v19;
	v14 =	vmax.f32 v16, v19;
	vm4 =	vgt.f32 v20, v13  }
0xdf: {  	v20 =	vimm.s32 $0x0;
	v19 =	vmin.f32 v16, v19;
	v15 =	vsel vm8, $0x9, v15  }
0xe0: {  	v17 =	vld [tilespmem:s31+$0x4280];
	v20 =	vsel vm4, $0xFFFFFFFF, v20;
	vm4 =	vgt.f32 v18, v14;
	v22 =	vmin.f32 v18, v14  }
0xe1: {  	v14 =	vmax.f32 v18, v14;
	v15 =	vsel vm3, v5, v15;
	[tilespmem:$0x1FF60] =	vst v20;
	v20 =	vmax.f32 v13, v21  }
0xe2: {  	v53 =	vld [tilespmem:s31+$0x4300];
	v5 =	vimm.s32 $0x0;
	v15 =	vsel vm7, $0xA, v15;
	v19 =	vmax.f32 v20, v19  }
0xe3: {  	vm3 =	vgt.f32 v16, v20;
	vm7 =	vgt.f32 v18, v19;
	v18 =	vimm.s32 $0x0  }
0xe4: {  	v5 =	vsel vm3, $0xFFFFFFFF, v5;
	v18 =	vsel vm7, $0xFFFFFFFF, v18  }
0xe5: {  	v16 =	vld [tilespmem:s31+$0x4380];
	vm3 =	vgt.f32 v17, v14;
	v20 =	vmin.f32 v17, v14;
	[tilespmem:$0x1FF80] =	vst v18;
	v18 =	vmax.f32 v19, v22  }
0xe6: {  	v14 =	vmax.f32 v17, v14;
	vm8 =	vgt.f32 v17, v18;
	v17 =	vimm.s32 $0x0  }
0xe7: {  	v23 =	vld [tilespmem:s31+$0x6000];
	v4 =	vsel vm2, v4, v15;
	vm7 =	vgt.f32 v53, v14;
	v17 =	vsel vm8, $0xFFFFFFFF, v17  }
0xe8: {  	v54 =	vmax.f32 v53, v14;
	v14 =	vmin.f32 v53, v14;
	[tilespmem:$0x1FF90] =	vst v17;
	v17 =	vmax.f32 v18, v20  }
0xe9: {  	v9 =	vsel vm0, $0xC, v2;
	v4 =	vsel vm14, $0xB, v4;
	v14 =	vmax.f32 v17, v14  }
0xea: {  	v3 =	vsel vm1, v3, v4;
	v4 =	vimm.s32 $0x0;
	vm1 =	vgt.f32 v16, v14  }
0xeb: {  	[tilespmem:$0x1FF10] =	vst v8;
	v22 =	vmax.f32 v16, v54;
	v20 =	vmin.f32 v16, v54;
	v4 =	vsel vm1, $0xFFFFFFFF, v4  }
0xec: {  	v3 =	vsel vm15, $0xC, v3;
	v55 =	vmin.f32 v23, v22;
	[tilespmem:$0x1FFB0] =	vst v4;
	v4 =	vmax.f32 v14, v20  }
0xed: {  	[tilespmem:$0x1FF20] =	vst v11;
	v2 =	vsel vm0, v2, v3;
	v20 =	vmax.f32 v4, v55;
	vm0 =	vgt.f32 v23, v4;
	v4 =	vld [tilespmem:$0x1FF10]  }
0xee: {  	v59 =	vld [tilespmem:$0x1FF20]  }
0xef: {  	v18 =	vld [tilespmem:s31+$0x6080]  }
0xf0: {  	v10 =	vsel vm9, $0xD, v9  }
0xf1: {  	v3 =	vimm.s32 $0x0;
	vm14 =	vgt.f32 v23, v22;
	vm8 =	vgt.f32 v53, v17  }
0xf2: {  	v17 =	vimm.s32 $0x0;
	v3 =	vsel vm0, $0xFFFFFFFF, v3;
	vm0 =	vnez.u8 v4  }
0xf3: {  	v22 =	vmax.f32 v23, v22;
	v17 =	vsel vm8, $0xFFFFFFFF, v17;
	v2 =	vsel vm0, $0xD, v2  }
0xf4: {  	v24 =	vld [tilespmem:s31+$0x6100];
	vm8 =	vnez.u8 v59;
	v56 =	vmin.f32 v18, v22;
	v2 =	vsel vm9, v9, v2  }
0xf5: {  	v9 =	vmax.f32 v20, v56;
	v2 =	vsel vm8, $0xE, v2;
	vm8 =	vgt.f32 v18, v20;
	v20 =	vld [tilespmem:$0x1FF30];
	_ =	sdelay $0x1  }
0xf6: {  	v8 =	vsel vm13, $0xE, v10  }
0xf7: {  	v11 =	vsel vm6, $0xF, v8;
	vm2 =	vgt.f32 v16, v54;
	v16 =	vmax.f32 v18, v22  }
0xf8: {  	vm1 =	vgt.f32 v18, v22;
	v4 =	vmax.f32 v24, v16;
	v18 =	vimm.s32 $0x0  }
0xf9: {  	v18 =	vsel vm8, $0xFFFFFFFF, v18;
	v2 =	vsel vm13, v10, v2;
	vm8 =	vnez.u8 v20  }
0xfa: {  	v57 =	vld [tilespmem:s31+$0x6180];
	[tilespmem:$0x1FF40] =	vst v12;
	vm0 =	vgt.f32 v24, v16;
	v16 =	vmin.f32 v24, v16;
	v2 =	vsel vm8, $0xF, v2  }
0xfb: {  	v16 =	vmax.f32 v9, v16;
	v2 =	vsel vm6, v8, v2;
	vm6 =	vgt.f32 v24, v9;
	v9 =	vld [tilespmem:$0x1FF40]  }
0xfc: {  	[tilespmem:$0x1FF50] =	vst v6  }
0xfd: {  	v60 =	vld [tilespmem:$0x1FF50];
	_ =	sdelay $0x1  }
0xfe: {  	v7 =	vsel vm10, $0x10, v11;
	v61 =	vld [tilespmem:$0x1FF60];
	v8 =	vimm.s32 $0x0  }
0xff: {  	vm9 =	vgt.f32 v57, v4;
	v8 =	vsel vm6, $0xFFFFFFFF, v8;
	vm6 =	vnez.u8 v9  }
0x100: {  	v10 =	vmax.f32 v57, v4;
	v4 =	vmin.f32 v57, v4;
	v2 =	vsel vm6, $0x10, v2  }
0x101: {  	v4 =	vmax.f32 v16, v4;
	vm8 =	vnez.u8 v60;
	v2 =	vsel vm10, v11, v2  }
0x102: {  	v58 =	vld [tilespmem:s31+$0x6200];
	v2 =	vsel vm8, $0x11, v2;
	vm8 =	vgt.f32 v57, v16;
	v16 =	vimm.s32 $0x0  }
0x103: {  	v16 =	vsel vm8, $0xFFFFFFFF, v16;
	v2 =	vsel vm5, v7, v2;
	vm8 =	vnez.u8 v61  }
0x104: {  	v12 =	vsel vm5, $0x11, v7;
	[tilespmem:$0x1FF70] =	vst v5;
	v20 =	vld [tilespmem:s31+$0x6280];
	v2 =	vsel vm8, $0x12, v2  }
0x105: {  	v6 =	vsel vm12, $0x12, v12;
	v2 =	vsel vm12, v12, v2;
	v12 =	vld [tilespmem:$0x1FF70]  }
0x106: {  	v11 =	vld [tilespmem:s31+$0x6300]  }
0x107: {  	v9 =	vmax.f32 v58, v10;
	vm6 =	vgt.f32 v58, v10;
	v10 =	vmin.f32 v58, v10  }
0x108: {  	v10 =	vmax.f32 v4, v10  }
0x109: {  	v13 =	vsel vm11, $0x13, v6;
	v63 =	vld [tilespmem:$0x1FF80];
	vm13 =	vgt.f32 v20, v10;
	vm5 =	vgt.f32 v20, v9  }
0x10a: {  	v7 =	vmax.f32 v20, v9;
	v9 =	vmin.f32 v20, v9;
	vm8 =	vnez.u8 v12  }
0x10b: {  	v20 =	vld [tilespmem:$0x1FF90];
	vm10 =	vgt.f32 v11, v7;
	v12 =	vmax.f32 v11, v7;
	v2 =	vsel vm8, $0x13, v2  }
0x10c: {  	[tilespmem:$0x1FFA0] =	vst v17;
	v7 =	vmin.f32 v11, v7;
	v2 =	vsel vm11, v6, v2;
	v6 =	vmax.f32 v10, v9  }
0x10d: {  	v7 =	vmax.f32 v6, v7;
	vm12 =	vgt.f32 v11, v6;
	v6 =	vld [tilespmem:$0x1FFA0]  }
0x10e: {  	vm8 =	vnez.u8 v63  }
0x10f: {  	v2 =	vsel vm8, $0x14, v2  }
0x110: {  	vm8 =	vnez.u8 v20;
	v2 =	vsel vm4, v13, v2  }
0x111: {  	v5 =	vsel vm4, $0x14, v13;
	v2 =	vsel vm8, $0x15, v2  }
0x112: {  	v19 =	vsel vm3, $0x15, v5;
	v2 =	vsel vm3, v5, v2;
	vm3 =	vnez.u8 v6  }
0x113: {  	v2 =	vsel vm3, $0x16, v2  }
0x114: {  	v15 =	vsel vm7, $0x16, v19;
	v2 =	vsel vm7, v19, v2;
	v19 =	vld [tilespmem:$0x1FFB0];
	_ =	sdelay $0x3  }
0x115: {  	v62 =	vld [tilespmem:s31+$0x6380];
	[tilespmem:$0x1FFC0] =	vst v3  }
0x116: {  	vm7 =	vnez.u8 v19;
	v19 =	vld [tilespmem:$0x1FFC0]  }
0x117: {  	v17 =	vsel vm2, $0x17, v15;
	v9 =	vld [tilespmem:s31+$0x8000]  }
0x118: {  	v14 =	vsel vm14, $0x18, v17  }
0x119: {  	v3 =	vsel vm1, $0x19, v14  }
0x11a: {  	vm4 =	vgt.f32 v62, v12;
	v13 =	vmax.f32 v62, v12;
	v2 =	vsel vm7, $0x17, v2  }
0x11b: {  	v12 =	vmin.f32 v62, v12;
	v2 =	vsel vm2, v15, v2;
	vm7 =	vnez.u8 v19  }
0x11c: {  	[tilespmem:$0x1FFD0] =	vst v18;
	v11 =	vmax.f32 v7, v12;
	v12 =	vmin.f32 v9, v13;
	v2 =	vsel vm7, $0x18, v2  }
0x11d: {  	v12 =	vmax.f32 v11, v12;
	v2 =	vsel vm14, v17, v2;
	vm14 =	vgt.f32 v9, v11;
	v11 =	vld [tilespmem:$0x1FFD0]  }
0x11e: {  	v18 =	vsel vm0, $0x1A, v3;
	[tilespmem:$0x1FFE0] =	vst v8  }
0x11f: {  	v8 =	vsel vm9, $0x1B, v18;
	v17 =	vld [tilespmem:$0x1FFE0]  }
0x120: {  	vm15 =	vgt.f32 v58, v4;
	[tilespmem:$0x1FFF0] =	vst v16;
	v16 =	vsel vm6, $0x1C, v8;
	v20 =	vld [tilespmem:s31+$0x8080]  }
0x121: {  	v4 =	vsel vm5, $0x1D, v16;
	v6 =	vmax.f32 v9, v13;
	vm3 =	vgt.f32 v9, v13;
	v13 =	vld [tilespmem:s31+$0x8100]  }
0x122: {  	v10 =	vsel vm10, $0x1E, v4;
	vm7 =	vnez.u8 v11  }
0x123: {  	vm11 =	vgt.f32 v62, v7;
	v5 =	vsel vm4, $0x1F, v10;
	v19 =	vld [tilespmem:s31+$0x8180];
	v2 =	vsel vm7, $0x19, v2  }
0x124: {  	v7 =	vsel vm3, $0x20, v5;
	v2 =	vsel vm1, v14, v2;
	vm1 =	vnez.u8 v17;
	v17 =	vld [tilespmem:$0x1FFF0]  }
0x125: {  	vm2 =	vgt.f32 v20, v6;
	v15 =	vmax.f32 v20, v6;
	v6 =	vmin.f32 v20, v6  }
0x126: {  	v11 =	vmax.f32 v13, v15;
	vm7 =	vgt.f32 v13, v15;
	v14 =	vmin.f32 v13, v15;
	v15 =	vld [tilespmem:s31+$0x8200]  }
0x127: {  	vm8 =	vgt.f32 v20, v12;
	v6 =	vmax.f32 v12, v6;
	v9 =	vsel vm2, $0x21, v7  }
0x128: {  	v12 =	vsel vm7, $0x22, v9;
	v2 =	vsel vm1, $0x1A, v2;
	v14 =	vmax.f32 v6, v14  }
0x129: {  	v2 =	vsel vm0, v3, v2;
	vm0 =	vgt.f32 v19, v11;
	vm1 =	vnez.u8 v17  }
0x12a: {  	v3 =	vmax.f32 v19, v11;
	v11 =	vmin.f32 v19, v11;
	v17 =	vld [tilespmem:s31+$0x8280];
	v2 =	vsel vm1, $0x1B, v2  }
0x12b: {  	vm1 =	vgt.f32 v15, v3;
	v2 =	vsel vm9, v18, v2;
	vm9 =	vgt.f32 v13, v6  }
0x12c: {  	v6 =	vsel vm0, $0x23, v12;
	v13 =	vmax.f32 v15, v3;
	v2 =	vsel vm15, $0x1C, v2  }
0x12d: {  	v3 =	vmin.f32 v15, v3;
	v2 =	vsel vm6, v8, v2;
	v8 =	vmax.f32 v14, v11;
	v11 =	vld [tilespmem:s31+$0x8300]  }
0x12e: {  	v2 =	vsel vm13, $0x1D, v2;
	vm13 =	vgt.f32 v19, v14;
	v14 =	vsel vm1, $0x24, v6  }
0x12f: {  	v3 =	vmax.f32 v8, v3;
	v2 =	vsel vm5, v16, v2;
	vm5 =	vgt.f32 v17, v13  }
0x130: {  	v18 =	vld [tilespmem:s31+$0x8380];
	v16 =	vmax.f32 v17, v13;
	v13 =	vmin.f32 v17, v13;
	v2 =	vsel vm12, $0x1E, v2  }
0x131: {  	v2 =	vsel vm10, v4, v2;
	vm10 =	vgt.f32 v15, v8;
	v4 =	vsel vm5, $0x25, v14  }
0x132: {  	v15 =	vld [tilespmem:s31+$0xA000];
	v2 =	vsel vm11, $0x1F, v2;
	vm6 =	vgt.f32 v11, v16;
	v8 =	vmax.f32 v11, v16  }
0x133: {  	v2 =	vsel vm4, v10, v2;
	v10 =	vmax.f32 v3, v13;
	v13 =	vmin.f32 v11, v16  }
0x134: {  	vm4 =	vgt.f32 v17, v3;
	v3 =	vsel vm6, $0x26, v4;
	v2 =	vsel vm14, $0x20, v2  }
0x135: {  	v13 =	vmax.f32 v10, v13;
	v2 =	vsel vm3, v5, v2;
	vm3 =	vgt.f32 v18, v8  }
0x136: {  	v16 =	vld [tilespmem:s31+$0xA080];
	v5 =	vmax.f32 v18, v8;
	v8 =	vmin.f32 v18, v8;
	v2 =	vsel vm8, $0x21, v2  }
0x137: {  	vm8 =	vgt.f32 v11, v10;
	v10 =	vmax.f32 v15, v5;
	v2 =	vsel vm2, v7, v2  }
0x138: {  	v8 =	vmax.f32 v13, v8;
	v7 =	vsel vm3, $0x27, v3;
	v2 =	vsel vm9, $0x22, v2  }
0x139: {  	vm2 =	vgt.f32 v15, v5;
	v5 =	vmin.f32 v15, v5;
	v2 =	vsel vm7, v9, v2;
	v9 =	vld [tilespmem:s31+$0xA100]  }
0x13a: {  	v11 =	vsel vm2, $0x28, v7;
	v5 =	vmax.f32 v8, v5;
	v2 =	vsel vm13, $0x23, v2  }
0x13b: {  	vm7 =	vgt.f32 v18, v13;
	v2 =	vsel vm0, v12, v2;
	vm0 =	vgt.f32 v16, v10  }
0x13c: {  	v13 =	vld [tilespmem:s31+$0xA180];
	v12 =	vmax.f32 v16, v10;
	v10 =	vmin.f32 v16, v10;
	v2 =	vsel vm10, $0x24, v2  }
0x13d: {  	vm9 =	vgt.f32 v15, v8;
	v10 =	vmax.f32 v5, v10;
	v2 =	vsel vm1, v6, v2  }
0x13e: {  	v6 =	vsel vm0, $0x29, v11;
	v2 =	vsel vm4, $0x25, v2;
	vm1 =	vgt.f32 v9, v12  }
0x13f: {  	v8 =	vmax.f32 v9, v12;
	v12 =	vmin.f32 v9, v12;
	v2 =	vsel vm5, v14, v2;
	v14 =	vld [tilespmem:s31+$0xA200]  }
0x140: {  	vm5 =	vgt.f32 v16, v5;
	v5 =	vsel vm1, $0x2A, v6;
	v2 =	vsel vm8, $0x26, v2  }
0x141: {  	vm4 =	vgt.f32 v13, v8;
	v12 =	vmax.f32 v10, v12;
	v2 =	vsel vm6, v4, v2  }
0x142: {  	v15 =	vld [tilespmem:s31+$0xA280];
	v4 =	vmax.f32 v13, v8;
	v8 =	vmin.f32 v13, v8;
	v2 =	vsel vm7, $0x27, v2  }
0x143: {  	vm6 =	vgt.f32 v9, v10;
	v2 =	vsel vm3, v3, v2;
	v3 =	vsel vm4, $0x2B, v5  }
0x144: {  	v2 =	vsel vm9, $0x28, v2;
	vm3 =	vgt.f32 v14, v4;
	v9 =	vmax.f32 v14, v4  }
0x145: {  	v4 =	vmin.f32 v14, v4;
	v2 =	vsel vm2, v7, v2;
	v7 =	vmax.f32 v12, v8;
	v8 =	vld [tilespmem:s31+$0xA300]  }
0x146: {  	vm2 =	vgt.f32 v13, v12;
	v10 =	vsel vm3, $0x2C, v3;
	v2 =	vsel vm5, $0x29, v2  }
0x147: {  	v4 =	vmax.f32 v7, v4;
	v2 =	vsel vm0, v11, v2;
	vm0 =	vgt.f32 v15, v9  }
0x148: {  	v12 =	vld [tilespmem:s31+$0xA380];
	v11 =	vmax.f32 v15, v9;
	v9 =	vmin.f32 v15, v9;
	v2 =	vsel vm6, $0x2A, v2  }
0x149: {  	v2 =	vsel vm1, v6, v2;
	vm1 =	vgt.f32 v14, v7;
	v6 =	vsel vm0, $0x2D, v10  }
0x14a: {  	v2 =	vsel vm2, $0x2B, v2;
	vm2 =	vgt.f32 v8, v11;
	v7 =	vmax.f32 v8, v11  }
0x14b: {  	v2 =	vsel vm4, v5, v2;
	v5 =	vmax.f32 v4, v9;
	v9 =	vmin.f32 v8, v11;
	v11 =	vld [tilespmem:s31+$0xC000]  }
0x14c: {  	v2 =	vsel vm1, $0x2C, v2;
	vm1 =	vgt.f32 v15, v4;
	v4 =	vsel vm2, $0x2E, v6  }
0x14d: {  	v9 =	vmax.f32 v5, v9;
	v2 =	vsel vm3, v3, v2;
	vm3 =	vgt.f32 v12, v7  }
0x14e: {  	v3 =	vmax.f32 v12, v7;
	v7 =	vmin.f32 v12, v7;
	v2 =	vsel vm1, $0x2D, v2  }
0x14f: {  	v13 =	vld [tilespmem:s31+$0xC080];
	vm1 =	vgt.f32 v12, v9;
	v2 =	vsel vm0, v10, v2;
	vm0 =	vgt.f32 v8, v5  }
0x150: {  	v5 =	vsel vm3, $0x2F, v4;
	v2 =	vsel vm0, $0x2E, v2;
	vm0 =	vgt.f32 v11, v3  }
0x151: {  	s0 =	sadd.s32 $0x80, s0;
	v8 =	vmin.f32 v11, v3;
	v3 =	vmax.f32 v11, v3;
	v2 =	vsel vm2, v6, v2  }
0x152: {  	s1 =	sand.u32 $0x70, s29;
	s30 =	sadd.s32 $0x10, s30;
	s31 =	sand.u32 $0x1C00, s0;
	v6 =	vmax.f32 v9, v7;
	v7 =	vsel vm0, $0x30, v5;
	v2 =	vsel vm1, $0x2F, v2  }
0x153: {  	s31 =	sor.u32 s1, s31;
	v9 =	vld [tilespmem:s30+$0x0];
	vm1 =	vgt.f32 v11, v6;
	v6 =	vmax.f32 v6, v8;
	v2 =	vsel vm3, v4, v2  }
0x154: {  	v10 =	vld [tilespmem:s31+$0x0];
	v8 =	vmin.f32 v13, v3;
	v4 =	vmax.f32 v13, v3;
	v2 =	vsel vm1, $0x30, v2  }
0x155: {  	v11 =	vld [tilespmem:s31+$0x80];
	v2 =	vsel vm0, v5, v2;
	vm0 =	vgt.f32 v13, v6;
	v5 =	vmax.f32 v6, v8  }
0x156: {  	vm1 =	vgt.f32 v13, v3;
	v2 =	vsel vm0, $0x31, v2;
	v3 =	vsub.f32 v4, v5  }
0x157: {  	v4 =	vld [tilespmem:s31+$0x100];
	v5 =	vsel vm1, $0x31, v7;
	v2 =	vsel vm1, v7, v2  }
0x158: {  	vm0 =	veq.s32 v5, v9;
	vm1 =	vlt.f32 v3, $1.000000010e-01;
	vm2 =	veq.s32 v2, v9  }
0x159: {  	v2 =	vsel vm0, $0x1, v0;
	vm0 =	vmand vm1, vm2  }
0x15a: {  	v5 =	vld [tilespmem:s31+$0x180];
	v3 =	vmax.f32 v11, v10;
	v1 =	vadd.s32 v2, v1;
	v6 =	vsel vm0, $0x1, v0  }
0x15b: {  	v2 =	vmin.f32 v11, v10;
	vm0 =	vgt.f32 v11, v10;
	v1 =	vadd.s32 v6, v1  }
0x15c: {  	v8 =	vld [tilespmem:s31+$0x200];
	v6 =	vmin.f32 v10, $-Inf;
	v7 =	vsel vm0, $0x1, v0;
	vm2 =	vgt.f32 v4, v3  }
0x15d: {  	v9 =	vmin.f32 v4, v3;
	v3 =	vmax.f32 v4, v3;
	vm0 =	vmneg vm0  }
0x15e: {  	v2 =	vmax.f32 v6, v2;
	vm3 =	vgt.f32 v11, v6;
	v10 =	vsel vm2, $0x2, v7  }
0x15f: {  	vm1 =	vgt.f32 v5, v3;
	v11 =	vmin.f32 v5, v3;
	v3 =	vmax.f32 v5, v3  }
0x160: {  	v6 =	vld [tilespmem:s31+$0x280];
	vm4 =	vmand vm0, vm3;
	vm5 =	vgt.f32 v4, v2;
	v2 =	vmax.f32 v2, v9  }
0x161: {  	v12 =	vsel vm1, $0x3, v10;
	vm0 =	vgt.f32 v8, v3;
	v4 =	vmax.f32 v8, v3  }
0x162: {  	v13 =	vld [tilespmem:s31+$0x300];
	v3 =	vmin.f32 v8, v3;
	vm3 =	vgt.f32 v5, v2;
	v5 =	vsel vm4, $0x1, v0  }
0x163: {  	v2 =	vmax.f32 v2, v11;
	v9 =	vsel vm0, $0x4, v12;
	v11 =	vld [tilespmem:s31+$0x380];
	v5 =	vsel vm5, $0x2, v5  }
0x164: {  	v3 =	vmax.f32 v2, v3;
	vm8 =	vgt.f32 v8, v2;
	v5 =	vsel vm2, v7, v5  }
0x165: {  	vm9 =	vgt.f32 v6, v4;
	v14 =	vmin.f32 v6, v4;
	v4 =	vmax.f32 v6, v4  }
0x166: {  	v2 =	vld [tilespmem:s31+$0x2000];
	vm7 =	vgt.f32 v6, v3;
	v5 =	vsel vm3, $0x3, v5;
	v8 =	vsel vm9, $0x5, v9  }
0x167: {  	vm6 =	vgt.f32 v13, v4;
	v15 =	vmin.f32 v13, v4;
	v4 =	vmax.f32 v13, v4  }
0x168: {  	v16 =	vld [tilespmem:s31+$0x2080];
	v3 =	vmax.f32 v3, v14;
	v7 =	vsel vm6, $0x6, v8;
	vm5 =	vgt.f32 v11, v4  }
0x169: {  	v14 =	vmax.f32 v11, v4;
	vm10 =	vgt.f32 v13, v3;
	v3 =	vmax.f32 v3, v15  }
0x16a: {  	v17 =	vld [tilespmem:s31+$0x2100];
	v4 =	vmin.f32 v11, v4;
	v15 =	vsel vm1, v10, v5;
	v6 =	vsel vm5, $0x7, v7  }
0x16b: {  	vm4 =	vgt.f32 v2, v14;
	v4 =	vmax.f32 v3, v4;
	v13 =	vmin.f32 v2, v14  }
0x16c: {  	v14 =	vmax.f32 v2, v14;
	vm11 =	vgt.f32 v11, v3;
	v5 =	vsel vm4, $0x8, v6  }
0x16d: {  	v10 =	vld [tilespmem:s31+$0x2180];
	vm3 =	vgt.f32 v16, v14;
	v3 =	vmin.f32 v16, v14;
	v11 =	vmax.f32 v16, v14  }
0x16e: {  	v14 =	vsel vm8, $0x4, v15;
	vm12 =	vgt.f32 v2, v4;
	v2 =	vmax.f32 v4, v13  }
0x16f: {  	p0 =	sne.s32 s29, $0x3F0;
	v13 =	vld [tilespmem:s31+$0x2200];
	v4 =	vsel vm3, $0x9, v5;
	vm2 =	vgt.f32 v17, v11;
	v18 =	vmax.f32 v17, v11  }
.Ltmp2:
0x170: {  	vm8 =	vgt.f32 v16, v2;
	v2 =	vmax.f32 v2, v3;
	v11 =	vmin.f32 v17, v11;
	(pc) =	sbr.rel @p0 .LBB2_3-.Ltmp2, $4  }
0x171: {  	v16 =	vsel vm0, v12, v14;
	v3 =	vsel vm2, $0xA, v4;
	v14 =	vmax.f32 v2, v11  }
0x172: {  	vm1 =	vgt.f32 v10, v18;
	v15 =	vmin.f32 v10, v18;
	v19 =	vmax.f32 v10, v18  }
0x173: {  	v12 =	vld [tilespmem:s31+$0x2280];
	v18 =	vsel vm7, $0x5, v16;
	vm7 =	vgt.f32 v17, v2;
	v2 =	vsel vm1, $0xB, v3  }
0x174: {  	s29 =	sadd.s32 $0x10, s29;
	v11 =	vld [tilespmem:s31+$0x2300];
	vm0 =	vgt.f32 v13, v19;
	v17 =	vmin.f32 v13, v19;
	v16 =	vmax.f32 v13, v19  }
0x175: {  	_ = 	snop  }
0x176: {  	v9 =	vsel vm9, v9, v18;
	vm14 =	vgt.f32 v10, v14;
	v10 =	vmax.f32 v14, v15  }
0x177: {  	v14 =	vsel vm0, $0xC, v2;
	v9 =	vsel vm10, $0x6, v9;
	vm13 =	vgt.f32 v13, v10  }
0x178: {  	v18 =	vld [tilespmem:s31+$0x2380];
	v8 =	vsel vm6, v8, v9;
	v9 =	vmax.f32 v10, v17;
	vm9 =	vgt.f32 v12, v16  }
0x179: {  	v15 =	vmax.f32 v12, v16;
	v10 =	vmin.f32 v12, v16;
	v8 =	vsel vm11, $0x7, v8  }
0x17a: {  	v16 =	vld [tilespmem:s31+$0x4000];
	vm15 =	vgt.f32 v12, v9;
	v13 =	vsel vm9, $0xD, v14;
	vm6 =	vgt.f32 v11, v15  }
0x17b: {  	v10 =	vmax.f32 v9, v10;
	v17 =	vmin.f32 v11, v15;
	v7 =	vsel vm5, v7, v8  }
0x17c: {  	v15 =	vmax.f32 v11, v15;
	v8 =	vsel vm6, $0xE, v13;
	v7 =	vsel vm12, $0x8, v7  }
0x17d: {  	v9 =	vld [tilespmem:s31+$0x4080];
	vm10 =	vgt.f32 v18, v15;
	v12 =	vmin.f32 v18, v15;
	v15 =	vmax.f32 v18, v15  }
0x17e: {  	vm12 =	vgt.f32 v11, v10;
	v6 =	vsel vm4, v6, v7;
	v7 =	vmax.f32 v10, v17  }
0x17f: {  	v10 =	vsel vm10, $0xF, v8;
	v6 =	vsel vm8, $0x9, v6;
	vm4 =	vgt.f32 v16, v15  }
0x180: {  	v5 =	vsel vm3, v5, v6;
	vm3 =	vgt.f32 v18, v7;
	v6 =	vimm.s32 $0x0  }
0x181: {  	v17 =	vld [tilespmem:s31+$0x4100];
	v11 =	vmax.f32 v16, v15;
	v6 =	vsel vm3, $0xFFFFFFFF, v6;
	v5 =	vsel vm7, $0xA, v5  }
0x182: {  	vm5 =	vgt.f32 v9, v11;
	v18 =	vmin.f32 v9, v11;
	v11 =	vmax.f32 v9, v11  }
0x183: {  	[tilespmem:$0x1FF00] =	vst v6;
	v6 =	vmax.f32 v7, v12;
	v7 =	vmin.f32 v16, v15;
	v4 =	vsel vm2, v4, v5  }
0x184: {  	v12 =	vsel vm4, $0x10, v10;
	v7 =	vmax.f32 v6, v7;
	v4 =	vsel vm14, $0xB, v4  }
0x185: {  	v15 =	vld [tilespmem:s31+$0x4180];
	vm3 =	vgt.f32 v16, v6;
	v5 =	vsel vm5, $0x11, v12;
	v3 =	vsel vm1, v3, v4  }
0x186: {  	vm7 =	vgt.f32 v17, v11;
	v16 =	vmin.f32 v17, v11;
	v3 =	vsel vm13, $0xC, v3  }
0x187: {  	v6 =	vld [tilespmem:s31+$0x4200];
	v11 =	vmax.f32 v17, v11;
	vm14 =	vgt.f32 v9, v7;
	v2 =	vsel vm0, v2, v3  }
0x188: {  	v4 =	vmax.f32 v7, v18;
	v7 =	vsel vm7, $0x12, v5;
	v2 =	vsel vm15, $0xD, v2  }
0x189: {  	v18 =	vld [tilespmem:s31+$0x4280];
	vm11 =	vgt.f32 v17, v4;
	v3 =	vmax.f32 v4, v16;
	v2 =	vsel vm9, v14, v2  }
0x18a: {  	vm1 =	vgt.f32 v15, v11;
	v9 =	vmax.f32 v15, v11;
	v2 =	vsel vm12, $0xE, v2  }
0x18b: {  	v4 =	vmin.f32 v15, v11;
	vm13 =	vgt.f32 v15, v3;
	v2 =	vsel vm6, v13, v2;
	v13 =	vld [tilespmem:$0x1FF00]  }
0x18c: {  	v16 =	vld [tilespmem:s31+$0x4300];
	v11 =	vsel vm1, $0x13, v7;
	vm0 =	vgt.f32 v6, v9;
	v4 =	vmax.f32 v3, v4  }
0x18d: {  	v17 =	vmin.f32 v6, v9;
	v9 =	vmax.f32 v6, v9;
	v14 =	vld [tilespmem:s31+$0x4380];
	v3 =	vsel vm0, $0x14, v11  }
0x18e: {  	vm8 =	vgt.f32 v18, v9;
	v15 =	vmin.f32 v18, v9;
	v9 =	vmax.f32 v18, v9  }
0x18f: {  	vm12 =	vgt.f32 v6, v4;
	v4 =	vmax.f32 v4, v17;
	v6 =	vsel vm8, $0x15, v3  }
0x190: {  	v17 =	vld [tilespmem:s31+$0x6000];
	vm9 =	vgt.f32 v18, v4;
	v4 =	vmax.f32 v4, v15;
	vm2 =	vnez.u8 v13  }
0x191: {  	vm15 =	vgt.f32 v16, v4;
	v13 =	vmax.f32 v16, v9;
	v2 =	vsel vm2, $0xF, v2  }
0x192: {  	v15 =	vld [tilespmem:s31+$0x6080];
	vm2 =	vgt.f32 v16, v9;
	v18 =	vmin.f32 v14, v13;
	v2 =	vsel vm10, v8, v2  }
0x193: {  	v8 =	vmin.f32 v16, v9;
	v9 =	vsel vm2, $0x16, v6;
	v2 =	vsel vm3, $0x10, v2  }
0x194: {  	vm3 =	vgt.f32 v14, v13;
	v8 =	vmax.f32 v4, v8;
	v13 =	vmax.f32 v14, v13  }
0x195: {  	v16 =	vld [tilespmem:s31+$0x6100];
	v2 =	vsel vm4, v10, v2;
	v4 =	vsel vm3, $0x17, v9;
	vm4 =	vgt.f32 v17, v13  }
0x196: {  	v10 =	vmin.f32 v17, v13;
	v13 =	vmax.f32 v17, v13;
	vm10 =	vgt.f32 v14, v8  }
0x197: {  	v8 =	vmax.f32 v8, v18;
	v2 =	vsel vm14, $0x11, v2;
	v14 =	vmax.f32 v15, v13  }
0x198: {  	v18 =	vld [tilespmem:s31+$0x6180];
	v10 =	vmax.f32 v8, v10;
	v2 =	vsel vm5, v12, v2;
	v12 =	vsel vm4, $0x18, v4  }
0x199: {  	vm5 =	vgt.f32 v15, v13;
	v13 =	vmin.f32 v15, v13;
	v2 =	vsel vm11, $0x12, v2  }
0x19a: {  	vm11 =	vgt.f32 v17, v8;
	vm6 =	vgt.f32 v16, v14;
	v8 =	vmax.f32 v16, v14  }
0x19b: {  	v17 =	vld [tilespmem:s31+$0x6200];
	v13 =	vmax.f32 v10, v13;
	v14 =	vmin.f32 v16, v14;
	v2 =	vsel vm7, v5, v2  }
0x19c: {  	v5 =	vsel vm5, $0x19, v12;
	v14 =	vmax.f32 v13, v14;
	v2 =	vsel vm13, $0x13, v2  }
0x19d: {  	vm13 =	vgt.f32 v15, v10;
	v10 =	vmax.f32 v18, v8;
	v2 =	vsel vm1, v7, v2  }
0x19e: {  	v15 =	vld [tilespmem:s31+$0x6280];
	v7 =	vsel vm6, $0x1A, v5;
	vm1 =	vgt.f32 v18, v8;
	v8 =	vmin.f32 v18, v8  }
0x19f: {  	v2 =	vsel vm12, $0x14, v2;
	vm12 =	vgt.f32 v16, v13;
	v8 =	vmax.f32 v14, v8  }
0x1a0: {  	v2 =	vsel vm0, v11, v2;
	v11 =	vsel vm1, $0x1B, v7;
	vm0 =	vgt.f32 v17, v10  }
0x1a1: {  	v16 =	vld [tilespmem:s31+$0x6300];
	v13 =	vmax.f32 v17, v10;
	v10 =	vmin.f32 v17, v10;
	v2 =	vsel vm9, $0x15, v2  }
0x1a2: {  	v10 =	vmax.f32 v8, v10;
	vm9 =	vgt.f32 v17, v8;
	v2 =	vsel vm8, v3, v2  }
0x1a3: {  	vm8 =	vgt.f32 v18, v14;
	v3 =	vsel vm0, $0x1C, v11;
	vm7 =	vgt.f32 v15, v13  }
0x1a4: {  	v14 =	vmax.f32 v15, v13;
	v18 =	vld [tilespmem:s31+$0x6380];
	v13 =	vmin.f32 v15, v13;
	v2 =	vsel vm15, $0x16, v2  }
0x1a5: {  	v13 =	vmax.f32 v10, v13;
	v2 =	vsel vm2, v6, v2;
	v6 =	vsel vm7, $0x1D, v3  }
0x1a6: {  	v17 =	vld [tilespmem:s31+$0x8000];
	vm2 =	vgt.f32 v16, v14;
	v8 =	vmax.f32 v16, v14;
	v2 =	vsel vm10, $0x17, v2  }
0x1a7: {  	v14 =	vmin.f32 v16, v14;
	vm10 =	vgt.f32 v15, v10;
	v2 =	vsel vm3, v9, v2  }
0x1a8: {  	v14 =	vmax.f32 v13, v14;
	v9 =	vsel vm2, $0x1E, v6;
	v2 =	vsel vm11, $0x18, v2  }
0x1a9: {  	v15 =	vld [tilespmem:s31+$0x8080];
	vm3 =	vgt.f32 v18, v8;
	v10 =	vmax.f32 v18, v8;
	v8 =	vmin.f32 v18, v8  }
0x1aa: {  	vm11 =	vgt.f32 v16, v13;
	v2 =	vsel vm4, v4, v2;
	v4 =	vsel vm3, $0x1F, v9  }
0x1ab: {  	v16 =	vld [tilespmem:s31+$0x8100];
	vm4 =	vgt.f32 v17, v10;
	v13 =	vmax.f32 v17, v10;
	v8 =	vmax.f32 v14, v8  }
0x1ac: {  	v10 =	vmin.f32 v17, v10;
	v2 =	vsel vm13, $0x19, v2;
	vm13 =	vgt.f32 v18, v14  }
0x1ad: {  	v10 =	vmax.f32 v8, v10;
	v2 =	vsel vm5, v12, v2;
	v12 =	vsel vm4, $0x20, v4  }
0x1ae: {  	v18 =	vld [tilespmem:s31+$0x8180];
	vm5 =	vgt.f32 v15, v13;
	v14 =	vmax.f32 v15, v13;
	v13 =	vmin.f32 v15, v13  }
0x1af: {  	vm14 =	vgt.f32 v15, v10;
	v2 =	vsel vm12, $0x1A, v2;
	vm12 =	vgt.f32 v17, v8  }
0x1b0: {  	v13 =	vmax.f32 v10, v13;
	v2 =	vsel vm6, v5, v2;
	vm6 =	vgt.f32 v16, v14  }
0x1b1: {  	v17 =	vld [tilespmem:s31+$0x8200];
	v8 =	vmax.f32 v16, v14;
	v14 =	vmin.f32 v16, v14;
	v2 =	vsel vm8, $0x1B, v2  }
0x1b2: {  	v15 =	vld [tilespmem:s31+$0x8280];
	v5 =	vsel vm5, $0x21, v12;
	v14 =	vmax.f32 v13, v14;
	v2 =	vsel vm1, v7, v2  }
0x1b3: {  	vm1 =	vgt.f32 v18, v8;
	v10 =	vmax.f32 v18, v8;
	v8 =	vmin.f32 v18, v8  }
0x1b4: {  	v7 =	vsel vm6, $0x22, v5;
	v2 =	vsel vm9, $0x1C, v2;
	v8 =	vmax.f32 v14, v8  }
0x1b5: {  	vm9 =	vgt.f32 v18, v14;
	v2 =	vsel vm0, v11, v2;
	vm0 =	vgt.f32 v16, v13  }
0x1b6: {  	v11 =	vsel vm1, $0x23, v7;
	vm8 =	vgt.f32 v17, v10;
	v13 =	vmax.f32 v17, v10;
	v16 =	vld [tilespmem:s31+$0x8300]  }
0x1b7: {  	v10 =	vmin.f32 v17, v10;
	v2 =	vsel vm10, $0x1D, v2;
	v14 =	vmax.f32 v15, v13  }
0x1b8: {  	v10 =	vmax.f32 v8, v10;
	vm10 =	vgt.f32 v17, v8;
	v2 =	vsel vm7, v3, v2  }
0x1b9: {  	v18 =	vld [tilespmem:s31+$0x8380];
	v3 =	vsel vm8, $0x24, v11;
	vm7 =	vgt.f32 v15, v13;
	v2 =	vsel vm11, $0x1E, v2  }
0x1ba: {  	v13 =	vmin.f32 v15, v13;
	v2 =	vsel vm2, v6, v2;
	v6 =	vsel vm7, $0x25, v3  }
0x1bb: {  	v2 =	vsel vm13, $0x1F, v2;
	vm2 =	vgt.f32 v16, v14;
	v8 =	vmax.f32 v16, v14  }
0x1bc: {  	v2 =	vsel vm3, v9, v2;
	v9 =	vmax.f32 v10, v13;
	v13 =	vmin.f32 v16, v14;
	v14 =	vld [tilespmem:s31+$0xA000]  }
0x1bd: {  	vm11 =	vgt.f32 v15, v10;
	v10 =	vsel vm2, $0x26, v6;
	v2 =	vsel vm12, $0x20, v2  }
0x1be: {  	vm3 =	vgt.f32 v18, v8;
	v13 =	vmax.f32 v9, v13;
	v2 =	vsel vm4, v4, v2  }
0x1bf: {  	v15 =	vld [tilespmem:s31+$0xA080];
	v4 =	vmax.f32 v18, v8;
	v8 =	vmin.f32 v18, v8;
	v2 =	vsel vm14, $0x21, v2  }
0x1c0: {  	v2 =	vsel vm5, v12, v2;
	vm5 =	vgt.f32 v16, v9;
	v9 =	vsel vm3, $0x27, v10  }
0x1c1: {  	v2 =	vsel vm0, $0x22, v2;
	vm4 =	vgt.f32 v14, v4;
	v12 =	vmax.f32 v14, v4  }
0x1c2: {  	v4 =	vmin.f32 v14, v4;
	v2 =	vsel vm6, v5, v2;
	v5 =	vmax.f32 v13, v8;
	v8 =	vld [tilespmem:s31+$0xA100]  }
0x1c3: {  	vm6 =	vgt.f32 v18, v13;
	v13 =	vsel vm4, $0x28, v9;
	v2 =	vsel vm9, $0x23, v2  }
0x1c4: {  	vm0 =	vgt.f32 v15, v12;
	v4 =	vmax.f32 v5, v4;
	v2 =	vsel vm1, v7, v2  }
0x1c5: {  	v16 =	vld [tilespmem:s31+$0xA180];
	v7 =	vmax.f32 v15, v12;
	v12 =	vmin.f32 v15, v12;
	v2 =	vsel vm10, $0x24, v2  }
0x1c6: {  	v2 =	vsel vm8, v11, v2;
	vm8 =	vgt.f32 v14, v5;
	v5 =	vsel vm0, $0x29, v13  }
0x1c7: {  	v2 =	vsel vm11, $0x25, v2;
	vm1 =	vgt.f32 v8, v7;
	v11 =	vmax.f32 v8, v7  }
0x1c8: {  	v7 =	vmin.f32 v8, v7;
	v2 =	vsel vm7, v3, v2;
	v3 =	vmax.f32 v4, v12;
	v12 =	vld [tilespmem:s31+$0xA200]  }
0x1c9: {  	v2 =	vsel vm5, $0x26, v2;
	vm5 =	vgt.f32 v15, v4;
	v4 =	vsel vm1, $0x2A, v5  }
0x1ca: {  	v7 =	vmax.f32 v3, v7;
	v2 =	vsel vm2, v6, v2;
	vm2 =	vgt.f32 v16, v11  }
0x1cb: {  	v14 =	vld [tilespmem:s31+$0xA280];
	v6 =	vmax.f32 v16, v11;
	v11 =	vmin.f32 v16, v11;
	v2 =	vsel vm6, $0x27, v2  }
0x1cc: {  	vm6 =	vgt.f32 v8, v3;
	v3 =	vsel vm2, $0x2B, v4;
	v2 =	vsel vm3, v10, v2  }
0x1cd: {  	s29 =	sshll.u32 s28, $0x6;
	p0 =	seq.s32 s28, $0x5;
	v2 =	vsel vm8, $0x28, v2;
	vm3 =	vgt.f32 v12, v6;
	v10 =	vmax.f32 v12, v6  }
0x1ce: {  	s0 =	sadd.s32 @!p0 s10, s29;
	v15 =	vld [tilespmem:s31+$0xA300];
	v6 =	vmin.f32 v12, v6;
	v2 =	vsel vm4, v9, v2;
	v9 =	vmax.f32 v7, v11  }
0x1cf: {  	s1 =	sshrl.u32 @!p0 s0, $0x3;
	s0 =	sshll.u32 @!p0 s0, $0xA;
	vm4 =	vgt.f32 v16, v7;
	v7 =	vsel vm3, $0x2C, v3;
	v2 =	vsel vm5, $0x29, v2  }
0x1d0: {  	s1 =	smul.u32 @!p0 $0x70000, s1;
	s0 =	sand.u32 @!p0 $0x7FFF0000, s0;
	v8 =	vld [tilespmem:s31+$0xA380];
	v6 =	vmax.f32 v9, v6;
	v2 =	vsel vm0, v13, v2;
	vm0 =	vgt.f32 v14, v10  }
0x1d1: {  	s0 =	sor.u32 @!p0 s14, s0;
	v13 =	vmax.f32 v14, v10;
	v10 =	vmin.f32 v14, v10;
	v2 =	vsel vm6, $0x2A, v2  }
0x1d2: {  	s30 =	sadd.s32 $0x10, s30;
	s1 =	sor.u32 @!p0 s5, s1;
	s0 =	sshrl.u32 @!p0 s0, $0x3;
	v17 =	vld [tilespmem:s31+$0xC000];
	v2 =	vsel vm1, v5, v2;
	vm1 =	vgt.f32 v12, v9;
	v5 =	vsel vm0, $0x2D, v7  }
0x1d3: {  	s19 =	simm.s32 @!p0 $0x0;
	s1 =	sshrl.u32 @!p0 s1, $0x3;
	s0 =	sadd.s32 @!p0 s2, s0;
	v11 =	vld [tilespmem:s31+$0xC080];
	v9 =	vmax.f32 v15, v13;
	v2 =	vsel vm4, $0x2B, v2;
	vm4 =	vgt.f32 v15, v13  }
0x1d4: {  	s1 =	sadd.s32 @!p0 s4, s1;
	v16 =	vld [tilespmem:s30+$0x0];
	s30 =	simm.s32 @!p0 $0x2000;
	s31 =	simm.s32 @!p0 $0x10000;
	v2 =	vsel vm2, v4, v2;
	v4 =	vmax.f32 v6, v10;
	v10 =	vmin.f32 v15, v13  }
0x1d5: {  	[tilespmem:s19], [sflag:$0x1] =	stream.strided.gather @!p0 [hbm4b:s1+s30], $0xE000, s31, s30, $0x38;
	vm2 =	vgt.f32 v8, v9;
	v2 =	vsel vm1, $0x2C, v2;
	vm1 =	vgt.f32 v14, v6;
	[tilespmem:$0x1C880] =	vst v63  }
0x1d6: {  	s1 =	simm.s32 @!p0 $0x80;
	s19 =	simm.s32 @!p0 $0x400;
	s30 =	simm.s32 @!p0 $0x1C000;
	v6 =	vsel vm4, $0x2E, v5;
	v10 =	vmax.f32 v4, v10;
	v2 =	vsel vm3, v3, v2  }
0x1d7: {  	[tilespmem:s30], [sflag:$0x1] =	stream.strided.gather @!p0 [hbm4b:s0+s1], $0x400, s19, s1, $0x38;
	v3 =	vmax.f32 v8, v9;
	v9 =	vmin.f32 v8, v9;
	v2 =	vsel vm1, $0x2D, v2;
	[tilespmem:$0x1C880] =	vst v63  }
0x1d8: {  	_ =	swait.ge [sflag:s23], $0xE000;
	vm1 =	vgt.f32 v8, v10;
	v2 =	vsel vm0, v7, v2;
	vm0 =	vgt.f32 v15, v4  }
0x1d9: {  	[sflag:s23] =	ssyncset.done $0x0;
	v4 =	vsel vm2, $0x2F, v6;
	v7 =	vmin.f32 v17, v3;
	v2 =	vsel vm0, $0x2E, v2  }
0x1da: {  	[sflag:s23] =	ssyncadd.s32 $0xFFFF2000;
	vm0 =	vgt.f32 v17, v3;
	v3 =	vmax.f32 v17, v3;
	v2 =	vsel vm4, v5, v2  }
0x1db: {  	s1 =	simm.s32 $0x0;
	_ =	swait.ge [sflag:s23], $0x400;
	v5 =	vmax.f32 v10, v9;
	v8 =	vsel vm0, $0x30, v4;
	v2 =	vsel vm1, $0x2F, v2  }
0x1dc: {  	s19 =	sand.u32 $0x70, s1;
	s0 =	sand.u32 $0x1C00, s1;
	[sflag:s23] =	ssyncset.done $0x0;
	vm1 =	vgt.f32 v17, v5;
	v5 =	vmax.f32 v5, v7;
	v2 =	vsel vm2, v6, v2  }
0x1dd: {  	s0 =	sor.u32 s19, s0;
	[sflag:s23] =	ssyncadd.s32 $0xFFFFFC00;
	v7 =	vmin.f32 v11, v3;
	v6 =	vmax.f32 v11, v3;
	v2 =	vsel vm1, $0x30, v2  }
0x1de: {  	v2 =	vsel vm0, v4, v2;
	vm0 =	vgt.f32 v11, v5;
	v4 =	vmax.f32 v5, v7;
	v5 =	vld [tilespmem:s0+$0xE000]  }
0x1df: {  	vm1 =	vgt.f32 v11, v3;
	v3 =	vsub.f32 v6, v4;
	v4 =	vld [tilespmem:s0+$0xE080]  }
0x1e0: {  	v7 =	vsel vm1, $0x31, v8;
	v2 =	vsel vm0, $0x31, v2  }
0x1e1: {  	v6 =	vld [tilespmem:s0+$0xE100];
	vm2 =	veq.s32 v7, v16;
	v2 =	vsel vm1, v8, v2  }
0x1e2: {  	vm0 =	vlt.f32 v3, $1.000000010e-01;
	vm1 =	veq.s32 v2, v16;
	v3 =	vsel vm2, $0x1, v0  }
0x1e3: {  	v7 =	vld [tilespmem:s0+$0xE180];
	vm0 =	vmand vm0, vm1;
	v1 =	vadd.s32 v3, v1  }
0x1e4: {  	v2 =	vsel vm0, $0x1, v0;
	v8 =	vmax.f32 v4, v5;
	vm0 =	vgt.f32 v4, v5  }
0x1e5: {  	v11 =	vld [tilespmem:s0+$0xE200];
	v9 =	vmin.f32 v4, v5;
	v5 =	vmin.f32 v5, $-Inf;
	v10 =	vsel vm0, $0x1, v0  }
0x1e6: {  	vm1 =	vgt.f32 v6, v8;
	v9 =	vmax.f32 v5, v9;
	v12 =	vmin.f32 v6, v8  }
0x1e7: {  	v8 =	vmax.f32 v6, v8;
	vm0 =	vmneg vm0;
	vm3 =	vgt.f32 v4, v5  }
0x1e8: {  	v4 =	vsel vm1, $0x2, v10;
	vm2 =	vgt.f32 v7, v8;
	v13 =	vmin.f32 v7, v8  }
0x1e9: {  	v5 =	vld [tilespmem:s0+$0xE280];
	v8 =	vmax.f32 v7, v8;
	vm0 =	vmand vm0, vm3;
	vm4 =	vgt.f32 v6, v9  }
0x1ea: {  	v6 =	vmax.f32 v9, v12;
	v9 =	vsel vm2, $0x3, v4;
	vm3 =	vgt.f32 v11, v8  }
0x1eb: {  	v14 =	vld [tilespmem:s0+$0xE300];
	v12 =	vmax.f32 v11, v8;
	vm5 =	vgt.f32 v7, v6;
	v6 =	vmax.f32 v6, v13  }
0x1ec: {  	v7 =	vmin.f32 v11, v8;
	v8 =	vsel vm0, $0x1, v0;
	v13 =	vsel vm3, $0x4, v9  }
0x1ed: {  	v15 =	vld [tilespmem:s0+$0xE380];
	v7 =	vmax.f32 v6, v7;
	v8 =	vsel vm4, $0x2, v8;
	vm9 =	vgt.f32 v11, v6  }
0x1ee: {  	v8 =	vsel vm1, v10, v8;
	vm0 =	vgt.f32 v5, v12;
	v16 =	vmin.f32 v5, v12  }
0x1ef: {  	v11 =	vld [tilespmem:s0+$0x10000];
	v12 =	vmax.f32 v5, v12;
	vm7 =	vgt.f32 v5, v7;
	v8 =	vsel vm5, $0x3, v8  }
0x1f0: {  	v6 =	vsel vm0, $0x5, v13;
	vm4 =	vgt.f32 v14, v12;
	v17 =	vmin.f32 v14, v12  }
0x1f1: {  	v12 =	vmax.f32 v14, v12;
	v5 =	vmax.f32 v7, v16;
	v4 =	vsel vm2, v4, v8  }
0x1f2: {  	v7 =	vsel vm4, $0x6, v6;
	vm1 =	vgt.f32 v15, v12;
	v10 =	vmax.f32 v15, v12  }
0x1f3: {  	v16 =	vld [tilespmem:s0+$0x10080];
	vm8 =	vgt.f32 v14, v5;
	v5 =	vmax.f32 v5, v17;
	v12 =	vmin.f32 v15, v12  }
0x1f4: {  	v4 =	vsel vm9, $0x4, v4;
	v14 =	vsel vm1, $0x7, v7;
	vm5 =	vgt.f32 v11, v10  }
0x1f5: {  	v17 =	vld [tilespmem:s0+$0x10100];
	v12 =	vmax.f32 v5, v12;
	v18 =	vmin.f32 v11, v10;
	v10 =	vmax.f32 v11, v10  }
0x1f6: {  	vm13 =	vgt.f32 v15, v5;
	v4 =	vsel vm3, v9, v4;
	v5 =	vsel vm5, $0x8, v14  }
0x1f7: {  	v8 =	vld [tilespmem:s0+$0x10180];
	vm12 =	vgt.f32 v11, v12;
	v11 =	vmax.f32 v12, v18;
	v4 =	vsel vm7, $0x5, v4  }
0x1f8: {  	v4 =	vsel vm0, v13, v4;
	vm6 =	vgt.f32 v16, v10;
	v15 =	vmin.f32 v16, v10  }
0x1f9: {  	v19 =	vld [tilespmem:s0+$0x10200];
	v10 =	vmax.f32 v16, v10;
	vm10 =	vgt.f32 v16, v11;
	v4 =	vsel vm8, $0x6, v4  }
0x1fa: {  	v12 =	vsel vm6, $0x9, v5;
	vm2 =	vgt.f32 v17, v10;
	v18 =	vmax.f32 v17, v10  }
0x1fb: {  	v11 =	vmax.f32 v11, v15;
	v10 =	vmin.f32 v17, v10;
	v4 =	vsel vm4, v6, v4  }
0x1fc: {  	v9 =	vsel vm2, $0xA, v12;
	vm3 =	vgt.f32 v8, v18;
	v10 =	vmax.f32 v11, v10  }
0x1fd: {  	v15 =	vld [tilespmem:s0+$0x10280];
	v16 =	vmin.f32 v8, v18;
	v18 =	vmax.f32 v8, v18;
	vm14 =	vgt.f32 v17, v11  }
0x1fe: {  	v4 =	vsel vm13, $0x7, v4;
	v11 =	vsel vm3, $0xB, v9;
	vm7 =	vgt.f32 v19, v18  }
0x1ff: {  	v17 =	vld [tilespmem:s0+$0x10300];
	v20 =	vmin.f32 v19, v18;
	v18 =	vmax.f32 v19, v18;
	vm11 =	vgt.f32 v8, v10  }
0x200: {  	v8 =	vmax.f32 v10, v16;
	v4 =	vsel vm1, v7, v4;
	v10 =	vsel vm7, $0xC, v11  }
0x201: {  	v16 =	vld [tilespmem:s0+$0x10380];
	vm9 =	vgt.f32 v19, v8;
	v6 =	vmax.f32 v8, v20;
	v4 =	vsel vm12, $0x8, v4  }
0x202: {  	v4 =	vsel vm5, v14, v4;
	vm0 =	vgt.f32 v15, v18;
	v13 =	vmax.f32 v15, v18  }
0x203: {  	v19 =	vld [tilespmem:s0+$0x12000];
	v8 =	vmin.f32 v15, v18;
	vm13 =	vgt.f32 v15, v6;
	v4 =	vsel vm10, $0x9, v4  }
0x204: {  	v18 =	vsel vm0, $0xD, v10;
	vm4 =	vgt.f32 v17, v13;
	v8 =	vmax.f32 v6, v8  }
0x205: {  	v20 =	vmin.f32 v17, v13;
	v13 =	vmax.f32 v17, v13;
	v4 =	vsel vm6, v5, v4  }
0x206: {  	v7 =	vld [tilespmem:s0+$0x12080];
	v6 =	vsel vm4, $0xE, v18;
	vm8 =	vgt.f32 v16, v13;
	v15 =	vmin.f32 v16, v13  }
0x207: {  	v13 =	vmax.f32 v16, v13;
	vm12 =	vgt.f32 v17, v8;
	v8 =	vmax.f32 v8, v20  }
0x208: {  	v4 =	vsel vm14, $0xA, v4;
	v14 =	vsel vm8, $0xF, v6;
	vm1 =	vgt.f32 v19, v13  }
0x209: {  	v20 =	vld [tilespmem:s0+$0x12100];
	v17 =	vmax.f32 v19, v13;
	vm10 =	vgt.f32 v16, v8;
	v5 =	vmax.f32 v8, v15  }
0x20a: {  	v8 =	vmin.f32 v19, v13;
	v4 =	vsel vm2, v12, v4;
	v13 =	vsel vm1, $0x10, v14  }
0x20b: {  	v15 =	vld [tilespmem:s0+$0x12180];
	vm5 =	vgt.f32 v7, v17;
	v8 =	vmax.f32 v5, v8;
	v16 =	vmin.f32 v7, v17  }
0x20c: {  	v17 =	vmax.f32 v7, v17;
	vm14 =	vgt.f32 v19, v5;
	v4 =	vsel vm11, $0xB, v4  }
0x20d: {  	v12 =	vld [tilespmem:s0+$0x12200];
	v5 =	vsel vm5, $0x11, v13;
	v4 =	vsel vm3, v9, v4;
	vm11 =	vgt.f32 v7, v8  }
0x20e: {  	v7 =	vmax.f32 v8, v16;
	v4 =	vsel vm9, $0xC, v4;
	vm6 =	vgt.f32 v20, v17  }
0x20f: {  	v19 =	vmin.f32 v20, v17;
	v17 =	vmax.f32 v20, v17;
	v4 =	vsel vm7, v11, v4  }
0x210: {  	v16 =	vld [tilespmem:s0+$0x12280];
	vm9 =	vgt.f32 v20, v7;
	v8 =	vsel vm6, $0x12, v5;
	vm2 =	vgt.f32 v15, v17  }
0x211: {  	v9 =	vmax.f32 v15, v17;
	v7 =	vmax.f32 v7, v19;
	v11 =	vmin.f32 v15, v17  }
0x212: {  	v4 =	vsel vm13, $0xD, v4;
	v17 =	vsel vm2, $0x13, v8;
	vm3 =	vgt.f32 v12, v9  }
0x213: {  	v19 =	vld [tilespmem:s0+$0x12300];
	v11 =	vmax.f32 v7, v11;
	v20 =	vmin.f32 v12, v9;
	v9 =	vmax.f32 v12, v9  }
0x214: {  	v4 =	vsel vm0, v10, v4;
	vm13 =	vgt.f32 v15, v7;
	v7 =	vsel vm3, $0x14, v17  }
0x215: {  	v10 =	vld [tilespmem:s0+$0x12380];
	v4 =	vsel vm12, $0xE, v4;
	vm7 =	vgt.f32 v16, v9;
	v15 =	vmin.f32 v16, v9  }
0x216: {  	v9 =	vmax.f32 v16, v9;
	vm12 =	vgt.f32 v12, v11;
	v4 =	vsel vm4, v18, v4  }
0x217: {  	v11 =	vmax.f32 v11, v20;
	v12 =	vsel vm7, $0x15, v7;
	v4 =	vsel vm10, $0xF, v4  }
0x218: {  	v20 =	vld [tilespmem:s0+$0x14000];
	vm0 =	vgt.f32 v19, v9;
	v18 =	vmax.f32 v19, v9;
	v4 =	vsel vm8, v6, v4  }
0x219: {  	vm8 =	vgt.f32 v16, v11;
	v6 =	vmax.f32 v11, v15;
	v9 =	vmin.f32 v19, v9  }
0x21a: {  	v11 =	vsel vm0, $0x16, v12;
	v4 =	vsel vm14, $0x10, v4;
	vm4 =	vgt.f32 v10, v18  }
0x21b: {  	v15 =	vld [tilespmem:s0+$0x14080];
	v9 =	vmax.f32 v6, v9;
	v16 =	vmin.f32 v10, v18;
	v18 =	vmax.f32 v10, v18  }
0x21c: {  	vm14 =	vgt.f32 v19, v6;
	v4 =	vsel vm1, v14, v4;
	v6 =	vsel vm4, $0x17, v11  }
0x21d: {  	v19 =	vld [tilespmem:s0+$0x14100];
	vm1 =	vgt.f32 v20, v18;
	v14 =	vmin.f32 v20, v18;
	v18 =	vmax.f32 v20, v18  }
0x21e: {  	vm10 =	vgt.f32 v10, v9;
	v9 =	vmax.f32 v9, v16;
	v4 =	vsel vm11, $0x11, v4  }
0x21f: {  	v10 =	vsel vm1, $0x18, v6;
	v14 =	vmax.f32 v9, v14;
	v4 =	vsel vm5, v13, v4  }
0x220: {  	v4 =	vsel vm9, $0x12, v4;
	vm5 =	vgt.f32 v15, v18;
	v13 =	vmax.f32 v15, v18  }
0x221: {  	v16 =	vmin.f32 v15, v18;
	v18 =	vld [tilespmem:s0+$0x14180];
	vm9 =	vgt.f32 v20, v9;
	vm11 =	vgt.f32 v15, v14  }
0x222: {  	v4 =	vsel vm6, v5, v4;
	vm6 =	vgt.f32 v19, v13;
	v9 =	vmax.f32 v19, v13  }
0x223: {  	v20 =	vld [tilespmem:s0+$0x14200];
	v16 =	vmax.f32 v14, v16;
	v13 =	vmin.f32 v19, v13;
	v4 =	vsel vm13, $0x13, v4  }
0x224: {  	v5 =	vsel vm5, $0x19, v10;
	v13 =	vmax.f32 v16, v13;
	v4 =	vsel vm2, v8, v4  }
0x225: {  	v15 =	vld [tilespmem:s0+$0x14280];
	v8 =	vsel vm6, $0x1A, v5;
	v4 =	vsel vm12, $0x14, v4;
	vm12 =	vgt.f32 v19, v16  }
0x226: {  	vm2 =	vgt.f32 v18, v9;
	v14 =	vmax.f32 v18, v9;
	v4 =	vsel vm3, v17, v4  }
0x227: {  	v9 =	vmin.f32 v18, v9;
	v16 =	vsel vm2, $0x1B, v8;
	v4 =	vsel vm8, $0x15, v4  }
0x228: {  	v19 =	vld [tilespmem:s0+$0x14300];
	vm3 =	vgt.f32 v20, v14;
	v17 =	vmax.f32 v20, v14;
	v9 =	vmax.f32 v13, v9  }
0x229: {  	v14 =	vmin.f32 v20, v14;
	vm8 =	vgt.f32 v18, v13;
	v4 =	vsel vm7, v7, v4  }
0x22a: {  	v7 =	vsel vm3, $0x1C, v16;
	vm7 =	vgt.f32 v15, v17;
	v13 =	vmax.f32 v15, v17  }
0x22b: {  	v18 =	vld [tilespmem:s0+$0x14380];
	v14 =	vmax.f32 v9, v14;
	v17 =	vmin.f32 v15, v17;
	vm13 =	vgt.f32 v20, v9  }
0x22c: {  	v20 =	vld [tilespmem:s0+$0x16000];
	v4 =	vsel vm14, $0x16, v4;
	v9 =	vsel vm7, $0x1D, v7;
	v17 =	vmax.f32 v14, v17  }
0x22d: {  	v4 =	vsel vm0, v12, v4;
	vm0 =	vgt.f32 v19, v13;
	v12 =	vmax.f32 v19, v13  }
0x22e: {  	v13 =	vmin.f32 v19, v13;
	v4 =	vsel vm10, $0x17, v4;
	vm10 =	vgt.f32 v15, v14  }
0x22f: {  	v13 =	vmax.f32 v17, v13;
	v4 =	vsel vm4, v11, v4;
	v11 =	vsel vm0, $0x1E, v9  }
0x230: {  	v15 =	vld [tilespmem:s0+$0x16080];
	vm4 =	vgt.f32 v18, v12;
	v14 =	vmax.f32 v18, v12;
	v12 =	vmin.f32 v18, v12  }
0x231: {  	v4 =	vsel vm9, $0x18, v4;
	vm9 =	vgt.f32 v19, v17;
	v17 =	vmax.f32 v20, v14  }
0x232: {  	v12 =	vmax.f32 v13, v12;
	v4 =	vsel vm1, v6, v4;
	v6 =	vsel vm4, $0x1F, v11  }
0x233: {  	v19 =	vld [tilespmem:s0+$0x16100];
	vm1 =	vgt.f32 v20, v14;
	v14 =	vmin.f32 v20, v14;
	v4 =	vsel vm11, $0x19, v4  }
0x234: {  	vm11 =	vgt.f32 v18, v13;
	v14 =	vmax.f32 v12, v14;
	v4 =	vsel vm5, v10, v4  }
0x235: {  	v18 =	vld [tilespmem:s0+$0x16180];
	v10 =	vsel vm1, $0x20, v6;
	vm5 =	vgt.f32 v15, v17;
	v13 =	vmax.f32 v15, v17  }
0x236: {  	v17 =	vmin.f32 v15, v17;
	v4 =	vsel vm12, $0x1A, v4;
	vm12 =	vgt.f32 v20, v12  }
0x237: {  	v17 =	vmax.f32 v14, v17;
	v4 =	vsel vm6, v5, v4;
	v5 =	vsel vm5, $0x21, v10  }
0x238: {  	v20 =	vld [tilespmem:s0+$0x16200];
	vm6 =	vgt.f32 v19, v13;
	v12 =	vmax.f32 v19, v13;
	v13 =	vmin.f32 v19, v13  }
0x239: {  	v4 =	vsel vm8, $0x1B, v4;
	vm8 =	vgt.f32 v15, v14;
	v13 =	vmax.f32 v17, v13  }
0x23a: {  	v4 =	vsel vm2, v8, v4;
	v8 =	vsel vm6, $0x22, v5;
	vm2 =	vgt.f32 v18, v12  }
0x23b: {  	v15 =	vld [tilespmem:s0+$0x16280];
	v14 =	vmax.f32 v18, v12;
	v12 =	vmin.f32 v18, v12;
	v4 =	vsel vm13, $0x1C, v4  }
0x23c: {  	vm13 =	vgt.f32 v19, v17;
	v12 =	vmax.f32 v13, v12;
	v4 =	vsel vm3, v16, v4  }
0x23d: {  	v19 =	vld [tilespmem:s0+$0x16300];
	v16 =	vsel vm2, $0x23, v8;
	vm3 =	vgt.f32 v20, v14;
	v17 =	vmax.f32 v20, v14  }
0x23e: {  	v14 =	vmin.f32 v20, v14;
	v4 =	vsel vm10, $0x1D, v4;
	vm10 =	vgt.f32 v18, v13  }
0x23f: {  	v14 =	vmax.f32 v12, v14;
	v4 =	vsel vm7, v7, v4;
	v7 =	vsel vm3, $0x24, v16  }
0x240: {  	vm7 =	vgt.f32 v15, v17;
	v13 =	vmax.f32 v15, v17;
	v4 =	vsel vm9, $0x1E, v4  }
0x241: {  	v18 =	vld [tilespmem:s0+$0x16380];
	v17 =	vmin.f32 v15, v17;
	vm9 =	vgt.f32 v20, v12;
	v4 =	vsel vm0, v9, v4  }
0x242: {  	v9 =	vsel vm7, $0x25, v7;
	vm0 =	vgt.f32 v19, v13;
	v4 =	vsel vm11, $0x1F, v4  }
0x243: {  	v12 =	vmax.f32 v19, v13;
	v4 =	vsel vm4, v11, v4;
	v11 =	vmax.f32 v14, v17;
	v17 =	vld [tilespmem:s0+$0x18000]  }
0x244: {  	v13 =	vmin.f32 v19, v13;
	vm11 =	vgt.f32 v15, v14;
	v4 =	vsel vm12, $0x20, v4  }
0x245: {  	v14 =	vsel vm0, $0x26, v9;
	v13 =	vmax.f32 v11, v13;
	v4 =	vsel vm1, v6, v4  }
0x246: {  	vm1 =	vgt.f32 v18, v12;
	v6 =	vmax.f32 v18, v12;
	v4 =	vsel vm8, $0x21, v4  }
0x247: {  	v15 =	vld [tilespmem:s0+$0x18080];
	v12 =	vmin.f32 v18, v12;
	v4 =	vsel vm5, v10, v4;
	vm5 =	vgt.f32 v19, v11  }
0x248: {  	v10 =	vsel vm1, $0x27, v14;
	v4 =	vsel vm13, $0x22, v4;
	vm4 =	vgt.f32 v17, v6  }
0x249: {  	v11 =	vmax.f32 v17, v6;
	v4 =	vsel vm6, v5, v4;
	v5 =	vmax.f32 v13, v12;
	v12 =	vld [tilespmem:s0+$0x18100]  }
0x24a: {  	v6 =	vmin.f32 v17, v6;
	vm6 =	vgt.f32 v18, v13;
	v4 =	vsel vm10, $0x23, v4  }
0x24b: {  	v13 =	vsel vm4, $0x28, v10;
	v6 =	vmax.f32 v5, v6;
	v4 =	vsel vm2, v8, v4  }
0x24c: {  	vm8 =	vgt.f32 v17, v5;
	vm2 =	vgt.f32 v15, v11;
	v4 =	vsel vm9, $0x24, v4  }
0x24d: {  	v18 =	vld [tilespmem:s0+$0x18180];
	v8 =	vmax.f32 v15, v11;
	v11 =	vmin.f32 v15, v11;
	v4 =	vsel vm3, v16, v4  }
0x24e: {  	v5 =	vsel vm2, $0x29, v13;
	v4 =	vsel vm11, $0x25, v4;
	vm3 =	vgt.f32 v12, v8  }
0x24f: {  	v16 =	vmax.f32 v12, v8;
	v4 =	vsel vm7, v7, v4;
	v7 =	vmax.f32 v6, v11;
	v11 =	vld [tilespmem:s0+$0x18200]  }
0x250: {  	v8 =	vmin.f32 v12, v8;
	v4 =	vsel vm5, $0x26, v4;
	vm5 =	vgt.f32 v15, v6  }
0x251: {  	v6 =	vsel vm3, $0x2A, v5;
	v8 =	vmax.f32 v7, v8;
	v4 =	vsel vm0, v9, v4  }
0x252: {  	v15 =	vmin.f32 v18, v16;
	vm0 =	vgt.f32 v18, v16;
	v4 =	vsel vm6, $0x27, v4  }
0x253: {  	v9 =	vmax.f32 v18, v16;
	v16 =	vld [tilespmem:s0+$0x18280];
	v4 =	vsel vm1, v14, v4;
	vm1 =	vgt.f32 v12, v7  }
0x254: {  	v7 =	vsel vm0, $0x2B, v6;
	v4 =	vsel vm8, $0x28, v4;
	vm6 =	vgt.f32 v11, v9  }
0x255: {  	v14 =	vld [tilespmem:s0+$0x18300];
	v12 =	vmax.f32 v11, v9;
	v9 =	vmin.f32 v11, v9;
	v4 =	vsel vm4, v10, v4  }
0x256: {  	v10 =	vmax.f32 v8, v15;
	vm4 =	vgt.f32 v18, v8;
	v4 =	vsel vm5, $0x29, v4  }
0x257: {  	v8 =	vsel vm6, $0x2C, v7;
	v9 =	vmax.f32 v10, v9;
	v4 =	vsel vm2, v13, v4  }
0x258: {  	v15 =	vld [tilespmem:s0+$0x18380];
	vm2 =	vgt.f32 v16, v12;
	v13 =	vmax.f32 v16, v12;
	v4 =	vsel vm1, $0x2A, v4  }
0x259: {  	v12 =	vmin.f32 v16, v12;
	vm1 =	vgt.f32 v11, v10;
	v4 =	vsel vm3, v5, v4  }
0x25a: {  	v10 =	vmax.f32 v14, v13;
	v11 =	vmin.f32 v14, v13;
	v4 =	vsel vm4, $0x2B, v4  }
0x25b: {  	v5 =	vsel vm2, $0x2D, v8;
	vm3 =	vgt.f32 v14, v13;
	v4 =	vsel vm0, v6, v4  }
0x25c: {  	v6 =	vmax.f32 v9, v12;
	v12 =	vld [tilespmem:s0+$0x1A000];
	vm0 =	vgt.f32 v16, v9;
	v4 =	vsel vm1, $0x2C, v4  }
0x25d: {  	v9 =	vsel vm3, $0x2E, v5;
	vm1 =	vgt.f32 v15, v10;
	v4 =	vsel vm6, v7, v4  }
0x25e: {  	v11 =	vmax.f32 v6, v11;
	v7 =	vmax.f32 v15, v10;
	v4 =	vsel vm0, $0x2D, v4  }
0x25f: {  	s19 =	simm.s32 $0x10;
	v13 =	vld [tilespmem:s0+$0x1A080];
	s0 =	simm.s32 $0x80;
	v10 =	vmin.f32 v15, v10;
	vm0 =	vgt.f32 v14, v6;
	v4 =	vsel vm2, v8, v4  }
0x260: {  	s1 =	sand.u32 $0x70, s19;
	s19 =	sand.u32 $0x1C00, s0;
	v6 =	vsel vm1, $0x2F, v9;
	vm2 =	vgt.f32 v15, v11;
	v4 =	vsel vm0, $0x2E, v4  }
0x261: {  	s31 =	sor.u32 s1, s19;
	vm0 =	vgt.f32 v12, v7;
	v8 =	vmin.f32 v12, v7;
	v4 =	vsel vm3, v5, v4  }
0x262: {  	s30 =	simm.s32 $0x1C400;
	v14 =	vld [tilespmem:s31+$0xE080];
	v5 =	vmax.f32 v12, v7;
	v7 =	vmax.f32 v11, v10;
	v4 =	vsel vm2, $0x2F, v4  }
0x263: {  	v10 =	vsel vm0, $0x30, v6;
	v11 =	vld [tilespmem:s30+$0x0];
	v4 =	vsel vm1, v9, v4;
	vm1 =	vgt.f32 v12, v7  }
0x264: {  	v12 =	vld [tilespmem:s31+$0xE000];
	v7 =	vmax.f32 v7, v8;
	v8 =	vmin.f32 v13, v5;
	v4 =	vsel vm1, $0x30, v4  }
0x265: {  	v9 =	vmax.f32 v13, v5;
	v4 =	vsel vm0, v6, v4;
	v6 =	vmax.f32 v7, v8  }
0x266: {  	v3 =	vld [tilespmem:s31+$0xE100];
	vm1 =	vgt.f32 v13, v5;
	vm0 =	vgt.f32 v13, v7;
	v5 =	vsub.f32 v9, v6  }
0x267: {  	v1 =	vadd.s32 v2, v1;
	v4 =	vsel vm0, $0x31, v4;
	v6 =	vsel vm1, $0x31, v10  }
0x268: {  	v4 =	vsel vm1, v10, v4;
	vm0 =	veq.s32 v6, v11;
	vm1 =	vlt.f32 v5, $1.000000010e-01  }
0x269: {  	vm2 =	veq.s32 v4, v11;
	v2 =	vsel vm0, $0x1, v0;
	v4 =	vmax.f32 v14, v12  }
0x26a: {  	v5 =	vld [tilespmem:s31+$0xE180];
	vm0 =	vmand vm1, vm2;
	v1 =	vadd.s32 v2, v1;
	v2 =	vmin.f32 v14, v12  }
0x26b: {  	vm2 =	vgt.f32 v3, v4;
	v9 =	vmin.f32 v3, v4;
	v6 =	vsel vm0, $0x1, v0  }
0x26c: {  	v8 =	vld [tilespmem:s31+$0xE200];
	v4 =	vmax.f32 v3, v4;
	vm0 =	vgt.f32 v14, v12;
	v1 =	vadd.s32 v6, v1  }
0x26d: {  	v6 =	vmin.f32 v12, $-Inf;
	v7 =	vsel vm0, $0x1, v0;
	vm0 =	vmneg vm0  }
0x26e: {  	v2 =	vmax.f32 v6, v2;
	vm3 =	vgt.f32 v14, v6;
	v10 =	vsel vm2, $0x2, v7  }
0x26f: {  	vm1 =	vgt.f32 v5, v4;
	v11 =	vmin.f32 v5, v4;
	v4 =	vmax.f32 v5, v4  }
0x270: {  	v6 =	vld [tilespmem:s31+$0xE280];
	vm3 =	vmand vm0, vm3;
	vm4 =	vgt.f32 v3, v2;
	v2 =	vmax.f32 v2, v9  }
0x271: {  	v3 =	vsel vm1, $0x3, v10;
	vm0 =	vgt.f32 v8, v4;
	v12 =	vmax.f32 v8, v4  }
0x272: {  	v13 =	vld [tilespmem:s31+$0xE300];
	vm9 =	vgt.f32 v5, v2;
	v2 =	vmax.f32 v2, v11;
	v5 =	vsel vm3, $0x1, v0  }
0x273: {  	v4 =	vmin.f32 v8, v4;
	v11 =	vld [tilespmem:s31+$0xE380];
	v9 =	vsel vm0, $0x4, v3;
	v5 =	vsel vm4, $0x2, v5  }
0x274: {  	v4 =	vmax.f32 v2, v4;
	vm10 =	vgt.f32 v8, v2;
	v5 =	vsel vm2, v7, v5  }
0x275: {  	vm7 =	vgt.f32 v6, v12;
	v14 =	vmin.f32 v6, v12;
	v12 =	vmax.f32 v6, v12  }
0x276: {  	v2 =	vld [tilespmem:s31+$0x10000];
	vm12 =	vgt.f32 v6, v4;
	v5 =	vsel vm9, $0x3, v5;
	v8 =	vsel vm7, $0x5, v9  }
0x277: {  	vm6 =	vgt.f32 v13, v12;
	v15 =	vmin.f32 v13, v12;
	v12 =	vmax.f32 v13, v12  }
0x278: {  	v16 =	vld [tilespmem:s31+$0x10080];
	v4 =	vmax.f32 v4, v14;
	v7 =	vsel vm6, $0x6, v8;
	vm5 =	vgt.f32 v11, v12  }
0x279: {  	v14 =	vmax.f32 v11, v12;
	vm8 =	vgt.f32 v13, v4;
	v4 =	vmax.f32 v4, v15  }
0x27a: {  	v17 =	vld [tilespmem:s31+$0x10100];
	v12 =	vmin.f32 v11, v12;
	v15 =	vsel vm1, v10, v5;
	v6 =	vsel vm5, $0x7, v7  }
0x27b: {  	vm4 =	vgt.f32 v2, v14;
	v12 =	vmax.f32 v4, v12;
	v13 =	vmin.f32 v2, v14  }
0x27c: {  	v14 =	vmax.f32 v2, v14;
	vm9 =	vgt.f32 v11, v4;
	v15 =	vsel vm10, $0x4, v15  }
0x27d: {  	v10 =	vld [tilespmem:s31+$0x10180];
	v5 =	vsel vm4, $0x8, v6;
	vm3 =	vgt.f32 v16, v14;
	v11 =	vmin.f32 v16, v14  }
0x27e: {  	v14 =	vmax.f32 v16, v14;
	vm10 =	vgt.f32 v2, v12;
	v2 =	vmax.f32 v12, v13  }
0x27f: {  	v13 =	vld [tilespmem:s31+$0x10200];
	v4 =	vsel vm3, $0x9, v5;
	vm2 =	vgt.f32 v17, v14;
	v12 =	vmax.f32 v17, v14  }
0x280: {  	vm11 =	vgt.f32 v16, v2;
	v2 =	vmax.f32 v2, v11;
	v11 =	vmin.f32 v17, v14  }
0x281: {  	v16 =	vsel vm0, v3, v15;
	v3 =	vsel vm2, $0xA, v4;
	v14 =	vmax.f32 v2, v11  }
0x282: {  	v18 =	vsel vm12, $0x5, v16;
	vm12 =	vgt.f32 v17, v2;
	vm1 =	vgt.f32 v10, v12  }
0x283: {  	v15 =	vmin.f32 v10, v12;
	v19 =	vmax.f32 v10, v12;
	v12 =	vld [tilespmem:s31+$0x10280];
	v2 =	vsel vm1, $0xB, v3  }
0x284: {  	s1 =	simm.s32 $0x20;
	v11 =	vld [tilespmem:s31+$0x10300];
	vm0 =	vgt.f32 v13, v19;
	v17 =	vmin.f32 v13, v19;
	v16 =	vmax.f32 v13, v19  }
.LBB2_5:
0x285: {  	v18 =	vsel vm7, v9, v18;
	vm14 =	vgt.f32 v10, v14;
	v10 =	vmax.f32 v14, v15  }
0x286: {  	v15 =	vld [tilespmem:s31+$0x10380];
	vm15 =	vgt.f32 v13, v10;
	v13 =	vmax.f32 v10, v17;
	v17 =	vsel vm8, $0x6, v18  }
0x287: {  	v17 =	vsel vm6, v8, v17  }
0x288: {  	v8 =	vimm.s32 $0x0;
	v17 =	vsel vm9, $0x7, v17;
	vm13 =	vgt.f32 v12, v16  }
0x289: {  	v18 =	vld [tilespmem:s31+$0x12000];
	v14 =	vmax.f32 v12, v16;
	v16 =	vmin.f32 v12, v16;
	vm6 =	vgt.f32 v12, v13  }
0x28a: {  	vm8 =	vgt.f32 v11, v14;
	v19 =	vmin.f32 v11, v14;
	v14 =	vmax.f32 v11, v14  }
0x28b: {  	v16 =	vmax.f32 v13, v16;
	v8 =	vsel vm6, $0xFFFFFFFF, v8;
	vm6 =	vgt.f32 v15, v14  }
0x28c: {  	v12 =	vmin.f32 v15, v14;
	vm7 =	vgt.f32 v11, v16;
	v11 =	vimm.s32 $0x0  }
0x28d: {  	v13 =	vld [tilespmem:s31+$0x12080];
	v14 =	vmax.f32 v15, v14;
	v16 =	vmax.f32 v16, v19;
	v11 =	vsel vm7, $0xFFFFFFFF, v11  }
0x28e: {  	v20 =	vld [tilespmem:s31+$0x12100];
	vm9 =	vgt.f32 v18, v14;
	v19 =	vmax.f32 v18, v14;
	vm7 =	vgt.f32 v15, v16  }
0x28f: {  	v15 =	vimm.s32 $0x0;
	v12 =	vmax.f32 v16, v12;
	v14 =	vmin.f32 v18, v14  }
0x290: {  	v15 =	vsel vm7, $0xFFFFFFFF, v15;
	v14 =	vmax.f32 v12, v14  }
0x291: {  	v16 =	vld [tilespmem:s31+$0x12180];
	vm7 =	vgt.f32 v18, v12;
	v12 =	vimm.s32 $0x0;
	[tilespmem:$0x1FE40] =	vst v15;
	v15 =	vsel vm5, v7, v17  }
0x292: {  	vm5 =	vgt.f32 v13, v19;
	v17 =	vmin.f32 v13, v19;
	v19 =	vmax.f32 v13, v19  }
0x293: {  	v18 =	vld [tilespmem:s31+$0x12200];
	v12 =	vsel vm7, $0xFFFFFFFF, v12;
	v15 =	vsel vm10, $0x8, v15;
	vm10 =	vgt.f32 v20, v19  }
0x294: {  	v21 =	vmin.f32 v20, v19;
	v19 =	vmax.f32 v20, v19;
	v15 =	vsel vm4, v6, v15  }
0x295: {  	vm4 =	vgt.f32 v13, v14;
	v6 =	vimm.s32 $0x0;
	v13 =	vmax.f32 v14, v17  }
0x296: {  	v6 =	vsel vm4, $0xFFFFFFFF, v6;
	vm4 =	vgt.f32 v16, v19;
	v14 =	vmax.f32 v16, v19  }
0x297: {  	vm7 =	vgt.f32 v20, v13;
	v20 =	vimm.s32 $0x0;
	v19 =	vmin.f32 v16, v19  }
0x298: {  	v17 =	vld [tilespmem:s31+$0x12280];
	v15 =	vsel vm11, $0x9, v15;
	v20 =	vsel vm7, $0xFFFFFFFF, v20;
	vm11 =	vgt.f32 v18, v14  }
0x299: {  	v22 =	vmin.f32 v18, v14;
	v14 =	vmax.f32 v18, v14;
	[tilespmem:$0x1FE70] =	vst v20;
	v20 =	vmax.f32 v13, v21  }
0x29a: {  	v53 =	vld [tilespmem:s31+$0x12300];
	v15 =	vsel vm3, v5, v15;
	v5 =	vimm.s32 $0x0;
	v19 =	vmax.f32 v20, v19  }
0x29b: {  	vm3 =	vgt.f32 v16, v20;
	vm7 =	vgt.f32 v18, v19;
	v18 =	vimm.s32 $0x0  }
0x29c: {  	v15 =	vsel vm12, $0xA, v15;
	v5 =	vsel vm3, $0xFFFFFFFF, v5;
	v18 =	vsel vm7, $0xFFFFFFFF, v18  }
0x29d: {  	v16 =	vld [tilespmem:s31+$0x12380];
	vm3 =	vgt.f32 v17, v14;
	v20 =	vmin.f32 v17, v14;
	[tilespmem:$0x1FE90] =	vst v18;
	v18 =	vmax.f32 v19, v22  }
0x29e: {  	v14 =	vmax.f32 v17, v14;
	vm7 =	vgt.f32 v17, v18;
	v17 =	vimm.s32 $0x0  }
0x29f: {  	v23 =	vld [tilespmem:s31+$0x14000];
	v4 =	vsel vm2, v4, v15;
	vm12 =	vgt.f32 v53, v14;
	v17 =	vsel vm7, $0xFFFFFFFF, v17  }
0x2a0: {  	v54 =	vmax.f32 v53, v14;
	v14 =	vmin.f32 v53, v14;
	[tilespmem:$0x1FEA0] =	vst v17;
	v17 =	vmax.f32 v18, v20  }
0x2a1: {  	v9 =	vsel vm0, $0xC, v2;
	v4 =	vsel vm14, $0xB, v4;
	v14 =	vmax.f32 v17, v14  }
0x2a2: {  	v3 =	vsel vm1, v3, v4;
	v4 =	vimm.s32 $0x0;
	vm1 =	vgt.f32 v16, v14  }
0x2a3: {  	[tilespmem:$0x1FE20] =	vst v8;
	v22 =	vmax.f32 v16, v54;
	v20 =	vmin.f32 v16, v54;
	v4 =	vsel vm1, $0xFFFFFFFF, v4  }
0x2a4: {  	v3 =	vsel vm15, $0xC, v3;
	v55 =	vmin.f32 v23, v22;
	[tilespmem:$0x1FEC0] =	vst v4;
	v4 =	vmax.f32 v14, v20  }
0x2a5: {  	[tilespmem:$0x1FE30] =	vst v11;
	v2 =	vsel vm0, v2, v3;
	v20 =	vmax.f32 v4, v55;
	vm0 =	vgt.f32 v23, v4;
	v4 =	vld [tilespmem:$0x1FE20]  }
0x2a6: {  	v59 =	vld [tilespmem:$0x1FE30]  }
0x2a7: {  	v18 =	vld [tilespmem:s31+$0x14080];
	_ =	sdelay $0x1  }
0x2a8: {  	v3 =	vimm.s32 $0x0  }
0x2a9: {  	v10 =	vsel vm13, $0xD, v9;
	v3 =	vsel vm0, $0xFFFFFFFF, v3;
	vm0 =	vnez.u8 v4  }
0x2aa: {  	vm14 =	vgt.f32 v23, v22;
	v22 =	vmax.f32 v23, v22;
	v2 =	vsel vm0, $0xD, v2  }
0x2ab: {  	v24 =	vld [tilespmem:s31+$0x14100];
	vm1 =	vnez.u8 v59;
	v56 =	vmin.f32 v18, v22;
	v2 =	vsel vm13, v9, v2  }
0x2ac: {  	v9 =	vmax.f32 v20, v56;
	v2 =	vsel vm1, $0xE, v2;
	vm1 =	vgt.f32 v18, v20;
	v20 =	vld [tilespmem:$0x1FE40];
	_ =	sdelay $0x2  }
0x2ad: {  	v8 =	vsel vm8, $0xE, v10  }
0x2ae: {  	v11 =	vsel vm6, $0xF, v8;
	vm2 =	vgt.f32 v16, v54;
	v16 =	vmax.f32 v18, v22  }
0x2af: {  	v4 =	vmax.f32 v24, v16;
	v2 =	vsel vm8, v10, v2;
	vm8 =	vnez.u8 v20  }
0x2b0: {  	[tilespmem:$0x1FE50] =	vst v12;
	vm0 =	vgt.f32 v24, v16;
	v16 =	vmin.f32 v24, v16;
	v2 =	vsel vm8, $0xF, v2  }
0x2b1: {  	v16 =	vmax.f32 v9, v16;
	v2 =	vsel vm6, v8, v2;
	vm6 =	vgt.f32 v24, v9;
	v9 =	vld [tilespmem:$0x1FE50]  }
0x2b2: {  	[tilespmem:$0x1FE60] =	vst v6  }
0x2b3: {  	v60 =	vld [tilespmem:$0x1FE60]  }
0x2b4: {  	v57 =	vld [tilespmem:s31+$0x14180]  }
0x2b5: {  	v7 =	vsel vm9, $0x10, v11;
	v61 =	vld [tilespmem:$0x1FE70];
	vm7 =	vgt.f32 v53, v17;
	v8 =	vimm.s32 $0x0  }
0x2b6: {  	v17 =	vimm.s32 $0x0;
	v8 =	vsel vm6, $0xFFFFFFFF, v8;
	vm6 =	vnez.u8 v9  }
0x2b7: {  	v17 =	vsel vm7, $0xFFFFFFFF, v17;
	vm7 =	vgt.f32 v18, v22;
	v2 =	vsel vm6, $0x10, v2  }
0x2b8: {  	v58 =	vld [tilespmem:s31+$0x14200];
	v18 =	vimm.s32 $0x0;
	vm8 =	vnez.u8 v60;
	v2 =	vsel vm9, v11, v2  }
0x2b9: {  	v12 =	vsel vm5, $0x11, v7;
	v18 =	vsel vm1, $0xFFFFFFFF, v18;
	v20 =	vld [tilespmem:s31+$0x14280];
	v2 =	vsel vm8, $0x11, v2  }
0x2ba: {  	vm1 =	vgt.f32 v57, v4;
	vm8 =	vnez.u8 v61;
	v2 =	vsel vm5, v7, v2  }
0x2bb: {  	[tilespmem:$0x1FE80] =	vst v5;
	v10 =	vmax.f32 v57, v4;
	v4 =	vmin.f32 v57, v4;
	v2 =	vsel vm8, $0x12, v2  }
0x2bc: {  	v6 =	vsel vm10, $0x12, v12;
	v4 =	vmax.f32 v16, v4;
	v2 =	vsel vm10, v12, v2;
	v12 =	vld [tilespmem:$0x1FE80]  }
0x2bd: {  	v63 =	vld [tilespmem:$0x1FE90];
	v9 =	vmax.f32 v58, v10;
	vm6 =	vgt.f32 v58, v10;
	v10 =	vmin.f32 v58, v10  }
0x2be: {  	v11 =	vld [tilespmem:s31+$0x14300];
	v10 =	vmax.f32 v4, v10;
	vm5 =	vgt.f32 v20, v9  }
0x2bf: {  	v7 =	vmax.f32 v20, v9;
	v9 =	vmin.f32 v20, v9;
	vm10 =	vgt.f32 v20, v10;
	v20 =	vld [tilespmem:$0x1FEA0];
	_ =	sdelay $0x1  }
0x2c0: {  	vm8 =	vnez.u8 v12  }
0x2c1: {  	v13 =	vsel vm4, $0x13, v6;
	v2 =	vsel vm8, $0x13, v2  }
0x2c2: {  	v12 =	vmax.f32 v11, v7;
	v2 =	vsel vm4, v6, v2;
	vm4 =	vnez.u8 v63  }
0x2c3: {  	vm9 =	vnez.u8 v20;
	vm8 =	vgt.f32 v11, v7;
	v2 =	vsel vm4, $0x14, v2  }
0x2c4: {  	[tilespmem:$0x1FEB0] =	vst v17;
	v7 =	vmin.f32 v11, v7;
	v6 =	vmax.f32 v10, v9;
	v2 =	vsel vm11, v13, v2  }
0x2c5: {  	v7 =	vmax.f32 v6, v7;
	v2 =	vsel vm9, $0x15, v2;
	vm9 =	vgt.f32 v11, v6;
	v6 =	vld [tilespmem:$0x1FEB0];
	_ =	sdelay $0x3  }
0x2c6: {  	v5 =	vsel vm11, $0x14, v13  }
0x2c7: {  	v19 =	vsel vm3, $0x15, v5;
	v2 =	vsel vm3, v5, v2;
	vm3 =	vnez.u8 v6  }
0x2c8: {  	v2 =	vsel vm3, $0x16, v2  }
0x2c9: {  	v15 =	vsel vm12, $0x16, v19;
	v2 =	vsel vm12, v19, v2;
	v19 =	vld [tilespmem:$0x1FEC0];
	_ =	sdelay $0x1  }
0x2ca: {  	v17 =	vsel vm2, $0x17, v15  }
0x2cb: {  	v14 =	vsel vm14, $0x18, v17  }
0x2cc: {  	v62 =	vld [tilespmem:s31+$0x14380];
	[tilespmem:$0x1FED0] =	vst v3;
	v3 =	vsel vm7, $0x19, v14  }
0x2cd: {  	[tilespmem:$0x1FEE0] =	vst v18;
	v18 =	vsel vm0, $0x1A, v3;
	vm11 =	vnez.u8 v19;
	v19 =	vld [tilespmem:$0x1FED0]  }
0x2ce: {  	[tilespmem:$0x1FEF0] =	vst v8;
	v8 =	vsel vm1, $0x1B, v18;
	v9 =	vld [tilespmem:s31+$0x16000]  }
0x2cf: {  	vm15 =	vgt.f32 v57, v16;
	v16 =	vsel vm6, $0x1C, v8  }
0x2d0: {  	vm13 =	vgt.f32 v58, v4;
	v4 =	vsel vm5, $0x1D, v16  }
0x2d1: {  	vm4 =	vgt.f32 v62, v12;
	v13 =	vmax.f32 v62, v12;
	v2 =	vsel vm11, $0x17, v2  }
0x2d2: {  	v12 =	vmin.f32 v62, v12;
	v2 =	vsel vm2, v15, v2;
	vm11 =	vnez.u8 v19  }
0x2d3: {  	v20 =	vld [tilespmem:s31+$0x16080];
	v11 =	vmax.f32 v7, v12;
	v12 =	vmin.f32 v9, v13;
	v2 =	vsel vm11, $0x18, v2  }
0x2d4: {  	v12 =	vmax.f32 v11, v12;
	v2 =	vsel vm14, v17, v2;
	vm14 =	vgt.f32 v9, v11;
	v11 =	vld [tilespmem:$0x1FEE0]  }
0x2d5: {  	v10 =	vsel vm8, $0x1E, v4;
	v6 =	vmax.f32 v9, v13;
	vm3 =	vgt.f32 v9, v13;
	v13 =	vld [tilespmem:s31+$0x16100]  }
0x2d6: {  	v5 =	vsel vm4, $0x1F, v10;
	v17 =	vld [tilespmem:$0x1FEF0]  }
0x2d7: {  	vm12 =	vgt.f32 v62, v7;
	v7 =	vsel vm3, $0x20, v5  }
0x2d8: {  	vm2 =	vgt.f32 v20, v6;
	v15 =	vmax.f32 v20, v6;
	v6 =	vmin.f32 v20, v6;
	v19 =	vld [tilespmem:s31+$0x16180]  }
0x2d9: {  	v6 =	vmax.f32 v12, v6;
	v9 =	vsel vm2, $0x21, v7;
	vm11 =	vnez.u8 v11  }
0x2da: {  	v11 =	vmax.f32 v13, v15;
	v2 =	vsel vm11, $0x19, v2;
	vm11 =	vgt.f32 v13, v15  }
0x2db: {  	v2 =	vsel vm7, v14, v2;
	v14 =	vmin.f32 v13, v15;
	v15 =	vld [tilespmem:s31+$0x16200];
	vm7 =	vnez.u8 v17  }
0x2dc: {  	v2 =	vsel vm7, $0x1A, v2;
	vm7 =	vgt.f32 v20, v12;
	v12 =	vsel vm11, $0x22, v9  }
0x2dd: {  	v14 =	vmax.f32 v6, v14;
	v2 =	vsel vm0, v3, v2;
	vm0 =	vgt.f32 v19, v11  }
0x2de: {  	v17 =	vld [tilespmem:s31+$0x16280];
	v3 =	vmax.f32 v19, v11;
	v11 =	vmin.f32 v19, v11;
	v2 =	vsel vm15, $0x1B, v2  }
0x2df: {  	vm15 =	vgt.f32 v13, v6;
	v6 =	vsel vm0, $0x23, v12;
	v2 =	vsel vm1, v18, v2  }
0x2e0: {  	v2 =	vsel vm13, $0x1C, v2;
	vm1 =	vgt.f32 v15, v3;
	v13 =	vmax.f32 v15, v3  }
0x2e1: {  	v3 =	vmin.f32 v15, v3;
	v2 =	vsel vm6, v8, v2;
	v8 =	vmax.f32 v14, v11;
	v11 =	vld [tilespmem:s31+$0x16300]  }
0x2e2: {  	v2 =	vsel vm10, $0x1D, v2;
	vm10 =	vgt.f32 v19, v14;
	v14 =	vsel vm1, $0x24, v6  }
0x2e3: {  	v3 =	vmax.f32 v8, v3;
	v2 =	vsel vm5, v16, v2;
	vm5 =	vgt.f32 v17, v13  }
0x2e4: {  	v18 =	vld [tilespmem:s31+$0x16380];
	v16 =	vmax.f32 v17, v13;
	v13 =	vmin.f32 v17, v13;
	v2 =	vsel vm9, $0x1E, v2  }
0x2e5: {  	v2 =	vsel vm8, v4, v2;
	vm8 =	vgt.f32 v15, v8;
	v4 =	vsel vm5, $0x25, v14  }
0x2e6: {  	v2 =	vsel vm12, $0x1F, v2;
	vm6 =	vgt.f32 v11, v16;
	v8 =	vmax.f32 v11, v16  }
0x2e7: {  	v15 =	vld [tilespmem:s31+$0x18000];
	v2 =	vsel vm4, v10, v2;
	v10 =	vmax.f32 v3, v13;
	v13 =	vmin.f32 v11, v16  }
0x2e8: {  	vm4 =	vgt.f32 v17, v3;
	v3 =	vsel vm6, $0x26, v4;
	v2 =	vsel vm14, $0x20, v2  }
0x2e9: {  	v13 =	vmax.f32 v10, v13;
	v2 =	vsel vm3, v5, v2;
	vm3 =	vgt.f32 v18, v8  }
0x2ea: {  	v16 =	vld [tilespmem:s31+$0x18080];
	v5 =	vmax.f32 v18, v8;
	v8 =	vmin.f32 v18, v8;
	v2 =	vsel vm7, $0x21, v2  }
0x2eb: {  	vm9 =	vgt.f32 v18, v13;
	vm7 =	vgt.f32 v11, v10;
	v2 =	vsel vm2, v7, v2  }
0x2ec: {  	v10 =	vmax.f32 v15, v5;
	v8 =	vmax.f32 v13, v8;
	v2 =	vsel vm15, $0x22, v2  }
0x2ed: {  	v7 =	vsel vm3, $0x27, v3;
	vm2 =	vgt.f32 v15, v5;
	v2 =	vsel vm11, v9, v2;
	v9 =	vld [tilespmem:s31+$0x18100]  }
0x2ee: {  	v5 =	vmin.f32 v15, v5;
	v11 =	vsel vm2, $0x28, v7;
	v2 =	vsel vm10, $0x23, v2  }
0x2ef: {  	v5 =	vmax.f32 v8, v5;
	v2 =	vsel vm0, v12, v2;
	vm0 =	vgt.f32 v16, v10  }
0x2f0: {  	v13 =	vld [tilespmem:s31+$0x18180];
	v12 =	vmax.f32 v16, v10;
	v10 =	vmin.f32 v16, v10;
	v2 =	vsel vm8, $0x24, v2  }
0x2f1: {  	vm8 =	vgt.f32 v15, v8;
	v10 =	vmax.f32 v5, v10;
	v2 =	vsel vm1, v6, v2  }
0x2f2: {  	v6 =	vsel vm0, $0x29, v11;
	v2 =	vsel vm4, $0x25, v2;
	vm1 =	vgt.f32 v9, v12  }
0x2f3: {  	v8 =	vmax.f32 v9, v12;
	v12 =	vmin.f32 v9, v12;
	v2 =	vsel vm5, v14, v2;
	v14 =	vld [tilespmem:s31+$0x18200]  }
0x2f4: {  	vm5 =	vgt.f32 v16, v5;
	v5 =	vsel vm1, $0x2A, v6;
	v2 =	vsel vm7, $0x26, v2  }
0x2f5: {  	vm4 =	vgt.f32 v13, v8;
	v12 =	vmax.f32 v10, v12;
	v2 =	vsel vm6, v4, v2  }
0x2f6: {  	v15 =	vld [tilespmem:s31+$0x18280];
	v4 =	vmax.f32 v13, v8;
	v8 =	vmin.f32 v13, v8;
	v2 =	vsel vm9, $0x27, v2  }
0x2f7: {  	vm6 =	vgt.f32 v9, v10;
	v2 =	vsel vm3, v3, v2;
	v3 =	vsel vm4, $0x2B, v5  }
0x2f8: {  	v2 =	vsel vm8, $0x28, v2;
	vm3 =	vgt.f32 v14, v4;
	v9 =	vmax.f32 v14, v4  }
0x2f9: {  	v4 =	vmin.f32 v14, v4;
	v2 =	vsel vm2, v7, v2;
	v7 =	vmax.f32 v12, v8;
	v8 =	vld [tilespmem:s31+$0x18300]  }
0x2fa: {  	vm2 =	vgt.f32 v13, v12;
	v10 =	vsel vm3, $0x2C, v3;
	v2 =	vsel vm5, $0x29, v2  }
0x2fb: {  	v4 =	vmax.f32 v7, v4;
	v2 =	vsel vm0, v11, v2;
	vm0 =	vgt.f32 v15, v9  }
0x2fc: {  	v12 =	vld [tilespmem:s31+$0x18380];
	v11 =	vmax.f32 v15, v9;
	v9 =	vmin.f32 v15, v9;
	v2 =	vsel vm6, $0x2A, v2  }
0x2fd: {  	v2 =	vsel vm1, v6, v2;
	vm1 =	vgt.f32 v14, v7;
	v6 =	vsel vm0, $0x2D, v10  }
0x2fe: {  	v2 =	vsel vm2, $0x2B, v2;
	vm2 =	vgt.f32 v8, v11;
	v7 =	vmax.f32 v8, v11  }
0x2ff: {  	v2 =	vsel vm4, v5, v2;
	v5 =	vmax.f32 v4, v9;
	v9 =	vmin.f32 v8, v11;
	v11 =	vld [tilespmem:s31+$0x1A000]  }
0x300: {  	v2 =	vsel vm1, $0x2C, v2;
	vm1 =	vgt.f32 v15, v4;
	v4 =	vsel vm2, $0x2E, v6  }
0x301: {  	v9 =	vmax.f32 v5, v9;
	v2 =	vsel vm3, v3, v2;
	vm3 =	vgt.f32 v12, v7  }
0x302: {  	v3 =	vmax.f32 v12, v7;
	v7 =	vmin.f32 v12, v7;
	v2 =	vsel vm1, $0x2D, v2  }
0x303: {  	v13 =	vld [tilespmem:s31+$0x1A080];
	vm1 =	vgt.f32 v12, v9;
	v2 =	vsel vm0, v10, v2;
	vm0 =	vgt.f32 v8, v5  }
0x304: {  	v5 =	vsel vm3, $0x2F, v4;
	v2 =	vsel vm0, $0x2E, v2;
	vm0 =	vgt.f32 v11, v3  }
0x305: {  	s0 =	sadd.s32 $0x80, s0;
	v8 =	vmin.f32 v11, v3;
	v3 =	vmax.f32 v11, v3;
	v2 =	vsel vm2, v6, v2  }
0x306: {  	s19 =	sand.u32 $0x70, s1;
	s30 =	sadd.s32 $0x10, s30;
	s31 =	sand.u32 $0x1C00, s0;
	v6 =	vmax.f32 v9, v7;
	v7 =	vsel vm0, $0x30, v5;
	v2 =	vsel vm1, $0x2F, v2  }
0x307: {  	s31 =	sor.u32 s19, s31;
	v9 =	vld [tilespmem:s30+$0x0];
	vm1 =	vgt.f32 v11, v6;
	v6 =	vmax.f32 v6, v8;
	v2 =	vsel vm3, v4, v2  }
0x308: {  	v10 =	vld [tilespmem:s31+$0xE000];
	v8 =	vmin.f32 v13, v3;
	v4 =	vmax.f32 v13, v3;
	v2 =	vsel vm1, $0x30, v2  }
0x309: {  	v11 =	vld [tilespmem:s31+$0xE080];
	v2 =	vsel vm0, v5, v2;
	vm0 =	vgt.f32 v13, v6;
	v5 =	vmax.f32 v6, v8  }
0x30a: {  	vm1 =	vgt.f32 v13, v3;
	v2 =	vsel vm0, $0x31, v2;
	v3 =	vsub.f32 v4, v5  }
0x30b: {  	v4 =	vld [tilespmem:s31+$0xE100];
	v5 =	vsel vm1, $0x31, v7;
	v2 =	vsel vm1, v7, v2  }
0x30c: {  	vm0 =	veq.s32 v5, v9;
	vm1 =	vlt.f32 v3, $1.000000010e-01;
	vm2 =	veq.s32 v2, v9  }
0x30d: {  	v2 =	vsel vm0, $0x1, v0;
	vm0 =	vmand vm1, vm2  }
0x30e: {  	v5 =	vld [tilespmem:s31+$0xE180];
	v3 =	vmax.f32 v11, v10;
	v1 =	vadd.s32 v2, v1;
	v6 =	vsel vm0, $0x1, v0  }
0x30f: {  	v2 =	vmin.f32 v11, v10;
	vm0 =	vgt.f32 v11, v10;
	v1 =	vadd.s32 v6, v1  }
0x310: {  	v8 =	vld [tilespmem:s31+$0xE200];
	v6 =	vmin.f32 v10, $-Inf;
	v7 =	vsel vm0, $0x1, v0;
	vm2 =	vgt.f32 v4, v3  }
0x311: {  	v9 =	vmin.f32 v4, v3;
	v3 =	vmax.f32 v4, v3;
	vm0 =	vmneg vm0  }
0x312: {  	v2 =	vmax.f32 v6, v2;
	vm3 =	vgt.f32 v11, v6;
	v10 =	vsel vm2, $0x2, v7  }
0x313: {  	vm1 =	vgt.f32 v5, v3;
	v11 =	vmin.f32 v5, v3;
	v3 =	vmax.f32 v5, v3  }
0x314: {  	v6 =	vld [tilespmem:s31+$0xE280];
	vm4 =	vmand vm0, vm3;
	vm5 =	vgt.f32 v4, v2;
	v2 =	vmax.f32 v2, v9  }
0x315: {  	v12 =	vsel vm1, $0x3, v10;
	vm0 =	vgt.f32 v8, v3;
	v4 =	vmax.f32 v8, v3  }
0x316: {  	v13 =	vld [tilespmem:s31+$0xE300];
	v3 =	vmin.f32 v8, v3;
	vm3 =	vgt.f32 v5, v2;
	v5 =	vsel vm4, $0x1, v0  }
0x317: {  	v2 =	vmax.f32 v2, v11;
	v9 =	vsel vm0, $0x4, v12;
	v11 =	vld [tilespmem:s31+$0xE380];
	v5 =	vsel vm5, $0x2, v5  }
0x318: {  	v3 =	vmax.f32 v2, v3;
	vm10 =	vgt.f32 v8, v2;
	v5 =	vsel vm2, v7, v5  }
0x319: {  	vm7 =	vgt.f32 v6, v4;
	v14 =	vmin.f32 v6, v4;
	v4 =	vmax.f32 v6, v4  }
0x31a: {  	v2 =	vld [tilespmem:s31+$0x10000];
	vm12 =	vgt.f32 v6, v3;
	v5 =	vsel vm3, $0x3, v5;
	v8 =	vsel vm7, $0x5, v9  }
0x31b: {  	vm6 =	vgt.f32 v13, v4;
	v15 =	vmin.f32 v13, v4;
	v4 =	vmax.f32 v13, v4  }
0x31c: {  	v16 =	vld [tilespmem:s31+$0x10080];
	v3 =	vmax.f32 v3, v14;
	v7 =	vsel vm6, $0x6, v8;
	vm5 =	vgt.f32 v11, v4  }
0x31d: {  	v14 =	vmax.f32 v11, v4;
	vm8 =	vgt.f32 v13, v3;
	v3 =	vmax.f32 v3, v15  }
0x31e: {  	v17 =	vld [tilespmem:s31+$0x10100];
	v4 =	vmin.f32 v11, v4;
	v15 =	vsel vm1, v10, v5;
	v6 =	vsel vm5, $0x7, v7  }
0x31f: {  	vm4 =	vgt.f32 v2, v14;
	v4 =	vmax.f32 v3, v4;
	v13 =	vmin.f32 v2, v14  }
0x320: {  	v14 =	vmax.f32 v2, v14;
	vm9 =	vgt.f32 v11, v3;
	v5 =	vsel vm4, $0x8, v6  }
0x321: {  	v10 =	vld [tilespmem:s31+$0x10180];
	vm3 =	vgt.f32 v16, v14;
	v3 =	vmin.f32 v16, v14;
	v11 =	vmax.f32 v16, v14  }
0x322: {  	v14 =	vsel vm10, $0x4, v15;
	vm10 =	vgt.f32 v2, v4;
	v2 =	vmax.f32 v4, v13  }
0x323: {  	p1 =	sne.s32 s1, $0x3F0;
	v13 =	vld [tilespmem:s31+$0x10200];
	v4 =	vsel vm3, $0x9, v5;
	vm2 =	vgt.f32 v17, v11;
	v18 =	vmax.f32 v17, v11  }
.Ltmp3:
0x324: {  	vm11 =	vgt.f32 v16, v2;
	v2 =	vmax.f32 v2, v3;
	v11 =	vmin.f32 v17, v11;
	(pc) =	sbr.rel @p1 .LBB2_5-.Ltmp3, $4  }
0x325: {  	v16 =	vsel vm0, v12, v14;
	v3 =	vsel vm2, $0xA, v4;
	v14 =	vmax.f32 v2, v11  }
0x326: {  	vm1 =	vgt.f32 v10, v18;
	v15 =	vmin.f32 v10, v18;
	v19 =	vmax.f32 v10, v18  }
0x327: {  	v12 =	vld [tilespmem:s31+$0x10280];
	v18 =	vsel vm12, $0x5, v16;
	vm12 =	vgt.f32 v17, v2;
	v2 =	vsel vm1, $0xB, v3  }
0x328: {  	s1 =	sadd.s32 $0x10, s1;
	v11 =	vld [tilespmem:s31+$0x10300];
	vm0 =	vgt.f32 v13, v19;
	v17 =	vmin.f32 v13, v19;
	v16 =	vmax.f32 v13, v19  }
0x329: {  	v9 =	vsel vm7, v9, v18  }
0x32a: {  	v45 =	vmax.f32 v14, v15;
	v9 =	vsel vm8, $0x6, v9  }
0x32b: {  	v46 =	vsel vm0, $0xC, v2;
	v48 =	vld [tilespmem:s31+$0x10380];
	vm8 =	vgt.f32 v10, v14;
	v8 =	vsel vm6, v8, v9  }
0x32c: {  	v49 =	vmax.f32 v45, v17;
	v8 =	vsel vm9, $0x7, v8;
	vm9 =	vgt.f32 v12, v16  }
0x32d: {  	v52 =	vld [tilespmem:s31+$0x12000];
	v47 =	vmax.f32 v12, v16;
	v50 =	vmin.f32 v12, v16;
	v7 =	vsel vm5, v7, v8  }
0x32e: {  	v54 =	vld [tilespmem:s31+$0x12080];
	v51 =	vsel vm9, $0xD, v46;
	v53 =	vmin.f32 v11, v47;
	v7 =	vsel vm10, $0x8, v7  }
0x32f: {  	vm10 =	vgt.f32 v13, v45;
	v6 =	vsel vm4, v6, v7;
	v7 =	vmax.f32 v11, v47  }
0x330: {  	v6 =	vsel vm11, $0x9, v6;
	vm11 =	vgt.f32 v11, v47;
	vm13 =	vgt.f32 v48, v7  }
0x331: {  	v55 =	vmin.f32 v48, v7;
	v7 =	vmax.f32 v48, v7;
	v5 =	vsel vm3, v5, v6  }
0x332: {  	v58 =	vld [tilespmem:s31+$0x12100];
	vm15 =	vgt.f32 v52, v7;
	v57 =	vmax.f32 v52, v7;
	v7 =	vmin.f32 v52, v7  }
0x333: {  	v5 =	vsel vm12, $0xA, v5;
	vm12 =	vgt.f32 v12, v49;
	vm5 =	vgt.f32 v54, v57  }
0x334: {  	v60 =	vld [tilespmem:s31+$0x12180];
	v61 =	vmin.f32 v54, v57;
	v4 =	vsel vm2, v4, v5;
	v5 =	vmax.f32 v49, v50  }
0x335: {  	v4 =	vsel vm8, $0xB, v4;
	vm14 =	vgt.f32 v11, v5;
	v5 =	vmax.f32 v5, v53  }
0x336: {  	v62 =	vld [tilespmem:s31+$0x12200];
	v11 =	vmax.f32 v54, v57;
	v3 =	vsel vm1, v3, v4;
	vm4 =	vgt.f32 v48, v5  }
0x337: {  	v5 =	vmax.f32 v5, v55;
	vm7 =	vgt.f32 v58, v11;
	v63 =	vmin.f32 v58, v11  }
0x338: {  	v19 =	vld [tilespmem:s31+$0x12280];
	v11 =	vmax.f32 v58, v11;
	v3 =	vsel vm10, $0xC, v3;
	v7 =	vmax.f32 v5, v7  }
0x339: {  	vm6 =	vgt.f32 v52, v5;
	v18 =	vmax.f32 v60, v11;
	v20 =	vmin.f32 v60, v11  }
0x33a: {  	v2 =	vsel vm0, v2, v3;
	v3 =	vsel vm11, $0xE, v51;
	vm8 =	vgt.f32 v54, v7  }
0x33b: {  	v16 =	vmax.f32 v7, v61;
	v23 =	vmin.f32 v62, v18;
	v7 =	vmax.f32 v62, v18  }
0x33c: {  	v2 =	vsel vm12, $0xD, v2;
	v56 =	vsel vm13, $0xF, v3;
	vm10 =	vgt.f32 v58, v16  }
0x33d: {  	v4 =	vmax.f32 v16, v63;
	v25 =	vmin.f32 v19, v7;
	v2 =	vsel vm9, v46, v2  }
0x33e: {  	v59 =	vsel vm15, $0x10, v56;
	vm9 =	vgt.f32 v60, v11;
	v8 =	vmax.f32 v4, v20  }
0x33f: {  	v22 =	vld [tilespmem:s31+$0x12300];
	vm12 =	vgt.f32 v60, v4;
	v2 =	vsel vm14, $0xE, v2;
	vm14 =	vgt.f32 v62, v8  }
0x340: {  	v26 =	vmax.f32 v8, v23;
	v2 =	vsel vm11, v51, v2;
	vm11 =	vgt.f32 v62, v18  }
0x341: {  	v24 =	vld [tilespmem:s31+$0x12380];
	v5 =	vmax.f32 v26, v25;
	v2 =	vsel vm4, $0xF, v2;
	vm4 =	vgt.f32 v19, v26  }
0x342: {  	v29 =	vld [tilespmem:s31+$0x14000];
	v2 =	vsel vm13, v3, v2;
	v3 =	vsel vm5, $0x11, v59;
	vm13 =	vgt.f32 v19, v7  }
0x343: {  	v7 =	vmax.f32 v19, v7;
	v2 =	vsel vm6, $0x10, v2;
	v17 =	vsel vm7, $0x12, v3  }
0x344: {  	v28 =	vmax.f32 v22, v7;
	vm6 =	vgt.f32 v22, v5;
	v2 =	vsel vm15, v56, v2  }
0x345: {  	v21 =	vsel vm9, $0x13, v17;
	vm15 =	vgt.f32 v22, v7;
	v7 =	vmin.f32 v22, v7  }
0x346: {  	v32 =	vmin.f32 v24, v28;
	v8 =	vmax.f32 v24, v28;
	v2 =	vsel vm8, $0x11, v2  }
0x347: {  	v31 =	vld [tilespmem:s31+$0x14080];
	v7 =	vmax.f32 v5, v7;
	v33 =	vmin.f32 v29, v8;
	v2 =	vsel vm5, v59, v2  }
0x348: {  	vm5 =	vgt.f32 v24, v28;
	vm8 =	vgt.f32 v24, v7;
	v35 =	vmax.f32 v7, v32  }
0x349: {  	v34 =	vld [tilespmem:s31+$0x14100];
	v2 =	vsel vm10, $0x12, v2;
	v5 =	vmax.f32 v35, v33;
	vm10 =	vgt.f32 v29, v35  }
0x34a: {  	v38 =	vld [tilespmem:s31+$0x14180];
	v2 =	vsel vm7, v3, v2;
	v3 =	vsel vm11, $0x14, v21;
	vm7 =	vgt.f32 v29, v8  }
0x34b: {  	v8 =	vmax.f32 v29, v8;
	v2 =	vsel vm12, $0x13, v2;
	v27 =	vsel vm13, $0x15, v3  }
0x34c: {  	v41 =	vld [tilespmem:s31+$0x14200];
	v37 =	vmax.f32 v31, v8;
	vm12 =	vgt.f32 v31, v5;
	v2 =	vsel vm9, v17, v2  }
0x34d: {  	v30 =	vsel vm15, $0x16, v27;
	vm9 =	vgt.f32 v31, v8;
	v8 =	vmin.f32 v31, v8  }
0x34e: {  	v43 =	vld [tilespmem:s31+$0x14280];
	v40 =	vmax.f32 v34, v37;
	v7 =	vmin.f32 v34, v37;
	v2 =	vsel vm14, $0x14, v2  }
0x34f: {  	v8 =	vmax.f32 v5, v8;
	v42 =	vmax.f32 v38, v40;
	v44 =	vmin.f32 v38, v40  }
0x350: {  	v47 =	vld [tilespmem:s31+$0x14300];
	v2 =	vsel vm11, v21, v2;
	vm11 =	vgt.f32 v34, v37;
	v7 =	vmax.f32 v8, v7  }
0x351: {  	vm14 =	vgt.f32 v34, v8;
	v46 =	vmax.f32 v41, v42;
	v5 =	vmin.f32 v41, v42  }
0x352: {  	v50 =	vld [tilespmem:s31+$0x14380];
	v2 =	vsel vm4, $0x15, v2;
	v6 =	vmax.f32 v7, v44;
	vm4 =	vgt.f32 v38, v7  }
0x353: {  	v52 =	vld [tilespmem:s31+$0x16000];
	v49 =	vmax.f32 v43, v46;
	v9 =	vmin.f32 v43, v46;
	v2 =	vsel vm13, v3, v2  }
0x354: {  	v3 =	vsel vm5, $0x17, v30;
	vm13 =	vgt.f32 v38, v40;
	v5 =	vmax.f32 v6, v5  }
0x355: {  	v56 =	vld [tilespmem:s31+$0x16080];
	v51 =	vmax.f32 v47, v49;
	v53 =	vmin.f32 v47, v49;
	v2 =	vsel vm6, $0x16, v2  }
0x356: {  	v36 =	vsel vm7, $0x18, v3;
	vm6 =	vgt.f32 v41, v6;
	v9 =	vmax.f32 v5, v9  }
0x357: {  	v59 =	vld [tilespmem:s31+$0x16100];
	v55 =	vmax.f32 v50, v51;
	v6 =	vmin.f32 v50, v51;
	v2 =	vsel vm15, v27, v2  }
0x358: {  	v61 =	vld [tilespmem:s31+$0x16180];
	v39 =	vsel vm9, $0x19, v36;
	vm15 =	vgt.f32 v41, v42;
	v58 =	vmax.f32 v52, v55  }
0x359: {  	v8 =	vmin.f32 v52, v55;
	v2 =	vsel vm8, $0x17, v2;
	vm8 =	vgt.f32 v43, v5  }
0x35a: {  	v17 =	vld [tilespmem:s31+$0x16200];
	v5 =	vmax.f32 v9, v53;
	v60 =	vmax.f32 v56, v58;
	v62 =	vmin.f32 v56, v58  }
0x35b: {  	v2 =	vsel vm5, v30, v2;
	vm5 =	vgt.f32 v43, v46;
	v6 =	vmax.f32 v5, v6  }
0x35c: {  	v20 =	vld [tilespmem:s31+$0x16280];
	v16 =	vmax.f32 v59, v60;
	v2 =	vsel vm10, $0x18, v2;
	vm10 =	vgt.f32 v47, v9  }
0x35d: {  	v22 =	vld [tilespmem:s31+$0x16300];
	v8 =	vmax.f32 v6, v8;
	v19 =	vmax.f32 v61, v16;
	v9 =	vmin.f32 v61, v16  }
0x35e: {  	v26 =	vld [tilespmem:s31+$0x16380];
	v2 =	vsel vm7, v3, v2;
	v3 =	vsel vm11, $0x1A, v39;
	vm7 =	vgt.f32 v47, v49  }
0x35f: {  	v21 =	vmax.f32 v17, v19;
	v23 =	vmin.f32 v17, v19;
	v2 =	vsel vm12, $0x19, v2  }
0x360: {  	v29 =	vld [tilespmem:s31+$0x18000];
	v45 =	vsel vm13, $0x1B, v3;
	vm12 =	vgt.f32 v50, v5;
	v5 =	vmin.f32 v59, v60  }
0x361: {  	v25 =	vmax.f32 v20, v21;
	v2 =	vsel vm9, v36, v2;
	v48 =	vsel vm15, $0x1C, v45  }
0x362: {  	v31 =	vld [tilespmem:s31+$0x18080];
	vm9 =	vgt.f32 v50, v51;
	v28 =	vmax.f32 v22, v25;
	v2 =	vsel vm14, $0x1A, v2  }
0x363: {  	v35 =	vld [tilespmem:s31+$0x18100];
	vm14 =	vgt.f32 v52, v6;
	v6 =	vmax.f32 v8, v62;
	v30 =	vmax.f32 v26, v28  }
0x364: {  	v32 =	vmin.f32 v26, v28;
	v2 =	vsel vm11, v39, v2;
	vm11 =	vgt.f32 v52, v55  }
0x365: {  	v5 =	vmax.f32 v6, v5;
	v34 =	vmax.f32 v29, v30;
	v2 =	vsel vm4, $0x1B, v2  }
0x366: {  	v38 =	vld [tilespmem:s31+$0x18180];
	vm4 =	vgt.f32 v56, v8;
	v9 =	vmax.f32 v5, v9;
	v8 =	vmin.f32 v22, v25  }
0x367: {  	v40 =	vld [tilespmem:s31+$0x18200];
	v37 =	vmax.f32 v31, v34;
	v2 =	vsel vm13, v3, v2;
	v3 =	vsel vm5, $0x1D, v48  }
0x368: {  	vm13 =	vgt.f32 v56, v58;
	v39 =	vmax.f32 v35, v37;
	v2 =	vsel vm6, $0x1C, v2  }
0x369: {  	v44 =	vld [tilespmem:s31+$0x18280];
	v41 =	vmin.f32 v35, v37;
	v54 =	vsel vm7, $0x1E, v3;
	v2 =	vsel vm15, v45, v2  }
0x36a: {  	vm6 =	vgt.f32 v59, v6;
	v6 =	vmin.f32 v20, v21;
	v2 =	vsel vm8, $0x1D, v2  }
0x36b: {  	v43 =	vmax.f32 v38, v39;
	v57 =	vsel vm9, $0x1F, v54;
	v2 =	vsel vm5, v48, v2  }
0x36c: {  	v47 =	vld [tilespmem:s31+$0x18300];
	vm15 =	vgt.f32 v59, v60;
	v46 =	vmax.f32 v40, v43;
	v2 =	vsel vm10, $0x1E, v2  }
0x36d: {  	vm8 =	vgt.f32 v61, v5;
	v5 =	vmax.f32 v9, v23;
	v2 =	vsel vm7, v3, v2  }
0x36e: {  	v49 =	vld [tilespmem:s31+$0x18380];
	v50 =	vmin.f32 v44, v46;
	vm5 =	vgt.f32 v61, v16;
	v2 =	vsel vm12, $0x1F, v2  }
0x36f: {  	v6 =	vmax.f32 v5, v6;
	v48 =	vmax.f32 v44, v46;
	v2 =	vsel vm9, v54, v2  }
0x370: {  	v53 =	vld [tilespmem:s31+$0x1A000];
	vm10 =	vgt.f32 v17, v9;
	v8 =	vmax.f32 v6, v8;
	v2 =	vsel vm14, $0x20, v2  }
0x371: {  	v56 =	vld [tilespmem:s31+$0x1A080];
	v9 =	vmin.f32 v31, v34;
	v52 =	vmax.f32 v47, v48;
	v2 =	vsel vm11, v57, v2  }
0x372: {  	v3 =	vsel vm11, $0x20, v57;
	vm7 =	vgt.f32 v17, v19;
	v2 =	vsel vm4, $0x21, v2  }
0x373: {  	v55 =	vmax.f32 v49, v52;
	v63 =	vsel vm13, $0x21, v3;
	v2 =	vsel vm13, v3, v2  }
0x374: {  	vm12 =	vgt.f32 v20, v5;
	v5 =	vmin.f32 v29, v30;
	v2 =	vsel vm6, $0x22, v2  }
0x375: {  	v58 =	vmax.f32 v53, v55;
	v18 =	vsel vm15, $0x22, v63;
	v2 =	vsel vm15, v63, v2  }
0x376: {  	vm9 =	vgt.f32 v20, v21;
	v60 =	vmax.f32 v56, v58;
	v2 =	vsel vm8, $0x23, v2  }
0x377: {  	v62 =	vmin.f32 v56, v58;
	vm14 =	vgt.f32 v22, v6;
	v2 =	vsel vm5, v18, v2  }
0x378: {  	v6 =	vmax.f32 v8, v32;
	v3 =	vsel vm5, $0x23, v18;
	v2 =	vsel vm10, $0x24, v2  }
0x379: {  	vm11 =	vgt.f32 v22, v25;
	v5 =	vmax.f32 v6, v5;
	v2 =	vsel vm7, v3, v2  }
0x37a: {  	v57 =	vmin.f32 v53, v55;
	v24 =	vsel vm7, $0x24, v3;
	v2 =	vsel vm12, $0x25, v2  }
0x37b: {  	vm4 =	vgt.f32 v26, v8;
	v9 =	vmax.f32 v5, v9;
	v2 =	vsel vm9, v24, v2  }
0x37c: {  	v8 =	vmin.f32 v40, v43;
	v27 =	vsel vm9, $0x25, v24;
	v2 =	vsel vm14, $0x26, v2  }
0x37d: {  	vm13 =	vgt.f32 v26, v28;
	vm6 =	vgt.f32 v29, v6;
	v2 =	vsel vm11, v27, v2  }
0x37e: {  	v6 =	vmin.f32 v38, v39;
	v3 =	vsel vm11, $0x26, v27;
	v2 =	vsel vm4, $0x27, v2  }
0x37f: {  	vm15 =	vgt.f32 v29, v30;
	vm8 =	vgt.f32 v31, v5;
	v2 =	vsel vm13, v3, v2  }
0x380: {  	v5 =	vmax.f32 v9, v41;
	v33 =	vsel vm13, $0x27, v3;
	v2 =	vsel vm6, $0x28, v2  }
0x381: {  	vm5 =	vgt.f32 v31, v34;
	v6 =	vmax.f32 v5, v6;
	v2 =	vsel vm15, v33, v2  }
0x382: {  	vm10 =	vgt.f32 v35, v9;
	v36 =	vsel vm15, $0x28, v33;
	v2 =	vsel vm8, $0x29, v2  }
0x383: {  	v8 =	vmax.f32 v6, v8;
	v9 =	vmin.f32 v49, v52;
	v2 =	vsel vm5, v36, v2  }
0x384: {  	vm7 =	vgt.f32 v35, v37;
	v3 =	vsel vm5, $0x29, v36;
	v2 =	vsel vm10, $0x2A, v2  }
0x385: {  	vm12 =	vgt.f32 v38, v5;
	v5 =	vmin.f32 v47, v48;
	v2 =	vsel vm7, v3, v2  }
0x386: {  	vm9 =	vgt.f32 v38, v39;
	v42 =	vsel vm7, $0x2A, v3;
	v2 =	vsel vm12, $0x2B, v2  }
0x387: {  	vm14 =	vgt.f32 v40, v6;
	v6 =	vmax.f32 v8, v50;
	v2 =	vsel vm9, v42, v2  }
0x388: {  	vm11 =	vgt.f32 v40, v43;
	v45 =	vsel vm9, $0x2B, v42;
	v2 =	vsel vm14, $0x2C, v2  }
0x389: {  	v5 =	vmax.f32 v6, v5;
	vm4 =	vgt.f32 v44, v8;
	v2 =	vsel vm11, v45, v2  }
0x38a: {  	vm13 =	vgt.f32 v44, v46;
	v3 =	vsel vm11, $0x2C, v45;
	v2 =	vsel vm4, $0x2D, v2  }
0x38b: {  	vm6 =	vgt.f32 v47, v6;
	vm15 =	vgt.f32 v47, v48;
	v2 =	vsel vm13, v3, v2  }
0x38c: {  	vm8 =	vgt.f32 v49, v5;
	v51 =	vsel vm13, $0x2D, v3;
	v2 =	vsel vm6, $0x2E, v2  }
0x38d: {  	v5 =	vmax.f32 v5, v9;
	vm5 =	vgt.f32 v49, v52;
	v2 =	vsel vm15, v51, v2  }
0x38e: {  	s0 =	sadd.s32 $0x10, s30;
	vm7 =	vgt.f32 v53, v55;
	v54 =	vsel vm15, $0x2E, v51;
	v2 =	vsel vm8, $0x2F, v2  }
0x38f: {  	v61 =	vld [tilespmem:s0+$0x0];
	vm9 =	vgt.f32 v53, v5;
	v5 =	vmax.f32 v5, v57;
	v2 =	vsel vm5, v54, v2  }
0x390: {  	vm10 =	vgt.f32 v56, v5;
	v3 =	vsel vm5, $0x2F, v54;
	v2 =	vsel vm9, $0x30, v2  }
0x391: {  	v59 =	vsel vm7, $0x30, v3;
	v2 =	vsel vm7, v3, v2;
	v3 =	vmax.f32 v5, v62  }
0x392: {  	vm11 =	vgt.f32 v56, v58;
	v2 =	vsel vm10, $0x31, v2;
	v3 =	vsub.f32 v60, v3  }
.Ltmp4:
0x393: {  	v63 =	vsel vm11, $0x31, v59;
	v2 =	vsel vm11, v59, v2;
	(pc) =	sbr.rel @p0 .LBB2_8-.Ltmp4, $4  }
0x394: {  	vm12 =	veq.s32 v63, v61;
	vm13 =	vlt.f32 v3, $1.000000010e-01;
	vm14 =	veq.s32 v2, v61  }
0x395: {  	v2 =	vsel vm12, $0x1, v0;
	vm15 =	vmand vm13, vm14  }
0x396: {  	v1 =	vadd.s32 v2, v1;
	v3 =	vsel vm15, $0x1, v0  }
0x397: {  	v1 =	vadd.s32 v3, v1  }
0x398: {  	s0 =	sadd.s32 s11, s29  }
0x399: {  	s1 =	sshrl.u32 s0, $0x3  }
0x39a: {  	s0 =	sshll.u32 s0, $0xA;
	s1 =	smul.u32 $0x70000, s1  }
0x39b: {  	s0 =	sand.u32 $0x7FFF0000, s0  }
0x39c: {  	s0 =	sor.u32 s14, s0;
	s1 =	sor.u32 s5, s1  }
.Ltmp5:
0x39d: {  	s0 =	sshrl.u32 s0, $0x3;
	s1 =	sshrl.u32 s1, $0x3;
	(pc) =	sbr.rel .LBB2_2-.Ltmp5, $4  }
0x39e: {  	s0 =	sadd.s32 s0, s2;
	s1 =	sadd.s32 s4, s1  }
0x39f: {  	[tilespmem:s20], [sflag:$0x2] =	stream.strided.gather [hbm4b:s1+s15], $0xE000, s16, s15, $0x38;
	[tilespmem:$0x1C880] =	vst v63  }
0x3a0: {  	s28 =	sadd.s32 $0x1, s28;
	s0 =	sadd.s32 $0x40, s0  }
0x3a1: {  	[tilespmem:s21], [sflag:$0x2] =	stream.strided.gather [hbm4b:s0+s17], $0x400, s18, s17, $0x38;
	[tilespmem:$0x1C880] =	vst v63  }
.LBB2_9:
0x3a2: {  	_ =	sfence.sel $0x180000  }
0x3a3: {  	[bflag:$0x0] =	sbarrier.arrive $0xFFFF  }
0x3a4: {  	_ =	strace $0x90000047  }
0x3a5: {  	s0 =	stileid.u32;
	[bflag:$0x2] =	sbarrier.arrive $0xFFFF  }
0x3a6: {  	p0 =	sne.s32 s0, $0x0;
	s0 =	rddreg [dreg:$0x2]  }
0x3a7: {  	s0 =	sadd.s32 @!p0 $0x100000, s0  }
0x3a8: {  	[sflag:s0] =	ssyncadd.tile.s32 @!p0 $0x1;
	_ =	shalt  }
.Lfunc_end2:
_tile_overlayer_lowered:
.L_overlay_start_2:
0x3a9: {  	(tag) =	ssettag $0x2  }
0x3aa: {  	s0 =	rddreg [dreg:$0x0];
	s2 =	stileid.u32  }
0x3ab: {  	s1 =	rddreg [dreg:$0x1];
	p0 =	sne.s32 s2, $0x0  }
0x3ac: {  	s3 =	rddreg [dreg:$0x2];
	[bflag:$0x3] =	sbarrier.arrive $0xFFFF;
	s2 =	simm.s32 @!p0 $0x1C03  }
0x3ad: {  	[timem:s3], [sflag:s2] =	dma.local @!p0 [hbm:s0], s1  }
0x3ae: {  	s0 =	simm.s32 @!p0 $0x3  }
0x3af: {  	_ =	swait.ge @!p0 [sflag:s0], s1  }
0x3b0: {  	s1 =	ssub.s32 @!p0 $0x0, s1;
	[sflag:s0] =	ssyncset.done @!p0 $0x0  }
0x3b1: {  	[sflag:s0] =	ssyncadd.s32 @!p0 s1  }
0x3b2: {  	[bflag:$0x3] =	sbarrier.arrive $0xFFFF  }
0x3b3: {  	_ =	shalt  }

</sc_bundles>
